<compile_context>
chip_gen: v7x
topology: tpu7x:2x2x1
jax: 0.10.2.dev20260603
libtpu: 0.0.44.dev20260713+nightly
codegen_flags: <defaults>
</compile_context>

<pallas_src>
import dataclasses
import functools

import jax
import jax.numpy as jnp
from jax import lax
from jax.experimental import pallas as pl
from jax.experimental.pallas import tpu as pltpu
from jax.experimental.pallas import tpu_sc as plsc

N = 10000
E = 320000
F = 128
C = 40
NC, NS = 2, 16
NW = NC * NS
EB = 80
NBLK = E // (NW * EB)
RPT = 624
TAIL0 = NS * RPT
TAILN = N - TAIL0
RB = 2000
BN_SCALE = float(1.0 / (1.0 + 1e-5) ** 0.5)

_mesh = plsc.VectorSubcoreMesh(core_axis_name="c", subcore_axis_name="s")
_CP = pltpu.CompilerParams()
if "needs_layout_passes" in pltpu.CompilerParams.__dataclass_fields__:
    _CP = dataclasses.replace(_CP, needs_layout_passes=False)



def _make_prop(d):

    @functools.partial(
        pl.kernel,
        out_type=jax.ShapeDtypeStruct((NC, N, d), jnp.float32),
        mesh=_mesh,
        scratch_types=[
            [pltpu.VMEM((EB,), jnp.int32) for _ in range(4)],
            pltpu.VMEM((NBLK, EB), jnp.int32),
            pltpu.VMEM((EB, d), jnp.float32),
            pltpu.VMEM((EB, d), jnp.float32),
            pltpu.VMEM_SHARED((N, d), jnp.float32),
            [pltpu.SemaphoreType.DMA for _ in range(4)],
            pltpu.SemaphoreType.DMA,
            pltpu.SemaphoreType.DMA,
            pltpu.SemaphoreType.DMA,
            pltpu.SemaphoreType.DMA,
        ],
    )
    def prop(ht_hbm, src_hbm, dst_hbm, zeros_hbm, out_hbm,
             sv, dstv, rows0, rows1, acc, si, sg0, sg1, ss0, ss1):
        cid = lax.axis_index("c")
        sid = lax.axis_index("s")
        wid = sid * NC + cid
        row0 = sid * RPT
        pltpu.sync_copy(zeros_hbm, acc.at[pl.ds(row0, RPT)])

        @pl.when(sid == NS - 1)
        def _():
            pltpu.sync_copy(zeros_hbm.at[pl.ds(0, TAILN)],
                            acc.at[pl.ds(TAIL0, TAILN)])

        my_src = src_hbm.at[wid]
        pltpu.sync_copy(dst_hbm.at[wid], dstv)
        plsc.subcore_barrier()

        def i_start(j, v):
            pltpu.async_copy(my_src.at[jnp.minimum(j, NBLK - 1)], sv[v],
                             si[v])

        def i_wait(v):
            pltpu.make_async_copy(my_src.at[0], sv[v], si[v]).wait()

        def g_start(v, buf, sem):
            pltpu.async_copy(ht_hbm.at[sv[v]], buf, sem)

        def g_wait(buf, sem):
            pltpu.make_async_copy(ht_hbm.at[sv[0]], buf, sem).wait()

        def s_start(j, buf, sem):
            pltpu.async_copy(buf, acc.at[dstv.at[j]], sem, add=True)

        def s_wait(buf, sem):
            pltpu.make_async_copy(buf, acc.at[dstv.at[0]], sem).wait()

        for v in range(4):
            i_start(v, v)
        i_wait(0)
        g_start(0, rows0, sg0)

        @pl.loop(0, (NBLK - 1) // 4)
        def _(k):
            j0 = 4 * k
            g_wait(rows0, sg0)
            i_wait(1)
            g_start(1, rows1, sg1)
            s_start(j0, rows0, ss0)
            g_wait(rows1, sg1)
            s_wait(rows0, ss0)
            i_wait(2)
            g_start(2, rows0, sg0)
            i_start(j0 + 4, 0)
            s_start(j0 + 1, rows1, ss1)
            g_wait(rows0, sg0)
            s_wait(rows1, ss1)
            i_wait(3)
            g_start(3, rows1, sg1)
            i_start(j0 + 5, 1)
            s_start(j0 + 2, rows0, ss0)
            g_wait(rows1, sg1)
            s_wait(rows0, ss0)
            i_start(j0 + 6, 2)
            i_wait(0)
            g_start(0, rows0, sg0)
            i_start(j0 + 7, 3)
            s_start(j0 + 3, rows1, ss1)
            s_wait(rows1, ss1)

        g_wait(rows0, sg0)
        s_start(NBLK - 1, rows0, ss0)
        s_wait(rows0, ss0)
        i_wait(1)
        i_wait(2)
        i_wait(3)
        plsc.subcore_barrier()
        pltpu.sync_copy(acc.at[pl.ds(row0, RPT)],
                        out_hbm.at[cid, pl.ds(row0, RPT)])

        @pl.when(sid == NS - 1)
        def _():
            pltpu.sync_copy(acc.at[pl.ds(TAIL0, TAILN)],
                            out_hbm.at[cid, pl.ds(TAIL0, TAILN)])

    return prop


_prop128 = _make_prop(F)


@functools.partial(
    pl.kernel,
    out_type=jax.ShapeDtypeStruct((NC * N,), jnp.float32),
    mesh=_mesh,
    scratch_types=[
        pltpu.VMEM((E // NW // 16, 16), jnp.int32),
        pltpu.VMEM((N,), jnp.float32),
        pltpu.VMEM((NS * (RPT + 16),), jnp.float32),
        pltpu.VMEM((RPT + 16,), jnp.float32),
        pltpu.VMEM_SHARED((NS * N,), jnp.float32),
    ],
    compiler_params=_CP,
)
def _deg_kernel(dst_hbm, zeros_hbm, out_hbm, dstv, hist, tmp, res, stage):
    cid = lax.axis_index("c")
    sid = lax.axis_index("s")
    wid = sid * NC + cid
    pltpu.sync_copy(zeros_hbm, hist)
    pltpu.sync_copy(dst_hbm.at[wid], dstv)
    ones = jnp.ones((16,), jnp.float32)

    @pl.loop(0, E // NW // 16)
    def _(r):
        plsc.addupdate_scatter(hist, [dstv[r]], ones)

    pltpu.sync_copy(hist, stage.at[pl.ds(sid * N, N)])
    plsc.subcore_barrier()

    c0 = sid * RPT
    W16 = RPT + 16

    @pl.loop(0, NS)
    def _(t):
        pltpu.sync_copy(stage.at[pl.ds(t * N + c0, RPT)],
                        tmp.at[pl.ds(t * W16, RPT)])

    @pl.when(sid == NS - 1)
    def _():
        @pl.loop(0, NS)
        def _(t):
            pltpu.sync_copy(stage.at[pl.ds(t * N + TAIL0, TAILN)],
                            tmp.at[pl.ds(t * W16 + RPT, TAILN)])

    def reduce_chunk(ch):
        acc = tmp[pl.ds(ch * 16, 16)]
        for t in range(1, NS):
            acc = acc + tmp[pl.ds(t * W16 + ch * 16, 16)]
        res[pl.ds(ch * 16, 16)] = acc

    @pl.loop(0, RPT // 16)
    def _(ch):
        reduce_chunk(ch)

    @pl.when(sid == NS - 1)
    def _():
        reduce_chunk(RPT // 16)

    pltpu.sync_copy(res.at[pl.ds(0, RPT)],
                    out_hbm.at[pl.ds(cid * N + c0, RPT)])

    @pl.when(sid == NS - 1)
    def _():
        pltpu.sync_copy(res.at[pl.ds(RPT, TAILN)],
                        out_hbm.at[pl.ds(cid * N + TAIL0, TAILN)])



_DEG_SPEC = pl.BlockSpec((NC, RB, 1), lambda i: (0, i, 0))
_DIS_SPEC = pl.BlockSpec((RB, 1), lambda i: (i, 0))


def _mm_body(x_ref, w_ref, o_ref):
    o_ref[...] = jnp.dot(x_ref[...], w_ref[...],
                         preferred_element_type=jnp.float32,
                         precision=lax.Precision.HIGHEST)


_matmul = pl.pallas_call(
    _mm_body,
    grid=(N // RB,),
    in_specs=[pl.BlockSpec((RB, F), lambda i: (i, 0)),
              pl.BlockSpec((F, F), lambda i: (0, 0))],
    out_specs=pl.BlockSpec((RB, F), lambda i: (i, 0)),
    out_shape=jax.ShapeDtypeStruct((N, F), jnp.float32),
)


def _scale_body(xw_ref, deg_ref, o_ref, dis_ref):
    d = deg_ref[0] + deg_ref[1] + 1.0
    dis = lax.rsqrt(d)
    o_ref[...] = xw_ref[...] * dis
    dis_ref[...] = dis


_scale = pl.pallas_call(
    _scale_body,
    grid=(N // RB,),
    in_specs=[pl.BlockSpec((RB, F), lambda i: (i, 0)), _DEG_SPEC],
    out_specs=[pl.BlockSpec((RB, F), lambda i: (i, 0)),
               pl.BlockSpec((RB, 1), lambda i: (i, 0))],
    out_shape=[jax.ShapeDtypeStruct((N, F), jnp.float32),
               jax.ShapeDtypeStruct((N, 1), jnp.float32)],
)


def _stage_body(p_ref, ht_ref, dis_ref, b_ref, g_ref, be_ref, w_ref, o_ref):
    dis = dis_ref[...]
    agg = dis * (p_ref[0] + p_ref[1] + ht_ref[...]) + b_ref[...]
    h = jnp.maximum(g_ref[...] * (agg * BN_SCALE) + be_ref[...], 0.0)
    o_ref[...] = jnp.dot(h, w_ref[...],
                         preferred_element_type=jnp.float32,
                         precision=lax.Precision.HIGHEST) * dis


def _make_stage(d_out):
    return pl.pallas_call(
        _stage_body,
        grid=(N // RB,),
        in_specs=[
            pl.BlockSpec((NC, RB, F), lambda i: (0, i, 0)),
            pl.BlockSpec((RB, F), lambda i: (i, 0)),
            _DIS_SPEC,
            pl.BlockSpec((F,), lambda i: (0,)),
            pl.BlockSpec((F,), lambda i: (0,)),
            pl.BlockSpec((F,), lambda i: (0,)),
            pl.BlockSpec((F, d_out), lambda i: (0, 0)),
        ],
        out_specs=pl.BlockSpec((RB, d_out), lambda i: (i, 0)),
        out_shape=jax.ShapeDtypeStruct((N, d_out), jnp.float32),
    )


_stage128 = _make_stage(F)


def _relu_scale_body(p_ref, ht_ref, dis_ref, b_ref, g_ref, be_ref, o_ref):
    dis = dis_ref[...]
    agg = dis * (p_ref[0] + p_ref[1] + ht_ref[...]) + b_ref[...]
    h = jnp.maximum(g_ref[...] * (agg * BN_SCALE) + be_ref[...], 0.0)
    o_ref[...] = h * dis


_relu_scale = pl.pallas_call(
    _relu_scale_body,
    grid=(N // RB,),
    in_specs=[
        pl.BlockSpec((NC, RB, F), lambda i: (0, i, 0)),
        pl.BlockSpec((RB, F), lambda i: (i, 0)),
        _DIS_SPEC,
        pl.BlockSpec((F,), lambda i: (0,)),
        pl.BlockSpec((F,), lambda i: (0,)),
        pl.BlockSpec((F,), lambda i: (0,)),
    ],
    out_specs=pl.BlockSpec((RB, F), lambda i: (i, 0)),
    out_shape=jax.ShapeDtypeStruct((N, F), jnp.float32),
)


def _final_body(p_ref, ht_ref, dis_ref, w_ref, b_ref, o_ref):
    dis = dis_ref[...]
    h = dis * (p_ref[0] + p_ref[1] + ht_ref[...])
    logits = jnp.dot(h, w_ref[...],
                     preferred_element_type=jnp.float32,
                     precision=lax.Precision.HIGHEST) + b_ref[...]
    m = jnp.max(logits, axis=1, keepdims=True)
    s = jnp.sum(jnp.exp(logits - m), axis=1, keepdims=True)
    o_ref[...] = logits - m - jnp.log(s)


_final = pl.pallas_call(
    _final_body,
    grid=(N // RB,),
    in_specs=[
        pl.BlockSpec((NC, RB, F), lambda i: (0, i, 0)),
        pl.BlockSpec((RB, F), lambda i: (i, 0)),
        _DIS_SPEC,
        pl.BlockSpec((F, C), lambda i: (0, 0)),
        pl.BlockSpec((C,), lambda i: (0,)),
    ],
    out_specs=pl.BlockSpec((RB, C), lambda i: (i, 0)),
    out_shape=jax.ShapeDtypeStruct((N, C), jnp.float32),
)



def kernel(x, edge_index, W1, b1, g1, be1, W2, b2, g2, be2, W3, b3):
    src3 = edge_index[0].reshape(NW, NBLK, EB)
    dst3 = edge_index[1].reshape(NW, NBLK, EB)
    dsth = edge_index[1].reshape(NW, E // NW // 16, 16)
    zeros128 = jnp.zeros((RPT, F), jnp.float32)
    zerosN = jnp.zeros((N,), jnp.float32)

    deg = _deg_kernel(dsth, zerosN).reshape(NC, N, 1)
    xw = _matmul(x, W1)
    ht1, dis = _scale(xw, deg)
    p1 = _prop128(ht1, src3, dst3, zeros128)
    ht2 = _stage128(p1, ht1, dis, b1, g1, be1, W2)
    p2 = _prop128(ht2, src3, dst3, zeros128)
    h2t = _relu_scale(p2, ht2, dis, b2, g2, be2)
    p3 = _prop128(h2t, src3, dst3, zeros128)
    return _final(p3, h2t, dis, W3, b3)

# --- scband reference (transcript-rebuilt; emitter-appended) ---
"""Pipeline reference for scband-gcn-32401233281060 (READ-ONLY COPY).

The authoritative reference and input builder live on the scoring server;
editing this copy changes nothing except your own understanding.
"""

import jax, jax.numpy as jnp
import numpy as np

N, E, F_IN, H, C = 10000, 320000, 128, 128, 40

def setup_inputs(seed: int = 0) -> dict:
    key = jax.random.key(seed)
    ks = jax.random.split(key, 16)
    x = jax.random.normal(ks[0], (N, F_IN), dtype=jnp.float32)
    edge_index = jax.random.randint(ks[1], (2, E), 0, N, dtype=jnp.int32)
    s1 = 1.0 / np.sqrt(F_IN)
    s2 = 1.0 / np.sqrt(H)
    W1 = jax.random.normal(ks[2], (F_IN, H), dtype=jnp.float32) * s1
    b1 = jnp.zeros((H,), jnp.float32)
    g1 = jnp.ones((H,), jnp.float32)
    be1 = jnp.zeros((H,), jnp.float32)
    W2 = jax.random.normal(ks[3], (H, H), dtype=jnp.float32) * s2
    b2 = jnp.zeros((H,), jnp.float32)
    g2 = jnp.ones((H,), jnp.float32)
    be2 = jnp.zeros((H,), jnp.float32)
    W3 = jax.random.normal(ks[4], (H, C), dtype=jnp.float32) * s2
    b3 = jnp.zeros((C,), jnp.float32)
    return {"x": x, "edge_index": edge_index, "W1": W1, "b1": b1, "g1": g1, "be1": be1,
            "W2": W2, "b2": b2, "g2": g2, "be2": be2, "W3": W3, "b3": b3}

def reference(x, edge_index, W1, b1, g1, be1, W2, b2, g2, be2, W3, b3):
    n = x.shape[0]
    loop = jnp.arange(n, dtype=edge_index.dtype)
    src = jnp.concatenate([edge_index[0], loop])
    dst = jnp.concatenate([edge_index[1], loop])
    deg = jnp.zeros((n,), jnp.float32).at[dst].add(1.0)
    dis = jnp.where(deg > 0, jax.lax.rsqrt(jnp.maximum(deg, 1e-12)), 0.0)
    norm = dis[src] * dis[dst]

    def conv(h, W, b):
        h = h @ W
        msg = h[src] * norm[:, None]
        agg = jnp.zeros((n, h.shape[1]), h.dtype).at[dst].add(msg)
        return agg + b

    def bn(h, g, be):
        # eval-mode BatchNorm1d with running stats (mean=0, var=1)
        return g * (h / jnp.sqrt(1.0 + 1e-5)) + be

    h = jax.nn.relu(bn(conv(x, W1, b1), g1, be1))
    h = jax.nn.relu(bn(conv(h, W2, b2), g2, be2))
    h = conv(h, W3, b3)
    return jax.nn.log_softmax(h, axis=1)

if __name__ == "__main__":
    import jax
    _d = setup_inputs()
    print(jax.jit(kernel)(*tuple(_d.values())))

</pallas_src>

<mosaic_0001>
#map = affine_map<(d0, d1) -> (0, 0, 0)>
#map1 = affine_map<(d0, d1) -> (0)>
module attributes {stable_mosaic.version = 14 : i64} {
  func.func @_deg_kernel(%arg0: i32, %arg1: i32, %arg2: memref<32x625x16xi32, #tpu.memory_space<hbm>>, %arg3: memref<10000xf32, #tpu.memory_space<hbm>>, %arg4: memref<20000xf32, #tpu.memory_space<hbm>>, %arg5: memref<625x16xi32, #tpu.memory_space<vmem>>, %arg6: memref<10000xf32, #tpu.memory_space<vmem>>, %arg7: memref<10240xf32, #tpu.memory_space<vmem>>, %arg8: memref<640xf32, #tpu.memory_space<vmem>>, %arg9: memref<160000xf32, #tpu.memory_space<vmem_shared>>) attributes {dimension_semantics = [#tpu.dimension_semantics<core_parallel>, #tpu.dimension_semantics<subcore_parallel>], iteration_bounds = array<i64: 2, 16>, scalar_prefetch = 0 : i64, scratch_operands = 5 : i64, tpu.core_type = #tpu.core_type<sc_vector_subcore>, window_params = [{transform_indices = #map}, {transform_indices = #map1}, {transform_indices = #map1}]} {
    %mul3A = arith.constant 2 : i32
    %mul3A_0 = arith.muli %arg1, %mul3A : i32
    %add3A = arith.addi %mul3A_0, %arg0 : i32
    "tpu.region"() ({
      %run_scoped3A = tpu.sem_alloc : memref<!tpu.dma_semaphore, #tpu.memory_space<semaphore_mem>>
      tpu.enqueue_dma source(%arg3 : memref<10000xf32, #tpu.memory_space<hbm>>) target(%arg6 : memref<10000xf32, #tpu.memory_space<vmem>>) target_semaphore(%run_scoped3A : memref<!tpu.dma_semaphore, #tpu.memory_space<semaphore_mem>>)
      tpu.wait_dma2 semaphore(%run_scoped3A : memref<!tpu.dma_semaphore, #tpu.memory_space<semaphore_mem>>) src(%arg3 : memref<10000xf32, #tpu.memory_space<hbm>>) dst(%arg6 : memref<10000xf32, #tpu.memory_space<vmem>>)
      tpu.yield
    }) : () -> ()
    "tpu.region"() ({
      %run_scoped3A = tpu.sem_alloc : memref<!tpu.dma_semaphore, #tpu.memory_space<semaphore_mem>>
      %dma_start3A = arith.constant 0 : i32
      %dma_start3A_35 = arith.constant 0 : i32
      %dma_start3A_36 = tpu.memref_slice %arg2[%add3A, %dma_start3A, %dma_start3A_35] : memref<32x625x16xi32, #tpu.memory_space<hbm>> -> memref<1x625x16xi32, #tpu.memory_space<hbm>>
      %dma_start3A_37 = tpu.memref_squeeze %dma_start3A_36 : memref<1x625x16xi32, #tpu.memory_space<hbm>> -> memref<625x16xi32, #tpu.memory_space<hbm>>
      %dma_start3A_38 = arith.constant 0 : i32
      %dma_start3A_39 = arith.constant 0 : i32
      %dma_start3A_40 = tpu.memref_slice %arg2[%add3A, %dma_start3A_38, %dma_start3A_39] : memref<32x625x16xi32, #tpu.memory_space<hbm>> -> memref<1x625x16xi32, #tpu.memory_space<hbm>>
      %dma_start3A_41 = tpu.memref_squeeze %dma_start3A_40 : memref<1x625x16xi32, #tpu.memory_space<hbm>> -> memref<625x16xi32, #tpu.memory_space<hbm>>
      tpu.enqueue_dma source(%dma_start3A_41 : memref<625x16xi32, #tpu.memory_space<hbm>>) target(%arg5 : memref<625x16xi32, #tpu.memory_space<vmem>>) target_semaphore(%run_scoped3A : memref<!tpu.dma_semaphore, #tpu.memory_space<semaphore_mem>>)
      %dma_wait3A = arith.constant 0 : i32
      %dma_wait3A_42 = arith.constant 0 : i32
      %dma_wait3A_43 = tpu.memref_slice %arg2[%add3A, %dma_wait3A, %dma_wait3A_42] : memref<32x625x16xi32, #tpu.memory_space<hbm>> -> memref<1x625x16xi32, #tpu.memory_space<hbm>>
      %dma_wait3A_44 = tpu.memref_squeeze %dma_wait3A_43 : memref<1x625x16xi32, #tpu.memory_space<hbm>> -> memref<625x16xi32, #tpu.memory_space<hbm>>
      %dma_wait3A_45 = arith.constant 0 : i32
      %dma_wait3A_46 = arith.constant 0 : i32
      %dma_wait3A_47 = tpu.memref_slice %arg2[%add3A, %dma_wait3A_45, %dma_wait3A_46] : memref<32x625x16xi32, #tpu.memory_space<hbm>> -> memref<1x625x16xi32, #tpu.memory_space<hbm>>
      %dma_wait3A_48 = tpu.memref_squeeze %dma_wait3A_47 : memref<1x625x16xi32, #tpu.memory_space<hbm>> -> memref<625x16xi32, #tpu.memory_space<hbm>>
      tpu.wait_dma2 semaphore(%run_scoped3A : memref<!tpu.dma_semaphore, #tpu.memory_space<semaphore_mem>>) src(%dma_wait3A_48 : memref<625x16xi32, #tpu.memory_space<hbm>>) dst(%arg5 : memref<625x16xi32, #tpu.memory_space<vmem>>)
      tpu.yield
    }) : () -> ()
    %broadcast_in_dim3A = arith.constant 1.000000e+00 : f32
    %broadcast_in_dim3A_1 = vector.broadcast %broadcast_in_dim3A : f32 to vector<16xf32>
    %scan3A = arith.constant 0 : i32
    %scan3A_2 = arith.constant 625 : i32
    %scan3A_3 = arith.addi %scan3A, %scan3A_2 : i32
    %scan3A_4 = arith.constant 1 : i32
    scf.for %scan3A_35 = %scan3A to %scan3A_3 step %scan3A_4  : i32 {
      %mul3A_36 = arith.constant 1 : i32
      %mul3A_37 = arith.muli %scan3A_35, %mul3A_36 : i32
      %add3A_38 = arith.constant 0 : i32
      %add3A_39 = arith.addi %add3A_38, %mul3A_37 : i32
      %get3A = arith.index_cast %add3A_39 : i32 to index
      %get3A_40 = arith.constant 0 : index
      %get3A_41 = tpu.vector_load %arg5[%get3A, %get3A_40] {strides = array<i32>} : memref<625x16xi32, #tpu.memory_space<vmem>>, vector<16xi32>,
      tpu.vector_store_idx %arg6[%get3A_41], %broadcast_in_dim3A_1 {add = true} : memref<10000xf32, #tpu.memory_space<vmem>>[vector<16xi32>], vector<16xf32>,
    }
    %scan3A_5 = arith.constant 625 : i32
    %mul3A_6 = arith.constant 10000 : i32
    %mul3A_7 = arith.muli %arg1, %mul3A_6 : i32
    "tpu.region"() ({
      %run_scoped3A = tpu.sem_alloc : memref<!tpu.dma_semaphore, #tpu.memory_space<semaphore_mem>>
      %dma_start3A = tpu.memref_slice %arg9[%mul3A_7] : memref<160000xf32, #tpu.memory_space<vmem_shared>> -> memref<10000xf32, #tpu.memory_space<vmem_shared>>
      %dma_start3A_35 = tpu.memref_slice %arg9[%mul3A_7] : memref<160000xf32, #tpu.memory_space<vmem_shared>> -> memref<10000xf32, #tpu.memory_space<vmem_shared>>
      tpu.enqueue_dma source(%arg6 : memref<10000xf32, #tpu.memory_space<vmem>>) target(%dma_start3A_35 : memref<10000xf32, #tpu.memory_space<vmem_shared>>) target_semaphore(%run_scoped3A : memref<!tpu.dma_semaphore, #tpu.memory_space<semaphore_mem>>)
      %dma_wait3A = tpu.memref_slice %arg9[%mul3A_7] : memref<160000xf32, #tpu.memory_space<vmem_shared>> -> memref<10000xf32, #tpu.memory_space<vmem_shared>>
      %dma_wait3A_36 = tpu.memref_slice %arg9[%mul3A_7] : memref<160000xf32, #tpu.memory_space<vmem_shared>> -> memref<10000xf32, #tpu.memory_space<vmem_shared>>
      tpu.wait_dma2 semaphore(%run_scoped3A : memref<!tpu.dma_semaphore, #tpu.memory_space<semaphore_mem>>) src(%arg6 : memref<10000xf32, #tpu.memory_space<vmem>>) dst(%dma_wait3A_36 : memref<10000xf32, #tpu.memory_space<vmem_shared>>)
      tpu.yield
    }) : () -> ()
    %barrier3A = arith.constant 0 : index
    tpu.barrier barrier_id(%barrier3A)
    %mul3A_8 = arith.constant 624 : i32
    %mul3A_9 = arith.muli %arg1, %mul3A_8 : i32
    %scan3A_10 = arith.constant 0 : i32
    %scan3A_11 = arith.constant 16 : i32
    %scan3A_12 = arith.addi %scan3A_10, %scan3A_11 : i32
    %scan3A_13 = arith.constant 1 : i32
    scf.for %scan3A_35 = %scan3A_10 to %scan3A_12 step %scan3A_13  : i32 {
      %mul3A_36 = arith.constant 1 : i32
      %mul3A_37 = arith.muli %scan3A_35, %mul3A_36 : i32
      %add3A_38 = arith.constant 0 : i32
      %add3A_39 = arith.addi %add3A_38, %mul3A_37 : i32
      %mul3A_40 = arith.constant 10000 : i32
      %mul3A_41 = arith.muli %add3A_39, %mul3A_40 : i32
      %add3A_42 = arith.addi %mul3A_41, %mul3A_9 : i32
      %mul3A_43 = arith.constant 640 : i32
      %mul3A_44 = arith.muli %add3A_39, %mul3A_43 : i32
      "tpu.region"() ({
        %run_scoped3A = tpu.sem_alloc : memref<!tpu.dma_semaphore, #tpu.memory_space<semaphore_mem>>
        %dma_start3A = tpu.memref_slice %arg7[%mul3A_44] : memref<10240xf32, #tpu.memory_space<vmem>> -> memref<624xf32, #tpu.memory_space<vmem>>
        %dma_start3A_45 = tpu.memref_slice %arg9[%add3A_42] : memref<160000xf32, #tpu.memory_space<vmem_shared>> -> memref<624xf32, #tpu.memory_space<vmem_shared>>
        %dma_start3A_46 = tpu.memref_slice %arg7[%mul3A_44] : memref<10240xf32, #tpu.memory_space<vmem>> -> memref<624xf32, #tpu.memory_space<vmem>>
        %dma_start3A_47 = tpu.memref_slice %arg9[%add3A_42] : memref<160000xf32, #tpu.memory_space<vmem_shared>> -> memref<624xf32, #tpu.memory_space<vmem_shared>>
        tpu.enqueue_dma source(%dma_start3A_47 : memref<624xf32, #tpu.memory_space<vmem_shared>>) target(%dma_start3A_46 : memref<624xf32, #tpu.memory_space<vmem>>) target_semaphore(%run_scoped3A : memref<!tpu.dma_semaphore, #tpu.memory_space<semaphore_mem>>)
        %dma_wait3A = tpu.memref_slice %arg7[%mul3A_44] : memref<10240xf32, #tpu.memory_space<vmem>> -> memref<624xf32, #tpu.memory_space<vmem>>
        %dma_wait3A_48 = tpu.memref_slice %arg9[%add3A_42] : memref<160000xf32, #tpu.memory_space<vmem_shared>> -> memref<624xf32, #tpu.memory_space<vmem_shared>>
        %dma_wait3A_49 = tpu.memref_slice %arg7[%mul3A_44] : memref<10240xf32, #tpu.memory_space<vmem>> -> memref<624xf32, #tpu.memory_space<vmem>>
        %dma_wait3A_50 = tpu.memref_slice %arg9[%add3A_42] : memref<160000xf32, #tpu.memory_space<vmem_shared>> -> memref<624xf32, #tpu.memory_space<vmem_shared>>
        tpu.wait_dma2 semaphore(%run_scoped3A : memref<!tpu.dma_semaphore, #tpu.memory_space<semaphore_mem>>) src(%dma_wait3A_50 : memref<624xf32, #tpu.memory_space<vmem_shared>>) dst(%dma_wait3A_49 : memref<624xf32, #tpu.memory_space<vmem>>)
        tpu.yield
      }) : () -> ()
    }
    %scan3A_14 = arith.constant 16 : i32
    %eq3A = arith.constant 15 : i32
    %eq3A_15 = arith.cmpi eq, %arg1, %eq3A : i32
    %convert_element_type3A = arith.extui %eq3A_15 : i1 to i32
    %cond3A = arith.constant 0 : i32
    %cond3A_16 = arith.cmpi ne, %convert_element_type3A, %cond3A : i32
    scf.if %cond3A_16 {
      %scan3A_35 = arith.constant 0 : i32
      %scan3A_36 = arith.constant 16 : i32
      %scan3A_37 = arith.addi %scan3A_35, %scan3A_36 : i32
      %scan3A_38 = arith.constant 1 : i32
      scf.for %scan3A_40 = %scan3A_35 to %scan3A_37 step %scan3A_38  : i32 {
        %mul3A_41 = arith.constant 1 : i32
        %mul3A_42 = arith.muli %scan3A_40, %mul3A_41 : i32
        %add3A_43 = arith.constant 0 : i32
        %add3A_44 = arith.addi %add3A_43, %mul3A_42 : i32
        %mul3A_45 = arith.constant 10000 : i32
        %mul3A_46 = arith.muli %add3A_44, %mul3A_45 : i32
        %add3A_47 = arith.constant 9984 : i32
        %add3A_48 = arith.addi %mul3A_46, %add3A_47 : i32
        %mul3A_49 = arith.constant 640 : i32
        %mul3A_50 = arith.muli %add3A_44, %mul3A_49 : i32
        %add3A_51 = arith.constant 624 : i32
        %add3A_52 = arith.addi %mul3A_50, %add3A_51 : i32
        "tpu.region"() ({
          %run_scoped3A = tpu.sem_alloc : memref<!tpu.dma_semaphore, #tpu.memory_space<semaphore_mem>>
          %dma_start3A = tpu.memref_slice %arg7[%add3A_52] : memref<10240xf32, #tpu.memory_space<vmem>> -> memref<16xf32, #tpu.memory_space<vmem>>
          %dma_start3A_53 = tpu.memref_slice %arg9[%add3A_48] : memref<160000xf32, #tpu.memory_space<vmem_shared>> -> memref<16xf32, #tpu.memory_space<vmem_shared>>
          %dma_start3A_54 = tpu.memref_slice %arg7[%add3A_52] : memref<10240xf32, #tpu.memory_space<vmem>> -> memref<16xf32, #tpu.memory_space<vmem>>
          %dma_start3A_55 = tpu.memref_slice %arg9[%add3A_48] : memref<160000xf32, #tpu.memory_space<vmem_shared>> -> memref<16xf32, #tpu.memory_space<vmem_shared>>
          tpu.enqueue_dma source(%dma_start3A_55 : memref<16xf32, #tpu.memory_space<vmem_shared>>) target(%dma_start3A_54 : memref<16xf32, #tpu.memory_space<vmem>>) target_semaphore(%run_scoped3A : memref<!tpu.dma_semaphore, #tpu.memory_space<semaphore_mem>>)
          %dma_wait3A = tpu.memref_slice %arg7[%add3A_52] : memref<10240xf32, #tpu.memory_space<vmem>> -> memref<16xf32, #tpu.memory_space<vmem>>
          %dma_wait3A_56 = tpu.memref_slice %arg9[%add3A_48] : memref<160000xf32, #tpu.memory_space<vmem_shared>> -> memref<16xf32, #tpu.memory_space<vmem_shared>>
          %dma_wait3A_57 = tpu.memref_slice %arg7[%add3A_52] : memref<10240xf32, #tpu.memory_space<vmem>> -> memref<16xf32, #tpu.memory_space<vmem>>
          %dma_wait3A_58 = tpu.memref_slice %arg9[%add3A_48] : memref<160000xf32, #tpu.memory_space<vmem_shared>> -> memref<16xf32, #tpu.memory_space<vmem_shared>>
          tpu.wait_dma2 semaphore(%run_scoped3A : memref<!tpu.dma_semaphore, #tpu.memory_space<semaphore_mem>>) src(%dma_wait3A_58 : memref<16xf32, #tpu.memory_space<vmem_shared>>) dst(%dma_wait3A_57 : memref<16xf32, #tpu.memory_space<vmem>>)
          tpu.yield
        }) : () -> ()
      }
      %scan3A_39 = arith.constant 16 : i32
    } else {
    }
    %scan3A_17 = arith.constant 0 : i32
    %scan3A_18 = arith.constant 39 : i32
    %scan3A_19 = arith.addi %scan3A_17, %scan3A_18 : i32
    %scan3A_20 = arith.constant 1 : i32
    scf.for %scan3A_35 = %scan3A_17 to %scan3A_19 step %scan3A_20  : i32 {
      %mul3A_36 = arith.constant 1 : i32
      %mul3A_37 = arith.muli %scan3A_35, %mul3A_36 : i32
      %add3A_38 = arith.constant 0 : i32
      %add3A_39 = arith.addi %add3A_38, %mul3A_37 : i32
      %mul3A_40 = arith.constant 16 : i32
      %mul3A_41 = arith.muli %add3A_39, %mul3A_40 : i32
      %get3A = arith.index_cast %mul3A_41 : i32 to index
      %get3A_42 = tpu.vector_load %arg7[%get3A] {strides = array<i32>} : memref<10240xf32, #tpu.memory_space<vmem>>, vector<16xf32>,
      %mul3A_43 = arith.constant 16 : i32
      %mul3A_44 = arith.muli %add3A_39, %mul3A_43 : i32
      %add3A_45 = arith.constant 640 : i32
      %add3A_46 = arith.addi %add3A_45, %mul3A_44 : i32
      %get3A_47 = arith.index_cast %add3A_46 : i32 to index
      %get3A_48 = tpu.vector_load %arg7[%get3A_47] {strides = array<i32>} : memref<10240xf32, #tpu.memory_space<vmem>>, vector<16xf32>,
      %add3A_49 = arith.addf %get3A_42, %get3A_48 : vector<16xf32>
      %mul3A_50 = arith.constant 16 : i32
      %mul3A_51 = arith.muli %add3A_39, %mul3A_50 : i32
      %add3A_52 = arith.constant 1280 : i32
      %add3A_53 = arith.addi %add3A_52, %mul3A_51 : i32
      %get3A_54 = arith.index_cast %add3A_53 : i32 to index
      %get3A_55 = tpu.vector_load %arg7[%get3A_54] {strides = array<i32>} : memref<10240xf32, #tpu.memory_space<vmem>>, vector<16xf32>,
      %add3A_56 = arith.addf %add3A_49, %get3A_55 : vector<16xf32>
      %mul3A_57 = arith.constant 16 : i32
      %mul3A_58 = arith.muli %add3A_39, %mul3A_57 : i32
      %add3A_59 = arith.constant 1920 : i32
      %add3A_60 = arith.addi %add3A_59, %mul3A_58 : i32
      %get3A_61 = arith.index_cast %add3A_60 : i32 to index
      %get3A_62 = tpu.vector_load %arg7[%get3A_61] {strides = array<i32>} : memref<10240xf32, #tpu.memory_space<vmem>>, vector<16xf32>,
      %add3A_63 = arith.addf %add3A_56, %get3A_62 : vector<16xf32>
      %mul3A_64 = arith.constant 16 : i32
      %mul3A_65 = arith.muli %add3A_39, %mul3A_64 : i32
      %add3A_66 = arith.constant 2560 : i32
      %add3A_67 = arith.addi %add3A_66, %mul3A_65 : i32
      %get3A_68 = arith.index_cast %add3A_67 : i32 to index
      %get3A_69 = tpu.vector_load %arg7[%get3A_68] {strides = array<i32>} : memref<10240xf32, #tpu.memory_space<vmem>>, vector<16xf32>,
      %add3A_70 = arith.addf %add3A_63, %get3A_69 : vector<16xf32>
      %mul3A_71 = arith.constant 16 : i32
      %mul3A_72 = arith.muli %add3A_39, %mul3A_71 : i32
      %add3A_73 = arith.constant 3200 : i32
      %add3A_74 = arith.addi %add3A_73, %mul3A_72 : i32
      %get3A_75 = arith.index_cast %add3A_74 : i32 to index
      %get3A_76 = tpu.vector_load %arg7[%get3A_75] {strides = array<i32>} : memref<10240xf32, #tpu.memory_space<vmem>>, vector<16xf32>,
      %add3A_77 = arith.addf %add3A_70, %get3A_76 : vector<16xf32>
      %mul3A_78 = arith.constant 16 : i32
      %mul3A_79 = arith.muli %add3A_39, %mul3A_78 : i32
      %add3A_80 = arith.constant 3840 : i32
      %add3A_81 = arith.addi %add3A_80, %mul3A_79 : i32
      %get3A_82 = arith.index_cast %add3A_81 : i32 to index
      %get3A_83 = tpu.vector_load %arg7[%get3A_82] {strides = array<i32>} : memref<10240xf32, #tpu.memory_space<vmem>>, vector<16xf32>,
      %add3A_84 = arith.addf %add3A_77, %get3A_83 : vector<16xf32>
      %mul3A_85 = arith.constant 16 : i32
      %mul3A_86 = arith.muli %add3A_39, %mul3A_85 : i32
      %add3A_87 = arith.constant 4480 : i32
      %add3A_88 = arith.addi %add3A_87, %mul3A_86 : i32
      %get3A_89 = arith.index_cast %add3A_88 : i32 to index
      %get3A_90 = tpu.vector_load %arg7[%get3A_89] {strides = array<i32>} : memref<10240xf32, #tpu.memory_space<vmem>>, vector<16xf32>,
      %add3A_91 = arith.addf %add3A_84, %get3A_90 : vector<16xf32>
      %mul3A_92 = arith.constant 16 : i32
      %mul3A_93 = arith.muli %add3A_39, %mul3A_92 : i32
      %add3A_94 = arith.constant 5120 : i32
      %add3A_95 = arith.addi %add3A_94, %mul3A_93 : i32
      %get3A_96 = arith.index_cast %add3A_95 : i32 to index
      %get3A_97 = tpu.vector_load %arg7[%get3A_96] {strides = array<i32>} : memref<10240xf32, #tpu.memory_space<vmem>>, vector<16xf32>,
      %add3A_98 = arith.addf %add3A_91, %get3A_97 : vector<16xf32>
      %mul3A_99 = arith.constant 16 : i32
      %mul3A_100 = arith.muli %add3A_39, %mul3A_99 : i32
      %add3A_101 = arith.constant 5760 : i32
      %add3A_102 = arith.addi %add3A_101, %mul3A_100 : i32
      %get3A_103 = arith.index_cast %add3A_102 : i32 to index
      %get3A_104 = tpu.vector_load %arg7[%get3A_103] {strides = array<i32>} : memref<10240xf32, #tpu.memory_space<vmem>>, vector<16xf32>,
      %add3A_105 = arith.addf %add3A_98, %get3A_104 : vector<16xf32>
      %mul3A_106 = arith.constant 16 : i32
      %mul3A_107 = arith.muli %add3A_39, %mul3A_106 : i32
      %add3A_108 = arith.constant 6400 : i32
      %add3A_109 = arith.addi %add3A_108, %mul3A_107 : i32
      %get3A_110 = arith.index_cast %add3A_109 : i32 to index
      %get3A_111 = tpu.vector_load %arg7[%get3A_110] {strides = array<i32>} : memref<10240xf32, #tpu.memory_space<vmem>>, vector<16xf32>,
      %add3A_112 = arith.addf %add3A_105, %get3A_111 : vector<16xf32>
      %mul3A_113 = arith.constant 16 : i32
      %mul3A_114 = arith.muli %add3A_39, %mul3A_113 : i32
      %add3A_115 = arith.constant 7040 : i32
      %add3A_116 = arith.addi %add3A_115, %mul3A_114 : i32
      %get3A_117 = arith.index_cast %add3A_116 : i32 to index
      %get3A_118 = tpu.vector_load %arg7[%get3A_117] {strides = array<i32>} : memref<10240xf32, #tpu.memory_space<vmem>>, vector<16xf32>,
      %add3A_119 = arith.addf %add3A_112, %get3A_118 : vector<16xf32>
      %mul3A_120 = arith.constant 16 : i32
      %mul3A_121 = arith.muli %add3A_39, %mul3A_120 : i32
      %add3A_122 = arith.constant 7680 : i32
      %add3A_123 = arith.addi %add3A_122, %mul3A_121 : i32
      %get3A_124 = arith.index_cast %add3A_123 : i32 to index
      %get3A_125 = tpu.vector_load %arg7[%get3A_124] {strides = array<i32>} : memref<10240xf32, #tpu.memory_space<vmem>>, vector<16xf32>,
      %add3A_126 = arith.addf %add3A_119, %get3A_125 : vector<16xf32>
      %mul3A_127 = arith.constant 16 : i32
      %mul3A_128 = arith.muli %add3A_39, %mul3A_127 : i32
      %add3A_129 = arith.constant 8320 : i32
      %add3A_130 = arith.addi %add3A_129, %mul3A_128 : i32
      %get3A_131 = arith.index_cast %add3A_130 : i32 to index
      %get3A_132 = tpu.vector_load %arg7[%get3A_131] {strides = array<i32>} : memref<10240xf32, #tpu.memory_space<vmem>>, vector<16xf32>,
      %add3A_133 = arith.addf %add3A_126, %get3A_132 : vector<16xf32>
      %mul3A_134 = arith.constant 16 : i32
      %mul3A_135 = arith.muli %add3A_39, %mul3A_134 : i32
      %add3A_136 = arith.constant 8960 : i32
      %add3A_137 = arith.addi %add3A_136, %mul3A_135 : i32
      %get3A_138 = arith.index_cast %add3A_137 : i32 to index
      %get3A_139 = tpu.vector_load %arg7[%get3A_138] {strides = array<i32>} : memref<10240xf32, #tpu.memory_space<vmem>>, vector<16xf32>,
      %add3A_140 = arith.addf %add3A_133, %get3A_139 : vector<16xf32>
      %mul3A_141 = arith.constant 16 : i32
      %mul3A_142 = arith.muli %add3A_39, %mul3A_141 : i32
      %add3A_143 = arith.constant 9600 : i32
      %add3A_144 = arith.addi %add3A_143, %mul3A_142 : i32
      %get3A_145 = arith.index_cast %add3A_144 : i32 to index
      %get3A_146 = tpu.vector_load %arg7[%get3A_145] {strides = array<i32>} : memref<10240xf32, #tpu.memory_space<vmem>>, vector<16xf32>,
      %add3A_147 = arith.addf %add3A_140, %get3A_146 : vector<16xf32>
      %mul3A_148 = arith.constant 16 : i32
      %mul3A_149 = arith.muli %add3A_39, %mul3A_148 : i32
      %swap3A = arith.index_cast %mul3A_149 : i32 to index
      %swap3A_150 = tpu.vector_load %arg8[%swap3A] {strides = array<i32>} : memref<640xf32, #tpu.memory_space<vmem>>, vector<16xf32>,
      tpu.vector_store %arg8[%swap3A], %add3A_147 {strides = array<i32>} : memref<640xf32, #tpu.memory_space<vmem>>, vector<16xf32>,
    }
    %scan3A_21 = arith.constant 39 : i32
    %eq3A_22 = arith.constant 15 : i32
    %eq3A_23 = arith.cmpi eq, %arg1, %eq3A_22 : i32
    %convert_element_type3A_24 = arith.extui %eq3A_23 : i1 to i32
    %cond3A_25 = arith.constant 0 : i32
    %cond3A_26 = arith.cmpi ne, %convert_element_type3A_24, %cond3A_25 : i32
    scf.if %cond3A_26 {
      %get3A = arith.constant 624 : index
      %get3A_35 = tpu.vector_load %arg7[%get3A] {strides = array<i32>} : memref<10240xf32, #tpu.memory_space<vmem>>, vector<16xf32>,
      %get3A_36 = arith.constant 1264 : index
      %get3A_37 = tpu.vector_load %arg7[%get3A_36] {strides = array<i32>} : memref<10240xf32, #tpu.memory_space<vmem>>, vector<16xf32>,
      %add3A_38 = arith.addf %get3A_35, %get3A_37 : vector<16xf32>
      %get3A_39 = arith.constant 1904 : index
      %get3A_40 = tpu.vector_load %arg7[%get3A_39] {strides = array<i32>} : memref<10240xf32, #tpu.memory_space<vmem>>, vector<16xf32>,
      %add3A_41 = arith.addf %add3A_38, %get3A_40 : vector<16xf32>
      %get3A_42 = arith.constant 2544 : index
      %get3A_43 = tpu.vector_load %arg7[%get3A_42] {strides = array<i32>} : memref<10240xf32, #tpu.memory_space<vmem>>, vector<16xf32>,
      %add3A_44 = arith.addf %add3A_41, %get3A_43 : vector<16xf32>
      %get3A_45 = arith.constant 3184 : index
      %get3A_46 = tpu.vector_load %arg7[%get3A_45] {strides = array<i32>} : memref<10240xf32, #tpu.memory_space<vmem>>, vector<16xf32>,
      %add3A_47 = arith.addf %add3A_44, %get3A_46 : vector<16xf32>
      %get3A_48 = arith.constant 3824 : index
      %get3A_49 = tpu.vector_load %arg7[%get3A_48] {strides = array<i32>} : memref<10240xf32, #tpu.memory_space<vmem>>, vector<16xf32>,
      %add3A_50 = arith.addf %add3A_47, %get3A_49 : vector<16xf32>
      %get3A_51 = arith.constant 4464 : index
      %get3A_52 = tpu.vector_load %arg7[%get3A_51] {strides = array<i32>} : memref<10240xf32, #tpu.memory_space<vmem>>, vector<16xf32>,
      %add3A_53 = arith.addf %add3A_50, %get3A_52 : vector<16xf32>
      %get3A_54 = arith.constant 5104 : index
      %get3A_55 = tpu.vector_load %arg7[%get3A_54] {strides = array<i32>} : memref<10240xf32, #tpu.memory_space<vmem>>, vector<16xf32>,
      %add3A_56 = arith.addf %add3A_53, %get3A_55 : vector<16xf32>
      %get3A_57 = arith.constant 5744 : index
      %get3A_58 = tpu.vector_load %arg7[%get3A_57] {strides = array<i32>} : memref<10240xf32, #tpu.memory_space<vmem>>, vector<16xf32>,
      %add3A_59 = arith.addf %add3A_56, %get3A_58 : vector<16xf32>
      %get3A_60 = arith.constant 6384 : index
      %get3A_61 = tpu.vector_load %arg7[%get3A_60] {strides = array<i32>} : memref<10240xf32, #tpu.memory_space<vmem>>, vector<16xf32>,
      %add3A_62 = arith.addf %add3A_59, %get3A_61 : vector<16xf32>
      %get3A_63 = arith.constant 7024 : index
      %get3A_64 = tpu.vector_load %arg7[%get3A_63] {strides = array<i32>} : memref<10240xf32, #tpu.memory_space<vmem>>, vector<16xf32>,
      %add3A_65 = arith.addf %add3A_62, %get3A_64 : vector<16xf32>
      %get3A_66 = arith.constant 7664 : index
      %get3A_67 = tpu.vector_load %arg7[%get3A_66] {strides = array<i32>} : memref<10240xf32, #tpu.memory_space<vmem>>, vector<16xf32>,
      %add3A_68 = arith.addf %add3A_65, %get3A_67 : vector<16xf32>
      %get3A_69 = arith.constant 8304 : index
      %get3A_70 = tpu.vector_load %arg7[%get3A_69] {strides = array<i32>} : memref<10240xf32, #tpu.memory_space<vmem>>, vector<16xf32>,
      %add3A_71 = arith.addf %add3A_68, %get3A_70 : vector<16xf32>
      %get3A_72 = arith.constant 8944 : index
      %get3A_73 = tpu.vector_load %arg7[%get3A_72] {strides = array<i32>} : memref<10240xf32, #tpu.memory_space<vmem>>, vector<16xf32>,
      %add3A_74 = arith.addf %add3A_71, %get3A_73 : vector<16xf32>
      %get3A_75 = arith.constant 9584 : index
      %get3A_76 = tpu.vector_load %arg7[%get3A_75] {strides = array<i32>} : memref<10240xf32, #tpu.memory_space<vmem>>, vector<16xf32>,
      %add3A_77 = arith.addf %add3A_74, %get3A_76 : vector<16xf32>
      %get3A_78 = arith.constant 10224 : index
      %get3A_79 = tpu.vector_load %arg7[%get3A_78] {strides = array<i32>} : memref<10240xf32, #tpu.memory_space<vmem>>, vector<16xf32>,
      %add3A_80 = arith.addf %add3A_77, %get3A_79 : vector<16xf32>
      %swap3A = arith.constant 624 : index
      %swap3A_81 = tpu.vector_load %arg8[%swap3A] {strides = array<i32>} : memref<640xf32, #tpu.memory_space<vmem>>, vector<16xf32>,
      tpu.vector_store %arg8[%swap3A], %add3A_80 {strides = array<i32>} : memref<640xf32, #tpu.memory_space<vmem>>, vector<16xf32>,
    } else {
    }
    %mul3A_27 = arith.constant 10000 : i32
    %mul3A_28 = arith.muli %arg0, %mul3A_27 : i32
    %add3A_29 = arith.addi %mul3A_28, %mul3A_9 : i32
    "tpu.region"() ({
      %run_scoped3A = tpu.sem_alloc : memref<!tpu.dma_semaphore, #tpu.memory_space<semaphore_mem>>
      %dma_start3A = arith.constant 0 : i32
      %dma_start3A_35 = tpu.memref_slice %arg8[%dma_start3A] : memref<640xf32, #tpu.memory_space<vmem>> -> memref<624xf32, #tpu.memory_space<vmem>>
      %dma_start3A_36 = tpu.memref_slice %arg4[%add3A_29] : memref<20000xf32, #tpu.memory_space<hbm>> -> memref<624xf32, #tpu.memory_space<hbm>>
      %dma_start3A_37 = tpu.memref_slice %arg4[%add3A_29] : memref<20000xf32, #tpu.memory_space<hbm>> -> memref<624xf32, #tpu.memory_space<hbm>>
      %dma_start3A_38 = arith.constant 0 : i32
      %dma_start3A_39 = tpu.memref_slice %arg8[%dma_start3A_38] : memref<640xf32, #tpu.memory_space<vmem>> -> memref<624xf32, #tpu.memory_space<vmem>>
      tpu.enqueue_dma source(%dma_start3A_39 : memref<624xf32, #tpu.memory_space<vmem>>) target(%dma_start3A_37 : memref<624xf32, #tpu.memory_space<hbm>>) target_semaphore(%run_scoped3A : memref<!tpu.dma_semaphore, #tpu.memory_space<semaphore_mem>>)
      %dma_wait3A = arith.constant 0 : i32
      %dma_wait3A_40 = tpu.memref_slice %arg8[%dma_wait3A] : memref<640xf32, #tpu.memory_space<vmem>> -> memref<624xf32, #tpu.memory_space<vmem>>
      %dma_wait3A_41 = tpu.memref_slice %arg4[%add3A_29] : memref<20000xf32, #tpu.memory_space<hbm>> -> memref<624xf32, #tpu.memory_space<hbm>>
      %dma_wait3A_42 = tpu.memref_slice %arg4[%add3A_29] : memref<20000xf32, #tpu.memory_space<hbm>> -> memref<624xf32, #tpu.memory_space<hbm>>
      %dma_wait3A_43 = arith.constant 0 : i32
      %dma_wait3A_44 = tpu.memref_slice %arg8[%dma_wait3A_43] : memref<640xf32, #tpu.memory_space<vmem>> -> memref<624xf32, #tpu.memory_space<vmem>>
      tpu.wait_dma2 semaphore(%run_scoped3A : memref<!tpu.dma_semaphore, #tpu.memory_space<semaphore_mem>>) src(%dma_wait3A_44 : memref<624xf32, #tpu.memory_space<vmem>>) dst(%dma_wait3A_42 : memref<624xf32, #tpu.memory_space<hbm>>)
      tpu.yield
    }) : () -> ()
    %eq3A_30 = arith.constant 15 : i32
    %eq3A_31 = arith.cmpi eq, %arg1, %eq3A_30 : i32
    %convert_element_type3A_32 = arith.extui %eq3A_31 : i1 to i32
    %cond3A_33 = arith.constant 0 : i32
    %cond3A_34 = arith.cmpi ne, %convert_element_type3A_32, %cond3A_33 : i32
    scf.if %cond3A_34 {
      %mul3A_35 = arith.constant 10000 : i32
      %mul3A_36 = arith.muli %arg0, %mul3A_35 : i32
      %add3A_37 = arith.constant 9984 : i32
      %add3A_38 = arith.addi %mul3A_36, %add3A_37 : i32
      "tpu.region"() ({
        %run_scoped3A = tpu.sem_alloc : memref<!tpu.dma_semaphore, #tpu.memory_space<semaphore_mem>>
        %dma_start3A = arith.constant 624 : i32
        %dma_start3A_39 = tpu.memref_slice %arg8[%dma_start3A] : memref<640xf32, #tpu.memory_space<vmem>> -> memref<16xf32, #tpu.memory_space<vmem>>
        %dma_start3A_40 = tpu.memref_slice %arg4[%add3A_38] : memref<20000xf32, #tpu.memory_space<hbm>> -> memref<16xf32, #tpu.memory_space<hbm>>
        %dma_start3A_41 = tpu.memref_slice %arg4[%add3A_38] : memref<20000xf32, #tpu.memory_space<hbm>> -> memref<16xf32, #tpu.memory_space<hbm>>
        %dma_start3A_42 = arith.constant 624 : i32
        %dma_start3A_43 = tpu.memref_slice %arg8[%dma_start3A_42] : memref<640xf32, #tpu.memory_space<vmem>> -> memref<16xf32, #tpu.memory_space<vmem>>
        tpu.enqueue_dma source(%dma_start3A_43 : memref<16xf32, #tpu.memory_space<vmem>>) target(%dma_start3A_41 : memref<16xf32, #tpu.memory_space<hbm>>) target_semaphore(%run_scoped3A : memref<!tpu.dma_semaphore, #tpu.memory_space<semaphore_mem>>)
        %dma_wait3A = arith.constant 624 : i32
        %dma_wait3A_44 = tpu.memref_slice %arg8[%dma_wait3A] : memref<640xf32, #tpu.memory_space<vmem>> -> memref<16xf32, #tpu.memory_space<vmem>>
        %dma_wait3A_45 = tpu.memref_slice %arg4[%add3A_38] : memref<20000xf32, #tpu.memory_space<hbm>> -> memref<16xf32, #tpu.memory_space<hbm>>
        %dma_wait3A_46 = tpu.memref_slice %arg4[%add3A_38] : memref<20000xf32, #tpu.memory_space<hbm>> -> memref<16xf32, #tpu.memory_space<hbm>>
        %dma_wait3A_47 = arith.constant 624 : i32
        %dma_wait3A_48 = tpu.memref_slice %arg8[%dma_wait3A_47] : memref<640xf32, #tpu.memory_space<vmem>> -> memref<16xf32, #tpu.memory_space<vmem>>
        tpu.wait_dma2 semaphore(%run_scoped3A : memref<!tpu.dma_semaphore, #tpu.memory_space<semaphore_mem>>) src(%dma_wait3A_48 : memref<16xf32, #tpu.memory_space<vmem>>) dst(%dma_wait3A_46 : memref<16xf32, #tpu.memory_space<hbm>>)
        tpu.yield
      }) : () -> ()
    } else {
    }
    return
  }
}

#map = affine_map<(d0, d1) -> (0, 0)>
#map1 = affine_map<(d0, d1) -> (0, 0, 0)>
module attributes {stable_mosaic.version = 14 : i64} {
  func.func @prop(%arg0: i32, %arg1: i32, %arg2: memref<10000x128xf32, #tpu.memory_space<hbm>>, %arg3: memref<32x125x80xi32, #tpu.memory_space<hbm>>, %arg4: memref<32x125x80xi32, #tpu.memory_space<hbm>>, %arg5: memref<624x128xf32, #tpu.memory_space<hbm>>, %arg6: memref<2x10000x128xf32, #tpu.memory_space<hbm>>, %arg7: memref<80xi32, #tpu.memory_space<vmem>>, %arg8: memref<80xi32, #tpu.memory_space<vmem>>, %arg9: memref<80xi32, #tpu.memory_space<vmem>>, %arg10: memref<80xi32, #tpu.memory_space<vmem>>, %arg11: memref<125x80xi32, #tpu.memory_space<vmem>>, %arg12: memref<80x128xf32, #tpu.memory_space<vmem>>, %arg13: memref<80x128xf32, #tpu.memory_space<vmem>>, %arg14: memref<10000x128xf32, #tpu.memory_space<vmem_shared>>, %arg15: memref<!tpu.dma_semaphore, #tpu.memory_space<semaphore_mem>>, %arg16: memref<!tpu.dma_semaphore, #tpu.memory_space<semaphore_mem>>, %arg17: memref<!tpu.dma_semaphore, #tpu.memory_space<semaphore_mem>>, %arg18: memref<!tpu.dma_semaphore, #tpu.memory_space<semaphore_mem>>, %arg19: memref<!tpu.dma_semaphore, #tpu.memory_space<semaphore_mem>>, %arg20: memref<!tpu.dma_semaphore, #tpu.memory_space<semaphore_mem>>, %arg21: memref<!tpu.dma_semaphore, #tpu.memory_space<semaphore_mem>>, %arg22: memref<!tpu.dma_semaphore, #tpu.memory_space<semaphore_mem>>) attributes {dimension_semantics = [#tpu.dimension_semantics<core_parallel>, #tpu.dimension_semantics<subcore_parallel>], iteration_bounds = array<i64: 2, 16>, scalar_prefetch = 0 : i64, scratch_operands = 16 : i64, tpu.core_type = #tpu.core_type<sc_vector_subcore>, window_params = [{transform_indices = #map}, {transform_indices = #map1}, {transform_indices = #map1}, {transform_indices = #map}, {transform_indices = #map1}]} {
    %mul3A = arith.constant 2 : i32
    %mul3A_0 = arith.muli %arg1, %mul3A : i32
    %add3A = arith.addi %mul3A_0, %arg0 : i32
    %mul3A_1 = arith.constant 624 : i32
    %mul3A_2 = arith.muli %arg1, %mul3A_1 : i32
    "tpu.region"() ({
      %run_scoped3A = tpu.sem_alloc : memref<!tpu.dma_semaphore, #tpu.memory_space<semaphore_mem>>
      %dma_start3A_160 = arith.constant 0 : i32
      %dma_start3A_161 = tpu.memref_slice %arg14[%mul3A_2, %dma_start3A_160] : memref<10000x128xf32, #tpu.memory_space<vmem_shared>> -> memref<624x128xf32, #tpu.memory_space<vmem_shared>>
      tpu.enqueue_dma source(%arg5 : memref<624x128xf32, #tpu.memory_space<hbm>>) target(%dma_start3A_161 : memref<624x128xf32, #tpu.memory_space<vmem_shared>>) target_semaphore(%run_scoped3A : memref<!tpu.dma_semaphore, #tpu.memory_space<semaphore_mem>>)
      %dma_wait3A_162 = arith.constant 0 : i32
      %dma_wait3A_163 = tpu.memref_slice %arg14[%mul3A_2, %dma_wait3A_162] : memref<10000x128xf32, #tpu.memory_space<vmem_shared>> -> memref<624x128xf32, #tpu.memory_space<vmem_shared>>
      tpu.wait_dma2 semaphore(%run_scoped3A : memref<!tpu.dma_semaphore, #tpu.memory_space<semaphore_mem>>) src(%arg5 : memref<624x128xf32, #tpu.memory_space<hbm>>) dst(%dma_wait3A_163 : memref<624x128xf32, #tpu.memory_space<vmem_shared>>)
      tpu.yield
    }) : () -> ()
    %eq3A = arith.constant 15 : i32
    %eq3A_3 = arith.cmpi eq, %arg1, %eq3A : i32
    %convert_element_type3A = arith.extui %eq3A_3 : i1 to i32
    %cond3A = arith.constant 0 : i32
    %cond3A_4 = arith.cmpi ne, %convert_element_type3A, %cond3A : i32
    scf.if %cond3A_4 {
      "tpu.region"() ({
        %run_scoped3A = tpu.sem_alloc : memref<!tpu.dma_semaphore, #tpu.memory_space<semaphore_mem>>
        %dma_start3A_160 = arith.constant 9984 : i32
        %dma_start3A_161 = arith.constant 0 : i32
        %dma_start3A_162 = tpu.memref_slice %arg14[%dma_start3A_160, %dma_start3A_161] : memref<10000x128xf32, #tpu.memory_space<vmem_shared>> -> memref<16x128xf32, #tpu.memory_space<vmem_shared>>
        %dma_start3A_163 = arith.constant 0 : i32
        %dma_start3A_164 = arith.constant 0 : i32
        %dma_start3A_165 = tpu.memref_slice %arg5[%dma_start3A_163, %dma_start3A_164] : memref<624x128xf32, #tpu.memory_space<hbm>> -> memref<16x128xf32, #tpu.memory_space<hbm>>
        tpu.enqueue_dma source(%dma_start3A_165 : memref<16x128xf32, #tpu.memory_space<hbm>>) target(%dma_start3A_162 : memref<16x128xf32, #tpu.memory_space<vmem_shared>>) target_semaphore(%run_scoped3A : memref<!tpu.dma_semaphore, #tpu.memory_space<semaphore_mem>>)
        %dma_wait3A_166 = arith.constant 9984 : i32
        %dma_wait3A_167 = arith.constant 0 : i32
        %dma_wait3A_168 = tpu.memref_slice %arg14[%dma_wait3A_166, %dma_wait3A_167] : memref<10000x128xf32, #tpu.memory_space<vmem_shared>> -> memref<16x128xf32, #tpu.memory_space<vmem_shared>>
        %dma_wait3A_169 = arith.constant 0 : i32
        %dma_wait3A_170 = arith.constant 0 : i32
        %dma_wait3A_171 = tpu.memref_slice %arg5[%dma_wait3A_169, %dma_wait3A_170] : memref<624x128xf32, #tpu.memory_space<hbm>> -> memref<16x128xf32, #tpu.memory_space<hbm>>
        tpu.wait_dma2 semaphore(%run_scoped3A : memref<!tpu.dma_semaphore, #tpu.memory_space<semaphore_mem>>) src(%dma_wait3A_171 : memref<16x128xf32, #tpu.memory_space<hbm>>) dst(%dma_wait3A_168 : memref<16x128xf32, #tpu.memory_space<vmem_shared>>)
        tpu.yield
      }) : () -> ()
    } else {
    }
    "tpu.region"() ({
      %run_scoped3A = tpu.sem_alloc : memref<!tpu.dma_semaphore, #tpu.memory_space<semaphore_mem>>
      %dma_start3A_160 = arith.constant 0 : i32
      %dma_start3A_161 = arith.constant 0 : i32
      %dma_start3A_162 = tpu.memref_slice %arg4[%add3A, %dma_start3A_160, %dma_start3A_161] : memref<32x125x80xi32, #tpu.memory_space<hbm>> -> memref<1x125x80xi32, #tpu.memory_space<hbm>>
      %dma_start3A_163 = tpu.memref_squeeze %dma_start3A_162 : memref<1x125x80xi32, #tpu.memory_space<hbm>> -> memref<125x80xi32, #tpu.memory_space<hbm>>
      %dma_start3A_164 = arith.constant 0 : i32
      %dma_start3A_165 = arith.constant 0 : i32
      %dma_start3A_166 = tpu.memref_slice %arg4[%add3A, %dma_start3A_164, %dma_start3A_165] : memref<32x125x80xi32, #tpu.memory_space<hbm>> -> memref<1x125x80xi32, #tpu.memory_space<hbm>>
      %dma_start3A_167 = tpu.memref_squeeze %dma_start3A_166 : memref<1x125x80xi32, #tpu.memory_space<hbm>> -> memref<125x80xi32, #tpu.memory_space<hbm>>
      tpu.enqueue_dma source(%dma_start3A_167 : memref<125x80xi32, #tpu.memory_space<hbm>>) target(%arg11 : memref<125x80xi32, #tpu.memory_space<vmem>>) target_semaphore(%run_scoped3A : memref<!tpu.dma_semaphore, #tpu.memory_space<semaphore_mem>>)
      %dma_wait3A_168 = arith.constant 0 : i32
      %dma_wait3A_169 = arith.constant 0 : i32
      %dma_wait3A_170 = tpu.memref_slice %arg4[%add3A, %dma_wait3A_168, %dma_wait3A_169] : memref<32x125x80xi32, #tpu.memory_space<hbm>> -> memref<1x125x80xi32, #tpu.memory_space<hbm>>
      %dma_wait3A_171 = tpu.memref_squeeze %dma_wait3A_170 : memref<1x125x80xi32, #tpu.memory_space<hbm>> -> memref<125x80xi32, #tpu.memory_space<hbm>>
      %dma_wait3A_172 = arith.constant 0 : i32
      %dma_wait3A_173 = arith.constant 0 : i32
      %dma_wait3A_174 = tpu.memref_slice %arg4[%add3A, %dma_wait3A_172, %dma_wait3A_173] : memref<32x125x80xi32, #tpu.memory_space<hbm>> -> memref<1x125x80xi32, #tpu.memory_space<hbm>>
      %dma_wait3A_175 = tpu.memref_squeeze %dma_wait3A_174 : memref<1x125x80xi32, #tpu.memory_space<hbm>> -> memref<125x80xi32, #tpu.memory_space<hbm>>
      tpu.wait_dma2 semaphore(%run_scoped3A : memref<!tpu.dma_semaphore, #tpu.memory_space<semaphore_mem>>) src(%dma_wait3A_175 : memref<125x80xi32, #tpu.memory_space<hbm>>) dst(%arg11 : memref<125x80xi32, #tpu.memory_space<vmem>>)
      tpu.yield
    }) : () -> ()
    %barrier3A = arith.constant 0 : index
    tpu.barrier barrier_id(%barrier3A)
    %min3A = arith.constant 0 : i32
    %min3A_5 = arith.constant 124 : i32
    %min3A_6 = arith.minsi %min3A, %min3A_5 : i32
    %dma_start3A = arith.constant 0 : i32
    %dma_start3A_7 = arith.constant 0 : i32
    %dma_start3A_8 = tpu.memref_slice %arg3[%add3A, %dma_start3A, %dma_start3A_7] : memref<32x125x80xi32, #tpu.memory_space<hbm>> -> memref<1x125x80xi32, #tpu.memory_space<hbm>>
    %dma_start3A_9 = tpu.memref_squeeze %dma_start3A_8 : memref<1x125x80xi32, #tpu.memory_space<hbm>> -> memref<125x80xi32, #tpu.memory_space<hbm>>
    %dma_start3A_10 = arith.constant 0 : i32
    %dma_start3A_11 = tpu.memref_slice %dma_start3A_9[%min3A_6, %dma_start3A_10] : memref<125x80xi32, #tpu.memory_space<hbm>> -> memref<1x80xi32, #tpu.memory_space<hbm>>
    %dma_start3A_12 = tpu.memref_squeeze %dma_start3A_11 : memref<1x80xi32, #tpu.memory_space<hbm>> -> memref<80xi32, #tpu.memory_space<hbm>>
    %dma_start3A_13 = arith.constant 0 : i32
    %dma_start3A_14 = arith.constant 0 : i32
    %dma_start3A_15 = tpu.memref_slice %arg3[%add3A, %dma_start3A_13, %dma_start3A_14] : memref<32x125x80xi32, #tpu.memory_space<hbm>> -> memref<1x125x80xi32, #tpu.memory_space<hbm>>
    %dma_start3A_16 = tpu.memref_squeeze %dma_start3A_15 : memref<1x125x80xi32, #tpu.memory_space<hbm>> -> memref<125x80xi32, #tpu.memory_space<hbm>>
    %dma_start3A_17 = arith.constant 0 : i32
    %dma_start3A_18 = tpu.memref_slice %dma_start3A_16[%min3A_6, %dma_start3A_17] : memref<125x80xi32, #tpu.memory_space<hbm>> -> memref<1x80xi32, #tpu.memory_space<hbm>>
    %dma_start3A_19 = tpu.memref_squeeze %dma_start3A_18 : memref<1x80xi32, #tpu.memory_space<hbm>> -> memref<80xi32, #tpu.memory_space<hbm>>
    tpu.enqueue_dma source(%dma_start3A_19 : memref<80xi32, #tpu.memory_space<hbm>>) target(%arg7 : memref<80xi32, #tpu.memory_space<vmem>>) target_semaphore(%arg15 : memref<!tpu.dma_semaphore, #tpu.memory_space<semaphore_mem>>)
    %min3A_20 = arith.constant 1 : i32
    %min3A_21 = arith.constant 124 : i32
    %min3A_22 = arith.minsi %min3A_20, %min3A_21 : i32
    %dma_start3A_23 = arith.constant 0 : i32
    %dma_start3A_24 = arith.constant 0 : i32
    %dma_start3A_25 = tpu.memref_slice %arg3[%add3A, %dma_start3A_23, %dma_start3A_24] : memref<32x125x80xi32, #tpu.memory_space<hbm>> -> memref<1x125x80xi32, #tpu.memory_space<hbm>>
    %dma_start3A_26 = tpu.memref_squeeze %dma_start3A_25 : memref<1x125x80xi32, #tpu.memory_space<hbm>> -> memref<125x80xi32, #tpu.memory_space<hbm>>
    %dma_start3A_27 = arith.constant 0 : i32
    %dma_start3A_28 = tpu.memref_slice %dma_start3A_26[%min3A_22, %dma_start3A_27] : memref<125x80xi32, #tpu.memory_space<hbm>> -> memref<1x80xi32, #tpu.memory_space<hbm>>
    %dma_start3A_29 = tpu.memref_squeeze %dma_start3A_28 : memref<1x80xi32, #tpu.memory_space<hbm>> -> memref<80xi32, #tpu.memory_space<hbm>>
    %dma_start3A_30 = arith.constant 0 : i32
    %dma_start3A_31 = arith.constant 0 : i32
    %dma_start3A_32 = tpu.memref_slice %arg3[%add3A, %dma_start3A_30, %dma_start3A_31] : memref<32x125x80xi32, #tpu.memory_space<hbm>> -> memref<1x125x80xi32, #tpu.memory_space<hbm>>
    %dma_start3A_33 = tpu.memref_squeeze %dma_start3A_32 : memref<1x125x80xi32, #tpu.memory_space<hbm>> -> memref<125x80xi32, #tpu.memory_space<hbm>>
    %dma_start3A_34 = arith.constant 0 : i32
    %dma_start3A_35 = tpu.memref_slice %dma_start3A_33[%min3A_22, %dma_start3A_34] : memref<125x80xi32, #tpu.memory_space<hbm>> -> memref<1x80xi32, #tpu.memory_space<hbm>>
    %dma_start3A_36 = tpu.memref_squeeze %dma_start3A_35 : memref<1x80xi32, #tpu.memory_space<hbm>> -> memref<80xi32, #tpu.memory_space<hbm>>
    tpu.enqueue_dma source(%dma_start3A_36 : memref<80xi32, #tpu.memory_space<hbm>>) target(%arg8 : memref<80xi32, #tpu.memory_space<vmem>>) target_semaphore(%arg16 : memref<!tpu.dma_semaphore, #tpu.memory_space<semaphore_mem>>)
    %min3A_37 = arith.constant 2 : i32
    %min3A_38 = arith.constant 124 : i32
    %min3A_39 = arith.minsi %min3A_37, %min3A_38 : i32
    %dma_start3A_40 = arith.constant 0 : i32
    %dma_start3A_41 = arith.constant 0 : i32
    %dma_start3A_42 = tpu.memref_slice %arg3[%add3A, %dma_start3A_40, %dma_start3A_41] : memref<32x125x80xi32, #tpu.memory_space<hbm>> -> memref<1x125x80xi32, #tpu.memory_space<hbm>>
    %dma_start3A_43 = tpu.memref_squeeze %dma_start3A_42 : memref<1x125x80xi32, #tpu.memory_space<hbm>> -> memref<125x80xi32, #tpu.memory_space<hbm>>
    %dma_start3A_44 = arith.constant 0 : i32
    %dma_start3A_45 = tpu.memref_slice %dma_start3A_43[%min3A_39, %dma_start3A_44] : memref<125x80xi32, #tpu.memory_space<hbm>> -> memref<1x80xi32, #tpu.memory_space<hbm>>
    %dma_start3A_46 = tpu.memref_squeeze %dma_start3A_45 : memref<1x80xi32, #tpu.memory_space<hbm>> -> memref<80xi32, #tpu.memory_space<hbm>>
    %dma_start3A_47 = arith.constant 0 : i32
    %dma_start3A_48 = arith.constant 0 : i32
    %dma_start3A_49 = tpu.memref_slice %arg3[%add3A, %dma_start3A_47, %dma_start3A_48] : memref<32x125x80xi32, #tpu.memory_space<hbm>> -> memref<1x125x80xi32, #tpu.memory_space<hbm>>
    %dma_start3A_50 = tpu.memref_squeeze %dma_start3A_49 : memref<1x125x80xi32, #tpu.memory_space<hbm>> -> memref<125x80xi32, #tpu.memory_space<hbm>>
    %dma_start3A_51 = arith.constant 0 : i32
    %dma_start3A_52 = tpu.memref_slice %dma_start3A_50[%min3A_39, %dma_start3A_51] : memref<125x80xi32, #tpu.memory_space<hbm>> -> memref<1x80xi32, #tpu.memory_space<hbm>>
    %dma_start3A_53 = tpu.memref_squeeze %dma_start3A_52 : memref<1x80xi32, #tpu.memory_space<hbm>> -> memref<80xi32, #tpu.memory_space<hbm>>
    tpu.enqueue_dma source(%dma_start3A_53 : memref<80xi32, #tpu.memory_space<hbm>>) target(%arg9 : memref<80xi32, #tpu.memory_space<vmem>>) target_semaphore(%arg17 : memref<!tpu.dma_semaphore, #tpu.memory_space<semaphore_mem>>)
    %min3A_54 = arith.constant 3 : i32
    %min3A_55 = arith.constant 124 : i32
    %min3A_56 = arith.minsi %min3A_54, %min3A_55 : i32
    %dma_start3A_57 = arith.constant 0 : i32
    %dma_start3A_58 = arith.constant 0 : i32
    %dma_start3A_59 = tpu.memref_slice %arg3[%add3A, %dma_start3A_57, %dma_start3A_58] : memref<32x125x80xi32, #tpu.memory_space<hbm>> -> memref<1x125x80xi32, #tpu.memory_space<hbm>>
    %dma_start3A_60 = tpu.memref_squeeze %dma_start3A_59 : memref<1x125x80xi32, #tpu.memory_space<hbm>> -> memref<125x80xi32, #tpu.memory_space<hbm>>
    %dma_start3A_61 = arith.constant 0 : i32
    %dma_start3A_62 = tpu.memref_slice %dma_start3A_60[%min3A_56, %dma_start3A_61] : memref<125x80xi32, #tpu.memory_space<hbm>> -> memref<1x80xi32, #tpu.memory_space<hbm>>
    %dma_start3A_63 = tpu.memref_squeeze %dma_start3A_62 : memref<1x80xi32, #tpu.memory_space<hbm>> -> memref<80xi32, #tpu.memory_space<hbm>>
    %dma_start3A_64 = arith.constant 0 : i32
    %dma_start3A_65 = arith.constant 0 : i32
    %dma_start3A_66 = tpu.memref_slice %arg3[%add3A, %dma_start3A_64, %dma_start3A_65] : memref<32x125x80xi32, #tpu.memory_space<hbm>> -> memref<1x125x80xi32, #tpu.memory_space<hbm>>
    %dma_start3A_67 = tpu.memref_squeeze %dma_start3A_66 : memref<1x125x80xi32, #tpu.memory_space<hbm>> -> memref<125x80xi32, #tpu.memory_space<hbm>>
    %dma_start3A_68 = arith.constant 0 : i32
    %dma_start3A_69 = tpu.memref_slice %dma_start3A_67[%min3A_56, %dma_start3A_68] : memref<125x80xi32, #tpu.memory_space<hbm>> -> memref<1x80xi32, #tpu.memory_space<hbm>>
    %dma_start3A_70 = tpu.memref_squeeze %dma_start3A_69 : memref<1x80xi32, #tpu.memory_space<hbm>> -> memref<80xi32, #tpu.memory_space<hbm>>
    tpu.enqueue_dma source(%dma_start3A_70 : memref<80xi32, #tpu.memory_space<hbm>>) target(%arg10 : memref<80xi32, #tpu.memory_space<vmem>>) target_semaphore(%arg18 : memref<!tpu.dma_semaphore, #tpu.memory_space<semaphore_mem>>)
    %dma_wait3A = arith.constant 0 : i32
    %dma_wait3A_71 = arith.constant 0 : i32
    %dma_wait3A_72 = arith.constant 0 : i32
    %dma_wait3A_73 = tpu.memref_slice %arg3[%add3A, %dma_wait3A_71, %dma_wait3A_72] : memref<32x125x80xi32, #tpu.memory_space<hbm>> -> memref<1x125x80xi32, #tpu.memory_space<hbm>>
    %dma_wait3A_74 = tpu.memref_squeeze %dma_wait3A_73 : memref<1x125x80xi32, #tpu.memory_space<hbm>> -> memref<125x80xi32, #tpu.memory_space<hbm>>
    %dma_wait3A_75 = arith.constant 0 : i32
    %dma_wait3A_76 = tpu.memref_slice %dma_wait3A_74[%dma_wait3A, %dma_wait3A_75] : memref<125x80xi32, #tpu.memory_space<hbm>> -> memref<1x80xi32, #tpu.memory_space<hbm>>
    %dma_wait3A_77 = tpu.memref_squeeze %dma_wait3A_76 : memref<1x80xi32, #tpu.memory_space<hbm>> -> memref<80xi32, #tpu.memory_space<hbm>>
    %dma_wait3A_78 = arith.constant 0 : i32
    %dma_wait3A_79 = arith.constant 0 : i32
    %dma_wait3A_80 = tpu.memref_slice %arg3[%add3A, %dma_wait3A_78, %dma_wait3A_79] : memref<32x125x80xi32, #tpu.memory_space<hbm>> -> memref<1x125x80xi32, #tpu.memory_space<hbm>>
    %dma_wait3A_81 = tpu.memref_squeeze %dma_wait3A_80 : memref<1x125x80xi32, #tpu.memory_space<hbm>> -> memref<125x80xi32, #tpu.memory_space<hbm>>
    %dma_wait3A_82 = arith.constant 0 : i32
    %dma_wait3A_83 = tpu.memref_slice %dma_wait3A_81[%dma_wait3A, %dma_wait3A_82] : memref<125x80xi32, #tpu.memory_space<hbm>> -> memref<1x80xi32, #tpu.memory_space<hbm>>
    %dma_wait3A_84 = tpu.memref_squeeze %dma_wait3A_83 : memref<1x80xi32, #tpu.memory_space<hbm>> -> memref<80xi32, #tpu.memory_space<hbm>>
    tpu.wait_dma2 semaphore(%arg15 : memref<!tpu.dma_semaphore, #tpu.memory_space<semaphore_mem>>) src(%dma_wait3A_84 : memref<80xi32, #tpu.memory_space<hbm>>) dst(%arg7 : memref<80xi32, #tpu.memory_space<vmem>>)
    %dma_start3A_85 = arith.constant 0 : i32
    %dma_start3A_86 = arith.constant 0 : i32
    %dma_start3A_87 = tpu.memref_slice %arg2[%dma_start3A_85, %dma_start3A_86] : memref<10000x128xf32, #tpu.memory_space<hbm>> -> memref<10000x128xf32, #tpu.memory_space<hbm>>
    tpu.enqueue_indirect_dma source(%dma_start3A_87 : memref<10000x128xf32, #tpu.memory_space<hbm>>) target(%arg12 : memref<80x128xf32, #tpu.memory_space<vmem>>) offsets(%arg7 : memref<80xi32, #tpu.memory_space<vmem>>) semaphore(%arg19 : memref<!tpu.dma_semaphore, #tpu.memory_space<semaphore_mem>>)
    %scan3A = arith.constant 0 : i32
    %scan3A_88 = arith.constant 31 : i32
    %scan3A_89 = arith.addi %scan3A, %scan3A_88 : i32
    %scan3A_90 = arith.constant 1 : i32
    scf.for %scan3A_160 = %scan3A to %scan3A_89 step %scan3A_90  : i32 {
      %mul3A_161 = arith.constant 1 : i32
      %mul3A_162 = arith.muli %scan3A_160, %mul3A_161 : i32
      %add3A_163 = arith.constant 0 : i32
      %add3A_164 = arith.addi %add3A_163, %mul3A_162 : i32
      %mul3A_165 = arith.constant 4 : i32
      %mul3A_166 = arith.muli %mul3A_165, %add3A_164 : i32
      %dma_wait3A_167 = arith.constant 0 : i32
      %dma_wait3A_168 = arith.constant 0 : i32
      %dma_wait3A_169 = tpu.memref_slice %arg2[%dma_wait3A_167, %dma_wait3A_168] : memref<10000x128xf32, #tpu.memory_space<hbm>> -> memref<10000x128xf32, #tpu.memory_space<hbm>>
      tpu.wait_indirect_dma semaphore(%arg19 : memref<!tpu.dma_semaphore, #tpu.memory_space<semaphore_mem>>) src(%dma_wait3A_169 : memref<10000x128xf32, #tpu.memory_space<hbm>>) dst(%arg12 : memref<80x128xf32, #tpu.memory_space<vmem>>)
      %dma_wait3A_170 = arith.constant 0 : i32
      %dma_wait3A_171 = arith.constant 0 : i32
      %dma_wait3A_172 = arith.constant 0 : i32
      %dma_wait3A_173 = tpu.memref_slice %arg3[%add3A, %dma_wait3A_171, %dma_wait3A_172] : memref<32x125x80xi32, #tpu.memory_space<hbm>> -> memref<1x125x80xi32, #tpu.memory_space<hbm>>
      %dma_wait3A_174 = tpu.memref_squeeze %dma_wait3A_173 : memref<1x125x80xi32, #tpu.memory_space<hbm>> -> memref<125x80xi32, #tpu.memory_space<hbm>>
      %dma_wait3A_175 = arith.constant 0 : i32
      %dma_wait3A_176 = tpu.memref_slice %dma_wait3A_174[%dma_wait3A_170, %dma_wait3A_175] : memref<125x80xi32, #tpu.memory_space<hbm>> -> memref<1x80xi32, #tpu.memory_space<hbm>>
      %dma_wait3A_177 = tpu.memref_squeeze %dma_wait3A_176 : memref<1x80xi32, #tpu.memory_space<hbm>> -> memref<80xi32, #tpu.memory_space<hbm>>
      %dma_wait3A_178 = arith.constant 0 : i32
      %dma_wait3A_179 = arith.constant 0 : i32
      %dma_wait3A_180 = tpu.memref_slice %arg3[%add3A, %dma_wait3A_178, %dma_wait3A_179] : memref<32x125x80xi32, #tpu.memory_space<hbm>> -> memref<1x125x80xi32, #tpu.memory_space<hbm>>
      %dma_wait3A_181 = tpu.memref_squeeze %dma_wait3A_180 : memref<1x125x80xi32, #tpu.memory_space<hbm>> -> memref<125x80xi32, #tpu.memory_space<hbm>>
      %dma_wait3A_182 = arith.constant 0 : i32
      %dma_wait3A_183 = tpu.memref_slice %dma_wait3A_181[%dma_wait3A_170, %dma_wait3A_182] : memref<125x80xi32, #tpu.memory_space<hbm>> -> memref<1x80xi32, #tpu.memory_space<hbm>>
      %dma_wait3A_184 = tpu.memref_squeeze %dma_wait3A_183 : memref<1x80xi32, #tpu.memory_space<hbm>> -> memref<80xi32, #tpu.memory_space<hbm>>
      tpu.wait_dma2 semaphore(%arg16 : memref<!tpu.dma_semaphore, #tpu.memory_space<semaphore_mem>>) src(%dma_wait3A_184 : memref<80xi32, #tpu.memory_space<hbm>>) dst(%arg8 : memref<80xi32, #tpu.memory_space<vmem>>)
      %dma_start3A_185 = arith.constant 0 : i32
      %dma_start3A_186 = arith.constant 0 : i32
      %dma_start3A_187 = tpu.memref_slice %arg2[%dma_start3A_185, %dma_start3A_186] : memref<10000x128xf32, #tpu.memory_space<hbm>> -> memref<10000x128xf32, #tpu.memory_space<hbm>>
      tpu.enqueue_indirect_dma source(%dma_start3A_187 : memref<10000x128xf32, #tpu.memory_space<hbm>>) target(%arg13 : memref<80x128xf32, #tpu.memory_space<vmem>>) offsets(%arg8 : memref<80xi32, #tpu.memory_space<vmem>>) semaphore(%arg20 : memref<!tpu.dma_semaphore, #tpu.memory_space<semaphore_mem>>)
      %dma_start3A_188 = arith.constant 0 : i32
      %dma_start3A_189 = tpu.memref_slice %arg11[%mul3A_166, %dma_start3A_188] : memref<125x80xi32, #tpu.memory_space<vmem>> -> memref<1x80xi32, #tpu.memory_space<vmem>>
      %dma_start3A_190 = tpu.memref_squeeze %dma_start3A_189 : memref<1x80xi32, #tpu.memory_space<vmem>> -> memref<80xi32, #tpu.memory_space<vmem>>
      %dma_start3A_191 = arith.constant 0 : i32
      %dma_start3A_192 = arith.constant 0 : i32
      %dma_start3A_193 = tpu.memref_slice %arg14[%dma_start3A_191, %dma_start3A_192] : memref<10000x128xf32, #tpu.memory_space<vmem_shared>> -> memref<10000x128xf32, #tpu.memory_space<vmem_shared>>
      tpu.enqueue_indirect_dma source(%arg12 : memref<80x128xf32, #tpu.memory_space<vmem>>) target(%dma_start3A_193 : memref<10000x128xf32, #tpu.memory_space<vmem_shared>>) offsets(%dma_start3A_190 : memref<80xi32, #tpu.memory_space<vmem>>) semaphore(%arg21 : memref<!tpu.dma_semaphore, #tpu.memory_space<semaphore_mem>>) {add = true}
      %dma_wait3A_194 = arith.constant 0 : i32
      %dma_wait3A_195 = arith.constant 0 : i32
      %dma_wait3A_196 = tpu.memref_slice %arg2[%dma_wait3A_194, %dma_wait3A_195] : memref<10000x128xf32, #tpu.memory_space<hbm>> -> memref<10000x128xf32, #tpu.memory_space<hbm>>
      tpu.wait_indirect_dma semaphore(%arg20 : memref<!tpu.dma_semaphore, #tpu.memory_space<semaphore_mem>>) src(%dma_wait3A_196 : memref<10000x128xf32, #tpu.memory_space<hbm>>) dst(%arg13 : memref<80x128xf32, #tpu.memory_space<vmem>>)
      %dma_wait3A_197 = arith.constant 0 : i32
      %dma_wait3A_198 = arith.constant 0 : i32
      %dma_wait3A_199 = tpu.memref_slice %arg11[%dma_wait3A_197, %dma_wait3A_198] : memref<125x80xi32, #tpu.memory_space<vmem>> -> memref<1x80xi32, #tpu.memory_space<vmem>>
      %dma_wait3A_200 = tpu.memref_squeeze %dma_wait3A_199 : memref<1x80xi32, #tpu.memory_space<vmem>> -> memref<80xi32, #tpu.memory_space<vmem>>
      %dma_wait3A_201 = arith.constant 0 : i32
      %dma_wait3A_202 = arith.constant 0 : i32
      %dma_wait3A_203 = tpu.memref_slice %arg14[%dma_wait3A_201, %dma_wait3A_202] : memref<10000x128xf32, #tpu.memory_space<vmem_shared>> -> memref<10000x128xf32, #tpu.memory_space<vmem_shared>>
      tpu.wait_indirect_dma semaphore(%arg21 : memref<!tpu.dma_semaphore, #tpu.memory_space<semaphore_mem>>) src(%arg12 : memref<80x128xf32, #tpu.memory_space<vmem>>) dst(%dma_wait3A_203 : memref<10000x128xf32, #tpu.memory_space<vmem_shared>>)
      %dma_wait3A_204 = arith.constant 0 : i32
      %dma_wait3A_205 = arith.constant 0 : i32
      %dma_wait3A_206 = arith.constant 0 : i32
      %dma_wait3A_207 = tpu.memref_slice %arg3[%add3A, %dma_wait3A_205, %dma_wait3A_206] : memref<32x125x80xi32, #tpu.memory_space<hbm>> -> memref<1x125x80xi32, #tpu.memory_space<hbm>>
      %dma_wait3A_208 = tpu.memref_squeeze %dma_wait3A_207 : memref<1x125x80xi32, #tpu.memory_space<hbm>> -> memref<125x80xi32, #tpu.memory_space<hbm>>
      %dma_wait3A_209 = arith.constant 0 : i32
      %dma_wait3A_210 = tpu.memref_slice %dma_wait3A_208[%dma_wait3A_204, %dma_wait3A_209] : memref<125x80xi32, #tpu.memory_space<hbm>> -> memref<1x80xi32, #tpu.memory_space<hbm>>
      %dma_wait3A_211 = tpu.memref_squeeze %dma_wait3A_210 : memref<1x80xi32, #tpu.memory_space<hbm>> -> memref<80xi32, #tpu.memory_space<hbm>>
      %dma_wait3A_212 = arith.constant 0 : i32
      %dma_wait3A_213 = arith.constant 0 : i32
      %dma_wait3A_214 = tpu.memref_slice %arg3[%add3A, %dma_wait3A_212, %dma_wait3A_213] : memref<32x125x80xi32, #tpu.memory_space<hbm>> -> memref<1x125x80xi32, #tpu.memory_space<hbm>>
      %dma_wait3A_215 = tpu.memref_squeeze %dma_wait3A_214 : memref<1x125x80xi32, #tpu.memory_space<hbm>> -> memref<125x80xi32, #tpu.memory_space<hbm>>
      %dma_wait3A_216 = arith.constant 0 : i32
      %dma_wait3A_217 = tpu.memref_slice %dma_wait3A_215[%dma_wait3A_204, %dma_wait3A_216] : memref<125x80xi32, #tpu.memory_space<hbm>> -> memref<1x80xi32, #tpu.memory_space<hbm>>
      %dma_wait3A_218 = tpu.memref_squeeze %dma_wait3A_217 : memref<1x80xi32, #tpu.memory_space<hbm>> -> memref<80xi32, #tpu.memory_space<hbm>>
      tpu.wait_dma2 semaphore(%arg17 : memref<!tpu.dma_semaphore, #tpu.memory_space<semaphore_mem>>) src(%dma_wait3A_218 : memref<80xi32, #tpu.memory_space<hbm>>) dst(%arg9 : memref<80xi32, #tpu.memory_space<vmem>>)
      %dma_start3A_219 = arith.constant 0 : i32
      %dma_start3A_220 = arith.constant 0 : i32
      %dma_start3A_221 = tpu.memref_slice %arg2[%dma_start3A_219, %dma_start3A_220] : memref<10000x128xf32, #tpu.memory_space<hbm>> -> memref<10000x128xf32, #tpu.memory_space<hbm>>
      tpu.enqueue_indirect_dma source(%dma_start3A_221 : memref<10000x128xf32, #tpu.memory_space<hbm>>) target(%arg12 : memref<80x128xf32, #tpu.memory_space<vmem>>) offsets(%arg9 : memref<80xi32, #tpu.memory_space<vmem>>) semaphore(%arg19 : memref<!tpu.dma_semaphore, #tpu.memory_space<semaphore_mem>>)
      %add3A_222 = arith.constant 4 : i32
      %add3A_223 = arith.addi %mul3A_166, %add3A_222 : i32
      %min3A_224 = arith.constant 124 : i32
      %min3A_225 = arith.minsi %add3A_223, %min3A_224 : i32
      %dma_start3A_226 = arith.constant 0 : i32
      %dma_start3A_227 = arith.constant 0 : i32
      %dma_start3A_228 = tpu.memref_slice %arg3[%add3A, %dma_start3A_226, %dma_start3A_227] : memref<32x125x80xi32, #tpu.memory_space<hbm>> -> memref<1x125x80xi32, #tpu.memory_space<hbm>>
      %dma_start3A_229 = tpu.memref_squeeze %dma_start3A_228 : memref<1x125x80xi32, #tpu.memory_space<hbm>> -> memref<125x80xi32, #tpu.memory_space<hbm>>
      %dma_start3A_230 = arith.constant 0 : i32
      %dma_start3A_231 = tpu.memref_slice %dma_start3A_229[%min3A_225, %dma_start3A_230] : memref<125x80xi32, #tpu.memory_space<hbm>> -> memref<1x80xi32, #tpu.memory_space<hbm>>
      %dma_start3A_232 = tpu.memref_squeeze %dma_start3A_231 : memref<1x80xi32, #tpu.memory_space<hbm>> -> memref<80xi32, #tpu.memory_space<hbm>>
      %dma_start3A_233 = arith.constant 0 : i32
      %dma_start3A_234 = arith.constant 0 : i32
      %dma_start3A_235 = tpu.memref_slice %arg3[%add3A, %dma_start3A_233, %dma_start3A_234] : memref<32x125x80xi32, #tpu.memory_space<hbm>> -> memref<1x125x80xi32, #tpu.memory_space<hbm>>
      %dma_start3A_236 = tpu.memref_squeeze %dma_start3A_235 : memref<1x125x80xi32, #tpu.memory_space<hbm>> -> memref<125x80xi32, #tpu.memory_space<hbm>>
      %dma_start3A_237 = arith.constant 0 : i32
      %dma_start3A_238 = tpu.memref_slice %dma_start3A_236[%min3A_225, %dma_start3A_237] : memref<125x80xi32, #tpu.memory_space<hbm>> -> memref<1x80xi32, #tpu.memory_space<hbm>>
      %dma_start3A_239 = tpu.memref_squeeze %dma_start3A_238 : memref<1x80xi32, #tpu.memory_space<hbm>> -> memref<80xi32, #tpu.memory_space<hbm>>
      tpu.enqueue_dma source(%dma_start3A_239 : memref<80xi32, #tpu.memory_space<hbm>>) target(%arg7 : memref<80xi32, #tpu.memory_space<vmem>>) target_semaphore(%arg15 : memref<!tpu.dma_semaphore, #tpu.memory_space<semaphore_mem>>)
      %add3A_240 = arith.constant 1 : i32
      %add3A_241 = arith.addi %mul3A_166, %add3A_240 : i32
      %dma_start3A_242 = arith.constant 0 : i32
      %dma_start3A_243 = tpu.memref_slice %arg11[%add3A_241, %dma_start3A_242] : memref<125x80xi32, #tpu.memory_space<vmem>> -> memref<1x80xi32, #tpu.memory_space<vmem>>
      %dma_start3A_244 = tpu.memref_squeeze %dma_start3A_243 : memref<1x80xi32, #tpu.memory_space<vmem>> -> memref<80xi32, #tpu.memory_space<vmem>>
      %dma_start3A_245 = arith.constant 0 : i32
      %dma_start3A_246 = arith.constant 0 : i32
      %dma_start3A_247 = tpu.memref_slice %arg14[%dma_start3A_245, %dma_start3A_246] : memref<10000x128xf32, #tpu.memory_space<vmem_shared>> -> memref<10000x128xf32, #tpu.memory_space<vmem_shared>>
      tpu.enqueue_indirect_dma source(%arg13 : memref<80x128xf32, #tpu.memory_space<vmem>>) target(%dma_start3A_247 : memref<10000x128xf32, #tpu.memory_space<vmem_shared>>) offsets(%dma_start3A_244 : memref<80xi32, #tpu.memory_space<vmem>>) semaphore(%arg22 : memref<!tpu.dma_semaphore, #tpu.memory_space<semaphore_mem>>) {add = true}
      %dma_wait3A_248 = arith.constant 0 : i32
      %dma_wait3A_249 = arith.constant 0 : i32
      %dma_wait3A_250 = tpu.memref_slice %arg2[%dma_wait3A_248, %dma_wait3A_249] : memref<10000x128xf32, #tpu.memory_space<hbm>> -> memref<10000x128xf32, #tpu.memory_space<hbm>>
      tpu.wait_indirect_dma semaphore(%arg19 : memref<!tpu.dma_semaphore, #tpu.memory_space<semaphore_mem>>) src(%dma_wait3A_250 : memref<10000x128xf32, #tpu.memory_space<hbm>>) dst(%arg12 : memref<80x128xf32, #tpu.memory_space<vmem>>)
      %dma_wait3A_251 = arith.constant 0 : i32
      %dma_wait3A_252 = arith.constant 0 : i32
      %dma_wait3A_253 = tpu.memref_slice %arg11[%dma_wait3A_251, %dma_wait3A_252] : memref<125x80xi32, #tpu.memory_space<vmem>> -> memref<1x80xi32, #tpu.memory_space<vmem>>
      %dma_wait3A_254 = tpu.memref_squeeze %dma_wait3A_253 : memref<1x80xi32, #tpu.memory_space<vmem>> -> memref<80xi32, #tpu.memory_space<vmem>>
      %dma_wait3A_255 = arith.constant 0 : i32
      %dma_wait3A_256 = arith.constant 0 : i32
      %dma_wait3A_257 = tpu.memref_slice %arg14[%dma_wait3A_255, %dma_wait3A_256] : memref<10000x128xf32, #tpu.memory_space<vmem_shared>> -> memref<10000x128xf32, #tpu.memory_space<vmem_shared>>
      tpu.wait_indirect_dma semaphore(%arg22 : memref<!tpu.dma_semaphore, #tpu.memory_space<semaphore_mem>>) src(%arg13 : memref<80x128xf32, #tpu.memory_space<vmem>>) dst(%dma_wait3A_257 : memref<10000x128xf32, #tpu.memory_space<vmem_shared>>)
      %dma_wait3A_258 = arith.constant 0 : i32
      %dma_wait3A_259 = arith.constant 0 : i32
      %dma_wait3A_260 = arith.constant 0 : i32
      %dma_wait3A_261 = tpu.memref_slice %arg3[%add3A, %dma_wait3A_259, %dma_wait3A_260] : memref<32x125x80xi32, #tpu.memory_space<hbm>> -> memref<1x125x80xi32, #tpu.memory_space<hbm>>
      %dma_wait3A_262 = tpu.memref_squeeze %dma_wait3A_261 : memref<1x125x80xi32, #tpu.memory_space<hbm>> -> memref<125x80xi32, #tpu.memory_space<hbm>>
      %dma_wait3A_263 = arith.constant 0 : i32
      %dma_wait3A_264 = tpu.memref_slice %dma_wait3A_262[%dma_wait3A_258, %dma_wait3A_263] : memref<125x80xi32, #tpu.memory_space<hbm>> -> memref<1x80xi32, #tpu.memory_space<hbm>>
      %dma_wait3A_265 = tpu.memref_squeeze %dma_wait3A_264 : memref<1x80xi32, #tpu.memory_space<hbm>> -> memref<80xi32, #tpu.memory_space<hbm>>
      %dma_wait3A_266 = arith.constant 0 : i32
      %dma_wait3A_267 = arith.constant 0 : i32
      %dma_wait3A_268 = tpu.memref_slice %arg3[%add3A, %dma_wait3A_266, %dma_wait3A_267] : memref<32x125x80xi32, #tpu.memory_space<hbm>> -> memref<1x125x80xi32, #tpu.memory_space<hbm>>
      %dma_wait3A_269 = tpu.memref_squeeze %dma_wait3A_268 : memref<1x125x80xi32, #tpu.memory_space<hbm>> -> memref<125x80xi32, #tpu.memory_space<hbm>>
      %dma_wait3A_270 = arith.constant 0 : i32
      %dma_wait3A_271 = tpu.memref_slice %dma_wait3A_269[%dma_wait3A_258, %dma_wait3A_270] : memref<125x80xi32, #tpu.memory_space<hbm>> -> memref<1x80xi32, #tpu.memory_space<hbm>>
      %dma_wait3A_272 = tpu.memref_squeeze %dma_wait3A_271 : memref<1x80xi32, #tpu.memory_space<hbm>> -> memref<80xi32, #tpu.memory_space<hbm>>
      tpu.wait_dma2 semaphore(%arg18 : memref<!tpu.dma_semaphore, #tpu.memory_space<semaphore_mem>>) src(%dma_wait3A_272 : memref<80xi32, #tpu.memory_space<hbm>>) dst(%arg10 : memref<80xi32, #tpu.memory_space<vmem>>)
      %dma_start3A_273 = arith.constant 0 : i32
      %dma_start3A_274 = arith.constant 0 : i32
      %dma_start3A_275 = tpu.memref_slice %arg2[%dma_start3A_273, %dma_start3A_274] : memref<10000x128xf32, #tpu.memory_space<hbm>> -> memref<10000x128xf32, #tpu.memory_space<hbm>>
      tpu.enqueue_indirect_dma source(%dma_start3A_275 : memref<10000x128xf32, #tpu.memory_space<hbm>>) target(%arg13 : memref<80x128xf32, #tpu.memory_space<vmem>>) offsets(%arg10 : memref<80xi32, #tpu.memory_space<vmem>>) semaphore(%arg20 : memref<!tpu.dma_semaphore, #tpu.memory_space<semaphore_mem>>)
      %add3A_276 = arith.constant 5 : i32
      %add3A_277 = arith.addi %mul3A_166, %add3A_276 : i32
      %min3A_278 = arith.constant 124 : i32
      %min3A_279 = arith.minsi %add3A_277, %min3A_278 : i32
      %dma_start3A_280 = arith.constant 0 : i32
      %dma_start3A_281 = arith.constant 0 : i32
      %dma_start3A_282 = tpu.memref_slice %arg3[%add3A, %dma_start3A_280, %dma_start3A_281] : memref<32x125x80xi32, #tpu.memory_space<hbm>> -> memref<1x125x80xi32, #tpu.memory_space<hbm>>
      %dma_start3A_283 = tpu.memref_squeeze %dma_start3A_282 : memref<1x125x80xi32, #tpu.memory_space<hbm>> -> memref<125x80xi32, #tpu.memory_space<hbm>>
      %dma_start3A_284 = arith.constant 0 : i32
      %dma_start3A_285 = tpu.memref_slice %dma_start3A_283[%min3A_279, %dma_start3A_284] : memref<125x80xi32, #tpu.memory_space<hbm>> -> memref<1x80xi32, #tpu.memory_space<hbm>>
      %dma_start3A_286 = tpu.memref_squeeze %dma_start3A_285 : memref<1x80xi32, #tpu.memory_space<hbm>> -> memref<80xi32, #tpu.memory_space<hbm>>
      %dma_start3A_287 = arith.constant 0 : i32
      %dma_start3A_288 = arith.constant 0 : i32
      %dma_start3A_289 = tpu.memref_slice %arg3[%add3A, %dma_start3A_287, %dma_start3A_288] : memref<32x125x80xi32, #tpu.memory_space<hbm>> -> memref<1x125x80xi32, #tpu.memory_space<hbm>>
      %dma_start3A_290 = tpu.memref_squeeze %dma_start3A_289 : memref<1x125x80xi32, #tpu.memory_space<hbm>> -> memref<125x80xi32, #tpu.memory_space<hbm>>
      %dma_start3A_291 = arith.constant 0 : i32
      %dma_start3A_292 = tpu.memref_slice %dma_start3A_290[%min3A_279, %dma_start3A_291] : memref<125x80xi32, #tpu.memory_space<hbm>> -> memref<1x80xi32, #tpu.memory_space<hbm>>
      %dma_start3A_293 = tpu.memref_squeeze %dma_start3A_292 : memref<1x80xi32, #tpu.memory_space<hbm>> -> memref<80xi32, #tpu.memory_space<hbm>>
      tpu.enqueue_dma source(%dma_start3A_293 : memref<80xi32, #tpu.memory_space<hbm>>) target(%arg8 : memref<80xi32, #tpu.memory_space<vmem>>) target_semaphore(%arg16 : memref<!tpu.dma_semaphore, #tpu.memory_space<semaphore_mem>>)
      %add3A_294 = arith.constant 2 : i32
      %add3A_295 = arith.addi %mul3A_166, %add3A_294 : i32
      %dma_start3A_296 = arith.constant 0 : i32
      %dma_start3A_297 = tpu.memref_slice %arg11[%add3A_295, %dma_start3A_296] : memref<125x80xi32, #tpu.memory_space<vmem>> -> memref<1x80xi32, #tpu.memory_space<vmem>>
      %dma_start3A_298 = tpu.memref_squeeze %dma_start3A_297 : memref<1x80xi32, #tpu.memory_space<vmem>> -> memref<80xi32, #tpu.memory_space<vmem>>
      %dma_start3A_299 = arith.constant 0 : i32
      %dma_start3A_300 = arith.constant 0 : i32
      %dma_start3A_301 = tpu.memref_slice %arg14[%dma_start3A_299, %dma_start3A_300] : memref<10000x128xf32, #tpu.memory_space<vmem_shared>> -> memref<10000x128xf32, #tpu.memory_space<vmem_shared>>
      tpu.enqueue_indirect_dma source(%arg12 : memref<80x128xf32, #tpu.memory_space<vmem>>) target(%dma_start3A_301 : memref<10000x128xf32, #tpu.memory_space<vmem_shared>>) offsets(%dma_start3A_298 : memref<80xi32, #tpu.memory_space<vmem>>) semaphore(%arg21 : memref<!tpu.dma_semaphore, #tpu.memory_space<semaphore_mem>>) {add = true}
      %dma_wait3A_302 = arith.constant 0 : i32
      %dma_wait3A_303 = arith.constant 0 : i32
      %dma_wait3A_304 = tpu.memref_slice %arg2[%dma_wait3A_302, %dma_wait3A_303] : memref<10000x128xf32, #tpu.memory_space<hbm>> -> memref<10000x128xf32, #tpu.memory_space<hbm>>
      tpu.wait_indirect_dma semaphore(%arg20 : memref<!tpu.dma_semaphore, #tpu.memory_space<semaphore_mem>>) src(%dma_wait3A_304 : memref<10000x128xf32, #tpu.memory_space<hbm>>) dst(%arg13 : memref<80x128xf32, #tpu.memory_space<vmem>>)
      %dma_wait3A_305 = arith.constant 0 : i32
      %dma_wait3A_306 = arith.constant 0 : i32
      %dma_wait3A_307 = tpu.memref_slice %arg11[%dma_wait3A_305, %dma_wait3A_306] : memref<125x80xi32, #tpu.memory_space<vmem>> -> memref<1x80xi32, #tpu.memory_space<vmem>>
      %dma_wait3A_308 = tpu.memref_squeeze %dma_wait3A_307 : memref<1x80xi32, #tpu.memory_space<vmem>> -> memref<80xi32, #tpu.memory_space<vmem>>
      %dma_wait3A_309 = arith.constant 0 : i32
      %dma_wait3A_310 = arith.constant 0 : i32
      %dma_wait3A_311 = tpu.memref_slice %arg14[%dma_wait3A_309, %dma_wait3A_310] : memref<10000x128xf32, #tpu.memory_space<vmem_shared>> -> memref<10000x128xf32, #tpu.memory_space<vmem_shared>>
      tpu.wait_indirect_dma semaphore(%arg21 : memref<!tpu.dma_semaphore, #tpu.memory_space<semaphore_mem>>) src(%arg12 : memref<80x128xf32, #tpu.memory_space<vmem>>) dst(%dma_wait3A_311 : memref<10000x128xf32, #tpu.memory_space<vmem_shared>>)
      %add3A_312 = arith.constant 6 : i32
      %add3A_313 = arith.addi %mul3A_166, %add3A_312 : i32
      %min3A_314 = arith.constant 124 : i32
      %min3A_315 = arith.minsi %add3A_313, %min3A_314 : i32
      %dma_start3A_316 = arith.constant 0 : i32
      %dma_start3A_317 = arith.constant 0 : i32
      %dma_start3A_318 = tpu.memref_slice %arg3[%add3A, %dma_start3A_316, %dma_start3A_317] : memref<32x125x80xi32, #tpu.memory_space<hbm>> -> memref<1x125x80xi32, #tpu.memory_space<hbm>>
      %dma_start3A_319 = tpu.memref_squeeze %dma_start3A_318 : memref<1x125x80xi32, #tpu.memory_space<hbm>> -> memref<125x80xi32, #tpu.memory_space<hbm>>
      %dma_start3A_320 = arith.constant 0 : i32
      %dma_start3A_321 = tpu.memref_slice %dma_start3A_319[%min3A_315, %dma_start3A_320] : memref<125x80xi32, #tpu.memory_space<hbm>> -> memref<1x80xi32, #tpu.memory_space<hbm>>
      %dma_start3A_322 = tpu.memref_squeeze %dma_start3A_321 : memref<1x80xi32, #tpu.memory_space<hbm>> -> memref<80xi32, #tpu.memory_space<hbm>>
      %dma_start3A_323 = arith.constant 0 : i32
      %dma_start3A_324 = arith.constant 0 : i32
      %dma_start3A_325 = tpu.memref_slice %arg3[%add3A, %dma_start3A_323, %dma_start3A_324] : memref<32x125x80xi32, #tpu.memory_space<hbm>> -> memref<1x125x80xi32, #tpu.memory_space<hbm>>
      %dma_start3A_326 = tpu.memref_squeeze %dma_start3A_325 : memref<1x125x80xi32, #tpu.memory_space<hbm>> -> memref<125x80xi32, #tpu.memory_space<hbm>>
      %dma_start3A_327 = arith.constant 0 : i32
      %dma_start3A_328 = tpu.memref_slice %dma_start3A_326[%min3A_315, %dma_start3A_327] : memref<125x80xi32, #tpu.memory_space<hbm>> -> memref<1x80xi32, #tpu.memory_space<hbm>>
      %dma_start3A_329 = tpu.memref_squeeze %dma_start3A_328 : memref<1x80xi32, #tpu.memory_space<hbm>> -> memref<80xi32, #tpu.memory_space<hbm>>
      tpu.enqueue_dma source(%dma_start3A_329 : memref<80xi32, #tpu.memory_space<hbm>>) target(%arg9 : memref<80xi32, #tpu.memory_space<vmem>>) target_semaphore(%arg17 : memref<!tpu.dma_semaphore, #tpu.memory_space<semaphore_mem>>)
      %dma_wait3A_330 = arith.constant 0 : i32
      %dma_wait3A_331 = arith.constant 0 : i32
      %dma_wait3A_332 = arith.constant 0 : i32
      %dma_wait3A_333 = tpu.memref_slice %arg3[%add3A, %dma_wait3A_331, %dma_wait3A_332] : memref<32x125x80xi32, #tpu.memory_space<hbm>> -> memref<1x125x80xi32, #tpu.memory_space<hbm>>
      %dma_wait3A_334 = tpu.memref_squeeze %dma_wait3A_333 : memref<1x125x80xi32, #tpu.memory_space<hbm>> -> memref<125x80xi32, #tpu.memory_space<hbm>>
      %dma_wait3A_335 = arith.constant 0 : i32
      %dma_wait3A_336 = tpu.memref_slice %dma_wait3A_334[%dma_wait3A_330, %dma_wait3A_335] : memref<125x80xi32, #tpu.memory_space<hbm>> -> memref<1x80xi32, #tpu.memory_space<hbm>>
      %dma_wait3A_337 = tpu.memref_squeeze %dma_wait3A_336 : memref<1x80xi32, #tpu.memory_space<hbm>> -> memref<80xi32, #tpu.memory_space<hbm>>
      %dma_wait3A_338 = arith.constant 0 : i32
      %dma_wait3A_339 = arith.constant 0 : i32
      %dma_wait3A_340 = tpu.memref_slice %arg3[%add3A, %dma_wait3A_338, %dma_wait3A_339] : memref<32x125x80xi32, #tpu.memory_space<hbm>> -> memref<1x125x80xi32, #tpu.memory_space<hbm>>
      %dma_wait3A_341 = tpu.memref_squeeze %dma_wait3A_340 : memref<1x125x80xi32, #tpu.memory_space<hbm>> -> memref<125x80xi32, #tpu.memory_space<hbm>>
      %dma_wait3A_342 = arith.constant 0 : i32
      %dma_wait3A_343 = tpu.memref_slice %dma_wait3A_341[%dma_wait3A_330, %dma_wait3A_342] : memref<125x80xi32, #tpu.memory_space<hbm>> -> memref<1x80xi32, #tpu.memory_space<hbm>>
      %dma_wait3A_344 = tpu.memref_squeeze %dma_wait3A_343 : memref<1x80xi32, #tpu.memory_space<hbm>> -> memref<80xi32, #tpu.memory_space<hbm>>
      tpu.wait_dma2 semaphore(%arg15 : memref<!tpu.dma_semaphore, #tpu.memory_space<semaphore_mem>>) src(%dma_wait3A_344 : memref<80xi32, #tpu.memory_space<hbm>>) dst(%arg7 : memref<80xi32, #tpu.memory_space<vmem>>)
      %dma_start3A_345 = arith.constant 0 : i32
      %dma_start3A_346 = arith.constant 0 : i32
      %dma_start3A_347 = tpu.memref_slice %arg2[%dma_start3A_345, %dma_start3A_346] : memref<10000x128xf32, #tpu.memory_space<hbm>> -> memref<10000x128xf32, #tpu.memory_space<hbm>>
      tpu.enqueue_indirect_dma source(%dma_start3A_347 : memref<10000x128xf32, #tpu.memory_space<hbm>>) target(%arg12 : memref<80x128xf32, #tpu.memory_space<vmem>>) offsets(%arg7 : memref<80xi32, #tpu.memory_space<vmem>>) semaphore(%arg19 : memref<!tpu.dma_semaphore, #tpu.memory_space<semaphore_mem>>)
      %add3A_348 = arith.constant 7 : i32
      %add3A_349 = arith.addi %mul3A_166, %add3A_348 : i32
      %min3A_350 = arith.constant 124 : i32
      %min3A_351 = arith.minsi %add3A_349, %min3A_350 : i32
      %dma_start3A_352 = arith.constant 0 : i32
      %dma_start3A_353 = arith.constant 0 : i32
      %dma_start3A_354 = tpu.memref_slice %arg3[%add3A, %dma_start3A_352, %dma_start3A_353] : memref<32x125x80xi32, #tpu.memory_space<hbm>> -> memref<1x125x80xi32, #tpu.memory_space<hbm>>
      %dma_start3A_355 = tpu.memref_squeeze %dma_start3A_354 : memref<1x125x80xi32, #tpu.memory_space<hbm>> -> memref<125x80xi32, #tpu.memory_space<hbm>>
      %dma_start3A_356 = arith.constant 0 : i32
      %dma_start3A_357 = tpu.memref_slice %dma_start3A_355[%min3A_351, %dma_start3A_356] : memref<125x80xi32, #tpu.memory_space<hbm>> -> memref<1x80xi32, #tpu.memory_space<hbm>>
      %dma_start3A_358 = tpu.memref_squeeze %dma_start3A_357 : memref<1x80xi32, #tpu.memory_space<hbm>> -> memref<80xi32, #tpu.memory_space<hbm>>
      %dma_start3A_359 = arith.constant 0 : i32
      %dma_start3A_360 = arith.constant 0 : i32
      %dma_start3A_361 = tpu.memref_slice %arg3[%add3A, %dma_start3A_359, %dma_start3A_360] : memref<32x125x80xi32, #tpu.memory_space<hbm>> -> memref<1x125x80xi32, #tpu.memory_space<hbm>>
      %dma_start3A_362 = tpu.memref_squeeze %dma_start3A_361 : memref<1x125x80xi32, #tpu.memory_space<hbm>> -> memref<125x80xi32, #tpu.memory_space<hbm>>
      %dma_start3A_363 = arith.constant 0 : i32
      %dma_start3A_364 = tpu.memref_slice %dma_start3A_362[%min3A_351, %dma_start3A_363] : memref<125x80xi32, #tpu.memory_space<hbm>> -> memref<1x80xi32, #tpu.memory_space<hbm>>
      %dma_start3A_365 = tpu.memref_squeeze %dma_start3A_364 : memref<1x80xi32, #tpu.memory_space<hbm>> -> memref<80xi32, #tpu.memory_space<hbm>>
      tpu.enqueue_dma source(%dma_start3A_365 : memref<80xi32, #tpu.memory_space<hbm>>) target(%arg10 : memref<80xi32, #tpu.memory_space<vmem>>) target_semaphore(%arg18 : memref<!tpu.dma_semaphore, #tpu.memory_space<semaphore_mem>>)
      %add3A_366 = arith.constant 3 : i32
      %add3A_367 = arith.addi %mul3A_166, %add3A_366 : i32
      %dma_start3A_368 = arith.constant 0 : i32
      %dma_start3A_369 = tpu.memref_slice %arg11[%add3A_367, %dma_start3A_368] : memref<125x80xi32, #tpu.memory_space<vmem>> -> memref<1x80xi32, #tpu.memory_space<vmem>>
      %dma_start3A_370 = tpu.memref_squeeze %dma_start3A_369 : memref<1x80xi32, #tpu.memory_space<vmem>> -> memref<80xi32, #tpu.memory_space<vmem>>
      %dma_start3A_371 = arith.constant 0 : i32
      %dma_start3A_372 = arith.constant 0 : i32
      %dma_start3A_373 = tpu.memref_slice %arg14[%dma_start3A_371, %dma_start3A_372] : memref<10000x128xf32, #tpu.memory_space<vmem_shared>> -> memref<10000x128xf32, #tpu.memory_space<vmem_shared>>
      tpu.enqueue_indirect_dma source(%arg13 : memref<80x128xf32, #tpu.memory_space<vmem>>) target(%dma_start3A_373 : memref<10000x128xf32, #tpu.memory_space<vmem_shared>>) offsets(%dma_start3A_370 : memref<80xi32, #tpu.memory_space<vmem>>) semaphore(%arg22 : memref<!tpu.dma_semaphore, #tpu.memory_space<semaphore_mem>>) {add = true}
      %dma_wait3A_374 = arith.constant 0 : i32
      %dma_wait3A_375 = arith.constant 0 : i32
      %dma_wait3A_376 = tpu.memref_slice %arg11[%dma_wait3A_374, %dma_wait3A_375] : memref<125x80xi32, #tpu.memory_space<vmem>> -> memref<1x80xi32, #tpu.memory_space<vmem>>
      %dma_wait3A_377 = tpu.memref_squeeze %dma_wait3A_376 : memref<1x80xi32, #tpu.memory_space<vmem>> -> memref<80xi32, #tpu.memory_space<vmem>>
      %dma_wait3A_378 = arith.constant 0 : i32
      %dma_wait3A_379 = arith.constant 0 : i32
      %dma_wait3A_380 = tpu.memref_slice %arg14[%dma_wait3A_378, %dma_wait3A_379] : memref<10000x128xf32, #tpu.memory_space<vmem_shared>> -> memref<10000x128xf32, #tpu.memory_space<vmem_shared>>
      tpu.wait_indirect_dma semaphore(%arg22 : memref<!tpu.dma_semaphore, #tpu.memory_space<semaphore_mem>>) src(%arg13 : memref<80x128xf32, #tpu.memory_space<vmem>>) dst(%dma_wait3A_380 : memref<10000x128xf32, #tpu.memory_space<vmem_shared>>)
    }
    %scan3A_91 = arith.constant 31 : i32
    %dma_wait3A_92 = arith.constant 0 : i32
    %dma_wait3A_93 = arith.constant 0 : i32
    %dma_wait3A_94 = tpu.memref_slice %arg2[%dma_wait3A_92, %dma_wait3A_93] : memref<10000x128xf32, #tpu.memory_space<hbm>> -> memref<10000x128xf32, #tpu.memory_space<hbm>>
    tpu.wait_indirect_dma semaphore(%arg19 : memref<!tpu.dma_semaphore, #tpu.memory_space<semaphore_mem>>) src(%dma_wait3A_94 : memref<10000x128xf32, #tpu.memory_space<hbm>>) dst(%arg12 : memref<80x128xf32, #tpu.memory_space<vmem>>)
    %dma_start3A_95 = arith.constant 124 : i32
    %dma_start3A_96 = arith.constant 0 : i32
    %dma_start3A_97 = tpu.memref_slice %arg11[%dma_start3A_95, %dma_start3A_96] : memref<125x80xi32, #tpu.memory_space<vmem>> -> memref<1x80xi32, #tpu.memory_space<vmem>>
    %dma_start3A_98 = tpu.memref_squeeze %dma_start3A_97 : memref<1x80xi32, #tpu.memory_space<vmem>> -> memref<80xi32, #tpu.memory_space<vmem>>
    %dma_start3A_99 = arith.constant 0 : i32
    %dma_start3A_100 = arith.constant 0 : i32
    %dma_start3A_101 = tpu.memref_slice %arg14[%dma_start3A_99, %dma_start3A_100] : memref<10000x128xf32, #tpu.memory_space<vmem_shared>> -> memref<10000x128xf32, #tpu.memory_space<vmem_shared>>
    tpu.enqueue_indirect_dma source(%arg12 : memref<80x128xf32, #tpu.memory_space<vmem>>) target(%dma_start3A_101 : memref<10000x128xf32, #tpu.memory_space<vmem_shared>>) offsets(%dma_start3A_98 : memref<80xi32, #tpu.memory_space<vmem>>) semaphore(%arg21 : memref<!tpu.dma_semaphore, #tpu.memory_space<semaphore_mem>>) {add = true}
    %dma_wait3A_102 = arith.constant 0 : i32
    %dma_wait3A_103 = arith.constant 0 : i32
    %dma_wait3A_104 = tpu.memref_slice %arg11[%dma_wait3A_102, %dma_wait3A_103] : memref<125x80xi32, #tpu.memory_space<vmem>> -> memref<1x80xi32, #tpu.memory_space<vmem>>
    %dma_wait3A_105 = tpu.memref_squeeze %dma_wait3A_104 : memref<1x80xi32, #tpu.memory_space<vmem>> -> memref<80xi32, #tpu.memory_space<vmem>>
    %dma_wait3A_106 = arith.constant 0 : i32
    %dma_wait3A_107 = arith.constant 0 : i32
    %dma_wait3A_108 = tpu.memref_slice %arg14[%dma_wait3A_106, %dma_wait3A_107] : memref<10000x128xf32, #tpu.memory_space<vmem_shared>> -> memref<10000x128xf32, #tpu.memory_space<vmem_shared>>
    tpu.wait_indirect_dma semaphore(%arg21 : memref<!tpu.dma_semaphore, #tpu.memory_space<semaphore_mem>>) src(%arg12 : memref<80x128xf32, #tpu.memory_space<vmem>>) dst(%dma_wait3A_108 : memref<10000x128xf32, #tpu.memory_space<vmem_shared>>)
    %dma_wait3A_109 = arith.constant 0 : i32
    %dma_wait3A_110 = arith.constant 0 : i32
    %dma_wait3A_111 = arith.constant 0 : i32
    %dma_wait3A_112 = tpu.memref_slice %arg3[%add3A, %dma_wait3A_110, %dma_wait3A_111] : memref<32x125x80xi32, #tpu.memory_space<hbm>> -> memref<1x125x80xi32, #tpu.memory_space<hbm>>
    %dma_wait3A_113 = tpu.memref_squeeze %dma_wait3A_112 : memref<1x125x80xi32, #tpu.memory_space<hbm>> -> memref<125x80xi32, #tpu.memory_space<hbm>>
    %dma_wait3A_114 = arith.constant 0 : i32
    %dma_wait3A_115 = tpu.memref_slice %dma_wait3A_113[%dma_wait3A_109, %dma_wait3A_114] : memref<125x80xi32, #tpu.memory_space<hbm>> -> memref<1x80xi32, #tpu.memory_space<hbm>>
    %dma_wait3A_116 = tpu.memref_squeeze %dma_wait3A_115 : memref<1x80xi32, #tpu.memory_space<hbm>> -> memref<80xi32, #tpu.memory_space<hbm>>
    %dma_wait3A_117 = arith.constant 0 : i32
    %dma_wait3A_118 = arith.constant 0 : i32
    %dma_wait3A_119 = tpu.memref_slice %arg3[%add3A, %dma_wait3A_117, %dma_wait3A_118] : memref<32x125x80xi32, #tpu.memory_space<hbm>> -> memref<1x125x80xi32, #tpu.memory_space<hbm>>
    %dma_wait3A_120 = tpu.memref_squeeze %dma_wait3A_119 : memref<1x125x80xi32, #tpu.memory_space<hbm>> -> memref<125x80xi32, #tpu.memory_space<hbm>>
    %dma_wait3A_121 = arith.constant 0 : i32
    %dma_wait3A_122 = tpu.memref_slice %dma_wait3A_120[%dma_wait3A_109, %dma_wait3A_121] : memref<125x80xi32, #tpu.memory_space<hbm>> -> memref<1x80xi32, #tpu.memory_space<hbm>>
    %dma_wait3A_123 = tpu.memref_squeeze %dma_wait3A_122 : memref<1x80xi32, #tpu.memory_space<hbm>> -> memref<80xi32, #tpu.memory_space<hbm>>
    tpu.wait_dma2 semaphore(%arg16 : memref<!tpu.dma_semaphore, #tpu.memory_space<semaphore_mem>>) src(%dma_wait3A_123 : memref<80xi32, #tpu.memory_space<hbm>>) dst(%arg8 : memref<80xi32, #tpu.memory_space<vmem>>)
    %dma_wait3A_124 = arith.constant 0 : i32
    %dma_wait3A_125 = arith.constant 0 : i32
    %dma_wait3A_126 = arith.constant 0 : i32
    %dma_wait3A_127 = tpu.memref_slice %arg3[%add3A, %dma_wait3A_125, %dma_wait3A_126] : memref<32x125x80xi32, #tpu.memory_space<hbm>> -> memref<1x125x80xi32, #tpu.memory_space<hbm>>
    %dma_wait3A_128 = tpu.memref_squeeze %dma_wait3A_127 : memref<1x125x80xi32, #tpu.memory_space<hbm>> -> memref<125x80xi32, #tpu.memory_space<hbm>>
    %dma_wait3A_129 = arith.constant 0 : i32
    %dma_wait3A_130 = tpu.memref_slice %dma_wait3A_128[%dma_wait3A_124, %dma_wait3A_129] : memref<125x80xi32, #tpu.memory_space<hbm>> -> memref<1x80xi32, #tpu.memory_space<hbm>>
    %dma_wait3A_131 = tpu.memref_squeeze %dma_wait3A_130 : memref<1x80xi32, #tpu.memory_space<hbm>> -> memref<80xi32, #tpu.memory_space<hbm>>
    %dma_wait3A_132 = arith.constant 0 : i32
    %dma_wait3A_133 = arith.constant 0 : i32
    %dma_wait3A_134 = tpu.memref_slice %arg3[%add3A, %dma_wait3A_132, %dma_wait3A_133] : memref<32x125x80xi32, #tpu.memory_space<hbm>> -> memref<1x125x80xi32, #tpu.memory_space<hbm>>
    %dma_wait3A_135 = tpu.memref_squeeze %dma_wait3A_134 : memref<1x125x80xi32, #tpu.memory_space<hbm>> -> memref<125x80xi32, #tpu.memory_space<hbm>>
    %dma_wait3A_136 = arith.constant 0 : i32
    %dma_wait3A_137 = tpu.memref_slice %dma_wait3A_135[%dma_wait3A_124, %dma_wait3A_136] : memref<125x80xi32, #tpu.memory_space<hbm>> -> memref<1x80xi32, #tpu.memory_space<hbm>>
    %dma_wait3A_138 = tpu.memref_squeeze %dma_wait3A_137 : memref<1x80xi32, #tpu.memory_space<hbm>> -> memref<80xi32, #tpu.memory_space<hbm>>
    tpu.wait_dma2 semaphore(%arg17 : memref<!tpu.dma_semaphore, #tpu.memory_space<semaphore_mem>>) src(%dma_wait3A_138 : memref<80xi32, #tpu.memory_space<hbm>>) dst(%arg9 : memref<80xi32, #tpu.memory_space<vmem>>)
    %dma_wait3A_139 = arith.constant 0 : i32
    %dma_wait3A_140 = arith.constant 0 : i32
    %dma_wait3A_141 = arith.constant 0 : i32
    %dma_wait3A_142 = tpu.memref_slice %arg3[%add3A, %dma_wait3A_140, %dma_wait3A_141] : memref<32x125x80xi32, #tpu.memory_space<hbm>> -> memref<1x125x80xi32, #tpu.memory_space<hbm>>
    %dma_wait3A_143 = tpu.memref_squeeze %dma_wait3A_142 : memref<1x125x80xi32, #tpu.memory_space<hbm>> -> memref<125x80xi32, #tpu.memory_space<hbm>>
    %dma_wait3A_144 = arith.constant 0 : i32
    %dma_wait3A_145 = tpu.memref_slice %dma_wait3A_143[%dma_wait3A_139, %dma_wait3A_144] : memref<125x80xi32, #tpu.memory_space<hbm>> -> memref<1x80xi32, #tpu.memory_space<hbm>>
    %dma_wait3A_146 = tpu.memref_squeeze %dma_wait3A_145 : memref<1x80xi32, #tpu.memory_space<hbm>> -> memref<80xi32, #tpu.memory_space<hbm>>
    %dma_wait3A_147 = arith.constant 0 : i32
    %dma_wait3A_148 = arith.constant 0 : i32
    %dma_wait3A_149 = tpu.memref_slice %arg3[%add3A, %dma_wait3A_147, %dma_wait3A_148] : memref<32x125x80xi32, #tpu.memory_space<hbm>> -> memref<1x125x80xi32, #tpu.memory_space<hbm>>
    %dma_wait3A_150 = tpu.memref_squeeze %dma_wait3A_149 : memref<1x125x80xi32, #tpu.memory_space<hbm>> -> memref<125x80xi32, #tpu.memory_space<hbm>>
    %dma_wait3A_151 = arith.constant 0 : i32
    %dma_wait3A_152 = tpu.memref_slice %dma_wait3A_150[%dma_wait3A_139, %dma_wait3A_151] : memref<125x80xi32, #tpu.memory_space<hbm>> -> memref<1x80xi32, #tpu.memory_space<hbm>>
    %dma_wait3A_153 = tpu.memref_squeeze %dma_wait3A_152 : memref<1x80xi32, #tpu.memory_space<hbm>> -> memref<80xi32, #tpu.memory_space<hbm>>
    tpu.wait_dma2 semaphore(%arg18 : memref<!tpu.dma_semaphore, #tpu.memory_space<semaphore_mem>>) src(%dma_wait3A_153 : memref<80xi32, #tpu.memory_space<hbm>>) dst(%arg10 : memref<80xi32, #tpu.memory_space<vmem>>)
    %barrier3A_154 = arith.constant 0 : index
    tpu.barrier barrier_id(%barrier3A_154)
    "tpu.region"() ({
      %run_scoped3A = tpu.sem_alloc : memref<!tpu.dma_semaphore, #tpu.memory_space<semaphore_mem>>
      %dma_start3A_160 = arith.constant 0 : i32
      %dma_start3A_161 = tpu.memref_slice %arg6[%arg0, %mul3A_2, %dma_start3A_160] : memref<2x10000x128xf32, #tpu.memory_space<hbm>> -> memref<1x624x128xf32, #tpu.memory_space<hbm>>
      %dma_start3A_162 = tpu.memref_squeeze %dma_start3A_161 : memref<1x624x128xf32, #tpu.memory_space<hbm>> -> memref<624x128xf32, #tpu.memory_space<hbm>>
      %dma_start3A_163 = arith.constant 0 : i32
      %dma_start3A_164 = tpu.memref_slice %arg14[%mul3A_2, %dma_start3A_163] : memref<10000x128xf32, #tpu.memory_space<vmem_shared>> -> memref<624x128xf32, #tpu.memory_space<vmem_shared>>
      tpu.enqueue_dma source(%dma_start3A_164 : memref<624x128xf32, #tpu.memory_space<vmem_shared>>) target(%dma_start3A_162 : memref<624x128xf32, #tpu.memory_space<hbm>>) target_semaphore(%run_scoped3A : memref<!tpu.dma_semaphore, #tpu.memory_space<semaphore_mem>>)
      %dma_wait3A_165 = arith.constant 0 : i32
      %dma_wait3A_166 = tpu.memref_slice %arg6[%arg0, %mul3A_2, %dma_wait3A_165] : memref<2x10000x128xf32, #tpu.memory_space<hbm>> -> memref<1x624x128xf32, #tpu.memory_space<hbm>>
      %dma_wait3A_167 = tpu.memref_squeeze %dma_wait3A_166 : memref<1x624x128xf32, #tpu.memory_space<hbm>> -> memref<624x128xf32, #tpu.memory_space<hbm>>
      %dma_wait3A_168 = arith.constant 0 : i32
      %dma_wait3A_169 = tpu.memref_slice %arg14[%mul3A_2, %dma_wait3A_168] : memref<10000x128xf32, #tpu.memory_space<vmem_shared>> -> memref<624x128xf32, #tpu.memory_space<vmem_shared>>
      tpu.wait_dma2 semaphore(%run_scoped3A : memref<!tpu.dma_semaphore, #tpu.memory_space<semaphore_mem>>) src(%dma_wait3A_169 : memref<624x128xf32, #tpu.memory_space<vmem_shared>>) dst(%dma_wait3A_167 : memref<624x128xf32, #tpu.memory_space<hbm>>)
      tpu.yield
    }) : () -> ()
    %eq3A_155 = arith.constant 15 : i32
    %eq3A_156 = arith.cmpi eq, %arg1, %eq3A_155 : i32
    %convert_element_type3A_157 = arith.extui %eq3A_156 : i1 to i32
    %cond3A_158 = arith.constant 0 : i32
    %cond3A_159 = arith.cmpi ne, %convert_element_type3A_157, %cond3A_158 : i32
    scf.if %cond3A_159 {
      "tpu.region"() ({
        %run_scoped3A = tpu.sem_alloc : memref<!tpu.dma_semaphore, #tpu.memory_space<semaphore_mem>>
        %dma_start3A_160 = arith.constant 9984 : i32
        %dma_start3A_161 = arith.constant 0 : i32
        %dma_start3A_162 = tpu.memref_slice %arg6[%arg0, %dma_start3A_160, %dma_start3A_161] : memref<2x10000x128xf32, #tpu.memory_space<hbm>> -> memref<1x16x128xf32, #tpu.memory_space<hbm>>
        %dma_start3A_163 = tpu.memref_squeeze %dma_start3A_162 : memref<1x16x128xf32, #tpu.memory_space<hbm>> -> memref<16x128xf32, #tpu.memory_space<hbm>>
        %dma_start3A_164 = arith.constant 9984 : i32
        %dma_start3A_165 = arith.constant 0 : i32
        %dma_start3A_166 = tpu.memref_slice %arg14[%dma_start3A_164, %dma_start3A_165] : memref<10000x128xf32, #tpu.memory_space<vmem_shared>> -> memref<16x128xf32, #tpu.memory_space<vmem_shared>>
        tpu.enqueue_dma source(%dma_start3A_166 : memref<16x128xf32, #tpu.memory_space<vmem_shared>>) target(%dma_start3A_163 : memref<16x128xf32, #tpu.memory_space<hbm>>) target_semaphore(%run_scoped3A : memref<!tpu.dma_semaphore, #tpu.memory_space<semaphore_mem>>)
        %dma_wait3A_167 = arith.constant 9984 : i32
        %dma_wait3A_168 = arith.constant 0 : i32
        %dma_wait3A_169 = tpu.memref_slice %arg6[%arg0, %dma_wait3A_167, %dma_wait3A_168] : memref<2x10000x128xf32, #tpu.memory_space<hbm>> -> memref<1x16x128xf32, #tpu.memory_space<hbm>>
        %dma_wait3A_170 = tpu.memref_squeeze %dma_wait3A_169 : memref<1x16x128xf32, #tpu.memory_space<hbm>> -> memref<16x128xf32, #tpu.memory_space<hbm>>
        %dma_wait3A_171 = arith.constant 9984 : i32
        %dma_wait3A_172 = arith.constant 0 : i32
        %dma_wait3A_173 = tpu.memref_slice %arg14[%dma_wait3A_171, %dma_wait3A_172] : memref<10000x128xf32, #tpu.memory_space<vmem_shared>> -> memref<16x128xf32, #tpu.memory_space<vmem_shared>>
        tpu.wait_dma2 semaphore(%run_scoped3A : memref<!tpu.dma_semaphore, #tpu.memory_space<semaphore_mem>>) src(%dma_wait3A_173 : memref<16x128xf32, #tpu.memory_space<vmem_shared>>) dst(%dma_wait3A_170 : memref<16x128xf32, #tpu.memory_space<hbm>>)
        tpu.yield
      }) : () -> ()
    } else {
    }
    return
  }
}

#map = affine_map<(d0, d1) -> (0, 0)>
#map1 = affine_map<(d0, d1) -> (0, 0, 0)>
module attributes {stable_mosaic.version = 14 : i64} {
  func.func @prop(%arg0: i32, %arg1: i32, %arg2: memref<10000x128xf32, #tpu.memory_space<hbm>>, %arg3: memref<32x125x80xi32, #tpu.memory_space<hbm>>, %arg4: memref<32x125x80xi32, #tpu.memory_space<hbm>>, %arg5: memref<624x128xf32, #tpu.memory_space<hbm>>, %arg6: memref<2x10000x128xf32, #tpu.memory_space<hbm>>, %arg7: memref<80xi32, #tpu.memory_space<vmem>>, %arg8: memref<80xi32, #tpu.memory_space<vmem>>, %arg9: memref<80xi32, #tpu.memory_space<vmem>>, %arg10: memref<80xi32, #tpu.memory_space<vmem>>, %arg11: memref<125x80xi32, #tpu.memory_space<vmem>>, %arg12: memref<80x128xf32, #tpu.memory_space<vmem>>, %arg13: memref<80x128xf32, #tpu.memory_space<vmem>>, %arg14: memref<10000x128xf32, #tpu.memory_space<vmem_shared>>, %arg15: memref<!tpu.dma_semaphore, #tpu.memory_space<semaphore_mem>>, %arg16: memref<!tpu.dma_semaphore, #tpu.memory_space<semaphore_mem>>, %arg17: memref<!tpu.dma_semaphore, #tpu.memory_space<semaphore_mem>>, %arg18: memref<!tpu.dma_semaphore, #tpu.memory_space<semaphore_mem>>, %arg19: memref<!tpu.dma_semaphore, #tpu.memory_space<semaphore_mem>>, %arg20: memref<!tpu.dma_semaphore, #tpu.memory_space<semaphore_mem>>, %arg21: memref<!tpu.dma_semaphore, #tpu.memory_space<semaphore_mem>>, %arg22: memref<!tpu.dma_semaphore, #tpu.memory_space<semaphore_mem>>) attributes {dimension_semantics = [#tpu.dimension_semantics<core_parallel>, #tpu.dimension_semantics<subcore_parallel>], iteration_bounds = array<i64: 2, 16>, scalar_prefetch = 0 : i64, scratch_operands = 16 : i64, tpu.core_type = #tpu.core_type<sc_vector_subcore>, window_params = [{transform_indices = #map}, {transform_indices = #map1}, {transform_indices = #map1}, {transform_indices = #map}, {transform_indices = #map1}]} {
    %mul3A = arith.constant 2 : i32
    %mul3A_0 = arith.muli %arg1, %mul3A : i32
    %add3A = arith.addi %mul3A_0, %arg0 : i32
    %mul3A_1 = arith.constant 624 : i32
    %mul3A_2 = arith.muli %arg1, %mul3A_1 : i32
    "tpu.region"() ({
      %run_scoped3A = tpu.sem_alloc : memref<!tpu.dma_semaphore, #tpu.memory_space<semaphore_mem>>
      %dma_start3A_160 = arith.constant 0 : i32
      %dma_start3A_161 = tpu.memref_slice %arg14[%mul3A_2, %dma_start3A_160] : memref<10000x128xf32, #tpu.memory_space<vmem_shared>> -> memref<624x128xf32, #tpu.memory_space<vmem_shared>>
      tpu.enqueue_dma source(%arg5 : memref<624x128xf32, #tpu.memory_space<hbm>>) target(%dma_start3A_161 : memref<624x128xf32, #tpu.memory_space<vmem_shared>>) target_semaphore(%run_scoped3A : memref<!tpu.dma_semaphore, #tpu.memory_space<semaphore_mem>>)
      %dma_wait3A_162 = arith.constant 0 : i32
      %dma_wait3A_163 = tpu.memref_slice %arg14[%mul3A_2, %dma_wait3A_162] : memref<10000x128xf32, #tpu.memory_space<vmem_shared>> -> memref<624x128xf32, #tpu.memory_space<vmem_shared>>
      tpu.wait_dma2 semaphore(%run_scoped3A : memref<!tpu.dma_semaphore, #tpu.memory_space<semaphore_mem>>) src(%arg5 : memref<624x128xf32, #tpu.memory_space<hbm>>) dst(%dma_wait3A_163 : memref<624x128xf32, #tpu.memory_space<vmem_shared>>)
      tpu.yield
    }) : () -> ()
    %eq3A = arith.constant 15 : i32
    %eq3A_3 = arith.cmpi eq, %arg1, %eq3A : i32
    %convert_element_type3A = arith.extui %eq3A_3 : i1 to i32
    %cond3A = arith.constant 0 : i32
    %cond3A_4 = arith.cmpi ne, %convert_element_type3A, %cond3A : i32
    scf.if %cond3A_4 {
      "tpu.region"() ({
        %run_scoped3A = tpu.sem_alloc : memref<!tpu.dma_semaphore, #tpu.memory_space<semaphore_mem>>
        %dma_start3A_160 = arith.constant 9984 : i32
        %dma_start3A_161 = arith.constant 0 : i32
        %dma_start3A_162 = tpu.memref_slice %arg14[%dma_start3A_160, %dma_start3A_161] : memref<10000x128xf32, #tpu.memory_space<vmem_shared>> -> memref<16x128xf32, #tpu.memory_space<vmem_shared>>
        %dma_start3A_163 = arith.constant 0 : i32
        %dma_start3A_164 = arith.constant 0 : i32
        %dma_start3A_165 = tpu.memref_slice %arg5[%dma_start3A_163, %dma_start3A_164] : memref<624x128xf32, #tpu.memory_space<hbm>> -> memref<16x128xf32, #tpu.memory_space<hbm>>
        tpu.enqueue_dma source(%dma_start3A_165 : memref<16x128xf32, #tpu.memory_space<hbm>>) target(%dma_start3A_162 : memref<16x128xf32, #tpu.memory_space<vmem_shared>>) target_semaphore(%run_scoped3A : memref<!tpu.dma_semaphore, #tpu.memory_space<semaphore_mem>>)
        %dma_wait3A_166 = arith.constant 9984 : i32
        %dma_wait3A_167 = arith.constant 0 : i32
        %dma_wait3A_168 = tpu.memref_slice %arg14[%dma_wait3A_166, %dma_wait3A_167] : memref<10000x128xf32, #tpu.memory_space<vmem_shared>> -> memref<16x128xf32, #tpu.memory_space<vmem_shared>>
        %dma_wait3A_169 = arith.constant 0 : i32
        %dma_wait3A_170 = arith.constant 0 : i32
        %dma_wait3A_171 = tpu.memref_slice %arg5[%dma_wait3A_169, %dma_wait3A_170] : memref<624x128xf32, #tpu.memory_space<hbm>> -> memref<16x128xf32, #tpu.memory_space<hbm>>
        tpu.wait_dma2 semaphore(%run_scoped3A : memref<!tpu.dma_semaphore, #tpu.memory_space<semaphore_mem>>) src(%dma_wait3A_171 : memref<16x128xf32, #tpu.memory_space<hbm>>) dst(%dma_wait3A_168 : memref<16x128xf32, #tpu.memory_space<vmem_shared>>)
        tpu.yield
      }) : () -> ()
    } else {
    }
    "tpu.region"() ({
      %run_scoped3A = tpu.sem_alloc : memref<!tpu.dma_semaphore, #tpu.memory_space<semaphore_mem>>
      %dma_start3A_160 = arith.constant 0 : i32
      %dma_start3A_161 = arith.constant 0 : i32
      %dma_start3A_162 = tpu.memref_slice %arg4[%add3A, %dma_start3A_160, %dma_start3A_161] : memref<32x125x80xi32, #tpu.memory_space<hbm>> -> memref<1x125x80xi32, #tpu.memory_space<hbm>>
      %dma_start3A_163 = tpu.memref_squeeze %dma_start3A_162 : memref<1x125x80xi32, #tpu.memory_space<hbm>> -> memref<125x80xi32, #tpu.memory_space<hbm>>
      %dma_start3A_164 = arith.constant 0 : i32
      %dma_start3A_165 = arith.constant 0 : i32
      %dma_start3A_166 = tpu.memref_slice %arg4[%add3A, %dma_start3A_164, %dma_start3A_165] : memref<32x125x80xi32, #tpu.memory_space<hbm>> -> memref<1x125x80xi32, #tpu.memory_space<hbm>>
      %dma_start3A_167 = tpu.memref_squeeze %dma_start3A_166 : memref<1x125x80xi32, #tpu.memory_space<hbm>> -> memref<125x80xi32, #tpu.memory_space<hbm>>
      tpu.enqueue_dma source(%dma_start3A_167 : memref<125x80xi32, #tpu.memory_space<hbm>>) target(%arg11 : memref<125x80xi32, #tpu.memory_space<vmem>>) target_semaphore(%run_scoped3A : memref<!tpu.dma_semaphore, #tpu.memory_space<semaphore_mem>>)
      %dma_wait3A_168 = arith.constant 0 : i32
      %dma_wait3A_169 = arith.constant 0 : i32
      %dma_wait3A_170 = tpu.memref_slice %arg4[%add3A, %dma_wait3A_168, %dma_wait3A_169] : memref<32x125x80xi32, #tpu.memory_space<hbm>> -> memref<1x125x80xi32, #tpu.memory_space<hbm>>
      %dma_wait3A_171 = tpu.memref_squeeze %dma_wait3A_170 : memref<1x125x80xi32, #tpu.memory_space<hbm>> -> memref<125x80xi32, #tpu.memory_space<hbm>>
      %dma_wait3A_172 = arith.constant 0 : i32
      %dma_wait3A_173 = arith.constant 0 : i32
      %dma_wait3A_174 = tpu.memref_slice %arg4[%add3A, %dma_wait3A_172, %dma_wait3A_173] : memref<32x125x80xi32, #tpu.memory_space<hbm>> -> memref<1x125x80xi32, #tpu.memory_space<hbm>>
      %dma_wait3A_175 = tpu.memref_squeeze %dma_wait3A_174 : memref<1x125x80xi32, #tpu.memory_space<hbm>> -> memref<125x80xi32, #tpu.memory_space<hbm>>
      tpu.wait_dma2 semaphore(%run_scoped3A : memref<!tpu.dma_semaphore, #tpu.memory_space<semaphore_mem>>) src(%dma_wait3A_175 : memref<125x80xi32, #tpu.memory_space<hbm>>) dst(%arg11 : memref<125x80xi32, #tpu.memory_space<vmem>>)
      tpu.yield
    }) : () -> ()
    %barrier3A = arith.constant 0 : index
    tpu.barrier barrier_id(%barrier3A)
    %min3A = arith.constant 0 : i32
    %min3A_5 = arith.constant 124 : i32
    %min3A_6 = arith.minsi %min3A, %min3A_5 : i32
    %dma_start3A = arith.constant 0 : i32
    %dma_start3A_7 = arith.constant 0 : i32
    %dma_start3A_8 = tpu.memref_slice %arg3[%add3A, %dma_start3A, %dma_start3A_7] : memref<32x125x80xi32, #tpu.memory_space<hbm>> -> memref<1x125x80xi32, #tpu.memory_space<hbm>>
    %dma_start3A_9 = tpu.memref_squeeze %dma_start3A_8 : memref<1x125x80xi32, #tpu.memory_space<hbm>> -> memref<125x80xi32, #tpu.memory_space<hbm>>
    %dma_start3A_10 = arith.constant 0 : i32
    %dma_start3A_11 = tpu.memref_slice %dma_start3A_9[%min3A_6, %dma_start3A_10] : memref<125x80xi32, #tpu.memory_space<hbm>> -> memref<1x80xi32, #tpu.memory_space<hbm>>
    %dma_start3A_12 = tpu.memref_squeeze %dma_start3A_11 : memref<1x80xi32, #tpu.memory_space<hbm>> -> memref<80xi32, #tpu.memory_space<hbm>>
    %dma_start3A_13 = arith.constant 0 : i32
    %dma_start3A_14 = arith.constant 0 : i32
    %dma_start3A_15 = tpu.memref_slice %arg3[%add3A, %dma_start3A_13, %dma_start3A_14] : memref<32x125x80xi32, #tpu.memory_space<hbm>> -> memref<1x125x80xi32, #tpu.memory_space<hbm>>
    %dma_start3A_16 = tpu.memref_squeeze %dma_start3A_15 : memref<1x125x80xi32, #tpu.memory_space<hbm>> -> memref<125x80xi32, #tpu.memory_space<hbm>>
    %dma_start3A_17 = arith.constant 0 : i32
    %dma_start3A_18 = tpu.memref_slice %dma_start3A_16[%min3A_6, %dma_start3A_17] : memref<125x80xi32, #tpu.memory_space<hbm>> -> memref<1x80xi32, #tpu.memory_space<hbm>>
    %dma_start3A_19 = tpu.memref_squeeze %dma_start3A_18 : memref<1x80xi32, #tpu.memory_space<hbm>> -> memref<80xi32, #tpu.memory_space<hbm>>
    tpu.enqueue_dma source(%dma_start3A_19 : memref<80xi32, #tpu.memory_space<hbm>>) target(%arg7 : memref<80xi32, #tpu.memory_space<vmem>>) target_semaphore(%arg15 : memref<!tpu.dma_semaphore, #tpu.memory_space<semaphore_mem>>)
    %min3A_20 = arith.constant 1 : i32
    %min3A_21 = arith.constant 124 : i32
    %min3A_22 = arith.minsi %min3A_20, %min3A_21 : i32
    %dma_start3A_23 = arith.constant 0 : i32
    %dma_start3A_24 = arith.constant 0 : i32
    %dma_start3A_25 = tpu.memref_slice %arg3[%add3A, %dma_start3A_23, %dma_start3A_24] : memref<32x125x80xi32, #tpu.memory_space<hbm>> -> memref<1x125x80xi32, #tpu.memory_space<hbm>>
    %dma_start3A_26 = tpu.memref_squeeze %dma_start3A_25 : memref<1x125x80xi32, #tpu.memory_space<hbm>> -> memref<125x80xi32, #tpu.memory_space<hbm>>
    %dma_start3A_27 = arith.constant 0 : i32
    %dma_start3A_28 = tpu.memref_slice %dma_start3A_26[%min3A_22, %dma_start3A_27] : memref<125x80xi32, #tpu.memory_space<hbm>> -> memref<1x80xi32, #tpu.memory_space<hbm>>
    %dma_start3A_29 = tpu.memref_squeeze %dma_start3A_28 : memref<1x80xi32, #tpu.memory_space<hbm>> -> memref<80xi32, #tpu.memory_space<hbm>>
    %dma_start3A_30 = arith.constant 0 : i32
    %dma_start3A_31 = arith.constant 0 : i32
    %dma_start3A_32 = tpu.memref_slice %arg3[%add3A, %dma_start3A_30, %dma_start3A_31] : memref<32x125x80xi32, #tpu.memory_space<hbm>> -> memref<1x125x80xi32, #tpu.memory_space<hbm>>
    %dma_start3A_33 = tpu.memref_squeeze %dma_start3A_32 : memref<1x125x80xi32, #tpu.memory_space<hbm>> -> memref<125x80xi32, #tpu.memory_space<hbm>>
    %dma_start3A_34 = arith.constant 0 : i32
    %dma_start3A_35 = tpu.memref_slice %dma_start3A_33[%min3A_22, %dma_start3A_34] : memref<125x80xi32, #tpu.memory_space<hbm>> -> memref<1x80xi32, #tpu.memory_space<hbm>>
    %dma_start3A_36 = tpu.memref_squeeze %dma_start3A_35 : memref<1x80xi32, #tpu.memory_space<hbm>> -> memref<80xi32, #tpu.memory_space<hbm>>
    tpu.enqueue_dma source(%dma_start3A_36 : memref<80xi32, #tpu.memory_space<hbm>>) target(%arg8 : memref<80xi32, #tpu.memory_space<vmem>>) target_semaphore(%arg16 : memref<!tpu.dma_semaphore, #tpu.memory_space<semaphore_mem>>)
    %min3A_37 = arith.constant 2 : i32
    %min3A_38 = arith.constant 124 : i32
    %min3A_39 = arith.minsi %min3A_37, %min3A_38 : i32
    %dma_start3A_40 = arith.constant 0 : i32
    %dma_start3A_41 = arith.constant 0 : i32
    %dma_start3A_42 = tpu.memref_slice %arg3[%add3A, %dma_start3A_40, %dma_start3A_41] : memref<32x125x80xi32, #tpu.memory_space<hbm>> -> memref<1x125x80xi32, #tpu.memory_space<hbm>>
    %dma_start3A_43 = tpu.memref_squeeze %dma_start3A_42 : memref<1x125x80xi32, #tpu.memory_space<hbm>> -> memref<125x80xi32, #tpu.memory_space<hbm>>
    %dma_start3A_44 = arith.constant 0 : i32
    %dma_start3A_45 = tpu.memref_slice %dma_start3A_43[%min3A_39, %dma_start3A_44] : memref<125x80xi32, #tpu.memory_space<hbm>> -> memref<1x80xi32, #tpu.memory_space<hbm>>
    %dma_start3A_46 = tpu.memref_squeeze %dma_start3A_45 : memref<1x80xi32, #tpu.memory_space<hbm>> -> memref<80xi32, #tpu.memory_space<hbm>>
    %dma_start3A_47 = arith.constant 0 : i32
    %dma_start3A_48 = arith.constant 0 : i32
    %dma_start3A_49 = tpu.memref_slice %arg3[%add3A, %dma_start3A_47, %dma_start3A_48] : memref<32x125x80xi32, #tpu.memory_space<hbm>> -> memref<1x125x80xi32, #tpu.memory_space<hbm>>
    %dma_start3A_50 = tpu.memref_squeeze %dma_start3A_49 : memref<1x125x80xi32, #tpu.memory_space<hbm>> -> memref<125x80xi32, #tpu.memory_space<hbm>>
    %dma_start3A_51 = arith.constant 0 : i32
    %dma_start3A_52 = tpu.memref_slice %dma_start3A_50[%min3A_39, %dma_start3A_51] : memref<125x80xi32, #tpu.memory_space<hbm>> -> memref<1x80xi32, #tpu.memory_space<hbm>>
    %dma_start3A_53 = tpu.memref_squeeze %dma_start3A_52 : memref<1x80xi32, #tpu.memory_space<hbm>> -> memref<80xi32, #tpu.memory_space<hbm>>
    tpu.enqueue_dma source(%dma_start3A_53 : memref<80xi32, #tpu.memory_space<hbm>>) target(%arg9 : memref<80xi32, #tpu.memory_space<vmem>>) target_semaphore(%arg17 : memref<!tpu.dma_semaphore, #tpu.memory_space<semaphore_mem>>)
    %min3A_54 = arith.constant 3 : i32
    %min3A_55 = arith.constant 124 : i32
    %min3A_56 = arith.minsi %min3A_54, %min3A_55 : i32
    %dma_start3A_57 = arith.constant 0 : i32
    %dma_start3A_58 = arith.constant 0 : i32
    %dma_start3A_59 = tpu.memref_slice %arg3[%add3A, %dma_start3A_57, %dma_start3A_58] : memref<32x125x80xi32, #tpu.memory_space<hbm>> -> memref<1x125x80xi32, #tpu.memory_space<hbm>>
    %dma_start3A_60 = tpu.memref_squeeze %dma_start3A_59 : memref<1x125x80xi32, #tpu.memory_space<hbm>> -> memref<125x80xi32, #tpu.memory_space<hbm>>
    %dma_start3A_61 = arith.constant 0 : i32
    %dma_start3A_62 = tpu.memref_slice %dma_start3A_60[%min3A_56, %dma_start3A_61] : memref<125x80xi32, #tpu.memory_space<hbm>> -> memref<1x80xi32, #tpu.memory_space<hbm>>
    %dma_start3A_63 = tpu.memref_squeeze %dma_start3A_62 : memref<1x80xi32, #tpu.memory_space<hbm>> -> memref<80xi32, #tpu.memory_space<hbm>>
    %dma_start3A_64 = arith.constant 0 : i32
    %dma_start3A_65 = arith.constant 0 : i32
    %dma_start3A_66 = tpu.memref_slice %arg3[%add3A, %dma_start3A_64, %dma_start3A_65] : memref<32x125x80xi32, #tpu.memory_space<hbm>> -> memref<1x125x80xi32, #tpu.memory_space<hbm>>
    %dma_start3A_67 = tpu.memref_squeeze %dma_start3A_66 : memref<1x125x80xi32, #tpu.memory_space<hbm>> -> memref<125x80xi32, #tpu.memory_space<hbm>>
    %dma_start3A_68 = arith.constant 0 : i32
    %dma_start3A_69 = tpu.memref_slice %dma_start3A_67[%min3A_56, %dma_start3A_68] : memref<125x80xi32, #tpu.memory_space<hbm>> -> memref<1x80xi32, #tpu.memory_space<hbm>>
    %dma_start3A_70 = tpu.memref_squeeze %dma_start3A_69 : memref<1x80xi32, #tpu.memory_space<hbm>> -> memref<80xi32, #tpu.memory_space<hbm>>
    tpu.enqueue_dma source(%dma_start3A_70 : memref<80xi32, #tpu.memory_space<hbm>>) target(%arg10 : memref<80xi32, #tpu.memory_space<vmem>>) target_semaphore(%arg18 : memref<!tpu.dma_semaphore, #tpu.memory_space<semaphore_mem>>)
    %dma_wait3A = arith.constant 0 : i32
    %dma_wait3A_71 = arith.constant 0 : i32
    %dma_wait3A_72 = arith.constant 0 : i32
    %dma_wait3A_73 = tpu.memref_slice %arg3[%add3A, %dma_wait3A_71, %dma_wait3A_72] : memref<32x125x80xi32, #tpu.memory_space<hbm>> -> memref<1x125x80xi32, #tpu.memory_space<hbm>>
    %dma_wait3A_74 = tpu.memref_squeeze %dma_wait3A_73 : memref<1x125x80xi32, #tpu.memory_space<hbm>> -> memref<125x80xi32, #tpu.memory_space<hbm>>
    %dma_wait3A_75 = arith.constant 0 : i32
    %dma_wait3A_76 = tpu.memref_slice %dma_wait3A_74[%dma_wait3A, %dma_wait3A_75] : memref<125x80xi32, #tpu.memory_space<hbm>> -> memref<1x80xi32, #tpu.memory_space<hbm>>
    %dma_wait3A_77 = tpu.memref_squeeze %dma_wait3A_76 : memref<1x80xi32, #tpu.memory_space<hbm>> -> memref<80xi32, #tpu.memory_space<hbm>>
    %dma_wait3A_78 = arith.constant 0 : i32
    %dma_wait3A_79 = arith.constant 0 : i32
    %dma_wait3A_80 = tpu.memref_slice %arg3[%add3A, %dma_wait3A_78, %dma_wait3A_79] : memref<32x125x80xi32, #tpu.memory_space<hbm>> -> memref<1x125x80xi32, #tpu.memory_space<hbm>>
    %dma_wait3A_81 = tpu.memref_squeeze %dma_wait3A_80 : memref<1x125x80xi32, #tpu.memory_space<hbm>> -> memref<125x80xi32, #tpu.memory_space<hbm>>
    %dma_wait3A_82 = arith.constant 0 : i32
    %dma_wait3A_83 = tpu.memref_slice %dma_wait3A_81[%dma_wait3A, %dma_wait3A_82] : memref<125x80xi32, #tpu.memory_space<hbm>> -> memref<1x80xi32, #tpu.memory_space<hbm>>
    %dma_wait3A_84 = tpu.memref_squeeze %dma_wait3A_83 : memref<1x80xi32, #tpu.memory_space<hbm>> -> memref<80xi32, #tpu.memory_space<hbm>>
    tpu.wait_dma2 semaphore(%arg15 : memref<!tpu.dma_semaphore, #tpu.memory_space<semaphore_mem>>) src(%dma_wait3A_84 : memref<80xi32, #tpu.memory_space<hbm>>) dst(%arg7 : memref<80xi32, #tpu.memory_space<vmem>>)
    %dma_start3A_85 = arith.constant 0 : i32
    %dma_start3A_86 = arith.constant 0 : i32
    %dma_start3A_87 = tpu.memref_slice %arg2[%dma_start3A_85, %dma_start3A_86] : memref<10000x128xf32, #tpu.memory_space<hbm>> -> memref<10000x128xf32, #tpu.memory_space<hbm>>
    tpu.enqueue_indirect_dma source(%dma_start3A_87 : memref<10000x128xf32, #tpu.memory_space<hbm>>) target(%arg12 : memref<80x128xf32, #tpu.memory_space<vmem>>) offsets(%arg7 : memref<80xi32, #tpu.memory_space<vmem>>) semaphore(%arg19 : memref<!tpu.dma_semaphore, #tpu.memory_space<semaphore_mem>>)
    %scan3A = arith.constant 0 : i32
    %scan3A_88 = arith.constant 31 : i32
    %scan3A_89 = arith.addi %scan3A, %scan3A_88 : i32
    %scan3A_90 = arith.constant 1 : i32
    scf.for %scan3A_160 = %scan3A to %scan3A_89 step %scan3A_90  : i32 {
      %mul3A_161 = arith.constant 1 : i32
      %mul3A_162 = arith.muli %scan3A_160, %mul3A_161 : i32
      %add3A_163 = arith.constant 0 : i32
      %add3A_164 = arith.addi %add3A_163, %mul3A_162 : i32
      %mul3A_165 = arith.constant 4 : i32
      %mul3A_166 = arith.muli %mul3A_165, %add3A_164 : i32
      %dma_wait3A_167 = arith.constant 0 : i32
      %dma_wait3A_168 = arith.constant 0 : i32
      %dma_wait3A_169 = tpu.memref_slice %arg2[%dma_wait3A_167, %dma_wait3A_168] : memref<10000x128xf32, #tpu.memory_space<hbm>> -> memref<10000x128xf32, #tpu.memory_space<hbm>>
      tpu.wait_indirect_dma semaphore(%arg19 : memref<!tpu.dma_semaphore, #tpu.memory_space<semaphore_mem>>) src(%dma_wait3A_169 : memref<10000x128xf32, #tpu.memory_space<hbm>>) dst(%arg12 : memref<80x128xf32, #tpu.memory_space<vmem>>)
      %dma_wait3A_170 = arith.constant 0 : i32
      %dma_wait3A_171 = arith.constant 0 : i32
      %dma_wait3A_172 = arith.constant 0 : i32
      %dma_wait3A_173 = tpu.memref_slice %arg3[%add3A, %dma_wait3A_171, %dma_wait3A_172] : memref<32x125x80xi32, #tpu.memory_space<hbm>> -> memref<1x125x80xi32, #tpu.memory_space<hbm>>
      %dma_wait3A_174 = tpu.memref_squeeze %dma_wait3A_173 : memref<1x125x80xi32, #tpu.memory_space<hbm>> -> memref<125x80xi32, #tpu.memory_space<hbm>>
      %dma_wait3A_175 = arith.constant 0 : i32
      %dma_wait3A_176 = tpu.memref_slice %dma_wait3A_174[%dma_wait3A_170, %dma_wait3A_175] : memref<125x80xi32, #tpu.memory_space<hbm>> -> memref<1x80xi32, #tpu.memory_space<hbm>>
      %dma_wait3A_177 = tpu.memref_squeeze %dma_wait3A_176 : memref<1x80xi32, #tpu.memory_space<hbm>> -> memref<80xi32, #tpu.memory_space<hbm>>
      %dma_wait3A_178 = arith.constant 0 : i32
      %dma_wait3A_179 = arith.constant 0 : i32
      %dma_wait3A_180 = tpu.memref_slice %arg3[%add3A, %dma_wait3A_178, %dma_wait3A_179] : memref<32x125x80xi32, #tpu.memory_space<hbm>> -> memref<1x125x80xi32, #tpu.memory_space<hbm>>
      %dma_wait3A_181 = tpu.memref_squeeze %dma_wait3A_180 : memref<1x125x80xi32, #tpu.memory_space<hbm>> -> memref<125x80xi32, #tpu.memory_space<hbm>>
      %dma_wait3A_182 = arith.constant 0 : i32
      %dma_wait3A_183 = tpu.memref_slice %dma_wait3A_181[%dma_wait3A_170, %dma_wait3A_182] : memref<125x80xi32, #tpu.memory_space<hbm>> -> memref<1x80xi32, #tpu.memory_space<hbm>>
      %dma_wait3A_184 = tpu.memref_squeeze %dma_wait3A_183 : memref<1x80xi32, #tpu.memory_space<hbm>> -> memref<80xi32, #tpu.memory_space<hbm>>
      tpu.wait_dma2 semaphore(%arg16 : memref<!tpu.dma_semaphore, #tpu.memory_space<semaphore_mem>>) src(%dma_wait3A_184 : memref<80xi32, #tpu.memory_space<hbm>>) dst(%arg8 : memref<80xi32, #tpu.memory_space<vmem>>)
      %dma_start3A_185 = arith.constant 0 : i32
      %dma_start3A_186 = arith.constant 0 : i32
      %dma_start3A_187 = tpu.memref_slice %arg2[%dma_start3A_185, %dma_start3A_186] : memref<10000x128xf32, #tpu.memory_space<hbm>> -> memref<10000x128xf32, #tpu.memory_space<hbm>>
      tpu.enqueue_indirect_dma source(%dma_start3A_187 : memref<10000x128xf32, #tpu.memory_space<hbm>>) target(%arg13 : memref<80x128xf32, #tpu.memory_space<vmem>>) offsets(%arg8 : memref<80xi32, #tpu.memory_space<vmem>>) semaphore(%arg20 : memref<!tpu.dma_semaphore, #tpu.memory_space<semaphore_mem>>)
      %dma_start3A_188 = arith.constant 0 : i32
      %dma_start3A_189 = tpu.memref_slice %arg11[%mul3A_166, %dma_start3A_188] : memref<125x80xi32, #tpu.memory_space<vmem>> -> memref<1x80xi32, #tpu.memory_space<vmem>>
      %dma_start3A_190 = tpu.memref_squeeze %dma_start3A_189 : memref<1x80xi32, #tpu.memory_space<vmem>> -> memref<80xi32, #tpu.memory_space<vmem>>
      %dma_start3A_191 = arith.constant 0 : i32
      %dma_start3A_192 = arith.constant 0 : i32
      %dma_start3A_193 = tpu.memref_slice %arg14[%dma_start3A_191, %dma_start3A_192] : memref<10000x128xf32, #tpu.memory_space<vmem_shared>> -> memref<10000x128xf32, #tpu.memory_space<vmem_shared>>
      tpu.enqueue_indirect_dma source(%arg12 : memref<80x128xf32, #tpu.memory_space<vmem>>) target(%dma_start3A_193 : memref<10000x128xf32, #tpu.memory_space<vmem_shared>>) offsets(%dma_start3A_190 : memref<80xi32, #tpu.memory_space<vmem>>) semaphore(%arg21 : memref<!tpu.dma_semaphore, #tpu.memory_space<semaphore_mem>>) {add = true}
      %dma_wait3A_194 = arith.constant 0 : i32
      %dma_wait3A_195 = arith.constant 0 : i32
      %dma_wait3A_196 = tpu.memref_slice %arg2[%dma_wait3A_194, %dma_wait3A_195] : memref<10000x128xf32, #tpu.memory_space<hbm>> -> memref<10000x128xf32, #tpu.memory_space<hbm>>
      tpu.wait_indirect_dma semaphore(%arg20 : memref<!tpu.dma_semaphore, #tpu.memory_space<semaphore_mem>>) src(%dma_wait3A_196 : memref<10000x128xf32, #tpu.memory_space<hbm>>) dst(%arg13 : memref<80x128xf32, #tpu.memory_space<vmem>>)
      %dma_wait3A_197 = arith.constant 0 : i32
      %dma_wait3A_198 = arith.constant 0 : i32
      %dma_wait3A_199 = tpu.memref_slice %arg11[%dma_wait3A_197, %dma_wait3A_198] : memref<125x80xi32, #tpu.memory_space<vmem>> -> memref<1x80xi32, #tpu.memory_space<vmem>>
      %dma_wait3A_200 = tpu.memref_squeeze %dma_wait3A_199 : memref<1x80xi32, #tpu.memory_space<vmem>> -> memref<80xi32, #tpu.memory_space<vmem>>
      %dma_wait3A_201 = arith.constant 0 : i32
      %dma_wait3A_202 = arith.constant 0 : i32
      %dma_wait3A_203 = tpu.memref_slice %arg14[%dma_wait3A_201, %dma_wait3A_202] : memref<10000x128xf32, #tpu.memory_space<vmem_shared>> -> memref<10000x128xf32, #tpu.memory_space<vmem_shared>>
      tpu.wait_indirect_dma semaphore(%arg21 : memref<!tpu.dma_semaphore, #tpu.memory_space<semaphore_mem>>) src(%arg12 : memref<80x128xf32, #tpu.memory_space<vmem>>) dst(%dma_wait3A_203 : memref<10000x128xf32, #tpu.memory_space<vmem_shared>>)
      %dma_wait3A_204 = arith.constant 0 : i32
      %dma_wait3A_205 = arith.constant 0 : i32
      %dma_wait3A_206 = arith.constant 0 : i32
      %dma_wait3A_207 = tpu.memref_slice %arg3[%add3A, %dma_wait3A_205, %dma_wait3A_206] : memref<32x125x80xi32, #tpu.memory_space<hbm>> -> memref<1x125x80xi32, #tpu.memory_space<hbm>>
      %dma_wait3A_208 = tpu.memref_squeeze %dma_wait3A_207 : memref<1x125x80xi32, #tpu.memory_space<hbm>> -> memref<125x80xi32, #tpu.memory_space<hbm>>
      %dma_wait3A_209 = arith.constant 0 : i32
      %dma_wait3A_210 = tpu.memref_slice %dma_wait3A_208[%dma_wait3A_204, %dma_wait3A_209] : memref<125x80xi32, #tpu.memory_space<hbm>> -> memref<1x80xi32, #tpu.memory_space<hbm>>
      %dma_wait3A_211 = tpu.memref_squeeze %dma_wait3A_210 : memref<1x80xi32, #tpu.memory_space<hbm>> -> memref<80xi32, #tpu.memory_space<hbm>>
      %dma_wait3A_212 = arith.constant 0 : i32
      %dma_wait3A_213 = arith.constant 0 : i32
      %dma_wait3A_214 = tpu.memref_slice %arg3[%add3A, %dma_wait3A_212, %dma_wait3A_213] : memref<32x125x80xi32, #tpu.memory_space<hbm>> -> memref<1x125x80xi32, #tpu.memory_space<hbm>>
      %dma_wait3A_215 = tpu.memref_squeeze %dma_wait3A_214 : memref<1x125x80xi32, #tpu.memory_space<hbm>> -> memref<125x80xi32, #tpu.memory_space<hbm>>
      %dma_wait3A_216 = arith.constant 0 : i32
      %dma_wait3A_217 = tpu.memref_slice %dma_wait3A_215[%dma_wait3A_204, %dma_wait3A_216] : memref<125x80xi32, #tpu.memory_space<hbm>> -> memref<1x80xi32, #tpu.memory_space<hbm>>
      %dma_wait3A_218 = tpu.memref_squeeze %dma_wait3A_217 : memref<1x80xi32, #tpu.memory_space<hbm>> -> memref<80xi32, #tpu.memory_space<hbm>>
      tpu.wait_dma2 semaphore(%arg17 : memref<!tpu.dma_semaphore, #tpu.memory_space<semaphore_mem>>) src(%dma_wait3A_218 : memref<80xi32, #tpu.memory_space<hbm>>) dst(%arg9 : memref<80xi32, #tpu.memory_space<vmem>>)
      %dma_start3A_219 = arith.constant 0 : i32
      %dma_start3A_220 = arith.constant 0 : i32
      %dma_start3A_221 = tpu.memref_slice %arg2[%dma_start3A_219, %dma_start3A_220] : memref<10000x128xf32, #tpu.memory_space<hbm>> -> memref<10000x128xf32, #tpu.memory_space<hbm>>
      tpu.enqueue_indirect_dma source(%dma_start3A_221 : memref<10000x128xf32, #tpu.memory_space<hbm>>) target(%arg12 : memref<80x128xf32, #tpu.memory_space<vmem>>) offsets(%arg9 : memref<80xi32, #tpu.memory_space<vmem>>) semaphore(%arg19 : memref<!tpu.dma_semaphore, #tpu.memory_space<semaphore_mem>>)
      %add3A_222 = arith.constant 4 : i32
      %add3A_223 = arith.addi %mul3A_166, %add3A_222 : i32
      %min3A_224 = arith.constant 124 : i32
      %min3A_225 = arith.minsi %add3A_223, %min3A_224 : i32
      %dma_start3A_226 = arith.constant 0 : i32
      %dma_start3A_227 = arith.constant 0 : i32
      %dma_start3A_228 = tpu.memref_slice %arg3[%add3A, %dma_start3A_226, %dma_start3A_227] : memref<32x125x80xi32, #tpu.memory_space<hbm>> -> memref<1x125x80xi32, #tpu.memory_space<hbm>>
      %dma_start3A_229 = tpu.memref_squeeze %dma_start3A_228 : memref<1x125x80xi32, #tpu.memory_space<hbm>> -> memref<125x80xi32, #tpu.memory_space<hbm>>
      %dma_start3A_230 = arith.constant 0 : i32
      %dma_start3A_231 = tpu.memref_slice %dma_start3A_229[%min3A_225, %dma_start3A_230] : memref<125x80xi32, #tpu.memory_space<hbm>> -> memref<1x80xi32, #tpu.memory_space<hbm>>
      %dma_start3A_232 = tpu.memref_squeeze %dma_start3A_231 : memref<1x80xi32, #tpu.memory_space<hbm>> -> memref<80xi32, #tpu.memory_space<hbm>>
      %dma_start3A_233 = arith.constant 0 : i32
      %dma_start3A_234 = arith.constant 0 : i32
      %dma_start3A_235 = tpu.memref_slice %arg3[%add3A, %dma_start3A_233, %dma_start3A_234] : memref<32x125x80xi32, #tpu.memory_space<hbm>> -> memref<1x125x80xi32, #tpu.memory_space<hbm>>
      %dma_start3A_236 = tpu.memref_squeeze %dma_start3A_235 : memref<1x125x80xi32, #tpu.memory_space<hbm>> -> memref<125x80xi32, #tpu.memory_space<hbm>>
      %dma_start3A_237 = arith.constant 0 : i32
      %dma_start3A_238 = tpu.memref_slice %dma_start3A_236[%min3A_225, %dma_start3A_237] : memref<125x80xi32, #tpu.memory_space<hbm>> -> memref<1x80xi32, #tpu.memory_space<hbm>>
      %dma_start3A_239 = tpu.memref_squeeze %dma_start3A_238 : memref<1x80xi32, #tpu.memory_space<hbm>> -> memref<80xi32, #tpu.memory_space<hbm>>
      tpu.enqueue_dma source(%dma_start3A_239 : memref<80xi32, #tpu.memory_space<hbm>>) target(%arg7 : memref<80xi32, #tpu.memory_space<vmem>>) target_semaphore(%arg15 : memref<!tpu.dma_semaphore, #tpu.memory_space<semaphore_mem>>)
      %add3A_240 = arith.constant 1 : i32
      %add3A_241 = arith.addi %mul3A_166, %add3A_240 : i32
      %dma_start3A_242 = arith.constant 0 : i32
      %dma_start3A_243 = tpu.memref_slice %arg11[%add3A_241, %dma_start3A_242] : memref<125x80xi32, #tpu.memory_space<vmem>> -> memref<1x80xi32, #tpu.memory_space<vmem>>
      %dma_start3A_244 = tpu.memref_squeeze %dma_start3A_243 : memref<1x80xi32, #tpu.memory_space<vmem>> -> memref<80xi32, #tpu.memory_space<vmem>>
      %dma_start3A_245 = arith.constant 0 : i32
      %dma_start3A_246 = arith.constant 0 : i32
      %dma_start3A_247 = tpu.memref_slice %arg14[%dma_start3A_245, %dma_start3A_246] : memref<10000x128xf32, #tpu.memory_space<vmem_shared>> -> memref<10000x128xf32, #tpu.memory_space<vmem_shared>>
      tpu.enqueue_indirect_dma source(%arg13 : memref<80x128xf32, #tpu.memory_space<vmem>>) target(%dma_start3A_247 : memref<10000x128xf32, #tpu.memory_space<vmem_shared>>) offsets(%dma_start3A_244 : memref<80xi32, #tpu.memory_space<vmem>>) semaphore(%arg22 : memref<!tpu.dma_semaphore, #tpu.memory_space<semaphore_mem>>) {add = true}
      %dma_wait3A_248 = arith.constant 0 : i32
      %dma_wait3A_249 = arith.constant 0 : i32
      %dma_wait3A_250 = tpu.memref_slice %arg2[%dma_wait3A_248, %dma_wait3A_249] : memref<10000x128xf32, #tpu.memory_space<hbm>> -> memref<10000x128xf32, #tpu.memory_space<hbm>>
      tpu.wait_indirect_dma semaphore(%arg19 : memref<!tpu.dma_semaphore, #tpu.memory_space<semaphore_mem>>) src(%dma_wait3A_250 : memref<10000x128xf32, #tpu.memory_space<hbm>>) dst(%arg12 : memref<80x128xf32, #tpu.memory_space<vmem>>)
      %dma_wait3A_251 = arith.constant 0 : i32
      %dma_wait3A_252 = arith.constant 0 : i32
      %dma_wait3A_253 = tpu.memref_slice %arg11[%dma_wait3A_251, %dma_wait3A_252] : memref<125x80xi32, #tpu.memory_space<vmem>> -> memref<1x80xi32, #tpu.memory_space<vmem>>
      %dma_wait3A_254 = tpu.memref_squeeze %dma_wait3A_253 : memref<1x80xi32, #tpu.memory_space<vmem>> -> memref<80xi32, #tpu.memory_space<vmem>>
      %dma_wait3A_255 = arith.constant 0 : i32
      %dma_wait3A_256 = arith.constant 0 : i32
      %dma_wait3A_257 = tpu.memref_slice %arg14[%dma_wait3A_255, %dma_wait3A_256] : memref<10000x128xf32, #tpu.memory_space<vmem_shared>> -> memref<10000x128xf32, #tpu.memory_space<vmem_shared>>
      tpu.wait_indirect_dma semaphore(%arg22 : memref<!tpu.dma_semaphore, #tpu.memory_space<semaphore_mem>>) src(%arg13 : memref<80x128xf32, #tpu.memory_space<vmem>>) dst(%dma_wait3A_257 : memref<10000x128xf32, #tpu.memory_space<vmem_shared>>)
      %dma_wait3A_258 = arith.constant 0 : i32
      %dma_wait3A_259 = arith.constant 0 : i32
      %dma_wait3A_260 = arith.constant 0 : i32
      %dma_wait3A_261 = tpu.memref_slice %arg3[%add3A, %dma_wait3A_259, %dma_wait3A_260] : memref<32x125x80xi32, #tpu.memory_space<hbm>> -> memref<1x125x80xi32, #tpu.memory_space<hbm>>
      %dma_wait3A_262 = tpu.memref_squeeze %dma_wait3A_261 : memref<1x125x80xi32, #tpu.memory_space<hbm>> -> memref<125x80xi32, #tpu.memory_space<hbm>>
      %dma_wait3A_263 = arith.constant 0 : i32
      %dma_wait3A_264 = tpu.memref_slice %dma_wait3A_262[%dma_wait3A_258, %dma_wait3A_263] : memref<125x80xi32, #tpu.memory_space<hbm>> -> memref<1x80xi32, #tpu.memory_space<hbm>>
      %dma_wait3A_265 = tpu.memref_squeeze %dma_wait3A_264 : memref<1x80xi32, #tpu.memory_space<hbm>> -> memref<80xi32, #tpu.memory_space<hbm>>
      %dma_wait3A_266 = arith.constant 0 : i32
      %dma_wait3A_267 = arith.constant 0 : i32
      %dma_wait3A_268 = tpu.memref_slice %arg3[%add3A, %dma_wait3A_266, %dma_wait3A_267] : memref<32x125x80xi32, #tpu.memory_space<hbm>> -> memref<1x125x80xi32, #tpu.memory_space<hbm>>
      %dma_wait3A_269 = tpu.memref_squeeze %dma_wait3A_268 : memref<1x125x80xi32, #tpu.memory_space<hbm>> -> memref<125x80xi32, #tpu.memory_space<hbm>>
      %dma_wait3A_270 = arith.constant 0 : i32
      %dma_wait3A_271 = tpu.memref_slice %dma_wait3A_269[%dma_wait3A_258, %dma_wait3A_270] : memref<125x80xi32, #tpu.memory_space<hbm>> -> memref<1x80xi32, #tpu.memory_space<hbm>>
      %dma_wait3A_272 = tpu.memref_squeeze %dma_wait3A_271 : memref<1x80xi32, #tpu.memory_space<hbm>> -> memref<80xi32, #tpu.memory_space<hbm>>
      tpu.wait_dma2 semaphore(%arg18 : memref<!tpu.dma_semaphore, #tpu.memory_space<semaphore_mem>>) src(%dma_wait3A_272 : memref<80xi32, #tpu.memory_space<hbm>>) dst(%arg10 : memref<80xi32, #tpu.memory_space<vmem>>)
      %dma_start3A_273 = arith.constant 0 : i32
      %dma_start3A_274 = arith.constant 0 : i32
      %dma_start3A_275 = tpu.memref_slice %arg2[%dma_start3A_273, %dma_start3A_274] : memref<10000x128xf32, #tpu.memory_space<hbm>> -> memref<10000x128xf32, #tpu.memory_space<hbm>>
      tpu.enqueue_indirect_dma source(%dma_start3A_275 : memref<10000x128xf32, #tpu.memory_space<hbm>>) target(%arg13 : memref<80x128xf32, #tpu.memory_space<vmem>>) offsets(%arg10 : memref<80xi32, #tpu.memory_space<vmem>>) semaphore(%arg20 : memref<!tpu.dma_semaphore, #tpu.memory_space<semaphore_mem>>)
      %add3A_276 = arith.constant 5 : i32
      %add3A_277 = arith.addi %mul3A_166, %add3A_276 : i32
      %min3A_278 = arith.constant 124 : i32
      %min3A_279 = arith.minsi %add3A_277, %min3A_278 : i32
      %dma_start3A_280 = arith.constant 0 : i32
      %dma_start3A_281 = arith.constant 0 : i32
      %dma_start3A_282 = tpu.memref_slice %arg3[%add3A, %dma_start3A_280, %dma_start3A_281] : memref<32x125x80xi32, #tpu.memory_space<hbm>> -> memref<1x125x80xi32, #tpu.memory_space<hbm>>
      %dma_start3A_283 = tpu.memref_squeeze %dma_start3A_282 : memref<1x125x80xi32, #tpu.memory_space<hbm>> -> memref<125x80xi32, #tpu.memory_space<hbm>>
      %dma_start3A_284 = arith.constant 0 : i32
      %dma_start3A_285 = tpu.memref_slice %dma_start3A_283[%min3A_279, %dma_start3A_284] : memref<125x80xi32, #tpu.memory_space<hbm>> -> memref<1x80xi32, #tpu.memory_space<hbm>>
      %dma_start3A_286 = tpu.memref_squeeze %dma_start3A_285 : memref<1x80xi32, #tpu.memory_space<hbm>> -> memref<80xi32, #tpu.memory_space<hbm>>
      %dma_start3A_287 = arith.constant 0 : i32
      %dma_start3A_288 = arith.constant 0 : i32
      %dma_start3A_289 = tpu.memref_slice %arg3[%add3A, %dma_start3A_287, %dma_start3A_288] : memref<32x125x80xi32, #tpu.memory_space<hbm>> -> memref<1x125x80xi32, #tpu.memory_space<hbm>>
      %dma_start3A_290 = tpu.memref_squeeze %dma_start3A_289 : memref<1x125x80xi32, #tpu.memory_space<hbm>> -> memref<125x80xi32, #tpu.memory_space<hbm>>
      %dma_start3A_291 = arith.constant 0 : i32
      %dma_start3A_292 = tpu.memref_slice %dma_start3A_290[%min3A_279, %dma_start3A_291] : memref<125x80xi32, #tpu.memory_space<hbm>> -> memref<1x80xi32, #tpu.memory_space<hbm>>
      %dma_start3A_293 = tpu.memref_squeeze %dma_start3A_292 : memref<1x80xi32, #tpu.memory_space<hbm>> -> memref<80xi32, #tpu.memory_space<hbm>>
      tpu.enqueue_dma source(%dma_start3A_293 : memref<80xi32, #tpu.memory_space<hbm>>) target(%arg8 : memref<80xi32, #tpu.memory_space<vmem>>) target_semaphore(%arg16 : memref<!tpu.dma_semaphore, #tpu.memory_space<semaphore_mem>>)
      %add3A_294 = arith.constant 2 : i32
      %add3A_295 = arith.addi %mul3A_166, %add3A_294 : i32
      %dma_start3A_296 = arith.constant 0 : i32
      %dma_start3A_297 = tpu.memref_slice %arg11[%add3A_295, %dma_start3A_296] : memref<125x80xi32, #tpu.memory_space<vmem>> -> memref<1x80xi32, #tpu.memory_space<vmem>>
      %dma_start3A_298 = tpu.memref_squeeze %dma_start3A_297 : memref<1x80xi32, #tpu.memory_space<vmem>> -> memref<80xi32, #tpu.memory_space<vmem>>
      %dma_start3A_299 = arith.constant 0 : i32
      %dma_start3A_300 = arith.constant 0 : i32
      %dma_start3A_301 = tpu.memref_slice %arg14[%dma_start3A_299, %dma_start3A_300] : memref<10000x128xf32, #tpu.memory_space<vmem_shared>> -> memref<10000x128xf32, #tpu.memory_space<vmem_shared>>
      tpu.enqueue_indirect_dma source(%arg12 : memref<80x128xf32, #tpu.memory_space<vmem>>) target(%dma_start3A_301 : memref<10000x128xf32, #tpu.memory_space<vmem_shared>>) offsets(%dma_start3A_298 : memref<80xi32, #tpu.memory_space<vmem>>) semaphore(%arg21 : memref<!tpu.dma_semaphore, #tpu.memory_space<semaphore_mem>>) {add = true}
      %dma_wait3A_302 = arith.constant 0 : i32
      %dma_wait3A_303 = arith.constant 0 : i32
      %dma_wait3A_304 = tpu.memref_slice %arg2[%dma_wait3A_302, %dma_wait3A_303] : memref<10000x128xf32, #tpu.memory_space<hbm>> -> memref<10000x128xf32, #tpu.memory_space<hbm>>
      tpu.wait_indirect_dma semaphore(%arg20 : memref<!tpu.dma_semaphore, #tpu.memory_space<semaphore_mem>>) src(%dma_wait3A_304 : memref<10000x128xf32, #tpu.memory_space<hbm>>) dst(%arg13 : memref<80x128xf32, #tpu.memory_space<vmem>>)
      %dma_wait3A_305 = arith.constant 0 : i32
      %dma_wait3A_306 = arith.constant 0 : i32
      %dma_wait3A_307 = tpu.memref_slice %arg11[%dma_wait3A_305, %dma_wait3A_306] : memref<125x80xi32, #tpu.memory_space<vmem>> -> memref<1x80xi32, #tpu.memory_space<vmem>>
      %dma_wait3A_308 = tpu.memref_squeeze %dma_wait3A_307 : memref<1x80xi32, #tpu.memory_space<vmem>> -> memref<80xi32, #tpu.memory_space<vmem>>
      %dma_wait3A_309 = arith.constant 0 : i32
      %dma_wait3A_310 = arith.constant 0 : i32
      %dma_wait3A_311 = tpu.memref_slice %arg14[%dma_wait3A_309, %dma_wait3A_310] : memref<10000x128xf32, #tpu.memory_space<vmem_shared>> -> memref<10000x128xf32, #tpu.memory_space<vmem_shared>>
      tpu.wait_indirect_dma semaphore(%arg21 : memref<!tpu.dma_semaphore, #tpu.memory_space<semaphore_mem>>) src(%arg12 : memref<80x128xf32, #tpu.memory_space<vmem>>) dst(%dma_wait3A_311 : memref<10000x128xf32, #tpu.memory_space<vmem_shared>>)
      %add3A_312 = arith.constant 6 : i32
      %add3A_313 = arith.addi %mul3A_166, %add3A_312 : i32
      %min3A_314 = arith.constant 124 : i32
      %min3A_315 = arith.minsi %add3A_313, %min3A_314 : i32
      %dma_start3A_316 = arith.constant 0 : i32
      %dma_start3A_317 = arith.constant 0 : i32
      %dma_start3A_318 = tpu.memref_slice %arg3[%add3A, %dma_start3A_316, %dma_start3A_317] : memref<32x125x80xi32, #tpu.memory_space<hbm>> -> memref<1x125x80xi32, #tpu.memory_space<hbm>>
      %dma_start3A_319 = tpu.memref_squeeze %dma_start3A_318 : memref<1x125x80xi32, #tpu.memory_space<hbm>> -> memref<125x80xi32, #tpu.memory_space<hbm>>
      %dma_start3A_320 = arith.constant 0 : i32
      %dma_start3A_321 = tpu.memref_slice %dma_start3A_319[%min3A_315, %dma_start3A_320] : memref<125x80xi32, #tpu.memory_space<hbm>> -> memref<1x80xi32, #tpu.memory_space<hbm>>
      %dma_start3A_322 = tpu.memref_squeeze %dma_start3A_321 : memref<1x80xi32, #tpu.memory_space<hbm>> -> memref<80xi32, #tpu.memory_space<hbm>>
      %dma_start3A_323 = arith.constant 0 : i32
      %dma_start3A_324 = arith.constant 0 : i32
      %dma_start3A_325 = tpu.memref_slice %arg3[%add3A, %dma_start3A_323, %dma_start3A_324] : memref<32x125x80xi32, #tpu.memory_space<hbm>> -> memref<1x125x80xi32, #tpu.memory_space<hbm>>
      %dma_start3A_326 = tpu.memref_squeeze %dma_start3A_325 : memref<1x125x80xi32, #tpu.memory_space<hbm>> -> memref<125x80xi32, #tpu.memory_space<hbm>>
      %dma_start3A_327 = arith.constant 0 : i32
      %dma_start3A_328 = tpu.memref_slice %dma_start3A_326[%min3A_315, %dma_start3A_327] : memref<125x80xi32, #tpu.memory_space<hbm>> -> memref<1x80xi32, #tpu.memory_space<hbm>>
      %dma_start3A_329 = tpu.memref_squeeze %dma_start3A_328 : memref<1x80xi32, #tpu.memory_space<hbm>> -> memref<80xi32, #tpu.memory_space<hbm>>
      tpu.enqueue_dma source(%dma_start3A_329 : memref<80xi32, #tpu.memory_space<hbm>>) target(%arg9 : memref<80xi32, #tpu.memory_space<vmem>>) target_semaphore(%arg17 : memref<!tpu.dma_semaphore, #tpu.memory_space<semaphore_mem>>)
      %dma_wait3A_330 = arith.constant 0 : i32
      %dma_wait3A_331 = arith.constant 0 : i32
      %dma_wait3A_332 = arith.constant 0 : i32
      %dma_wait3A_333 = tpu.memref_slice %arg3[%add3A, %dma_wait3A_331, %dma_wait3A_332] : memref<32x125x80xi32, #tpu.memory_space<hbm>> -> memref<1x125x80xi32, #tpu.memory_space<hbm>>
      %dma_wait3A_334 = tpu.memref_squeeze %dma_wait3A_333 : memref<1x125x80xi32, #tpu.memory_space<hbm>> -> memref<125x80xi32, #tpu.memory_space<hbm>>
      %dma_wait3A_335 = arith.constant 0 : i32
      %dma_wait3A_336 = tpu.memref_slice %dma_wait3A_334[%dma_wait3A_330, %dma_wait3A_335] : memref<125x80xi32, #tpu.memory_space<hbm>> -> memref<1x80xi32, #tpu.memory_space<hbm>>
      %dma_wait3A_337 = tpu.memref_squeeze %dma_wait3A_336 : memref<1x80xi32, #tpu.memory_space<hbm>> -> memref<80xi32, #tpu.memory_space<hbm>>
      %dma_wait3A_338 = arith.constant 0 : i32
      %dma_wait3A_339 = arith.constant 0 : i32
      %dma_wait3A_340 = tpu.memref_slice %arg3[%add3A, %dma_wait3A_338, %dma_wait3A_339] : memref<32x125x80xi32, #tpu.memory_space<hbm>> -> memref<1x125x80xi32, #tpu.memory_space<hbm>>
      %dma_wait3A_341 = tpu.memref_squeeze %dma_wait3A_340 : memref<1x125x80xi32, #tpu.memory_space<hbm>> -> memref<125x80xi32, #tpu.memory_space<hbm>>
      %dma_wait3A_342 = arith.constant 0 : i32
      %dma_wait3A_343 = tpu.memref_slice %dma_wait3A_341[%dma_wait3A_330, %dma_wait3A_342] : memref<125x80xi32, #tpu.memory_space<hbm>> -> memref<1x80xi32, #tpu.memory_space<hbm>>
      %dma_wait3A_344 = tpu.memref_squeeze %dma_wait3A_343 : memref<1x80xi32, #tpu.memory_space<hbm>> -> memref<80xi32, #tpu.memory_space<hbm>>
      tpu.wait_dma2 semaphore(%arg15 : memref<!tpu.dma_semaphore, #tpu.memory_space<semaphore_mem>>) src(%dma_wait3A_344 : memref<80xi32, #tpu.memory_space<hbm>>) dst(%arg7 : memref<80xi32, #tpu.memory_space<vmem>>)
      %dma_start3A_345 = arith.constant 0 : i32
      %dma_start3A_346 = arith.constant 0 : i32
      %dma_start3A_347 = tpu.memref_slice %arg2[%dma_start3A_345, %dma_start3A_346] : memref<10000x128xf32, #tpu.memory_space<hbm>> -> memref<10000x128xf32, #tpu.memory_space<hbm>>
      tpu.enqueue_indirect_dma source(%dma_start3A_347 : memref<10000x128xf32, #tpu.memory_space<hbm>>) target(%arg12 : memref<80x128xf32, #tpu.memory_space<vmem>>) offsets(%arg7 : memref<80xi32, #tpu.memory_space<vmem>>) semaphore(%arg19 : memref<!tpu.dma_semaphore, #tpu.memory_space<semaphore_mem>>)
      %add3A_348 = arith.constant 7 : i32
      %add3A_349 = arith.addi %mul3A_166, %add3A_348 : i32
      %min3A_350 = arith.constant 124 : i32
      %min3A_351 = arith.minsi %add3A_349, %min3A_350 : i32
      %dma_start3A_352 = arith.constant 0 : i32
      %dma_start3A_353 = arith.constant 0 : i32
      %dma_start3A_354 = tpu.memref_slice %arg3[%add3A, %dma_start3A_352, %dma_start3A_353] : memref<32x125x80xi32, #tpu.memory_space<hbm>> -> memref<1x125x80xi32, #tpu.memory_space<hbm>>
      %dma_start3A_355 = tpu.memref_squeeze %dma_start3A_354 : memref<1x125x80xi32, #tpu.memory_space<hbm>> -> memref<125x80xi32, #tpu.memory_space<hbm>>
      %dma_start3A_356 = arith.constant 0 : i32
      %dma_start3A_357 = tpu.memref_slice %dma_start3A_355[%min3A_351, %dma_start3A_356] : memref<125x80xi32, #tpu.memory_space<hbm>> -> memref<1x80xi32, #tpu.memory_space<hbm>>
      %dma_start3A_358 = tpu.memref_squeeze %dma_start3A_357 : memref<1x80xi32, #tpu.memory_space<hbm>> -> memref<80xi32, #tpu.memory_space<hbm>>
      %dma_start3A_359 = arith.constant 0 : i32
      %dma_start3A_360 = arith.constant 0 : i32
      %dma_start3A_361 = tpu.memref_slice %arg3[%add3A, %dma_start3A_359, %dma_start3A_360] : memref<32x125x80xi32, #tpu.memory_space<hbm>> -> memref<1x125x80xi32, #tpu.memory_space<hbm>>
      %dma_start3A_362 = tpu.memref_squeeze %dma_start3A_361 : memref<1x125x80xi32, #tpu.memory_space<hbm>> -> memref<125x80xi32, #tpu.memory_space<hbm>>
      %dma_start3A_363 = arith.constant 0 : i32
      %dma_start3A_364 = tpu.memref_slice %dma_start3A_362[%min3A_351, %dma_start3A_363] : memref<125x80xi32, #tpu.memory_space<hbm>> -> memref<1x80xi32, #tpu.memory_space<hbm>>
      %dma_start3A_365 = tpu.memref_squeeze %dma_start3A_364 : memref<1x80xi32, #tpu.memory_space<hbm>> -> memref<80xi32, #tpu.memory_space<hbm>>
      tpu.enqueue_dma source(%dma_start3A_365 : memref<80xi32, #tpu.memory_space<hbm>>) target(%arg10 : memref<80xi32, #tpu.memory_space<vmem>>) target_semaphore(%arg18 : memref<!tpu.dma_semaphore, #tpu.memory_space<semaphore_mem>>)
      %add3A_366 = arith.constant 3 : i32
      %add3A_367 = arith.addi %mul3A_166, %add3A_366 : i32
      %dma_start3A_368 = arith.constant 0 : i32
      %dma_start3A_369 = tpu.memref_slice %arg11[%add3A_367, %dma_start3A_368] : memref<125x80xi32, #tpu.memory_space<vmem>> -> memref<1x80xi32, #tpu.memory_space<vmem>>
      %dma_start3A_370 = tpu.memref_squeeze %dma_start3A_369 : memref<1x80xi32, #tpu.memory_space<vmem>> -> memref<80xi32, #tpu.memory_space<vmem>>
      %dma_start3A_371 = arith.constant 0 : i32
      %dma_start3A_372 = arith.constant 0 : i32
      %dma_start3A_373 = tpu.memref_slice %arg14[%dma_start3A_371, %dma_start3A_372] : memref<10000x128xf32, #tpu.memory_space<vmem_shared>> -> memref<10000x128xf32, #tpu.memory_space<vmem_shared>>
      tpu.enqueue_indirect_dma source(%arg13 : memref<80x128xf32, #tpu.memory_space<vmem>>) target(%dma_start3A_373 : memref<10000x128xf32, #tpu.memory_space<vmem_shared>>) offsets(%dma_start3A_370 : memref<80xi32, #tpu.memory_space<vmem>>) semaphore(%arg22 : memref<!tpu.dma_semaphore, #tpu.memory_space<semaphore_mem>>) {add = true}
      %dma_wait3A_374 = arith.constant 0 : i32
      %dma_wait3A_375 = arith.constant 0 : i32
      %dma_wait3A_376 = tpu.memref_slice %arg11[%dma_wait3A_374, %dma_wait3A_375] : memref<125x80xi32, #tpu.memory_space<vmem>> -> memref<1x80xi32, #tpu.memory_space<vmem>>
      %dma_wait3A_377 = tpu.memref_squeeze %dma_wait3A_376 : memref<1x80xi32, #tpu.memory_space<vmem>> -> memref<80xi32, #tpu.memory_space<vmem>>
      %dma_wait3A_378 = arith.constant 0 : i32
      %dma_wait3A_379 = arith.constant 0 : i32
      %dma_wait3A_380 = tpu.memref_slice %arg14[%dma_wait3A_378, %dma_wait3A_379] : memref<10000x128xf32, #tpu.memory_space<vmem_shared>> -> memref<10000x128xf32, #tpu.memory_space<vmem_shared>>
      tpu.wait_indirect_dma semaphore(%arg22 : memref<!tpu.dma_semaphore, #tpu.memory_space<semaphore_mem>>) src(%arg13 : memref<80x128xf32, #tpu.memory_space<vmem>>) dst(%dma_wait3A_380 : memref<10000x128xf32, #tpu.memory_space<vmem_shared>>)
    }
    %scan3A_91 = arith.constant 31 : i32
    %dma_wait3A_92 = arith.constant 0 : i32
    %dma_wait3A_93 = arith.constant 0 : i32
    %dma_wait3A_94 = tpu.memref_slice %arg2[%dma_wait3A_92, %dma_wait3A_93] : memref<10000x128xf32, #tpu.memory_space<hbm>> -> memref<10000x128xf32, #tpu.memory_space<hbm>>
    tpu.wait_indirect_dma semaphore(%arg19 : memref<!tpu.dma_semaphore, #tpu.memory_space<semaphore_mem>>) src(%dma_wait3A_94 : memref<10000x128xf32, #tpu.memory_space<hbm>>) dst(%arg12 : memref<80x128xf32, #tpu.memory_space<vmem>>)
    %dma_start3A_95 = arith.constant 124 : i32
    %dma_start3A_96 = arith.constant 0 : i32
    %dma_start3A_97 = tpu.memref_slice %arg11[%dma_start3A_95, %dma_start3A_96] : memref<125x80xi32, #tpu.memory_space<vmem>> -> memref<1x80xi32, #tpu.memory_space<vmem>>
    %dma_start3A_98 = tpu.memref_squeeze %dma_start3A_97 : memref<1x80xi32, #tpu.memory_space<vmem>> -> memref<80xi32, #tpu.memory_space<vmem>>
    %dma_start3A_99 = arith.constant 0 : i32
    %dma_start3A_100 = arith.constant 0 : i32
    %dma_start3A_101 = tpu.memref_slice %arg14[%dma_start3A_99, %dma_start3A_100] : memref<10000x128xf32, #tpu.memory_space<vmem_shared>> -> memref<10000x128xf32, #tpu.memory_space<vmem_shared>>
    tpu.enqueue_indirect_dma source(%arg12 : memref<80x128xf32, #tpu.memory_space<vmem>>) target(%dma_start3A_101 : memref<10000x128xf32, #tpu.memory_space<vmem_shared>>) offsets(%dma_start3A_98 : memref<80xi32, #tpu.memory_space<vmem>>) semaphore(%arg21 : memref<!tpu.dma_semaphore, #tpu.memory_space<semaphore_mem>>) {add = true}
    %dma_wait3A_102 = arith.constant 0 : i32
    %dma_wait3A_103 = arith.constant 0 : i32
    %dma_wait3A_104 = tpu.memref_slice %arg11[%dma_wait3A_102, %dma_wait3A_103] : memref<125x80xi32, #tpu.memory_space<vmem>> -> memref<1x80xi32, #tpu.memory_space<vmem>>
    %dma_wait3A_105 = tpu.memref_squeeze %dma_wait3A_104 : memref<1x80xi32, #tpu.memory_space<vmem>> -> memref<80xi32, #tpu.memory_space<vmem>>
    %dma_wait3A_106 = arith.constant 0 : i32
    %dma_wait3A_107 = arith.constant 0 : i32
    %dma_wait3A_108 = tpu.memref_slice %arg14[%dma_wait3A_106, %dma_wait3A_107] : memref<10000x128xf32, #tpu.memory_space<vmem_shared>> -> memref<10000x128xf32, #tpu.memory_space<vmem_shared>>
    tpu.wait_indirect_dma semaphore(%arg21 : memref<!tpu.dma_semaphore, #tpu.memory_space<semaphore_mem>>) src(%arg12 : memref<80x128xf32, #tpu.memory_space<vmem>>) dst(%dma_wait3A_108 : memref<10000x128xf32, #tpu.memory_space<vmem_shared>>)
    %dma_wait3A_109 = arith.constant 0 : i32
    %dma_wait3A_110 = arith.constant 0 : i32
    %dma_wait3A_111 = arith.constant 0 : i32
    %dma_wait3A_112 = tpu.memref_slice %arg3[%add3A, %dma_wait3A_110, %dma_wait3A_111] : memref<32x125x80xi32, #tpu.memory_space<hbm>> -> memref<1x125x80xi32, #tpu.memory_space<hbm>>
    %dma_wait3A_113 = tpu.memref_squeeze %dma_wait3A_112 : memref<1x125x80xi32, #tpu.memory_space<hbm>> -> memref<125x80xi32, #tpu.memory_space<hbm>>
    %dma_wait3A_114 = arith.constant 0 : i32
    %dma_wait3A_115 = tpu.memref_slice %dma_wait3A_113[%dma_wait3A_109, %dma_wait3A_114] : memref<125x80xi32, #tpu.memory_space<hbm>> -> memref<1x80xi32, #tpu.memory_space<hbm>>
    %dma_wait3A_116 = tpu.memref_squeeze %dma_wait3A_115 : memref<1x80xi32, #tpu.memory_space<hbm>> -> memref<80xi32, #tpu.memory_space<hbm>>
    %dma_wait3A_117 = arith.constant 0 : i32
    %dma_wait3A_118 = arith.constant 0 : i32
    %dma_wait3A_119 = tpu.memref_slice %arg3[%add3A, %dma_wait3A_117, %dma_wait3A_118] : memref<32x125x80xi32, #tpu.memory_space<hbm>> -> memref<1x125x80xi32, #tpu.memory_space<hbm>>
    %dma_wait3A_120 = tpu.memref_squeeze %dma_wait3A_119 : memref<1x125x80xi32, #tpu.memory_space<hbm>> -> memref<125x80xi32, #tpu.memory_space<hbm>>
    %dma_wait3A_121 = arith.constant 0 : i32
    %dma_wait3A_122 = tpu.memref_slice %dma_wait3A_120[%dma_wait3A_109, %dma_wait3A_121] : memref<125x80xi32, #tpu.memory_space<hbm>> -> memref<1x80xi32, #tpu.memory_space<hbm>>
    %dma_wait3A_123 = tpu.memref_squeeze %dma_wait3A_122 : memref<1x80xi32, #tpu.memory_space<hbm>> -> memref<80xi32, #tpu.memory_space<hbm>>
    tpu.wait_dma2 semaphore(%arg16 : memref<!tpu.dma_semaphore, #tpu.memory_space<semaphore_mem>>) src(%dma_wait3A_123 : memref<80xi32, #tpu.memory_space<hbm>>) dst(%arg8 : memref<80xi32, #tpu.memory_space<vmem>>)
    %dma_wait3A_124 = arith.constant 0 : i32
    %dma_wait3A_125 = arith.constant 0 : i32
    %dma_wait3A_126 = arith.constant 0 : i32
    %dma_wait3A_127 = tpu.memref_slice %arg3[%add3A, %dma_wait3A_125, %dma_wait3A_126] : memref<32x125x80xi32, #tpu.memory_space<hbm>> -> memref<1x125x80xi32, #tpu.memory_space<hbm>>
    %dma_wait3A_128 = tpu.memref_squeeze %dma_wait3A_127 : memref<1x125x80xi32, #tpu.memory_space<hbm>> -> memref<125x80xi32, #tpu.memory_space<hbm>>
    %dma_wait3A_129 = arith.constant 0 : i32
    %dma_wait3A_130 = tpu.memref_slice %dma_wait3A_128[%dma_wait3A_124, %dma_wait3A_129] : memref<125x80xi32, #tpu.memory_space<hbm>> -> memref<1x80xi32, #tpu.memory_space<hbm>>
    %dma_wait3A_131 = tpu.memref_squeeze %dma_wait3A_130 : memref<1x80xi32, #tpu.memory_space<hbm>> -> memref<80xi32, #tpu.memory_space<hbm>>
    %dma_wait3A_132 = arith.constant 0 : i32
    %dma_wait3A_133 = arith.constant 0 : i32
    %dma_wait3A_134 = tpu.memref_slice %arg3[%add3A, %dma_wait3A_132, %dma_wait3A_133] : memref<32x125x80xi32, #tpu.memory_space<hbm>> -> memref<1x125x80xi32, #tpu.memory_space<hbm>>
    %dma_wait3A_135 = tpu.memref_squeeze %dma_wait3A_134 : memref<1x125x80xi32, #tpu.memory_space<hbm>> -> memref<125x80xi32, #tpu.memory_space<hbm>>
    %dma_wait3A_136 = arith.constant 0 : i32
    %dma_wait3A_137 = tpu.memref_slice %dma_wait3A_135[%dma_wait3A_124, %dma_wait3A_136] : memref<125x80xi32, #tpu.memory_space<hbm>> -> memref<1x80xi32, #tpu.memory_space<hbm>>
    %dma_wait3A_138 = tpu.memref_squeeze %dma_wait3A_137 : memref<1x80xi32, #tpu.memory_space<hbm>> -> memref<80xi32, #tpu.memory_space<hbm>>
    tpu.wait_dma2 semaphore(%arg17 : memref<!tpu.dma_semaphore, #tpu.memory_space<semaphore_mem>>) src(%dma_wait3A_138 : memref<80xi32, #tpu.memory_space<hbm>>) dst(%arg9 : memref<80xi32, #tpu.memory_space<vmem>>)
    %dma_wait3A_139 = arith.constant 0 : i32
    %dma_wait3A_140 = arith.constant 0 : i32
    %dma_wait3A_141 = arith.constant 0 : i32
    %dma_wait3A_142 = tpu.memref_slice %arg3[%add3A, %dma_wait3A_140, %dma_wait3A_141] : memref<32x125x80xi32, #tpu.memory_space<hbm>> -> memref<1x125x80xi32, #tpu.memory_space<hbm>>
    %dma_wait3A_143 = tpu.memref_squeeze %dma_wait3A_142 : memref<1x125x80xi32, #tpu.memory_space<hbm>> -> memref<125x80xi32, #tpu.memory_space<hbm>>
    %dma_wait3A_144 = arith.constant 0 : i32
    %dma_wait3A_145 = tpu.memref_slice %dma_wait3A_143[%dma_wait3A_139, %dma_wait3A_144] : memref<125x80xi32, #tpu.memory_space<hbm>> -> memref<1x80xi32, #tpu.memory_space<hbm>>
    %dma_wait3A_146 = tpu.memref_squeeze %dma_wait3A_145 : memref<1x80xi32, #tpu.memory_space<hbm>> -> memref<80xi32, #tpu.memory_space<hbm>>
    %dma_wait3A_147 = arith.constant 0 : i32
    %dma_wait3A_148 = arith.constant 0 : i32
    %dma_wait3A_149 = tpu.memref_slice %arg3[%add3A, %dma_wait3A_147, %dma_wait3A_148] : memref<32x125x80xi32, #tpu.memory_space<hbm>> -> memref<1x125x80xi32, #tpu.memory_space<hbm>>
    %dma_wait3A_150 = tpu.memref_squeeze %dma_wait3A_149 : memref<1x125x80xi32, #tpu.memory_space<hbm>> -> memref<125x80xi32, #tpu.memory_space<hbm>>
    %dma_wait3A_151 = arith.constant 0 : i32
    %dma_wait3A_152 = tpu.memref_slice %dma_wait3A_150[%dma_wait3A_139, %dma_wait3A_151] : memref<125x80xi32, #tpu.memory_space<hbm>> -> memref<1x80xi32, #tpu.memory_space<hbm>>
    %dma_wait3A_153 = tpu.memref_squeeze %dma_wait3A_152 : memref<1x80xi32, #tpu.memory_space<hbm>> -> memref<80xi32, #tpu.memory_space<hbm>>
    tpu.wait_dma2 semaphore(%arg18 : memref<!tpu.dma_semaphore, #tpu.memory_space<semaphore_mem>>) src(%dma_wait3A_153 : memref<80xi32, #tpu.memory_space<hbm>>) dst(%arg10 : memref<80xi32, #tpu.memory_space<vmem>>)
    %barrier3A_154 = arith.constant 0 : index
    tpu.barrier barrier_id(%barrier3A_154)
    "tpu.region"() ({
      %run_scoped3A = tpu.sem_alloc : memref<!tpu.dma_semaphore, #tpu.memory_space<semaphore_mem>>
      %dma_start3A_160 = arith.constant 0 : i32
      %dma_start3A_161 = tpu.memref_slice %arg6[%arg0, %mul3A_2, %dma_start3A_160] : memref<2x10000x128xf32, #tpu.memory_space<hbm>> -> memref<1x624x128xf32, #tpu.memory_space<hbm>>
      %dma_start3A_162 = tpu.memref_squeeze %dma_start3A_161 : memref<1x624x128xf32, #tpu.memory_space<hbm>> -> memref<624x128xf32, #tpu.memory_space<hbm>>
      %dma_start3A_163 = arith.constant 0 : i32
      %dma_start3A_164 = tpu.memref_slice %arg14[%mul3A_2, %dma_start3A_163] : memref<10000x128xf32, #tpu.memory_space<vmem_shared>> -> memref<624x128xf32, #tpu.memory_space<vmem_shared>>
      tpu.enqueue_dma source(%dma_start3A_164 : memref<624x128xf32, #tpu.memory_space<vmem_shared>>) target(%dma_start3A_162 : memref<624x128xf32, #tpu.memory_space<hbm>>) target_semaphore(%run_scoped3A : memref<!tpu.dma_semaphore, #tpu.memory_space<semaphore_mem>>)
      %dma_wait3A_165 = arith.constant 0 : i32
      %dma_wait3A_166 = tpu.memref_slice %arg6[%arg0, %mul3A_2, %dma_wait3A_165] : memref<2x10000x128xf32, #tpu.memory_space<hbm>> -> memref<1x624x128xf32, #tpu.memory_space<hbm>>
      %dma_wait3A_167 = tpu.memref_squeeze %dma_wait3A_166 : memref<1x624x128xf32, #tpu.memory_space<hbm>> -> memref<624x128xf32, #tpu.memory_space<hbm>>
      %dma_wait3A_168 = arith.constant 0 : i32
      %dma_wait3A_169 = tpu.memref_slice %arg14[%mul3A_2, %dma_wait3A_168] : memref<10000x128xf32, #tpu.memory_space<vmem_shared>> -> memref<624x128xf32, #tpu.memory_space<vmem_shared>>
      tpu.wait_dma2 semaphore(%run_scoped3A : memref<!tpu.dma_semaphore, #tpu.memory_space<semaphore_mem>>) src(%dma_wait3A_169 : memref<624x128xf32, #tpu.memory_space<vmem_shared>>) dst(%dma_wait3A_167 : memref<624x128xf32, #tpu.memory_space<hbm>>)
      tpu.yield
    }) : () -> ()
    %eq3A_155 = arith.constant 15 : i32
    %eq3A_156 = arith.cmpi eq, %arg1, %eq3A_155 : i32
    %convert_element_type3A_157 = arith.extui %eq3A_156 : i1 to i32
    %cond3A_158 = arith.constant 0 : i32
    %cond3A_159 = arith.cmpi ne, %convert_element_type3A_157, %cond3A_158 : i32
    scf.if %cond3A_159 {
      "tpu.region"() ({
        %run_scoped3A = tpu.sem_alloc : memref<!tpu.dma_semaphore, #tpu.memory_space<semaphore_mem>>
        %dma_start3A_160 = arith.constant 9984 : i32
        %dma_start3A_161 = arith.constant 0 : i32
        %dma_start3A_162 = tpu.memref_slice %arg6[%arg0, %dma_start3A_160, %dma_start3A_161] : memref<2x10000x128xf32, #tpu.memory_space<hbm>> -> memref<1x16x128xf32, #tpu.memory_space<hbm>>
        %dma_start3A_163 = tpu.memref_squeeze %dma_start3A_162 : memref<1x16x128xf32, #tpu.memory_space<hbm>> -> memref<16x128xf32, #tpu.memory_space<hbm>>
        %dma_start3A_164 = arith.constant 9984 : i32
        %dma_start3A_165 = arith.constant 0 : i32
        %dma_start3A_166 = tpu.memref_slice %arg14[%dma_start3A_164, %dma_start3A_165] : memref<10000x128xf32, #tpu.memory_space<vmem_shared>> -> memref<16x128xf32, #tpu.memory_space<vmem_shared>>
        tpu.enqueue_dma source(%dma_start3A_166 : memref<16x128xf32, #tpu.memory_space<vmem_shared>>) target(%dma_start3A_163 : memref<16x128xf32, #tpu.memory_space<hbm>>) target_semaphore(%run_scoped3A : memref<!tpu.dma_semaphore, #tpu.memory_space<semaphore_mem>>)
        %dma_wait3A_167 = arith.constant 9984 : i32
        %dma_wait3A_168 = arith.constant 0 : i32
        %dma_wait3A_169 = tpu.memref_slice %arg6[%arg0, %dma_wait3A_167, %dma_wait3A_168] : memref<2x10000x128xf32, #tpu.memory_space<hbm>> -> memref<1x16x128xf32, #tpu.memory_space<hbm>>
        %dma_wait3A_170 = tpu.memref_squeeze %dma_wait3A_169 : memref<1x16x128xf32, #tpu.memory_space<hbm>> -> memref<16x128xf32, #tpu.memory_space<hbm>>
        %dma_wait3A_171 = arith.constant 9984 : i32
        %dma_wait3A_172 = arith.constant 0 : i32
        %dma_wait3A_173 = tpu.memref_slice %arg14[%dma_wait3A_171, %dma_wait3A_172] : memref<10000x128xf32, #tpu.memory_space<vmem_shared>> -> memref<16x128xf32, #tpu.memory_space<vmem_shared>>
        tpu.wait_dma2 semaphore(%run_scoped3A : memref<!tpu.dma_semaphore, #tpu.memory_space<semaphore_mem>>) src(%dma_wait3A_173 : memref<16x128xf32, #tpu.memory_space<vmem_shared>>) dst(%dma_wait3A_170 : memref<16x128xf32, #tpu.memory_space<hbm>>)
        tpu.yield
      }) : () -> ()
    } else {
    }
    return
  }
}

#map = affine_map<(d0, d1) -> (0, 0)>
#map1 = affine_map<(d0, d1) -> (0, 0, 0)>
module attributes {stable_mosaic.version = 14 : i64} {
  func.func @prop(%arg0: i32, %arg1: i32, %arg2: memref<10000x128xf32, #tpu.memory_space<hbm>>, %arg3: memref<32x125x80xi32, #tpu.memory_space<hbm>>, %arg4: memref<32x125x80xi32, #tpu.memory_space<hbm>>, %arg5: memref<624x128xf32, #tpu.memory_space<hbm>>, %arg6: memref<2x10000x128xf32, #tpu.memory_space<hbm>>, %arg7: memref<80xi32, #tpu.memory_space<vmem>>, %arg8: memref<80xi32, #tpu.memory_space<vmem>>, %arg9: memref<80xi32, #tpu.memory_space<vmem>>, %arg10: memref<80xi32, #tpu.memory_space<vmem>>, %arg11: memref<125x80xi32, #tpu.memory_space<vmem>>, %arg12: memref<80x128xf32, #tpu.memory_space<vmem>>, %arg13: memref<80x128xf32, #tpu.memory_space<vmem>>, %arg14: memref<10000x128xf32, #tpu.memory_space<vmem_shared>>, %arg15: memref<!tpu.dma_semaphore, #tpu.memory_space<semaphore_mem>>, %arg16: memref<!tpu.dma_semaphore, #tpu.memory_space<semaphore_mem>>, %arg17: memref<!tpu.dma_semaphore, #tpu.memory_space<semaphore_mem>>, %arg18: memref<!tpu.dma_semaphore, #tpu.memory_space<semaphore_mem>>, %arg19: memref<!tpu.dma_semaphore, #tpu.memory_space<semaphore_mem>>, %arg20: memref<!tpu.dma_semaphore, #tpu.memory_space<semaphore_mem>>, %arg21: memref<!tpu.dma_semaphore, #tpu.memory_space<semaphore_mem>>, %arg22: memref<!tpu.dma_semaphore, #tpu.memory_space<semaphore_mem>>) attributes {dimension_semantics = [#tpu.dimension_semantics<core_parallel>, #tpu.dimension_semantics<subcore_parallel>], iteration_bounds = array<i64: 2, 16>, scalar_prefetch = 0 : i64, scratch_operands = 16 : i64, tpu.core_type = #tpu.core_type<sc_vector_subcore>, window_params = [{transform_indices = #map}, {transform_indices = #map1}, {transform_indices = #map1}, {transform_indices = #map}, {transform_indices = #map1}]} {
    %mul3A = arith.constant 2 : i32
    %mul3A_0 = arith.muli %arg1, %mul3A : i32
    %add3A = arith.addi %mul3A_0, %arg0 : i32
    %mul3A_1 = arith.constant 624 : i32
    %mul3A_2 = arith.muli %arg1, %mul3A_1 : i32
    "tpu.region"() ({
      %run_scoped3A = tpu.sem_alloc : memref<!tpu.dma_semaphore, #tpu.memory_space<semaphore_mem>>
      %dma_start3A_160 = arith.constant 0 : i32
      %dma_start3A_161 = tpu.memref_slice %arg14[%mul3A_2, %dma_start3A_160] : memref<10000x128xf32, #tpu.memory_space<vmem_shared>> -> memref<624x128xf32, #tpu.memory_space<vmem_shared>>
      tpu.enqueue_dma source(%arg5 : memref<624x128xf32, #tpu.memory_space<hbm>>) target(%dma_start3A_161 : memref<624x128xf32, #tpu.memory_space<vmem_shared>>) target_semaphore(%run_scoped3A : memref<!tpu.dma_semaphore, #tpu.memory_space<semaphore_mem>>)
      %dma_wait3A_162 = arith.constant 0 : i32
      %dma_wait3A_163 = tpu.memref_slice %arg14[%mul3A_2, %dma_wait3A_162] : memref<10000x128xf32, #tpu.memory_space<vmem_shared>> -> memref<624x128xf32, #tpu.memory_space<vmem_shared>>
      tpu.wait_dma2 semaphore(%run_scoped3A : memref<!tpu.dma_semaphore, #tpu.memory_space<semaphore_mem>>) src(%arg5 : memref<624x128xf32, #tpu.memory_space<hbm>>) dst(%dma_wait3A_163 : memref<624x128xf32, #tpu.memory_space<vmem_shared>>)
      tpu.yield
    }) : () -> ()
    %eq3A = arith.constant 15 : i32
    %eq3A_3 = arith.cmpi eq, %arg1, %eq3A : i32
    %convert_element_type3A = arith.extui %eq3A_3 : i1 to i32
    %cond3A = arith.constant 0 : i32
    %cond3A_4 = arith.cmpi ne, %convert_element_type3A, %cond3A : i32
    scf.if %cond3A_4 {
      "tpu.region"() ({
        %run_scoped3A = tpu.sem_alloc : memref<!tpu.dma_semaphore, #tpu.memory_space<semaphore_mem>>
        %dma_start3A_160 = arith.constant 9984 : i32
        %dma_start3A_161 = arith.constant 0 : i32
        %dma_start3A_162 = tpu.memref_slice %arg14[%dma_start3A_160, %dma_start3A_161] : memref<10000x128xf32, #tpu.memory_space<vmem_shared>> -> memref<16x128xf32, #tpu.memory_space<vmem_shared>>
        %dma_start3A_163 = arith.constant 0 : i32
        %dma_start3A_164 = arith.constant 0 : i32
        %dma_start3A_165 = tpu.memref_slice %arg5[%dma_start3A_163, %dma_start3A_164] : memref<624x128xf32, #tpu.memory_space<hbm>> -> memref<16x128xf32, #tpu.memory_space<hbm>>
        tpu.enqueue_dma source(%dma_start3A_165 : memref<16x128xf32, #tpu.memory_space<hbm>>) target(%dma_start3A_162 : memref<16x128xf32, #tpu.memory_space<vmem_shared>>) target_semaphore(%run_scoped3A : memref<!tpu.dma_semaphore, #tpu.memory_space<semaphore_mem>>)
        %dma_wait3A_166 = arith.constant 9984 : i32
        %dma_wait3A_167 = arith.constant 0 : i32
        %dma_wait3A_168 = tpu.memref_slice %arg14[%dma_wait3A_166, %dma_wait3A_167] : memref<10000x128xf32, #tpu.memory_space<vmem_shared>> -> memref<16x128xf32, #tpu.memory_space<vmem_shared>>
        %dma_wait3A_169 = arith.constant 0 : i32
        %dma_wait3A_170 = arith.constant 0 : i32
        %dma_wait3A_171 = tpu.memref_slice %arg5[%dma_wait3A_169, %dma_wait3A_170] : memref<624x128xf32, #tpu.memory_space<hbm>> -> memref<16x128xf32, #tpu.memory_space<hbm>>
        tpu.wait_dma2 semaphore(%run_scoped3A : memref<!tpu.dma_semaphore, #tpu.memory_space<semaphore_mem>>) src(%dma_wait3A_171 : memref<16x128xf32, #tpu.memory_space<hbm>>) dst(%dma_wait3A_168 : memref<16x128xf32, #tpu.memory_space<vmem_shared>>)
        tpu.yield
      }) : () -> ()
    } else {
    }
    "tpu.region"() ({
      %run_scoped3A = tpu.sem_alloc : memref<!tpu.dma_semaphore, #tpu.memory_space<semaphore_mem>>
      %dma_start3A_160 = arith.constant 0 : i32
      %dma_start3A_161 = arith.constant 0 : i32
      %dma_start3A_162 = tpu.memref_slice %arg4[%add3A, %dma_start3A_160, %dma_start3A_161] : memref<32x125x80xi32, #tpu.memory_space<hbm>> -> memref<1x125x80xi32, #tpu.memory_space<hbm>>
      %dma_start3A_163 = tpu.memref_squeeze %dma_start3A_162 : memref<1x125x80xi32, #tpu.memory_space<hbm>> -> memref<125x80xi32, #tpu.memory_space<hbm>>
      %dma_start3A_164 = arith.constant 0 : i32
      %dma_start3A_165 = arith.constant 0 : i32
      %dma_start3A_166 = tpu.memref_slice %arg4[%add3A, %dma_start3A_164, %dma_start3A_165] : memref<32x125x80xi32, #tpu.memory_space<hbm>> -> memref<1x125x80xi32, #tpu.memory_space<hbm>>
      %dma_start3A_167 = tpu.memref_squeeze %dma_start3A_166 : memref<1x125x80xi32, #tpu.memory_space<hbm>> -> memref<125x80xi32, #tpu.memory_space<hbm>>
      tpu.enqueue_dma source(%dma_start3A_167 : memref<125x80xi32, #tpu.memory_space<hbm>>) target(%arg11 : memref<125x80xi32, #tpu.memory_space<vmem>>) target_semaphore(%run_scoped3A : memref<!tpu.dma_semaphore, #tpu.memory_space<semaphore_mem>>)
      %dma_wait3A_168 = arith.constant 0 : i32
      %dma_wait3A_169 = arith.constant 0 : i32
      %dma_wait3A_170 = tpu.memref_slice %arg4[%add3A, %dma_wait3A_168, %dma_wait3A_169] : memref<32x125x80xi32, #tpu.memory_space<hbm>> -> memref<1x125x80xi32, #tpu.memory_space<hbm>>
      %dma_wait3A_171 = tpu.memref_squeeze %dma_wait3A_170 : memref<1x125x80xi32, #tpu.memory_space<hbm>> -> memref<125x80xi32, #tpu.memory_space<hbm>>
      %dma_wait3A_172 = arith.constant 0 : i32
      %dma_wait3A_173 = arith.constant 0 : i32
      %dma_wait3A_174 = tpu.memref_slice %arg4[%add3A, %dma_wait3A_172, %dma_wait3A_173] : memref<32x125x80xi32, #tpu.memory_space<hbm>> -> memref<1x125x80xi32, #tpu.memory_space<hbm>>
      %dma_wait3A_175 = tpu.memref_squeeze %dma_wait3A_174 : memref<1x125x80xi32, #tpu.memory_space<hbm>> -> memref<125x80xi32, #tpu.memory_space<hbm>>
      tpu.wait_dma2 semaphore(%run_scoped3A : memref<!tpu.dma_semaphore, #tpu.memory_space<semaphore_mem>>) src(%dma_wait3A_175 : memref<125x80xi32, #tpu.memory_space<hbm>>) dst(%arg11 : memref<125x80xi32, #tpu.memory_space<vmem>>)
      tpu.yield
    }) : () -> ()
    %barrier3A = arith.constant 0 : index
    tpu.barrier barrier_id(%barrier3A)
    %min3A = arith.constant 0 : i32
    %min3A_5 = arith.constant 124 : i32
    %min3A_6 = arith.minsi %min3A, %min3A_5 : i32
    %dma_start3A = arith.constant 0 : i32
    %dma_start3A_7 = arith.constant 0 : i32
    %dma_start3A_8 = tpu.memref_slice %arg3[%add3A, %dma_start3A, %dma_start3A_7] : memref<32x125x80xi32, #tpu.memory_space<hbm>> -> memref<1x125x80xi32, #tpu.memory_space<hbm>>
    %dma_start3A_9 = tpu.memref_squeeze %dma_start3A_8 : memref<1x125x80xi32, #tpu.memory_space<hbm>> -> memref<125x80xi32, #tpu.memory_space<hbm>>
    %dma_start3A_10 = arith.constant 0 : i32
    %dma_start3A_11 = tpu.memref_slice %dma_start3A_9[%min3A_6, %dma_start3A_10] : memref<125x80xi32, #tpu.memory_space<hbm>> -> memref<1x80xi32, #tpu.memory_space<hbm>>
    %dma_start3A_12 = tpu.memref_squeeze %dma_start3A_11 : memref<1x80xi32, #tpu.memory_space<hbm>> -> memref<80xi32, #tpu.memory_space<hbm>>
    %dma_start3A_13 = arith.constant 0 : i32
    %dma_start3A_14 = arith.constant 0 : i32
    %dma_start3A_15 = tpu.memref_slice %arg3[%add3A, %dma_start3A_13, %dma_start3A_14] : memref<32x125x80xi32, #tpu.memory_space<hbm>> -> memref<1x125x80xi32, #tpu.memory_space<hbm>>
    %dma_start3A_16 = tpu.memref_squeeze %dma_start3A_15 : memref<1x125x80xi32, #tpu.memory_space<hbm>> -> memref<125x80xi32, #tpu.memory_space<hbm>>
    %dma_start3A_17 = arith.constant 0 : i32
    %dma_start3A_18 = tpu.memref_slice %dma_start3A_16[%min3A_6, %dma_start3A_17] : memref<125x80xi32, #tpu.memory_space<hbm>> -> memref<1x80xi32, #tpu.memory_space<hbm>>
    %dma_start3A_19 = tpu.memref_squeeze %dma_start3A_18 : memref<1x80xi32, #tpu.memory_space<hbm>> -> memref<80xi32, #tpu.memory_space<hbm>>
    tpu.enqueue_dma source(%dma_start3A_19 : memref<80xi32, #tpu.memory_space<hbm>>) target(%arg7 : memref<80xi32, #tpu.memory_space<vmem>>) target_semaphore(%arg15 : memref<!tpu.dma_semaphore, #tpu.memory_space<semaphore_mem>>)
    %min3A_20 = arith.constant 1 : i32
    %min3A_21 = arith.constant 124 : i32
    %min3A_22 = arith.minsi %min3A_20, %min3A_21 : i32
    %dma_start3A_23 = arith.constant 0 : i32
    %dma_start3A_24 = arith.constant 0 : i32
    %dma_start3A_25 = tpu.memref_slice %arg3[%add3A, %dma_start3A_23, %dma_start3A_24] : memref<32x125x80xi32, #tpu.memory_space<hbm>> -> memref<1x125x80xi32, #tpu.memory_space<hbm>>
    %dma_start3A_26 = tpu.memref_squeeze %dma_start3A_25 : memref<1x125x80xi32, #tpu.memory_space<hbm>> -> memref<125x80xi32, #tpu.memory_space<hbm>>
    %dma_start3A_27 = arith.constant 0 : i32
    %dma_start3A_28 = tpu.memref_slice %dma_start3A_26[%min3A_22, %dma_start3A_27] : memref<125x80xi32, #tpu.memory_space<hbm>> -> memref<1x80xi32, #tpu.memory_space<hbm>>
    %dma_start3A_29 = tpu.memref_squeeze %dma_start3A_28 : memref<1x80xi32, #tpu.memory_space<hbm>> -> memref<80xi32, #tpu.memory_space<hbm>>
    %dma_start3A_30 = arith.constant 0 : i32
    %dma_start3A_31 = arith.constant 0 : i32
    %dma_start3A_32 = tpu.memref_slice %arg3[%add3A, %dma_start3A_30, %dma_start3A_31] : memref<32x125x80xi32, #tpu.memory_space<hbm>> -> memref<1x125x80xi32, #tpu.memory_space<hbm>>
    %dma_start3A_33 = tpu.memref_squeeze %dma_start3A_32 : memref<1x125x80xi32, #tpu.memory_space<hbm>> -> memref<125x80xi32, #tpu.memory_space<hbm>>
    %dma_start3A_34 = arith.constant 0 : i32
    %dma_start3A_35 = tpu.memref_slice %dma_start3A_33[%min3A_22, %dma_start3A_34] : memref<125x80xi32, #tpu.memory_space<hbm>> -> memref<1x80xi32, #tpu.memory_space<hbm>>
    %dma_start3A_36 = tpu.memref_squeeze %dma_start3A_35 : memref<1x80xi32, #tpu.memory_space<hbm>> -> memref<80xi32, #tpu.memory_space<hbm>>
    tpu.enqueue_dma source(%dma_start3A_36 : memref<80xi32, #tpu.memory_space<hbm>>) target(%arg8 : memref<80xi32, #tpu.memory_space<vmem>>) target_semaphore(%arg16 : memref<!tpu.dma_semaphore, #tpu.memory_space<semaphore_mem>>)
    %min3A_37 = arith.constant 2 : i32
    %min3A_38 = arith.constant 124 : i32
    %min3A_39 = arith.minsi %min3A_37, %min3A_38 : i32
    %dma_start3A_40 = arith.constant 0 : i32
    %dma_start3A_41 = arith.constant 0 : i32
    %dma_start3A_42 = tpu.memref_slice %arg3[%add3A, %dma_start3A_40, %dma_start3A_41] : memref<32x125x80xi32, #tpu.memory_space<hbm>> -> memref<1x125x80xi32, #tpu.memory_space<hbm>>
    %dma_start3A_43 = tpu.memref_squeeze %dma_start3A_42 : memref<1x125x80xi32, #tpu.memory_space<hbm>> -> memref<125x80xi32, #tpu.memory_space<hbm>>
    %dma_start3A_44 = arith.constant 0 : i32
    %dma_start3A_45 = tpu.memref_slice %dma_start3A_43[%min3A_39, %dma_start3A_44] : memref<125x80xi32, #tpu.memory_space<hbm>> -> memref<1x80xi32, #tpu.memory_space<hbm>>
    %dma_start3A_46 = tpu.memref_squeeze %dma_start3A_45 : memref<1x80xi32, #tpu.memory_space<hbm>> -> memref<80xi32, #tpu.memory_space<hbm>>
    %dma_start3A_47 = arith.constant 0 : i32
    %dma_start3A_48 = arith.constant 0 : i32
    %dma_start3A_49 = tpu.memref_slice %arg3[%add3A, %dma_start3A_47, %dma_start3A_48] : memref<32x125x80xi32, #tpu.memory_space<hbm>> -> memref<1x125x80xi32, #tpu.memory_space<hbm>>
    %dma_start3A_50 = tpu.memref_squeeze %dma_start3A_49 : memref<1x125x80xi32, #tpu.memory_space<hbm>> -> memref<125x80xi32, #tpu.memory_space<hbm>>
    %dma_start3A_51 = arith.constant 0 : i32
    %dma_start3A_52 = tpu.memref_slice %dma_start3A_50[%min3A_39, %dma_start3A_51] : memref<125x80xi32, #tpu.memory_space<hbm>> -> memref<1x80xi32, #tpu.memory_space<hbm>>
    %dma_start3A_53 = tpu.memref_squeeze %dma_start3A_52 : memref<1x80xi32, #tpu.memory_space<hbm>> -> memref<80xi32, #tpu.memory_space<hbm>>
    tpu.enqueue_dma source(%dma_start3A_53 : memref<80xi32, #tpu.memory_space<hbm>>) target(%arg9 : memref<80xi32, #tpu.memory_space<vmem>>) target_semaphore(%arg17 : memref<!tpu.dma_semaphore, #tpu.memory_space<semaphore_mem>>)
    %min3A_54 = arith.constant 3 : i32
    %min3A_55 = arith.constant 124 : i32
    %min3A_56 = arith.minsi %min3A_54, %min3A_55 : i32
    %dma_start3A_57 = arith.constant 0 : i32
    %dma_start3A_58 = arith.constant 0 : i32
    %dma_start3A_59 = tpu.memref_slice %arg3[%add3A, %dma_start3A_57, %dma_start3A_58] : memref<32x125x80xi32, #tpu.memory_space<hbm>> -> memref<1x125x80xi32, #tpu.memory_space<hbm>>
    %dma_start3A_60 = tpu.memref_squeeze %dma_start3A_59 : memref<1x125x80xi32, #tpu.memory_space<hbm>> -> memref<125x80xi32, #tpu.memory_space<hbm>>
    %dma_start3A_61 = arith.constant 0 : i32
    %dma_start3A_62 = tpu.memref_slice %dma_start3A_60[%min3A_56, %dma_start3A_61] : memref<125x80xi32, #tpu.memory_space<hbm>> -> memref<1x80xi32, #tpu.memory_space<hbm>>
    %dma_start3A_63 = tpu.memref_squeeze %dma_start3A_62 : memref<1x80xi32, #tpu.memory_space<hbm>> -> memref<80xi32, #tpu.memory_space<hbm>>
    %dma_start3A_64 = arith.constant 0 : i32
    %dma_start3A_65 = arith.constant 0 : i32
    %dma_start3A_66 = tpu.memref_slice %arg3[%add3A, %dma_start3A_64, %dma_start3A_65] : memref<32x125x80xi32, #tpu.memory_space<hbm>> -> memref<1x125x80xi32, #tpu.memory_space<hbm>>
    %dma_start3A_67 = tpu.memref_squeeze %dma_start3A_66 : memref<1x125x80xi32, #tpu.memory_space<hbm>> -> memref<125x80xi32, #tpu.memory_space<hbm>>
    %dma_start3A_68 = arith.constant 0 : i32
    %dma_start3A_69 = tpu.memref_slice %dma_start3A_67[%min3A_56, %dma_start3A_68] : memref<125x80xi32, #tpu.memory_space<hbm>> -> memref<1x80xi32, #tpu.memory_space<hbm>>
    %dma_start3A_70 = tpu.memref_squeeze %dma_start3A_69 : memref<1x80xi32, #tpu.memory_space<hbm>> -> memref<80xi32, #tpu.memory_space<hbm>>
    tpu.enqueue_dma source(%dma_start3A_70 : memref<80xi32, #tpu.memory_space<hbm>>) target(%arg10 : memref<80xi32, #tpu.memory_space<vmem>>) target_semaphore(%arg18 : memref<!tpu.dma_semaphore, #tpu.memory_space<semaphore_mem>>)
    %dma_wait3A = arith.constant 0 : i32
    %dma_wait3A_71 = arith.constant 0 : i32
    %dma_wait3A_72 = arith.constant 0 : i32
    %dma_wait3A_73 = tpu.memref_slice %arg3[%add3A, %dma_wait3A_71, %dma_wait3A_72] : memref<32x125x80xi32, #tpu.memory_space<hbm>> -> memref<1x125x80xi32, #tpu.memory_space<hbm>>
    %dma_wait3A_74 = tpu.memref_squeeze %dma_wait3A_73 : memref<1x125x80xi32, #tpu.memory_space<hbm>> -> memref<125x80xi32, #tpu.memory_space<hbm>>
    %dma_wait3A_75 = arith.constant 0 : i32
    %dma_wait3A_76 = tpu.memref_slice %dma_wait3A_74[%dma_wait3A, %dma_wait3A_75] : memref<125x80xi32, #tpu.memory_space<hbm>> -> memref<1x80xi32, #tpu.memory_space<hbm>>
    %dma_wait3A_77 = tpu.memref_squeeze %dma_wait3A_76 : memref<1x80xi32, #tpu.memory_space<hbm>> -> memref<80xi32, #tpu.memory_space<hbm>>
    %dma_wait3A_78 = arith.constant 0 : i32
    %dma_wait3A_79 = arith.constant 0 : i32
    %dma_wait3A_80 = tpu.memref_slice %arg3[%add3A, %dma_wait3A_78, %dma_wait3A_79] : memref<32x125x80xi32, #tpu.memory_space<hbm>> -> memref<1x125x80xi32, #tpu.memory_space<hbm>>
    %dma_wait3A_81 = tpu.memref_squeeze %dma_wait3A_80 : memref<1x125x80xi32, #tpu.memory_space<hbm>> -> memref<125x80xi32, #tpu.memory_space<hbm>>
    %dma_wait3A_82 = arith.constant 0 : i32
    %dma_wait3A_83 = tpu.memref_slice %dma_wait3A_81[%dma_wait3A, %dma_wait3A_82] : memref<125x80xi32, #tpu.memory_space<hbm>> -> memref<1x80xi32, #tpu.memory_space<hbm>>
    %dma_wait3A_84 = tpu.memref_squeeze %dma_wait3A_83 : memref<1x80xi32, #tpu.memory_space<hbm>> -> memref<80xi32, #tpu.memory_space<hbm>>
    tpu.wait_dma2 semaphore(%arg15 : memref<!tpu.dma_semaphore, #tpu.memory_space<semaphore_mem>>) src(%dma_wait3A_84 : memref<80xi32, #tpu.memory_space<hbm>>) dst(%arg7 : memref<80xi32, #tpu.memory_space<vmem>>)
    %dma_start3A_85 = arith.constant 0 : i32
    %dma_start3A_86 = arith.constant 0 : i32
    %dma_start3A_87 = tpu.memref_slice %arg2[%dma_start3A_85, %dma_start3A_86] : memref<10000x128xf32, #tpu.memory_space<hbm>> -> memref<10000x128xf32, #tpu.memory_space<hbm>>
    tpu.enqueue_indirect_dma source(%dma_start3A_87 : memref<10000x128xf32, #tpu.memory_space<hbm>>) target(%arg12 : memref<80x128xf32, #tpu.memory_space<vmem>>) offsets(%arg7 : memref<80xi32, #tpu.memory_space<vmem>>) semaphore(%arg19 : memref<!tpu.dma_semaphore, #tpu.memory_space<semaphore_mem>>)
    %scan3A = arith.constant 0 : i32
    %scan3A_88 = arith.constant 31 : i32
    %scan3A_89 = arith.addi %scan3A, %scan3A_88 : i32
    %scan3A_90 = arith.constant 1 : i32
    scf.for %scan3A_160 = %scan3A to %scan3A_89 step %scan3A_90  : i32 {
      %mul3A_161 = arith.constant 1 : i32
      %mul3A_162 = arith.muli %scan3A_160, %mul3A_161 : i32
      %add3A_163 = arith.constant 0 : i32
      %add3A_164 = arith.addi %add3A_163, %mul3A_162 : i32
      %mul3A_165 = arith.constant 4 : i32
      %mul3A_166 = arith.muli %mul3A_165, %add3A_164 : i32
      %dma_wait3A_167 = arith.constant 0 : i32
      %dma_wait3A_168 = arith.constant 0 : i32
      %dma_wait3A_169 = tpu.memref_slice %arg2[%dma_wait3A_167, %dma_wait3A_168] : memref<10000x128xf32, #tpu.memory_space<hbm>> -> memref<10000x128xf32, #tpu.memory_space<hbm>>
      tpu.wait_indirect_dma semaphore(%arg19 : memref<!tpu.dma_semaphore, #tpu.memory_space<semaphore_mem>>) src(%dma_wait3A_169 : memref<10000x128xf32, #tpu.memory_space<hbm>>) dst(%arg12 : memref<80x128xf32, #tpu.memory_space<vmem>>)
      %dma_wait3A_170 = arith.constant 0 : i32
      %dma_wait3A_171 = arith.constant 0 : i32
      %dma_wait3A_172 = arith.constant 0 : i32
      %dma_wait3A_173 = tpu.memref_slice %arg3[%add3A, %dma_wait3A_171, %dma_wait3A_172] : memref<32x125x80xi32, #tpu.memory_space<hbm>> -> memref<1x125x80xi32, #tpu.memory_space<hbm>>
      %dma_wait3A_174 = tpu.memref_squeeze %dma_wait3A_173 : memref<1x125x80xi32, #tpu.memory_space<hbm>> -> memref<125x80xi32, #tpu.memory_space<hbm>>
      %dma_wait3A_175 = arith.constant 0 : i32
      %dma_wait3A_176 = tpu.memref_slice %dma_wait3A_174[%dma_wait3A_170, %dma_wait3A_175] : memref<125x80xi32, #tpu.memory_space<hbm>> -> memref<1x80xi32, #tpu.memory_space<hbm>>
      %dma_wait3A_177 = tpu.memref_squeeze %dma_wait3A_176 : memref<1x80xi32, #tpu.memory_space<hbm>> -> memref<80xi32, #tpu.memory_space<hbm>>
      %dma_wait3A_178 = arith.constant 0 : i32
      %dma_wait3A_179 = arith.constant 0 : i32
      %dma_wait3A_180 = tpu.memref_slice %arg3[%add3A, %dma_wait3A_178, %dma_wait3A_179] : memref<32x125x80xi32, #tpu.memory_space<hbm>> -> memref<1x125x80xi32, #tpu.memory_space<hbm>>
      %dma_wait3A_181 = tpu.memref_squeeze %dma_wait3A_180 : memref<1x125x80xi32, #tpu.memory_space<hbm>> -> memref<125x80xi32, #tpu.memory_space<hbm>>
      %dma_wait3A_182 = arith.constant 0 : i32
      %dma_wait3A_183 = tpu.memref_slice %dma_wait3A_181[%dma_wait3A_170, %dma_wait3A_182] : memref<125x80xi32, #tpu.memory_space<hbm>> -> memref<1x80xi32, #tpu.memory_space<hbm>>
      %dma_wait3A_184 = tpu.memref_squeeze %dma_wait3A_183 : memref<1x80xi32, #tpu.memory_space<hbm>> -> memref<80xi32, #tpu.memory_space<hbm>>
      tpu.wait_dma2 semaphore(%arg16 : memref<!tpu.dma_semaphore, #tpu.memory_space<semaphore_mem>>) src(%dma_wait3A_184 : memref<80xi32, #tpu.memory_space<hbm>>) dst(%arg8 : memref<80xi32, #tpu.memory_space<vmem>>)
      %dma_start3A_185 = arith.constant 0 : i32
      %dma_start3A_186 = arith.constant 0 : i32
      %dma_start3A_187 = tpu.memref_slice %arg2[%dma_start3A_185, %dma_start3A_186] : memref<10000x128xf32, #tpu.memory_space<hbm>> -> memref<10000x128xf32, #tpu.memory_space<hbm>>
      tpu.enqueue_indirect_dma source(%dma_start3A_187 : memref<10000x128xf32, #tpu.memory_space<hbm>>) target(%arg13 : memref<80x128xf32, #tpu.memory_space<vmem>>) offsets(%arg8 : memref<80xi32, #tpu.memory_space<vmem>>) semaphore(%arg20 : memref<!tpu.dma_semaphore, #tpu.memory_space<semaphore_mem>>)
      %dma_start3A_188 = arith.constant 0 : i32
      %dma_start3A_189 = tpu.memref_slice %arg11[%mul3A_166, %dma_start3A_188] : memref<125x80xi32, #tpu.memory_space<vmem>> -> memref<1x80xi32, #tpu.memory_space<vmem>>
      %dma_start3A_190 = tpu.memref_squeeze %dma_start3A_189 : memref<1x80xi32, #tpu.memory_space<vmem>> -> memref<80xi32, #tpu.memory_space<vmem>>
      %dma_start3A_191 = arith.constant 0 : i32
      %dma_start3A_192 = arith.constant 0 : i32
      %dma_start3A_193 = tpu.memref_slice %arg14[%dma_start3A_191, %dma_start3A_192] : memref<10000x128xf32, #tpu.memory_space<vmem_shared>> -> memref<10000x128xf32, #tpu.memory_space<vmem_shared>>
      tpu.enqueue_indirect_dma source(%arg12 : memref<80x128xf32, #tpu.memory_space<vmem>>) target(%dma_start3A_193 : memref<10000x128xf32, #tpu.memory_space<vmem_shared>>) offsets(%dma_start3A_190 : memref<80xi32, #tpu.memory_space<vmem>>) semaphore(%arg21 : memref<!tpu.dma_semaphore, #tpu.memory_space<semaphore_mem>>) {add = true}
      %dma_wait3A_194 = arith.constant 0 : i32
      %dma_wait3A_195 = arith.constant 0 : i32
      %dma_wait3A_196 = tpu.memref_slice %arg2[%dma_wait3A_194, %dma_wait3A_195] : memref<10000x128xf32, #tpu.memory_space<hbm>> -> memref<10000x128xf32, #tpu.memory_space<hbm>>
      tpu.wait_indirect_dma semaphore(%arg20 : memref<!tpu.dma_semaphore, #tpu.memory_space<semaphore_mem>>) src(%dma_wait3A_196 : memref<10000x128xf32, #tpu.memory_space<hbm>>) dst(%arg13 : memref<80x128xf32, #tpu.memory_space<vmem>>)
      %dma_wait3A_197 = arith.constant 0 : i32
      %dma_wait3A_198 = arith.constant 0 : i32
      %dma_wait3A_199 = tpu.memref_slice %arg11[%dma_wait3A_197, %dma_wait3A_198] : memref<125x80xi32, #tpu.memory_space<vmem>> -> memref<1x80xi32, #tpu.memory_space<vmem>>
      %dma_wait3A_200 = tpu.memref_squeeze %dma_wait3A_199 : memref<1x80xi32, #tpu.memory_space<vmem>> -> memref<80xi32, #tpu.memory_space<vmem>>
      %dma_wait3A_201 = arith.constant 0 : i32
      %dma_wait3A_202 = arith.constant 0 : i32
      %dma_wait3A_203 = tpu.memref_slice %arg14[%dma_wait3A_201, %dma_wait3A_202] : memref<10000x128xf32, #tpu.memory_space<vmem_shared>> -> memref<10000x128xf32, #tpu.memory_space<vmem_shared>>
      tpu.wait_indirect_dma semaphore(%arg21 : memref<!tpu.dma_semaphore, #tpu.memory_space<semaphore_mem>>) src(%arg12 : memref<80x128xf32, #tpu.memory_space<vmem>>) dst(%dma_wait3A_203 : memref<10000x128xf32, #tpu.memory_space<vmem_shared>>)
      %dma_wait3A_204 = arith.constant 0 : i32
      %dma_wait3A_205 = arith.constant 0 : i32
      %dma_wait3A_206 = arith.constant 0 : i32
      %dma_wait3A_207 = tpu.memref_slice %arg3[%add3A, %dma_wait3A_205, %dma_wait3A_206] : memref<32x125x80xi32, #tpu.memory_space<hbm>> -> memref<1x125x80xi32, #tpu.memory_space<hbm>>
      %dma_wait3A_208 = tpu.memref_squeeze %dma_wait3A_207 : memref<1x125x80xi32, #tpu.memory_space<hbm>> -> memref<125x80xi32, #tpu.memory_space<hbm>>
      %dma_wait3A_209 = arith.constant 0 : i32
      %dma_wait3A_210 = tpu.memref_slice %dma_wait3A_208[%dma_wait3A_204, %dma_wait3A_209] : memref<125x80xi32, #tpu.memory_space<hbm>> -> memref<1x80xi32, #tpu.memory_space<hbm>>
      %dma_wait3A_211 = tpu.memref_squeeze %dma_wait3A_210 : memref<1x80xi32, #tpu.memory_space<hbm>> -> memref<80xi32, #tpu.memory_space<hbm>>
      %dma_wait3A_212 = arith.constant 0 : i32
      %dma_wait3A_213 = arith.constant 0 : i32
      %dma_wait3A_214 = tpu.memref_slice %arg3[%add3A, %dma_wait3A_212, %dma_wait3A_213] : memref<32x125x80xi32, #tpu.memory_space<hbm>> -> memref<1x125x80xi32, #tpu.memory_space<hbm>>
      %dma_wait3A_215 = tpu.memref_squeeze %dma_wait3A_214 : memref<1x125x80xi32, #tpu.memory_space<hbm>> -> memref<125x80xi32, #tpu.memory_space<hbm>>
      %dma_wait3A_216 = arith.constant 0 : i32
      %dma_wait3A_217 = tpu.memref_slice %dma_wait3A_215[%dma_wait3A_204, %dma_wait3A_216] : memref<125x80xi32, #tpu.memory_space<hbm>> -> memref<1x80xi32, #tpu.memory_space<hbm>>
      %dma_wait3A_218 = tpu.memref_squeeze %dma_wait3A_217 : memref<1x80xi32, #tpu.memory_space<hbm>> -> memref<80xi32, #tpu.memory_space<hbm>>
      tpu.wait_dma2 semaphore(%arg17 : memref<!tpu.dma_semaphore, #tpu.memory_space<semaphore_mem>>) src(%dma_wait3A_218 : memref<80xi32, #tpu.memory_space<hbm>>) dst(%arg9 : memref<80xi32, #tpu.memory_space<vmem>>)
      %dma_start3A_219 = arith.constant 0 : i32
      %dma_start3A_220 = arith.constant 0 : i32
      %dma_start3A_221 = tpu.memref_slice %arg2[%dma_start3A_219, %dma_start3A_220] : memref<10000x128xf32, #tpu.memory_space<hbm>> -> memref<10000x128xf32, #tpu.memory_space<hbm>>
      tpu.enqueue_indirect_dma source(%dma_start3A_221 : memref<10000x128xf32, #tpu.memory_space<hbm>>) target(%arg12 : memref<80x128xf32, #tpu.memory_space<vmem>>) offsets(%arg9 : memref<80xi32, #tpu.memory_space<vmem>>) semaphore(%arg19 : memref<!tpu.dma_semaphore, #tpu.memory_space<semaphore_mem>>)
      %add3A_222 = arith.constant 4 : i32
      %add3A_223 = arith.addi %mul3A_166, %add3A_222 : i32
      %min3A_224 = arith.constant 124 : i32
      %min3A_225 = arith.minsi %add3A_223, %min3A_224 : i32
      %dma_start3A_226 = arith.constant 0 : i32
      %dma_start3A_227 = arith.constant 0 : i32
      %dma_start3A_228 = tpu.memref_slice %arg3[%add3A, %dma_start3A_226, %dma_start3A_227] : memref<32x125x80xi32, #tpu.memory_space<hbm>> -> memref<1x125x80xi32, #tpu.memory_space<hbm>>
      %dma_start3A_229 = tpu.memref_squeeze %dma_start3A_228 : memref<1x125x80xi32, #tpu.memory_space<hbm>> -> memref<125x80xi32, #tpu.memory_space<hbm>>
      %dma_start3A_230 = arith.constant 0 : i32
      %dma_start3A_231 = tpu.memref_slice %dma_start3A_229[%min3A_225, %dma_start3A_230] : memref<125x80xi32, #tpu.memory_space<hbm>> -> memref<1x80xi32, #tpu.memory_space<hbm>>
      %dma_start3A_232 = tpu.memref_squeeze %dma_start3A_231 : memref<1x80xi32, #tpu.memory_space<hbm>> -> memref<80xi32, #tpu.memory_space<hbm>>
      %dma_start3A_233 = arith.constant 0 : i32
      %dma_start3A_234 = arith.constant 0 : i32
      %dma_start3A_235 = tpu.memref_slice %arg3[%add3A, %dma_start3A_233, %dma_start3A_234] : memref<32x125x80xi32, #tpu.memory_space<hbm>> -> memref<1x125x80xi32, #tpu.memory_space<hbm>>
      %dma_start3A_236 = tpu.memref_squeeze %dma_start3A_235 : memref<1x125x80xi32, #tpu.memory_space<hbm>> -> memref<125x80xi32, #tpu.memory_space<hbm>>
      %dma_start3A_237 = arith.constant 0 : i32
      %dma_start3A_238 = tpu.memref_slice %dma_start3A_236[%min3A_225, %dma_start3A_237] : memref<125x80xi32, #tpu.memory_space<hbm>> -> memref<1x80xi32, #tpu.memory_space<hbm>>
      %dma_start3A_239 = tpu.memref_squeeze %dma_start3A_238 : memref<1x80xi32, #tpu.memory_space<hbm>> -> memref<80xi32, #tpu.memory_space<hbm>>
      tpu.enqueue_dma source(%dma_start3A_239 : memref<80xi32, #tpu.memory_space<hbm>>) target(%arg7 : memref<80xi32, #tpu.memory_space<vmem>>) target_semaphore(%arg15 : memref<!tpu.dma_semaphore, #tpu.memory_space<semaphore_mem>>)
      %add3A_240 = arith.constant 1 : i32
      %add3A_241 = arith.addi %mul3A_166, %add3A_240 : i32
      %dma_start3A_242 = arith.constant 0 : i32
      %dma_start3A_243 = tpu.memref_slice %arg11[%add3A_241, %dma_start3A_242] : memref<125x80xi32, #tpu.memory_space<vmem>> -> memref<1x80xi32, #tpu.memory_space<vmem>>
      %dma_start3A_244 = tpu.memref_squeeze %dma_start3A_243 : memref<1x80xi32, #tpu.memory_space<vmem>> -> memref<80xi32, #tpu.memory_space<vmem>>
      %dma_start3A_245 = arith.constant 0 : i32
      %dma_start3A_246 = arith.constant 0 : i32
      %dma_start3A_247 = tpu.memref_slice %arg14[%dma_start3A_245, %dma_start3A_246] : memref<10000x128xf32, #tpu.memory_space<vmem_shared>> -> memref<10000x128xf32, #tpu.memory_space<vmem_shared>>
      tpu.enqueue_indirect_dma source(%arg13 : memref<80x128xf32, #tpu.memory_space<vmem>>) target(%dma_start3A_247 : memref<10000x128xf32, #tpu.memory_space<vmem_shared>>) offsets(%dma_start3A_244 : memref<80xi32, #tpu.memory_space<vmem>>) semaphore(%arg22 : memref<!tpu.dma_semaphore, #tpu.memory_space<semaphore_mem>>) {add = true}
      %dma_wait3A_248 = arith.constant 0 : i32
      %dma_wait3A_249 = arith.constant 0 : i32
      %dma_wait3A_250 = tpu.memref_slice %arg2[%dma_wait3A_248, %dma_wait3A_249] : memref<10000x128xf32, #tpu.memory_space<hbm>> -> memref<10000x128xf32, #tpu.memory_space<hbm>>
      tpu.wait_indirect_dma semaphore(%arg19 : memref<!tpu.dma_semaphore, #tpu.memory_space<semaphore_mem>>) src(%dma_wait3A_250 : memref<10000x128xf32, #tpu.memory_space<hbm>>) dst(%arg12 : memref<80x128xf32, #tpu.memory_space<vmem>>)
      %dma_wait3A_251 = arith.constant 0 : i32
      %dma_wait3A_252 = arith.constant 0 : i32
      %dma_wait3A_253 = tpu.memref_slice %arg11[%dma_wait3A_251, %dma_wait3A_252] : memref<125x80xi32, #tpu.memory_space<vmem>> -> memref<1x80xi32, #tpu.memory_space<vmem>>
      %dma_wait3A_254 = tpu.memref_squeeze %dma_wait3A_253 : memref<1x80xi32, #tpu.memory_space<vmem>> -> memref<80xi32, #tpu.memory_space<vmem>>
      %dma_wait3A_255 = arith.constant 0 : i32
      %dma_wait3A_256 = arith.constant 0 : i32
      %dma_wait3A_257 = tpu.memref_slice %arg14[%dma_wait3A_255, %dma_wait3A_256] : memref<10000x128xf32, #tpu.memory_space<vmem_shared>> -> memref<10000x128xf32, #tpu.memory_space<vmem_shared>>
      tpu.wait_indirect_dma semaphore(%arg22 : memref<!tpu.dma_semaphore, #tpu.memory_space<semaphore_mem>>) src(%arg13 : memref<80x128xf32, #tpu.memory_space<vmem>>) dst(%dma_wait3A_257 : memref<10000x128xf32, #tpu.memory_space<vmem_shared>>)
      %dma_wait3A_258 = arith.constant 0 : i32
      %dma_wait3A_259 = arith.constant 0 : i32
      %dma_wait3A_260 = arith.constant 0 : i32
      %dma_wait3A_261 = tpu.memref_slice %arg3[%add3A, %dma_wait3A_259, %dma_wait3A_260] : memref<32x125x80xi32, #tpu.memory_space<hbm>> -> memref<1x125x80xi32, #tpu.memory_space<hbm>>
      %dma_wait3A_262 = tpu.memref_squeeze %dma_wait3A_261 : memref<1x125x80xi32, #tpu.memory_space<hbm>> -> memref<125x80xi32, #tpu.memory_space<hbm>>
      %dma_wait3A_263 = arith.constant 0 : i32
      %dma_wait3A_264 = tpu.memref_slice %dma_wait3A_262[%dma_wait3A_258, %dma_wait3A_263] : memref<125x80xi32, #tpu.memory_space<hbm>> -> memref<1x80xi32, #tpu.memory_space<hbm>>
      %dma_wait3A_265 = tpu.memref_squeeze %dma_wait3A_264 : memref<1x80xi32, #tpu.memory_space<hbm>> -> memref<80xi32, #tpu.memory_space<hbm>>
      %dma_wait3A_266 = arith.constant 0 : i32
      %dma_wait3A_267 = arith.constant 0 : i32
      %dma_wait3A_268 = tpu.memref_slice %arg3[%add3A, %dma_wait3A_266, %dma_wait3A_267] : memref<32x125x80xi32, #tpu.memory_space<hbm>> -> memref<1x125x80xi32, #tpu.memory_space<hbm>>
      %dma_wait3A_269 = tpu.memref_squeeze %dma_wait3A_268 : memref<1x125x80xi32, #tpu.memory_space<hbm>> -> memref<125x80xi32, #tpu.memory_space<hbm>>
      %dma_wait3A_270 = arith.constant 0 : i32
      %dma_wait3A_271 = tpu.memref_slice %dma_wait3A_269[%dma_wait3A_258, %dma_wait3A_270] : memref<125x80xi32, #tpu.memory_space<hbm>> -> memref<1x80xi32, #tpu.memory_space<hbm>>
      %dma_wait3A_272 = tpu.memref_squeeze %dma_wait3A_271 : memref<1x80xi32, #tpu.memory_space<hbm>> -> memref<80xi32, #tpu.memory_space<hbm>>
      tpu.wait_dma2 semaphore(%arg18 : memref<!tpu.dma_semaphore, #tpu.memory_space<semaphore_mem>>) src(%dma_wait3A_272 : memref<80xi32, #tpu.memory_space<hbm>>) dst(%arg10 : memref<80xi32, #tpu.memory_space<vmem>>)
      %dma_start3A_273 = arith.constant 0 : i32
      %dma_start3A_274 = arith.constant 0 : i32
      %dma_start3A_275 = tpu.memref_slice %arg2[%dma_start3A_273, %dma_start3A_274] : memref<10000x128xf32, #tpu.memory_space<hbm>> -> memref<10000x128xf32, #tpu.memory_space<hbm>>
      tpu.enqueue_indirect_dma source(%dma_start3A_275 : memref<10000x128xf32, #tpu.memory_space<hbm>>) target(%arg13 : memref<80x128xf32, #tpu.memory_space<vmem>>) offsets(%arg10 : memref<80xi32, #tpu.memory_space<vmem>>) semaphore(%arg20 : memref<!tpu.dma_semaphore, #tpu.memory_space<semaphore_mem>>)
      %add3A_276 = arith.constant 5 : i32
      %add3A_277 = arith.addi %mul3A_166, %add3A_276 : i32
      %min3A_278 = arith.constant 124 : i32
      %min3A_279 = arith.minsi %add3A_277, %min3A_278 : i32
      %dma_start3A_280 = arith.constant 0 : i32
      %dma_start3A_281 = arith.constant 0 : i32
      %dma_start3A_282 = tpu.memref_slice %arg3[%add3A, %dma_start3A_280, %dma_start3A_281] : memref<32x125x80xi32, #tpu.memory_space<hbm>> -> memref<1x125x80xi32, #tpu.memory_space<hbm>>
      %dma_start3A_283 = tpu.memref_squeeze %dma_start3A_282 : memref<1x125x80xi32, #tpu.memory_space<hbm>> -> memref<125x80xi32, #tpu.memory_space<hbm>>
      %dma_start3A_284 = arith.constant 0 : i32
      %dma_start3A_285 = tpu.memref_slice %dma_start3A_283[%min3A_279, %dma_start3A_284] : memref<125x80xi32, #tpu.memory_space<hbm>> -> memref<1x80xi32, #tpu.memory_space<hbm>>
      %dma_start3A_286 = tpu.memref_squeeze %dma_start3A_285 : memref<1x80xi32, #tpu.memory_space<hbm>> -> memref<80xi32, #tpu.memory_space<hbm>>
      %dma_start3A_287 = arith.constant 0 : i32
      %dma_start3A_288 = arith.constant 0 : i32
      %dma_start3A_289 = tpu.memref_slice %arg3[%add3A, %dma_start3A_287, %dma_start3A_288] : memref<32x125x80xi32, #tpu.memory_space<hbm>> -> memref<1x125x80xi32, #tpu.memory_space<hbm>>
      %dma_start3A_290 = tpu.memref_squeeze %dma_start3A_289 : memref<1x125x80xi32, #tpu.memory_space<hbm>> -> memref<125x80xi32, #tpu.memory_space<hbm>>
      %dma_start3A_291 = arith.constant 0 : i32
      %dma_start3A_292 = tpu.memref_slice %dma_start3A_290[%min3A_279, %dma_start3A_291] : memref<125x80xi32, #tpu.memory_space<hbm>> -> memref<1x80xi32, #tpu.memory_space<hbm>>
      %dma_start3A_293 = tpu.memref_squeeze %dma_start3A_292 : memref<1x80xi32, #tpu.memory_space<hbm>> -> memref<80xi32, #tpu.memory_space<hbm>>
      tpu.enqueue_dma source(%dma_start3A_293 : memref<80xi32, #tpu.memory_space<hbm>>) target(%arg8 : memref<80xi32, #tpu.memory_space<vmem>>) target_semaphore(%arg16 : memref<!tpu.dma_semaphore, #tpu.memory_space<semaphore_mem>>)
      %add3A_294 = arith.constant 2 : i32
      %add3A_295 = arith.addi %mul3A_166, %add3A_294 : i32
      %dma_start3A_296 = arith.constant 0 : i32
      %dma_start3A_297 = tpu.memref_slice %arg11[%add3A_295, %dma_start3A_296] : memref<125x80xi32, #tpu.memory_space<vmem>> -> memref<1x80xi32, #tpu.memory_space<vmem>>
      %dma_start3A_298 = tpu.memref_squeeze %dma_start3A_297 : memref<1x80xi32, #tpu.memory_space<vmem>> -> memref<80xi32, #tpu.memory_space<vmem>>
      %dma_start3A_299 = arith.constant 0 : i32
      %dma_start3A_300 = arith.constant 0 : i32
      %dma_start3A_301 = tpu.memref_slice %arg14[%dma_start3A_299, %dma_start3A_300] : memref<10000x128xf32, #tpu.memory_space<vmem_shared>> -> memref<10000x128xf32, #tpu.memory_space<vmem_shared>>
      tpu.enqueue_indirect_dma source(%arg12 : memref<80x128xf32, #tpu.memory_space<vmem>>) target(%dma_start3A_301 : memref<10000x128xf32, #tpu.memory_space<vmem_shared>>) offsets(%dma_start3A_298 : memref<80xi32, #tpu.memory_space<vmem>>) semaphore(%arg21 : memref<!tpu.dma_semaphore, #tpu.memory_space<semaphore_mem>>) {add = true}
      %dma_wait3A_302 = arith.constant 0 : i32
      %dma_wait3A_303 = arith.constant 0 : i32
      %dma_wait3A_304 = tpu.memref_slice %arg2[%dma_wait3A_302, %dma_wait3A_303] : memref<10000x128xf32, #tpu.memory_space<hbm>> -> memref<10000x128xf32, #tpu.memory_space<hbm>>
      tpu.wait_indirect_dma semaphore(%arg20 : memref<!tpu.dma_semaphore, #tpu.memory_space<semaphore_mem>>) src(%dma_wait3A_304 : memref<10000x128xf32, #tpu.memory_space<hbm>>) dst(%arg13 : memref<80x128xf32, #tpu.memory_space<vmem>>)
      %dma_wait3A_305 = arith.constant 0 : i32
      %dma_wait3A_306 = arith.constant 0 : i32
      %dma_wait3A_307 = tpu.memref_slice %arg11[%dma_wait3A_305, %dma_wait3A_306] : memref<125x80xi32, #tpu.memory_space<vmem>> -> memref<1x80xi32, #tpu.memory_space<vmem>>
      %dma_wait3A_308 = tpu.memref_squeeze %dma_wait3A_307 : memref<1x80xi32, #tpu.memory_space<vmem>> -> memref<80xi32, #tpu.memory_space<vmem>>
      %dma_wait3A_309 = arith.constant 0 : i32
      %dma_wait3A_310 = arith.constant 0 : i32
      %dma_wait3A_311 = tpu.memref_slice %arg14[%dma_wait3A_309, %dma_wait3A_310] : memref<10000x128xf32, #tpu.memory_space<vmem_shared>> -> memref<10000x128xf32, #tpu.memory_space<vmem_shared>>
      tpu.wait_indirect_dma semaphore(%arg21 : memref<!tpu.dma_semaphore, #tpu.memory_space<semaphore_mem>>) src(%arg12 : memref<80x128xf32, #tpu.memory_space<vmem>>) dst(%dma_wait3A_311 : memref<10000x128xf32, #tpu.memory_space<vmem_shared>>)
      %add3A_312 = arith.constant 6 : i32
      %add3A_313 = arith.addi %mul3A_166, %add3A_312 : i32
      %min3A_314 = arith.constant 124 : i32
      %min3A_315 = arith.minsi %add3A_313, %min3A_314 : i32
      %dma_start3A_316 = arith.constant 0 : i32
      %dma_start3A_317 = arith.constant 0 : i32
      %dma_start3A_318 = tpu.memref_slice %arg3[%add3A, %dma_start3A_316, %dma_start3A_317] : memref<32x125x80xi32, #tpu.memory_space<hbm>> -> memref<1x125x80xi32, #tpu.memory_space<hbm>>
      %dma_start3A_319 = tpu.memref_squeeze %dma_start3A_318 : memref<1x125x80xi32, #tpu.memory_space<hbm>> -> memref<125x80xi32, #tpu.memory_space<hbm>>
      %dma_start3A_320 = arith.constant 0 : i32
      %dma_start3A_321 = tpu.memref_slice %dma_start3A_319[%min3A_315, %dma_start3A_320] : memref<125x80xi32, #tpu.memory_space<hbm>> -> memref<1x80xi32, #tpu.memory_space<hbm>>
      %dma_start3A_322 = tpu.memref_squeeze %dma_start3A_321 : memref<1x80xi32, #tpu.memory_space<hbm>> -> memref<80xi32, #tpu.memory_space<hbm>>
      %dma_start3A_323 = arith.constant 0 : i32
      %dma_start3A_324 = arith.constant 0 : i32
      %dma_start3A_325 = tpu.memref_slice %arg3[%add3A, %dma_start3A_323, %dma_start3A_324] : memref<32x125x80xi32, #tpu.memory_space<hbm>> -> memref<1x125x80xi32, #tpu.memory_space<hbm>>
      %dma_start3A_326 = tpu.memref_squeeze %dma_start3A_325 : memref<1x125x80xi32, #tpu.memory_space<hbm>> -> memref<125x80xi32, #tpu.memory_space<hbm>>
      %dma_start3A_327 = arith.constant 0 : i32
      %dma_start3A_328 = tpu.memref_slice %dma_start3A_326[%min3A_315, %dma_start3A_327] : memref<125x80xi32, #tpu.memory_space<hbm>> -> memref<1x80xi32, #tpu.memory_space<hbm>>
      %dma_start3A_329 = tpu.memref_squeeze %dma_start3A_328 : memref<1x80xi32, #tpu.memory_space<hbm>> -> memref<80xi32, #tpu.memory_space<hbm>>
      tpu.enqueue_dma source(%dma_start3A_329 : memref<80xi32, #tpu.memory_space<hbm>>) target(%arg9 : memref<80xi32, #tpu.memory_space<vmem>>) target_semaphore(%arg17 : memref<!tpu.dma_semaphore, #tpu.memory_space<semaphore_mem>>)
      %dma_wait3A_330 = arith.constant 0 : i32
      %dma_wait3A_331 = arith.constant 0 : i32
      %dma_wait3A_332 = arith.constant 0 : i32
      %dma_wait3A_333 = tpu.memref_slice %arg3[%add3A, %dma_wait3A_331, %dma_wait3A_332] : memref<32x125x80xi32, #tpu.memory_space<hbm>> -> memref<1x125x80xi32, #tpu.memory_space<hbm>>
      %dma_wait3A_334 = tpu.memref_squeeze %dma_wait3A_333 : memref<1x125x80xi32, #tpu.memory_space<hbm>> -> memref<125x80xi32, #tpu.memory_space<hbm>>
      %dma_wait3A_335 = arith.constant 0 : i32
      %dma_wait3A_336 = tpu.memref_slice %dma_wait3A_334[%dma_wait3A_330, %dma_wait3A_335] : memref<125x80xi32, #tpu.memory_space<hbm>> -> memref<1x80xi32, #tpu.memory_space<hbm>>
      %dma_wait3A_337 = tpu.memref_squeeze %dma_wait3A_336 : memref<1x80xi32, #tpu.memory_space<hbm>> -> memref<80xi32, #tpu.memory_space<hbm>>
      %dma_wait3A_338 = arith.constant 0 : i32
      %dma_wait3A_339 = arith.constant 0 : i32
      %dma_wait3A_340 = tpu.memref_slice %arg3[%add3A, %dma_wait3A_338, %dma_wait3A_339] : memref<32x125x80xi32, #tpu.memory_space<hbm>> -> memref<1x125x80xi32, #tpu.memory_space<hbm>>
      %dma_wait3A_341 = tpu.memref_squeeze %dma_wait3A_340 : memref<1x125x80xi32, #tpu.memory_space<hbm>> -> memref<125x80xi32, #tpu.memory_space<hbm>>
      %dma_wait3A_342 = arith.constant 0 : i32
      %dma_wait3A_343 = tpu.memref_slice %dma_wait3A_341[%dma_wait3A_330, %dma_wait3A_342] : memref<125x80xi32, #tpu.memory_space<hbm>> -> memref<1x80xi32, #tpu.memory_space<hbm>>
      %dma_wait3A_344 = tpu.memref_squeeze %dma_wait3A_343 : memref<1x80xi32, #tpu.memory_space<hbm>> -> memref<80xi32, #tpu.memory_space<hbm>>
      tpu.wait_dma2 semaphore(%arg15 : memref<!tpu.dma_semaphore, #tpu.memory_space<semaphore_mem>>) src(%dma_wait3A_344 : memref<80xi32, #tpu.memory_space<hbm>>) dst(%arg7 : memref<80xi32, #tpu.memory_space<vmem>>)
      %dma_start3A_345 = arith.constant 0 : i32
      %dma_start3A_346 = arith.constant 0 : i32
      %dma_start3A_347 = tpu.memref_slice %arg2[%dma_start3A_345, %dma_start3A_346] : memref<10000x128xf32, #tpu.memory_space<hbm>> -> memref<10000x128xf32, #tpu.memory_space<hbm>>
      tpu.enqueue_indirect_dma source(%dma_start3A_347 : memref<10000x128xf32, #tpu.memory_space<hbm>>) target(%arg12 : memref<80x128xf32, #tpu.memory_space<vmem>>) offsets(%arg7 : memref<80xi32, #tpu.memory_space<vmem>>) semaphore(%arg19 : memref<!tpu.dma_semaphore, #tpu.memory_space<semaphore_mem>>)
      %add3A_348 = arith.constant 7 : i32
      %add3A_349 = arith.addi %mul3A_166, %add3A_348 : i32
      %min3A_350 = arith.constant 124 : i32
      %min3A_351 = arith.minsi %add3A_349, %min3A_350 : i32
      %dma_start3A_352 = arith.constant 0 : i32
      %dma_start3A_353 = arith.constant 0 : i32
      %dma_start3A_354 = tpu.memref_slice %arg3[%add3A, %dma_start3A_352, %dma_start3A_353] : memref<32x125x80xi32, #tpu.memory_space<hbm>> -> memref<1x125x80xi32, #tpu.memory_space<hbm>>
      %dma_start3A_355 = tpu.memref_squeeze %dma_start3A_354 : memref<1x125x80xi32, #tpu.memory_space<hbm>> -> memref<125x80xi32, #tpu.memory_space<hbm>>
      %dma_start3A_356 = arith.constant 0 : i32
      %dma_start3A_357 = tpu.memref_slice %dma_start3A_355[%min3A_351, %dma_start3A_356] : memref<125x80xi32, #tpu.memory_space<hbm>> -> memref<1x80xi32, #tpu.memory_space<hbm>>
      %dma_start3A_358 = tpu.memref_squeeze %dma_start3A_357 : memref<1x80xi32, #tpu.memory_space<hbm>> -> memref<80xi32, #tpu.memory_space<hbm>>
      %dma_start3A_359 = arith.constant 0 : i32
      %dma_start3A_360 = arith.constant 0 : i32
      %dma_start3A_361 = tpu.memref_slice %arg3[%add3A, %dma_start3A_359, %dma_start3A_360] : memref<32x125x80xi32, #tpu.memory_space<hbm>> -> memref<1x125x80xi32, #tpu.memory_space<hbm>>
      %dma_start3A_362 = tpu.memref_squeeze %dma_start3A_361 : memref<1x125x80xi32, #tpu.memory_space<hbm>> -> memref<125x80xi32, #tpu.memory_space<hbm>>
      %dma_start3A_363 = arith.constant 0 : i32
      %dma_start3A_364 = tpu.memref_slice %dma_start3A_362[%min3A_351, %dma_start3A_363] : memref<125x80xi32, #tpu.memory_space<hbm>> -> memref<1x80xi32, #tpu.memory_space<hbm>>
      %dma_start3A_365 = tpu.memref_squeeze %dma_start3A_364 : memref<1x80xi32, #tpu.memory_space<hbm>> -> memref<80xi32, #tpu.memory_space<hbm>>
      tpu.enqueue_dma source(%dma_start3A_365 : memref<80xi32, #tpu.memory_space<hbm>>) target(%arg10 : memref<80xi32, #tpu.memory_space<vmem>>) target_semaphore(%arg18 : memref<!tpu.dma_semaphore, #tpu.memory_space<semaphore_mem>>)
      %add3A_366 = arith.constant 3 : i32
      %add3A_367 = arith.addi %mul3A_166, %add3A_366 : i32
      %dma_start3A_368 = arith.constant 0 : i32
      %dma_start3A_369 = tpu.memref_slice %arg11[%add3A_367, %dma_start3A_368] : memref<125x80xi32, #tpu.memory_space<vmem>> -> memref<1x80xi32, #tpu.memory_space<vmem>>
      %dma_start3A_370 = tpu.memref_squeeze %dma_start3A_369 : memref<1x80xi32, #tpu.memory_space<vmem>> -> memref<80xi32, #tpu.memory_space<vmem>>
      %dma_start3A_371 = arith.constant 0 : i32
      %dma_start3A_372 = arith.constant 0 : i32
      %dma_start3A_373 = tpu.memref_slice %arg14[%dma_start3A_371, %dma_start3A_372] : memref<10000x128xf32, #tpu.memory_space<vmem_shared>> -> memref<10000x128xf32, #tpu.memory_space<vmem_shared>>
      tpu.enqueue_indirect_dma source(%arg13 : memref<80x128xf32, #tpu.memory_space<vmem>>) target(%dma_start3A_373 : memref<10000x128xf32, #tpu.memory_space<vmem_shared>>) offsets(%dma_start3A_370 : memref<80xi32, #tpu.memory_space<vmem>>) semaphore(%arg22 : memref<!tpu.dma_semaphore, #tpu.memory_space<semaphore_mem>>) {add = true}
      %dma_wait3A_374 = arith.constant 0 : i32
      %dma_wait3A_375 = arith.constant 0 : i32
      %dma_wait3A_376 = tpu.memref_slice %arg11[%dma_wait3A_374, %dma_wait3A_375] : memref<125x80xi32, #tpu.memory_space<vmem>> -> memref<1x80xi32, #tpu.memory_space<vmem>>
      %dma_wait3A_377 = tpu.memref_squeeze %dma_wait3A_376 : memref<1x80xi32, #tpu.memory_space<vmem>> -> memref<80xi32, #tpu.memory_space<vmem>>
      %dma_wait3A_378 = arith.constant 0 : i32
      %dma_wait3A_379 = arith.constant 0 : i32
      %dma_wait3A_380 = tpu.memref_slice %arg14[%dma_wait3A_378, %dma_wait3A_379] : memref<10000x128xf32, #tpu.memory_space<vmem_shared>> -> memref<10000x128xf32, #tpu.memory_space<vmem_shared>>
      tpu.wait_indirect_dma semaphore(%arg22 : memref<!tpu.dma_semaphore, #tpu.memory_space<semaphore_mem>>) src(%arg13 : memref<80x128xf32, #tpu.memory_space<vmem>>) dst(%dma_wait3A_380 : memref<10000x128xf32, #tpu.memory_space<vmem_shared>>)
    }
    %scan3A_91 = arith.constant 31 : i32
    %dma_wait3A_92 = arith.constant 0 : i32
    %dma_wait3A_93 = arith.constant 0 : i32
    %dma_wait3A_94 = tpu.memref_slice %arg2[%dma_wait3A_92, %dma_wait3A_93] : memref<10000x128xf32, #tpu.memory_space<hbm>> -> memref<10000x128xf32, #tpu.memory_space<hbm>>
    tpu.wait_indirect_dma semaphore(%arg19 : memref<!tpu.dma_semaphore, #tpu.memory_space<semaphore_mem>>) src(%dma_wait3A_94 : memref<10000x128xf32, #tpu.memory_space<hbm>>) dst(%arg12 : memref<80x128xf32, #tpu.memory_space<vmem>>)
    %dma_start3A_95 = arith.constant 124 : i32
    %dma_start3A_96 = arith.constant 0 : i32
    %dma_start3A_97 = tpu.memref_slice %arg11[%dma_start3A_95, %dma_start3A_96] : memref<125x80xi32, #tpu.memory_space<vmem>> -> memref<1x80xi32, #tpu.memory_space<vmem>>
    %dma_start3A_98 = tpu.memref_squeeze %dma_start3A_97 : memref<1x80xi32, #tpu.memory_space<vmem>> -> memref<80xi32, #tpu.memory_space<vmem>>
    %dma_start3A_99 = arith.constant 0 : i32
    %dma_start3A_100 = arith.constant 0 : i32
    %dma_start3A_101 = tpu.memref_slice %arg14[%dma_start3A_99, %dma_start3A_100] : memref<10000x128xf32, #tpu.memory_space<vmem_shared>> -> memref<10000x128xf32, #tpu.memory_space<vmem_shared>>
    tpu.enqueue_indirect_dma source(%arg12 : memref<80x128xf32, #tpu.memory_space<vmem>>) target(%dma_start3A_101 : memref<10000x128xf32, #tpu.memory_space<vmem_shared>>) offsets(%dma_start3A_98 : memref<80xi32, #tpu.memory_space<vmem>>) semaphore(%arg21 : memref<!tpu.dma_semaphore, #tpu.memory_space<semaphore_mem>>) {add = true}
    %dma_wait3A_102 = arith.constant 0 : i32
    %dma_wait3A_103 = arith.constant 0 : i32
    %dma_wait3A_104 = tpu.memref_slice %arg11[%dma_wait3A_102, %dma_wait3A_103] : memref<125x80xi32, #tpu.memory_space<vmem>> -> memref<1x80xi32, #tpu.memory_space<vmem>>
    %dma_wait3A_105 = tpu.memref_squeeze %dma_wait3A_104 : memref<1x80xi32, #tpu.memory_space<vmem>> -> memref<80xi32, #tpu.memory_space<vmem>>
    %dma_wait3A_106 = arith.constant 0 : i32
    %dma_wait3A_107 = arith.constant 0 : i32
    %dma_wait3A_108 = tpu.memref_slice %arg14[%dma_wait3A_106, %dma_wait3A_107] : memref<10000x128xf32, #tpu.memory_space<vmem_shared>> -> memref<10000x128xf32, #tpu.memory_space<vmem_shared>>
    tpu.wait_indirect_dma semaphore(%arg21 : memref<!tpu.dma_semaphore, #tpu.memory_space<semaphore_mem>>) src(%arg12 : memref<80x128xf32, #tpu.memory_space<vmem>>) dst(%dma_wait3A_108 : memref<10000x128xf32, #tpu.memory_space<vmem_shared>>)
    %dma_wait3A_109 = arith.constant 0 : i32
    %dma_wait3A_110 = arith.constant 0 : i32
    %dma_wait3A_111 = arith.constant 0 : i32
    %dma_wait3A_112 = tpu.memref_slice %arg3[%add3A, %dma_wait3A_110, %dma_wait3A_111] : memref<32x125x80xi32, #tpu.memory_space<hbm>> -> memref<1x125x80xi32, #tpu.memory_space<hbm>>
    %dma_wait3A_113 = tpu.memref_squeeze %dma_wait3A_112 : memref<1x125x80xi32, #tpu.memory_space<hbm>> -> memref<125x80xi32, #tpu.memory_space<hbm>>
    %dma_wait3A_114 = arith.constant 0 : i32
    %dma_wait3A_115 = tpu.memref_slice %dma_wait3A_113[%dma_wait3A_109, %dma_wait3A_114] : memref<125x80xi32, #tpu.memory_space<hbm>> -> memref<1x80xi32, #tpu.memory_space<hbm>>
    %dma_wait3A_116 = tpu.memref_squeeze %dma_wait3A_115 : memref<1x80xi32, #tpu.memory_space<hbm>> -> memref<80xi32, #tpu.memory_space<hbm>>
    %dma_wait3A_117 = arith.constant 0 : i32
    %dma_wait3A_118 = arith.constant 0 : i32
    %dma_wait3A_119 = tpu.memref_slice %arg3[%add3A, %dma_wait3A_117, %dma_wait3A_118] : memref<32x125x80xi32, #tpu.memory_space<hbm>> -> memref<1x125x80xi32, #tpu.memory_space<hbm>>
    %dma_wait3A_120 = tpu.memref_squeeze %dma_wait3A_119 : memref<1x125x80xi32, #tpu.memory_space<hbm>> -> memref<125x80xi32, #tpu.memory_space<hbm>>
    %dma_wait3A_121 = arith.constant 0 : i32
    %dma_wait3A_122 = tpu.memref_slice %dma_wait3A_120[%dma_wait3A_109, %dma_wait3A_121] : memref<125x80xi32, #tpu.memory_space<hbm>> -> memref<1x80xi32, #tpu.memory_space<hbm>>
    %dma_wait3A_123 = tpu.memref_squeeze %dma_wait3A_122 : memref<1x80xi32, #tpu.memory_space<hbm>> -> memref<80xi32, #tpu.memory_space<hbm>>
    tpu.wait_dma2 semaphore(%arg16 : memref<!tpu.dma_semaphore, #tpu.memory_space<semaphore_mem>>) src(%dma_wait3A_123 : memref<80xi32, #tpu.memory_space<hbm>>) dst(%arg8 : memref<80xi32, #tpu.memory_space<vmem>>)
    %dma_wait3A_124 = arith.constant 0 : i32
    %dma_wait3A_125 = arith.constant 0 : i32
    %dma_wait3A_126 = arith.constant 0 : i32
    %dma_wait3A_127 = tpu.memref_slice %arg3[%add3A, %dma_wait3A_125, %dma_wait3A_126] : memref<32x125x80xi32, #tpu.memory_space<hbm>> -> memref<1x125x80xi32, #tpu.memory_space<hbm>>
    %dma_wait3A_128 = tpu.memref_squeeze %dma_wait3A_127 : memref<1x125x80xi32, #tpu.memory_space<hbm>> -> memref<125x80xi32, #tpu.memory_space<hbm>>
    %dma_wait3A_129 = arith.constant 0 : i32
    %dma_wait3A_130 = tpu.memref_slice %dma_wait3A_128[%dma_wait3A_124, %dma_wait3A_129] : memref<125x80xi32, #tpu.memory_space<hbm>> -> memref<1x80xi32, #tpu.memory_space<hbm>>
    %dma_wait3A_131 = tpu.memref_squeeze %dma_wait3A_130 : memref<1x80xi32, #tpu.memory_space<hbm>> -> memref<80xi32, #tpu.memory_space<hbm>>
    %dma_wait3A_132 = arith.constant 0 : i32
    %dma_wait3A_133 = arith.constant 0 : i32
    %dma_wait3A_134 = tpu.memref_slice %arg3[%add3A, %dma_wait3A_132, %dma_wait3A_133] : memref<32x125x80xi32, #tpu.memory_space<hbm>> -> memref<1x125x80xi32, #tpu.memory_space<hbm>>
    %dma_wait3A_135 = tpu.memref_squeeze %dma_wait3A_134 : memref<1x125x80xi32, #tpu.memory_space<hbm>> -> memref<125x80xi32, #tpu.memory_space<hbm>>
    %dma_wait3A_136 = arith.constant 0 : i32
    %dma_wait3A_137 = tpu.memref_slice %dma_wait3A_135[%dma_wait3A_124, %dma_wait3A_136] : memref<125x80xi32, #tpu.memory_space<hbm>> -> memref<1x80xi32, #tpu.memory_space<hbm>>
    %dma_wait3A_138 = tpu.memref_squeeze %dma_wait3A_137 : memref<1x80xi32, #tpu.memory_space<hbm>> -> memref<80xi32, #tpu.memory_space<hbm>>
    tpu.wait_dma2 semaphore(%arg17 : memref<!tpu.dma_semaphore, #tpu.memory_space<semaphore_mem>>) src(%dma_wait3A_138 : memref<80xi32, #tpu.memory_space<hbm>>) dst(%arg9 : memref<80xi32, #tpu.memory_space<vmem>>)
    %dma_wait3A_139 = arith.constant 0 : i32
    %dma_wait3A_140 = arith.constant 0 : i32
    %dma_wait3A_141 = arith.constant 0 : i32
    %dma_wait3A_142 = tpu.memref_slice %arg3[%add3A, %dma_wait3A_140, %dma_wait3A_141] : memref<32x125x80xi32, #tpu.memory_space<hbm>> -> memref<1x125x80xi32, #tpu.memory_space<hbm>>
    %dma_wait3A_143 = tpu.memref_squeeze %dma_wait3A_142 : memref<1x125x80xi32, #tpu.memory_space<hbm>> -> memref<125x80xi32, #tpu.memory_space<hbm>>
    %dma_wait3A_144 = arith.constant 0 : i32
    %dma_wait3A_145 = tpu.memref_slice %dma_wait3A_143[%dma_wait3A_139, %dma_wait3A_144] : memref<125x80xi32, #tpu.memory_space<hbm>> -> memref<1x80xi32, #tpu.memory_space<hbm>>
    %dma_wait3A_146 = tpu.memref_squeeze %dma_wait3A_145 : memref<1x80xi32, #tpu.memory_space<hbm>> -> memref<80xi32, #tpu.memory_space<hbm>>
    %dma_wait3A_147 = arith.constant 0 : i32
    %dma_wait3A_148 = arith.constant 0 : i32
    %dma_wait3A_149 = tpu.memref_slice %arg3[%add3A, %dma_wait3A_147, %dma_wait3A_148] : memref<32x125x80xi32, #tpu.memory_space<hbm>> -> memref<1x125x80xi32, #tpu.memory_space<hbm>>
    %dma_wait3A_150 = tpu.memref_squeeze %dma_wait3A_149 : memref<1x125x80xi32, #tpu.memory_space<hbm>> -> memref<125x80xi32, #tpu.memory_space<hbm>>
    %dma_wait3A_151 = arith.constant 0 : i32
    %dma_wait3A_152 = tpu.memref_slice %dma_wait3A_150[%dma_wait3A_139, %dma_wait3A_151] : memref<125x80xi32, #tpu.memory_space<hbm>> -> memref<1x80xi32, #tpu.memory_space<hbm>>
    %dma_wait3A_153 = tpu.memref_squeeze %dma_wait3A_152 : memref<1x80xi32, #tpu.memory_space<hbm>> -> memref<80xi32, #tpu.memory_space<hbm>>
    tpu.wait_dma2 semaphore(%arg18 : memref<!tpu.dma_semaphore, #tpu.memory_space<semaphore_mem>>) src(%dma_wait3A_153 : memref<80xi32, #tpu.memory_space<hbm>>) dst(%arg10 : memref<80xi32, #tpu.memory_space<vmem>>)
    %barrier3A_154 = arith.constant 0 : index
    tpu.barrier barrier_id(%barrier3A_154)
    "tpu.region"() ({
      %run_scoped3A = tpu.sem_alloc : memref<!tpu.dma_semaphore, #tpu.memory_space<semaphore_mem>>
      %dma_start3A_160 = arith.constant 0 : i32
      %dma_start3A_161 = tpu.memref_slice %arg6[%arg0, %mul3A_2, %dma_start3A_160] : memref<2x10000x128xf32, #tpu.memory_space<hbm>> -> memref<1x624x128xf32, #tpu.memory_space<hbm>>
      %dma_start3A_162 = tpu.memref_squeeze %dma_start3A_161 : memref<1x624x128xf32, #tpu.memory_space<hbm>> -> memref<624x128xf32, #tpu.memory_space<hbm>>
      %dma_start3A_163 = arith.constant 0 : i32
      %dma_start3A_164 = tpu.memref_slice %arg14[%mul3A_2, %dma_start3A_163] : memref<10000x128xf32, #tpu.memory_space<vmem_shared>> -> memref<624x128xf32, #tpu.memory_space<vmem_shared>>
      tpu.enqueue_dma source(%dma_start3A_164 : memref<624x128xf32, #tpu.memory_space<vmem_shared>>) target(%dma_start3A_162 : memref<624x128xf32, #tpu.memory_space<hbm>>) target_semaphore(%run_scoped3A : memref<!tpu.dma_semaphore, #tpu.memory_space<semaphore_mem>>)
      %dma_wait3A_165 = arith.constant 0 : i32
      %dma_wait3A_166 = tpu.memref_slice %arg6[%arg0, %mul3A_2, %dma_wait3A_165] : memref<2x10000x128xf32, #tpu.memory_space<hbm>> -> memref<1x624x128xf32, #tpu.memory_space<hbm>>
      %dma_wait3A_167 = tpu.memref_squeeze %dma_wait3A_166 : memref<1x624x128xf32, #tpu.memory_space<hbm>> -> memref<624x128xf32, #tpu.memory_space<hbm>>
      %dma_wait3A_168 = arith.constant 0 : i32
      %dma_wait3A_169 = tpu.memref_slice %arg14[%mul3A_2, %dma_wait3A_168] : memref<10000x128xf32, #tpu.memory_space<vmem_shared>> -> memref<624x128xf32, #tpu.memory_space<vmem_shared>>
      tpu.wait_dma2 semaphore(%run_scoped3A : memref<!tpu.dma_semaphore, #tpu.memory_space<semaphore_mem>>) src(%dma_wait3A_169 : memref<624x128xf32, #tpu.memory_space<vmem_shared>>) dst(%dma_wait3A_167 : memref<624x128xf32, #tpu.memory_space<hbm>>)
      tpu.yield
    }) : () -> ()
    %eq3A_155 = arith.constant 15 : i32
    %eq3A_156 = arith.cmpi eq, %arg1, %eq3A_155 : i32
    %convert_element_type3A_157 = arith.extui %eq3A_156 : i1 to i32
    %cond3A_158 = arith.constant 0 : i32
    %cond3A_159 = arith.cmpi ne, %convert_element_type3A_157, %cond3A_158 : i32
    scf.if %cond3A_159 {
      "tpu.region"() ({
        %run_scoped3A = tpu.sem_alloc : memref<!tpu.dma_semaphore, #tpu.memory_space<semaphore_mem>>
        %dma_start3A_160 = arith.constant 9984 : i32
        %dma_start3A_161 = arith.constant 0 : i32
        %dma_start3A_162 = tpu.memref_slice %arg6[%arg0, %dma_start3A_160, %dma_start3A_161] : memref<2x10000x128xf32, #tpu.memory_space<hbm>> -> memref<1x16x128xf32, #tpu.memory_space<hbm>>
        %dma_start3A_163 = tpu.memref_squeeze %dma_start3A_162 : memref<1x16x128xf32, #tpu.memory_space<hbm>> -> memref<16x128xf32, #tpu.memory_space<hbm>>
        %dma_start3A_164 = arith.constant 9984 : i32
        %dma_start3A_165 = arith.constant 0 : i32
        %dma_start3A_166 = tpu.memref_slice %arg14[%dma_start3A_164, %dma_start3A_165] : memref<10000x128xf32, #tpu.memory_space<vmem_shared>> -> memref<16x128xf32, #tpu.memory_space<vmem_shared>>
        tpu.enqueue_dma source(%dma_start3A_166 : memref<16x128xf32, #tpu.memory_space<vmem_shared>>) target(%dma_start3A_163 : memref<16x128xf32, #tpu.memory_space<hbm>>) target_semaphore(%run_scoped3A : memref<!tpu.dma_semaphore, #tpu.memory_space<semaphore_mem>>)
        %dma_wait3A_167 = arith.constant 9984 : i32
        %dma_wait3A_168 = arith.constant 0 : i32
        %dma_wait3A_169 = tpu.memref_slice %arg6[%arg0, %dma_wait3A_167, %dma_wait3A_168] : memref<2x10000x128xf32, #tpu.memory_space<hbm>> -> memref<1x16x128xf32, #tpu.memory_space<hbm>>
        %dma_wait3A_170 = tpu.memref_squeeze %dma_wait3A_169 : memref<1x16x128xf32, #tpu.memory_space<hbm>> -> memref<16x128xf32, #tpu.memory_space<hbm>>
        %dma_wait3A_171 = arith.constant 9984 : i32
        %dma_wait3A_172 = arith.constant 0 : i32
        %dma_wait3A_173 = tpu.memref_slice %arg14[%dma_wait3A_171, %dma_wait3A_172] : memref<10000x128xf32, #tpu.memory_space<vmem_shared>> -> memref<16x128xf32, #tpu.memory_space<vmem_shared>>
        tpu.wait_dma2 semaphore(%run_scoped3A : memref<!tpu.dma_semaphore, #tpu.memory_space<semaphore_mem>>) src(%dma_wait3A_173 : memref<16x128xf32, #tpu.memory_space<vmem_shared>>) dst(%dma_wait3A_170 : memref<16x128xf32, #tpu.memory_space<hbm>>)
        tpu.yield
      }) : () -> ()
    } else {
    }
    return
  }
}

module attributes {stable_mosaic.version = 14 : i64} {
  func.func @_mm_body(%arg0: i32, %arg1: memref<2000x128xf32, #tpu.memory_space<vmem>>, %arg2: memref<128x128xf32, #tpu.memory_space<vmem>>, %arg3: memref<2000x128xf32, #tpu.memory_space<vmem>>) attributes {dimension_semantics = [#tpu.dimension_semantics<arbitrary>], iteration_bounds = array<i64: 5>, scalar_prefetch = 0 : i64, scratch_operands = 0 : i64, tpu.core_type = #tpu.core_type<tc>, window_params = [{transform_indices = @transform_0, window_bounds = array<i64: 2000, 128>}, {pipeline_mode = #tpu.pipeline_mode<synchronous>, transform_indices = @transform_1, window_bounds = array<i64: 128, 128>}, {transform_indices = @transform_2, window_bounds = array<i64: 2000, 128>}]} {
    %get3A = arith.constant 0 : index
    %get3A_0 = arith.constant 0 : index
    %get3A_1 = vector.load %arg1[%get3A, %get3A_0] : memref<2000x128xf32, #tpu.memory_space<vmem>>, vector<2000x128xf32>
    %get3A_2 = arith.constant 0 : index
    %get3A_3 = arith.constant 0 : index
    %get3A_4 = vector.load %arg2[%get3A_2, %get3A_3] : memref<128x128xf32, #tpu.memory_space<vmem>>, vector<128x128xf32>
    %dot_general3A = arith.constant dense<0.000000e+00> : vector<2000x128xf32>
    %dot_general3A_5 = tpu.matmul %get3A_1, %get3A_4, %dot_general3A {dimension_numbers = #tpu.dot_dimension_numbers<[1], [0], [0], [1], [0, 0, 1, 1], [], []>, precision = #tpu.contract_precision<fp32>, transpose_lhs_hint = false} : vector<2000x128xf32>, vector<128x128xf32>, vector<2000x128xf32> -> vector<2000x128xf32>
    %swap3A = arith.constant 0 : index
    %swap3A_6 = arith.constant 0 : index
    %swap3A_7 = vector.load %arg3[%swap3A, %swap3A_6] : memref<2000x128xf32, #tpu.memory_space<vmem>>, vector<2000x128xf32>
    tpu.vector_store %arg3[%swap3A, %swap3A_6], %dot_general3A_5 {strides = array<i32>} : memref<2000x128xf32, #tpu.memory_space<vmem>>, vector<2000x128xf32>,
    return
  }
  func.func @transform_0(%arg0: i32) -> (i32, i32) {
    %c0_i32 = arith.constant 0 : i32
    %c0_i32_0 = arith.constant 0 : i32
    return %arg0, %c0_i32 : i32, i32
  }
  func.func @transform_1(%arg0: i32) -> (i32, i32) {
    %c0_i32 = arith.constant 0 : i32
    %c0_i32_0 = arith.constant 0 : i32
    %c0_i32_1 = arith.constant 0 : i32
    return %c0_i32, %c0_i32_0 : i32, i32
  }
  func.func @transform_2(%arg0: i32) -> (i32, i32) {
    %c0_i32 = arith.constant 0 : i32
    %c0_i32_0 = arith.constant 0 : i32
    return %arg0, %c0_i32 : i32, i32
  }
}

module attributes {stable_mosaic.version = 14 : i64} {
  func.func @_scale_body(%arg0: i32, %arg1: memref<2000x128xf32, #tpu.memory_space<vmem>>, %arg2: memref<2x2000x1xf32, #tpu.memory_space<vmem>>, %arg3: memref<2000x128xf32, #tpu.memory_space<vmem>>, %arg4: memref<2000x1xf32, #tpu.memory_space<vmem>>) attributes {dimension_semantics = [#tpu.dimension_semantics<arbitrary>], iteration_bounds = array<i64: 5>, scalar_prefetch = 0 : i64, scratch_operands = 0 : i64, tpu.core_type = #tpu.core_type<tc>, window_params = [{transform_indices = @transform_0, window_bounds = array<i64: 2000, 128>}, {transform_indices = @transform_1, window_bounds = array<i64: 2, 2000, 1>}, {transform_indices = @transform_2, window_bounds = array<i64: 2000, 128>}, {transform_indices = @transform_3, window_bounds = array<i64: 2000, 1>}]} {
    %get3A = arith.constant 0 : index
    %get3A_0 = arith.constant 0 : index
    %get3A_1 = arith.constant 0 : index
    %get3A_2 = vector.load %arg2[%get3A, %get3A_0, %get3A_1] : memref<2x2000x1xf32, #tpu.memory_space<vmem>>, vector<1x2000x1xf32>
    %get3A_3 = vector.shape_cast %get3A_2 : vector<1x2000x1xf32> to vector<2000x1xf32>
    %get3A_4 = arith.constant 1 : index
    %get3A_5 = arith.constant 0 : index
    %get3A_6 = arith.constant 0 : index
    %get3A_7 = vector.load %arg2[%get3A_4, %get3A_5, %get3A_6] : memref<2x2000x1xf32, #tpu.memory_space<vmem>>, vector<1x2000x1xf32>
    %get3A_8 = vector.shape_cast %get3A_7 : vector<1x2000x1xf32> to vector<2000x1xf32>
    %add3A = arith.addf %get3A_3, %get3A_8 : vector<2000x1xf32>
    %add3A_9 = arith.constant 1.000000e+00 : f32
    %add3A_10 = vector.broadcast %add3A_9 : f32 to vector<2000x1xf32>
    %add3A_11 = arith.addf %add3A, %add3A_10 : vector<2000x1xf32>
    %rsqrt3A = math.rsqrt %add3A_11 : vector<2000x1xf32>
    %get3A_12 = arith.constant 0 : index
    %get3A_13 = arith.constant 0 : index
    %get3A_14 = vector.load %arg1[%get3A_12, %get3A_13] : memref<2000x128xf32, #tpu.memory_space<vmem>>, vector<2000x128xf32>
    %mul3A = vector.broadcast %rsqrt3A : vector<2000x1xf32> to vector<2000x128xf32>
    %mul3A_15 = arith.mulf %get3A_14, %mul3A : vector<2000x128xf32>
    %swap3A = arith.constant 0 : index
    %swap3A_16 = arith.constant 0 : index
    %swap3A_17 = vector.load %arg3[%swap3A, %swap3A_16] : memref<2000x128xf32, #tpu.memory_space<vmem>>, vector<2000x128xf32>
    tpu.vector_store %arg3[%swap3A, %swap3A_16], %mul3A_15 {strides = array<i32>} : memref<2000x128xf32, #tpu.memory_space<vmem>>, vector<2000x128xf32>,
    %swap3A_18 = arith.constant 0 : index
    %swap3A_19 = arith.constant 0 : index
    %swap3A_20 = vector.load %arg4[%swap3A_18, %swap3A_19] : memref<2000x1xf32, #tpu.memory_space<vmem>>, vector<2000x1xf32>
    tpu.vector_store %arg4[%swap3A_18, %swap3A_19], %rsqrt3A {strides = array<i32>} : memref<2000x1xf32, #tpu.memory_space<vmem>>, vector<2000x1xf32>,
    return
  }
  func.func @transform_0(%arg0: i32) -> (i32, i32) {
    %c0_i32 = arith.constant 0 : i32
    %c0_i32_0 = arith.constant 0 : i32
    return %arg0, %c0_i32 : i32, i32
  }
  func.func @transform_1(%arg0: i32) -> (i32, i32, i32) {
    %c0_i32 = arith.constant 0 : i32
    %c0_i32_0 = arith.constant 0 : i32
    %c0_i32_1 = arith.constant 0 : i32
    return %c0_i32, %arg0, %c0_i32_0 : i32, i32, i32
  }
  func.func @transform_2(%arg0: i32) -> (i32, i32) {
    %c0_i32 = arith.constant 0 : i32
    %c0_i32_0 = arith.constant 0 : i32
    return %arg0, %c0_i32 : i32, i32
  }
  func.func @transform_3(%arg0: i32) -> (i32, i32) {
    %c0_i32 = arith.constant 0 : i32
    %c0_i32_0 = arith.constant 0 : i32
    return %arg0, %c0_i32 : i32, i32
  }
}

module attributes {stable_mosaic.version = 14 : i64} {
  func.func @_stage_body(%arg0: i32, %arg1: memref<2x2000x128xf32, #tpu.memory_space<vmem>>, %arg2: memref<2000x128xf32, #tpu.memory_space<vmem>>, %arg3: memref<2000x1xf32, #tpu.memory_space<vmem>>, %arg4: memref<128xf32, #tpu.memory_space<vmem>>, %arg5: memref<128xf32, #tpu.memory_space<vmem>>, %arg6: memref<128xf32, #tpu.memory_space<vmem>>, %arg7: memref<128x128xf32, #tpu.memory_space<vmem>>, %arg8: memref<2000x128xf32, #tpu.memory_space<vmem>>) attributes {dimension_semantics = [#tpu.dimension_semantics<arbitrary>], iteration_bounds = array<i64: 5>, scalar_prefetch = 0 : i64, scratch_operands = 0 : i64, tpu.core_type = #tpu.core_type<tc>, window_params = [{transform_indices = @transform_0, window_bounds = array<i64: 2, 2000, 128>}, {transform_indices = @transform_1, window_bounds = array<i64: 2000, 128>}, {transform_indices = @transform_2, window_bounds = array<i64: 2000, 1>}, {pipeline_mode = #tpu.pipeline_mode<synchronous>, transform_indices = @transform_3, window_bounds = array<i64: 128>}, {pipeline_mode = #tpu.pipeline_mode<synchronous>, transform_indices = @transform_4, window_bounds = array<i64: 128>}, {pipeline_mode = #tpu.pipeline_mode<synchronous>, transform_indices = @transform_5, window_bounds = array<i64: 128>}, {pipeline_mode = #tpu.pipeline_mode<synchronous>, transform_indices = @transform_6, window_bounds = array<i64: 128, 128>}, {transform_indices = @transform_7, window_bounds = array<i64: 2000, 128>}]} {
    %get3A = arith.constant 0 : index
    %get3A_0 = arith.constant 0 : index
    %get3A_1 = vector.load %arg3[%get3A, %get3A_0] : memref<2000x1xf32, #tpu.memory_space<vmem>>, vector<2000x1xf32>
    %get3A_2 = arith.constant 0 : index
    %get3A_3 = arith.constant 0 : index
    %get3A_4 = arith.constant 0 : index
    %get3A_5 = vector.load %arg1[%get3A_2, %get3A_3, %get3A_4] : memref<2x2000x128xf32, #tpu.memory_space<vmem>>, vector<1x2000x128xf32>
    %get3A_6 = vector.shape_cast %get3A_5 : vector<1x2000x128xf32> to vector<2000x128xf32>
    %get3A_7 = arith.constant 1 : index
    %get3A_8 = arith.constant 0 : index
    %get3A_9 = arith.constant 0 : index
    %get3A_10 = vector.load %arg1[%get3A_7, %get3A_8, %get3A_9] : memref<2x2000x128xf32, #tpu.memory_space<vmem>>, vector<1x2000x128xf32>
    %get3A_11 = vector.shape_cast %get3A_10 : vector<1x2000x128xf32> to vector<2000x128xf32>
    %add3A = arith.addf %get3A_6, %get3A_11 : vector<2000x128xf32>
    %get3A_12 = arith.constant 0 : index
    %get3A_13 = arith.constant 0 : index
    %get3A_14 = vector.load %arg2[%get3A_12, %get3A_13] : memref<2000x128xf32, #tpu.memory_space<vmem>>, vector<2000x128xf32>
    %add3A_15 = arith.addf %add3A, %get3A_14 : vector<2000x128xf32>
    %mul3A = vector.broadcast %get3A_1 : vector<2000x1xf32> to vector<2000x128xf32>
    %mul3A_16 = arith.mulf %mul3A, %add3A_15 : vector<2000x128xf32>
    %get3A_17 = arith.constant 0 : index
    %get3A_18 = vector.load %arg4[%get3A_17] : memref<128xf32, #tpu.memory_space<vmem>>, vector<128xf32>
    %broadcast_in_dim3A = vector.shape_cast %get3A_18 : vector<128xf32> to vector<1x128xf32>
    %add3A_19 = vector.broadcast %broadcast_in_dim3A : vector<1x128xf32> to vector<2000x128xf32>
    %add3A_20 = arith.addf %mul3A_16, %add3A_19 : vector<2000x128xf32>
    %get3A_21 = arith.constant 0 : index
    %get3A_22 = vector.load %arg5[%get3A_21] : memref<128xf32, #tpu.memory_space<vmem>>, vector<128xf32>
    %mul3A_23 = arith.constant 0.999994993 : f32
    %mul3A_24 = vector.broadcast %mul3A_23 : f32 to vector<2000x128xf32>
    %mul3A_25 = arith.mulf %add3A_20, %mul3A_24 : vector<2000x128xf32>
    %broadcast_in_dim3A_26 = vector.shape_cast %get3A_22 : vector<128xf32> to vector<1x128xf32>
    %mul3A_27 = vector.broadcast %broadcast_in_dim3A_26 : vector<1x128xf32> to vector<2000x128xf32>
    %mul3A_28 = arith.mulf %mul3A_27, %mul3A_25 : vector<2000x128xf32>
    %get3A_29 = arith.constant 0 : index
    %get3A_30 = vector.load %arg6[%get3A_29] : memref<128xf32, #tpu.memory_space<vmem>>, vector<128xf32>
    %broadcast_in_dim3A_31 = vector.shape_cast %get3A_30 : vector<128xf32> to vector<1x128xf32>
    %add3A_32 = vector.broadcast %broadcast_in_dim3A_31 : vector<1x128xf32> to vector<2000x128xf32>
    %add3A_33 = arith.addf %mul3A_28, %add3A_32 : vector<2000x128xf32>
    %max3A = arith.constant 0.000000e+00 : f32
    %max3A_34 = vector.broadcast %max3A : f32 to vector<2000x128xf32>
    %max3A_35 = arith.maximumf %add3A_33, %max3A_34 : vector<2000x128xf32>
    %get3A_36 = arith.constant 0 : index
    %get3A_37 = arith.constant 0 : index
    %get3A_38 = vector.load %arg7[%get3A_36, %get3A_37] : memref<128x128xf32, #tpu.memory_space<vmem>>, vector<128x128xf32>
    %dot_general3A = arith.constant dense<0.000000e+00> : vector<2000x128xf32>
    %dot_general3A_39 = tpu.matmul %max3A_35, %get3A_38, %dot_general3A {dimension_numbers = #tpu.dot_dimension_numbers<[1], [0], [0], [1], [0, 0, 1, 1], [], []>, precision = #tpu.contract_precision<fp32>, transpose_lhs_hint = false} : vector<2000x128xf32>, vector<128x128xf32>, vector<2000x128xf32> -> vector<2000x128xf32>
    %mul3A_40 = vector.broadcast %get3A_1 : vector<2000x1xf32> to vector<2000x128xf32>
    %mul3A_41 = arith.mulf %dot_general3A_39, %mul3A_40 : vector<2000x128xf32>
    %swap3A = arith.constant 0 : index
    %swap3A_42 = arith.constant 0 : index
    %swap3A_43 = vector.load %arg8[%swap3A, %swap3A_42] : memref<2000x128xf32, #tpu.memory_space<vmem>>, vector<2000x128xf32>
    tpu.vector_store %arg8[%swap3A, %swap3A_42], %mul3A_41 {strides = array<i32>} : memref<2000x128xf32, #tpu.memory_space<vmem>>, vector<2000x128xf32>,
    return
  }
  func.func @transform_0(%arg0: i32) -> (i32, i32, i32) {
    %c0_i32 = arith.constant 0 : i32
    %c0_i32_0 = arith.constant 0 : i32
    %c0_i32_1 = arith.constant 0 : i32
    return %c0_i32, %arg0, %c0_i32_0 : i32, i32, i32
  }
  func.func @transform_1(%arg0: i32) -> (i32, i32) {
    %c0_i32 = arith.constant 0 : i32
    %c0_i32_0 = arith.constant 0 : i32
    return %arg0, %c0_i32 : i32, i32
  }
  func.func @transform_2(%arg0: i32) -> (i32, i32) {
    %c0_i32 = arith.constant 0 : i32
    %c0_i32_0 = arith.constant 0 : i32
    return %arg0, %c0_i32 : i32, i32
  }
  func.func @transform_3(%arg0: i32) -> i32 {
    %c0_i32 = arith.constant 0 : i32
    %c0_i32_0 = arith.constant 0 : i32
    return %c0_i32 : i32
  }
  func.func @transform_4(%arg0: i32) -> i32 {
    %c0_i32 = arith.constant 0 : i32
    %c0_i32_0 = arith.constant 0 : i32
    return %c0_i32 : i32
  }
  func.func @transform_5(%arg0: i32) -> i32 {
    %c0_i32 = arith.constant 0 : i32
    %c0_i32_0 = arith.constant 0 : i32
    return %c0_i32 : i32
  }
  func.func @transform_6(%arg0: i32) -> (i32, i32) {
    %c0_i32 = arith.constant 0 : i32
    %c0_i32_0 = arith.constant 0 : i32
    %c0_i32_1 = arith.constant 0 : i32
    return %c0_i32, %c0_i32_0 : i32, i32
  }
  func.func @transform_7(%arg0: i32) -> (i32, i32) {
    %c0_i32 = arith.constant 0 : i32
    %c0_i32_0 = arith.constant 0 : i32
    return %arg0, %c0_i32 : i32, i32
  }
}

module attributes {stable_mosaic.version = 14 : i64} {
  func.func @_relu_scale_body(%arg0: i32, %arg1: memref<2x2000x128xf32, #tpu.memory_space<vmem>>, %arg2: memref<2000x128xf32, #tpu.memory_space<vmem>>, %arg3: memref<2000x1xf32, #tpu.memory_space<vmem>>, %arg4: memref<128xf32, #tpu.memory_space<vmem>>, %arg5: memref<128xf32, #tpu.memory_space<vmem>>, %arg6: memref<128xf32, #tpu.memory_space<vmem>>, %arg7: memref<2000x128xf32, #tpu.memory_space<vmem>>) attributes {dimension_semantics = [#tpu.dimension_semantics<arbitrary>], iteration_bounds = array<i64: 5>, scalar_prefetch = 0 : i64, scratch_operands = 0 : i64, tpu.core_type = #tpu.core_type<tc>, window_params = [{transform_indices = @transform_0, window_bounds = array<i64: 2, 2000, 128>}, {transform_indices = @transform_1, window_bounds = array<i64: 2000, 128>}, {transform_indices = @transform_2, window_bounds = array<i64: 2000, 1>}, {pipeline_mode = #tpu.pipeline_mode<synchronous>, transform_indices = @transform_3, window_bounds = array<i64: 128>}, {pipeline_mode = #tpu.pipeline_mode<synchronous>, transform_indices = @transform_4, window_bounds = array<i64: 128>}, {pipeline_mode = #tpu.pipeline_mode<synchronous>, transform_indices = @transform_5, window_bounds = array<i64: 128>}, {transform_indices = @transform_6, window_bounds = array<i64: 2000, 128>}]} {
    %get3A = arith.constant 0 : index
    %get3A_0 = arith.constant 0 : index
    %get3A_1 = vector.load %arg3[%get3A, %get3A_0] : memref<2000x1xf32, #tpu.memory_space<vmem>>, vector<2000x1xf32>
    %get3A_2 = arith.constant 0 : index
    %get3A_3 = arith.constant 0 : index
    %get3A_4 = arith.constant 0 : index
    %get3A_5 = vector.load %arg1[%get3A_2, %get3A_3, %get3A_4] : memref<2x2000x128xf32, #tpu.memory_space<vmem>>, vector<1x2000x128xf32>
    %get3A_6 = vector.shape_cast %get3A_5 : vector<1x2000x128xf32> to vector<2000x128xf32>
    %get3A_7 = arith.constant 1 : index
    %get3A_8 = arith.constant 0 : index
    %get3A_9 = arith.constant 0 : index
    %get3A_10 = vector.load %arg1[%get3A_7, %get3A_8, %get3A_9] : memref<2x2000x128xf32, #tpu.memory_space<vmem>>, vector<1x2000x128xf32>
    %get3A_11 = vector.shape_cast %get3A_10 : vector<1x2000x128xf32> to vector<2000x128xf32>
    %add3A = arith.addf %get3A_6, %get3A_11 : vector<2000x128xf32>
    %get3A_12 = arith.constant 0 : index
    %get3A_13 = arith.constant 0 : index
    %get3A_14 = vector.load %arg2[%get3A_12, %get3A_13] : memref<2000x128xf32, #tpu.memory_space<vmem>>, vector<2000x128xf32>
    %add3A_15 = arith.addf %add3A, %get3A_14 : vector<2000x128xf32>
    %mul3A = vector.broadcast %get3A_1 : vector<2000x1xf32> to vector<2000x128xf32>
    %mul3A_16 = arith.mulf %mul3A, %add3A_15 : vector<2000x128xf32>
    %get3A_17 = arith.constant 0 : index
    %get3A_18 = vector.load %arg4[%get3A_17] : memref<128xf32, #tpu.memory_space<vmem>>, vector<128xf32>
    %broadcast_in_dim3A = vector.shape_cast %get3A_18 : vector<128xf32> to vector<1x128xf32>
    %add3A_19 = vector.broadcast %broadcast_in_dim3A : vector<1x128xf32> to vector<2000x128xf32>
    %add3A_20 = arith.addf %mul3A_16, %add3A_19 : vector<2000x128xf32>
    %get3A_21 = arith.constant 0 : index
    %get3A_22 = vector.load %arg5[%get3A_21] : memref<128xf32, #tpu.memory_space<vmem>>, vector<128xf32>
    %mul3A_23 = arith.constant 0.999994993 : f32
    %mul3A_24 = vector.broadcast %mul3A_23 : f32 to vector<2000x128xf32>
    %mul3A_25 = arith.mulf %add3A_20, %mul3A_24 : vector<2000x128xf32>
    %broadcast_in_dim3A_26 = vector.shape_cast %get3A_22 : vector<128xf32> to vector<1x128xf32>
    %mul3A_27 = vector.broadcast %broadcast_in_dim3A_26 : vector<1x128xf32> to vector<2000x128xf32>
    %mul3A_28 = arith.mulf %mul3A_27, %mul3A_25 : vector<2000x128xf32>
    %get3A_29 = arith.constant 0 : index
    %get3A_30 = vector.load %arg6[%get3A_29] : memref<128xf32, #tpu.memory_space<vmem>>, vector<128xf32>
    %broadcast_in_dim3A_31 = vector.shape_cast %get3A_30 : vector<128xf32> to vector<1x128xf32>
    %add3A_32 = vector.broadcast %broadcast_in_dim3A_31 : vector<1x128xf32> to vector<2000x128xf32>
    %add3A_33 = arith.addf %mul3A_28, %add3A_32 : vector<2000x128xf32>
    %max3A = arith.constant 0.000000e+00 : f32
    %max3A_34 = vector.broadcast %max3A : f32 to vector<2000x128xf32>
    %max3A_35 = arith.maximumf %add3A_33, %max3A_34 : vector<2000x128xf32>
    %mul3A_36 = vector.broadcast %get3A_1 : vector<2000x1xf32> to vector<2000x128xf32>
    %mul3A_37 = arith.mulf %max3A_35, %mul3A_36 : vector<2000x128xf32>
    %swap3A = arith.constant 0 : index
    %swap3A_38 = arith.constant 0 : index
    %swap3A_39 = vector.load %arg7[%swap3A, %swap3A_38] : memref<2000x128xf32, #tpu.memory_space<vmem>>, vector<2000x128xf32>
    tpu.vector_store %arg7[%swap3A, %swap3A_38], %mul3A_37 {strides = array<i32>} : memref<2000x128xf32, #tpu.memory_space<vmem>>, vector<2000x128xf32>,
    return
  }
  func.func @transform_0(%arg0: i32) -> (i32, i32, i32) {
    %c0_i32 = arith.constant 0 : i32
    %c0_i32_0 = arith.constant 0 : i32
    %c0_i32_1 = arith.constant 0 : i32
    return %c0_i32, %arg0, %c0_i32_0 : i32, i32, i32
  }
  func.func @transform_1(%arg0: i32) -> (i32, i32) {
    %c0_i32 = arith.constant 0 : i32
    %c0_i32_0 = arith.constant 0 : i32
    return %arg0, %c0_i32 : i32, i32
  }
  func.func @transform_2(%arg0: i32) -> (i32, i32) {
    %c0_i32 = arith.constant 0 : i32
    %c0_i32_0 = arith.constant 0 : i32
    return %arg0, %c0_i32 : i32, i32
  }
  func.func @transform_3(%arg0: i32) -> i32 {
    %c0_i32 = arith.constant 0 : i32
    %c0_i32_0 = arith.constant 0 : i32
    return %c0_i32 : i32
  }
  func.func @transform_4(%arg0: i32) -> i32 {
    %c0_i32 = arith.constant 0 : i32
    %c0_i32_0 = arith.constant 0 : i32
    return %c0_i32 : i32
  }
  func.func @transform_5(%arg0: i32) -> i32 {
    %c0_i32 = arith.constant 0 : i32
    %c0_i32_0 = arith.constant 0 : i32
    return %c0_i32 : i32
  }
  func.func @transform_6(%arg0: i32) -> (i32, i32) {
    %c0_i32 = arith.constant 0 : i32
    %c0_i32_0 = arith.constant 0 : i32
    return %arg0, %c0_i32 : i32, i32
  }
}

module attributes {stable_mosaic.version = 14 : i64} {
  func.func @_final_body(%arg0: i32, %arg1: memref<2x2000x128xf32, #tpu.memory_space<vmem>>, %arg2: memref<2000x128xf32, #tpu.memory_space<vmem>>, %arg3: memref<2000x1xf32, #tpu.memory_space<vmem>>, %arg4: memref<128x40xf32, #tpu.memory_space<vmem>>, %arg5: memref<40xf32, #tpu.memory_space<vmem>>, %arg6: memref<2000x40xf32, #tpu.memory_space<vmem>>) attributes {dimension_semantics = [#tpu.dimension_semantics<arbitrary>], iteration_bounds = array<i64: 5>, scalar_prefetch = 0 : i64, scratch_operands = 0 : i64, tpu.core_type = #tpu.core_type<tc>, window_params = [{transform_indices = @transform_0, window_bounds = array<i64: 2, 2000, 128>}, {transform_indices = @transform_1, window_bounds = array<i64: 2000, 128>}, {transform_indices = @transform_2, window_bounds = array<i64: 2000, 1>}, {pipeline_mode = #tpu.pipeline_mode<synchronous>, transform_indices = @transform_3, window_bounds = array<i64: 128, 40>}, {pipeline_mode = #tpu.pipeline_mode<synchronous>, transform_indices = @transform_4, window_bounds = array<i64: 40>}, {transform_indices = @transform_5, window_bounds = array<i64: 2000, 40>}]} {
    %get3A = arith.constant 0 : index
    %get3A_0 = arith.constant 0 : index
    %get3A_1 = vector.load %arg3[%get3A, %get3A_0] : memref<2000x1xf32, #tpu.memory_space<vmem>>, vector<2000x1xf32>
    %get3A_2 = arith.constant 0 : index
    %get3A_3 = arith.constant 0 : index
    %get3A_4 = arith.constant 0 : index
    %get3A_5 = vector.load %arg1[%get3A_2, %get3A_3, %get3A_4] : memref<2x2000x128xf32, #tpu.memory_space<vmem>>, vector<1x2000x128xf32>
    %get3A_6 = vector.shape_cast %get3A_5 : vector<1x2000x128xf32> to vector<2000x128xf32>
    %get3A_7 = arith.constant 1 : index
    %get3A_8 = arith.constant 0 : index
    %get3A_9 = arith.constant 0 : index
    %get3A_10 = vector.load %arg1[%get3A_7, %get3A_8, %get3A_9] : memref<2x2000x128xf32, #tpu.memory_space<vmem>>, vector<1x2000x128xf32>
    %get3A_11 = vector.shape_cast %get3A_10 : vector<1x2000x128xf32> to vector<2000x128xf32>
    %add3A = arith.addf %get3A_6, %get3A_11 : vector<2000x128xf32>
    %get3A_12 = arith.constant 0 : index
    %get3A_13 = arith.constant 0 : index
    %get3A_14 = vector.load %arg2[%get3A_12, %get3A_13] : memref<2000x128xf32, #tpu.memory_space<vmem>>, vector<2000x128xf32>
    %add3A_15 = arith.addf %add3A, %get3A_14 : vector<2000x128xf32>
    %mul3A = vector.broadcast %get3A_1 : vector<2000x1xf32> to vector<2000x128xf32>
    %mul3A_16 = arith.mulf %mul3A, %add3A_15 : vector<2000x128xf32>
    %get3A_17 = arith.constant 0 : index
    %get3A_18 = arith.constant 0 : index
    %get3A_19 = vector.load %arg4[%get3A_17, %get3A_18] : memref<128x40xf32, #tpu.memory_space<vmem>>, vector<128x40xf32>
    %dot_general3A = arith.constant dense<0.000000e+00> : vector<2000x40xf32>
    %dot_general3A_20 = tpu.matmul %mul3A_16, %get3A_19, %dot_general3A {dimension_numbers = #tpu.dot_dimension_numbers<[1], [0], [0], [1], [0, 0, 1, 1], [], []>, precision = #tpu.contract_precision<fp32>, transpose_lhs_hint = false} : vector<2000x128xf32>, vector<128x40xf32>, vector<2000x40xf32> -> vector<2000x40xf32>
    %get3A_21 = arith.constant 0 : index
    %get3A_22 = vector.load %arg5[%get3A_21] : memref<40xf32, #tpu.memory_space<vmem>>, vector<40xf32>
    %broadcast_in_dim3A = vector.shape_cast %get3A_22 : vector<40xf32> to vector<1x40xf32>
    %add3A_23 = vector.broadcast %broadcast_in_dim3A : vector<1x40xf32> to vector<2000x40xf32>
    %add3A_24 = arith.addf %dot_general3A_20, %add3A_23 : vector<2000x40xf32>
    %reduce_max3A = arith.constant dense<0xFF800000> : vector<2000xf32>
    %reduce_max3A_25 = vector.multi_reduction <maximumf>, %add3A_24, %reduce_max3A [1] : vector<2000x40xf32> to vector<2000xf32>
    %broadcast_in_dim3A_26 = vector.shape_cast %reduce_max3A_25 : vector<2000xf32> to vector<2000x1xf32>
    %sub3A = vector.broadcast %broadcast_in_dim3A_26 : vector<2000x1xf32> to vector<2000x40xf32>
    %sub3A_27 = arith.subf %add3A_24, %sub3A : vector<2000x40xf32>
    %exp3A = math.exp %sub3A_27 : vector<2000x40xf32>
    %reduce_sum3A = arith.constant dense<0.000000e+00> : vector<2000xf32>
    %reduce_sum3A_28 = vector.multi_reduction <add>, %exp3A, %reduce_sum3A [1] : vector<2000x40xf32> to vector<2000xf32>
    %broadcast_in_dim3A_29 = vector.shape_cast %reduce_sum3A_28 : vector<2000xf32> to vector<2000x1xf32>
    %sub3A_30 = vector.broadcast %broadcast_in_dim3A_26 : vector<2000x1xf32> to vector<2000x40xf32>
    %sub3A_31 = arith.subf %add3A_24, %sub3A_30 : vector<2000x40xf32>
    %log3A = math.log %broadcast_in_dim3A_29 : vector<2000x1xf32>
    %sub3A_32 = vector.broadcast %log3A : vector<2000x1xf32> to vector<2000x40xf32>
    %sub3A_33 = arith.subf %sub3A_31, %sub3A_32 : vector<2000x40xf32>
    %swap3A = arith.constant 0 : index
    %swap3A_34 = arith.constant 0 : index
    %swap3A_35 = vector.load %arg6[%swap3A, %swap3A_34] : memref<2000x40xf32, #tpu.memory_space<vmem>>, vector<2000x40xf32>
    tpu.vector_store %arg6[%swap3A, %swap3A_34], %sub3A_33 {strides = array<i32>} : memref<2000x40xf32, #tpu.memory_space<vmem>>, vector<2000x40xf32>,
    return
  }
  func.func @transform_0(%arg0: i32) -> (i32, i32, i32) {
    %c0_i32 = arith.constant 0 : i32
    %c0_i32_0 = arith.constant 0 : i32
    %c0_i32_1 = arith.constant 0 : i32
    return %c0_i32, %arg0, %c0_i32_0 : i32, i32, i32
  }
  func.func @transform_1(%arg0: i32) -> (i32, i32) {
    %c0_i32 = arith.constant 0 : i32
    %c0_i32_0 = arith.constant 0 : i32
    return %arg0, %c0_i32 : i32, i32
  }
  func.func @transform_2(%arg0: i32) -> (i32, i32) {
    %c0_i32 = arith.constant 0 : i32
    %c0_i32_0 = arith.constant 0 : i32
    return %arg0, %c0_i32 : i32, i32
  }
  func.func @transform_3(%arg0: i32) -> (i32, i32) {
    %c0_i32 = arith.constant 0 : i32
    %c0_i32_0 = arith.constant 0 : i32
    %c0_i32_1 = arith.constant 0 : i32
    return %c0_i32, %c0_i32_0 : i32, i32
  }
  func.func @transform_4(%arg0: i32) -> i32 {
    %c0_i32 = arith.constant 0 : i32
    %c0_i32_0 = arith.constant 0 : i32
    return %c0_i32 : i32
  }
  func.func @transform_5(%arg0: i32) -> (i32, i32) {
    %c0_i32 = arith.constant 0 : i32
    %c0_i32_0 = arith.constant 0 : i32
    return %arg0, %c0_i32 : i32, i32
  }
}

</mosaic_0001>

<sc_bundles>
// kernel: kernel.11.cloned.1.call-start
scs
__scs_entry_jumppad:
0x0: {  	(pc) =	sbr.rel $0x88, $3  }
0x1: {  	(tag) =	ssettag $0x0;
	lr =	simm.s32 $0x1  }
0x2: {  	[smem:$0x3F95] =	sst lr;
	_ =	strace $0xD0000000  }
0x3: {  	_ = 	snop  }
0x4: {  	_ = 	snop  }
0x5: {  	_ = 	snop  }
0x6: {  	_ = 	snop  }
0x7: {  	_ = 	snop  }
__scs_overlays_trampoline_lowered:
0x8: {  	[smem:$0x3FA4] =	sst s0  }
0x9: {  	[smem:$0x3FA5] =	sst s1  }
0xa: {  	[smem:$0x3FA6] =	sst s2  }
0xb: {  	[smem:$0x3FA7] =	sst s3  }
0xc: {  	[smem:$0x3FA8] =	sst s4  }
0xd: {  	[smem:$0x3FA9] =	sst s5  }
0xe: {  	[smem:$0x3FAA] =	sst s6  }
0xf: {  	[smem:$0x3FAB] =	sst s7  }
0x10: {  	[smem:$0x3FAC] =	sst s8  }
0x11: {  	[smem:$0x3FAD] =	sst s9;
	s0 =	simm.s32 @!p0 $0x0  }
0x12: {  	s1 =	sld [smem:$0x3F93];
	s0 =	simm.s32 @p0 $0x1  }
0x13: {  	[smem:$0x3FAE] =	sst s0;
	s0 =	simm.s32 @!p1 $0x0  }
0x14: {  	s2 =	sld [smem:$0x3F92];
	s0 =	simm.s32 @p1 $0x1  }
0x15: {  	[smem:$0x3FAF] =	sst s0;
	s0 =	simm.s32 @!p2 $0x0  }
0x16: {  	s3 =	sld [smem:$0x3FDB];
	s0 =	simm.s32 @p2 $0x1  }
0x17: {  	s4 =	simm.s32 $0x1BF5;
	[smem:$0x3FB1] =	sst s0  }
0x18: {  	s0 =	sld [smem:$0x3F94];
	_ =	swait.ge [sflag:s4], $0x0  }
0x19: {  	s7 =	sld [smem:$0x3F95]  }
0x1a: {  	s8 =	sadd.s32 $0xFFFFE003, lr  }
0x1b: {  	s9 =	sadd.s32 $0xFFFFFEF7, lr;
	s5 =	simm.s32 $0xFFFFFFFF;
	p2 =	slt.u32 s8, $0xFFFFF086  }
0x1c: {  	p1 =	slt.u32 s9, $0xF7A;
	s5 =	simm.s32 @!p2 $0x0  }
0x1d: {  	s5 =	simm.s32 @p1 $0x1;
	p0 =	seq.s32 s7, s2  }
0x1e: {  	s7 =	smul.u32 @!p0 $0xF7A, s2;
	p2 =	seq.s32 @!p0 s5, $0x0  }
0x1f: {  	s9 =	smul.u32 $0xF7A, s1;
	s8 =	simm.s32 @!p0 $0x1BF5;
	p2 =	por !p2, p0  }
0x20: {  	[sflag:s8] =	ssyncset.s32 @!p0 $0xFFFFF086;
	s6 =	sadd.s32 @!p0 s3, s7;
	s7 =	simm.s32 @!p0 $0x108  }
0x21: {  	s3 =	sadd.s32 s3, s9;
	s6 =	sadd.s32 @!p0 $0x88, s6;
	s7 =	simm.s32 @p2 $0x1082  }
0x22: {  	[simem:s7], [sflag:s8] =	dma.local @!p0 [hbm:s6], $0xF7A  }
0x23: {  	s9 =	sor.u32 $0xD0000000, s2;
	s6 =	simm.s32 $0x108;
	_ =	swait.ge @!p0 [sflag:s8], $0x0  }
0x24: {  	s3 =	sadd.s32 $0x88, s3;
	s6 =	simm.s32 @!p1 $0x1082;
	[sflag:s4] =	ssyncset.s32 $0xFFFFF086  }
0x25: {  	[simem:s6], [sflag:s4] =	dma.local [hbm:s3], $0xF7A  }
0x26: {  	[smem:$0x3F95] =	sst s1;
	(tag) =	ssettag s2;
	_ =	strace s9  }
0x27: {  	s1 =	sld [smem:$0x3FA5]  }
0x28: {  	s2 =	sld [smem:$0x3FA6]  }
0x29: {  	s4 =	sld [smem:$0x3FA8]  }
0x2a: {  	p0 =	seq.s32 s5, $0x0;
	s5 =	sld [smem:$0x3FA9]  }
0x2b: {  	s6 =	sld [smem:$0x3FAA]  }
0x2c: {  	s7 =	sld [smem:$0x3FAB]  }
0x2d: {  	s3 =	simm.s32 $0x108;
	s8 =	sld [smem:$0x3FAC]  }
0x2e: {  	s3 =	simm.s32 @!p0 $0x1082;
	s9 =	sld [smem:$0x3FAD]  }
0x2f: {  	lr =	sadd.s32 s0, s3;
	s0 =	sld [smem:$0x3FA4]  }
0x30: {  	s3 =	sld [smem:$0x3FA7]  }
0x31: {  	[smem:$0x3FB0] =	sst s10  }
0x32: {  	s10 =	sld [smem:$0x3FAE];
	_ =	sdelay $0x3  }
0x33: {  	p0 =	seq.s32 s10, $0x1;
	s10 =	sld [smem:$0x3FB0];
	_ =	sdelay $0x3  }
0x34: {  	[smem:$0x3FB0] =	sst s10  }
0x35: {  	s10 =	sld [smem:$0x3FAF];
	_ =	sdelay $0x3  }
0x36: {  	p1 =	seq.s32 s10, $0x1;
	s10 =	sld [smem:$0x3FB0];
	_ =	sdelay $0x3  }
0x37: {  	[smem:$0x3FB0] =	sst s10  }
0x38: {  	s10 =	sld [smem:$0x3FB1]  }
0x39: {  	_ = 	snop;
	(pc) =	sbr.ind lr, $3  }
0x3a: {  	_ = 	snop  }
0x3b: {  	_ = 	snop  }
0x3c: {  	p2 =	seq.s32 s10, $0x1;
	s10 =	sld [smem:$0x3FB0]  }
0x3d: {  	_ =	shalt  }
0x3e: {  	_ =	shalt  }
0x3f: {  	_ =	shalt  }
0x40: {  	_ =	shalt  }
0x41: {  	_ =	shalt  }
0x42: {  	_ =	shalt  }
0x43: {  	_ =	shalt  }
0x44: {  	_ =	shalt  }
0x45: {  	_ =	shalt  }
0x46: {  	_ =	shalt  }
0x47: {  	_ =	shalt  }
0x48: {  	_ =	shalt  }
0x49: {  	_ =	shalt  }
0x4a: {  	_ =	shalt  }
0x4b: {  	_ =	shalt  }
0x4c: {  	_ =	shalt  }
0x4d: {  	_ =	shalt  }
0x4e: {  	_ =	shalt  }
0x4f: {  	_ =	shalt  }
0x50: {  	_ =	shalt  }
0x51: {  	_ =	shalt  }
0x52: {  	_ =	shalt  }
0x53: {  	_ =	shalt  }
0x54: {  	_ =	shalt  }
0x55: {  	_ =	shalt  }
0x56: {  	_ =	shalt  }
0x57: {  	_ =	shalt  }
0x58: {  	_ =	shalt  }
0x59: {  	_ =	shalt  }
0x5a: {  	_ =	shalt  }
0x5b: {  	_ =	shalt  }
0x5c: {  	_ =	shalt  }
0x5d: {  	_ =	shalt  }
0x5e: {  	_ =	shalt  }
0x5f: {  	_ =	shalt  }
0x60: {  	_ =	shalt  }
0x61: {  	_ =	shalt  }
0x62: {  	_ =	shalt  }
0x63: {  	_ =	shalt  }
0x64: {  	_ =	shalt  }
0x65: {  	_ =	shalt  }
0x66: {  	_ =	shalt  }
0x67: {  	_ =	shalt  }
0x68: {  	_ =	shalt  }
0x69: {  	_ =	shalt  }
0x6a: {  	_ =	shalt  }
0x6b: {  	_ =	shalt  }
0x6c: {  	_ =	shalt  }
0x6d: {  	_ =	shalt  }
0x6e: {  	_ =	shalt  }
0x6f: {  	_ =	shalt  }
0x70: {  	_ =	shalt  }
0x71: {  	_ =	shalt  }
0x72: {  	_ =	shalt  }
0x73: {  	_ =	shalt  }
0x74: {  	_ =	shalt  }
0x75: {  	_ =	shalt  }
0x76: {  	_ =	shalt  }
0x77: {  	_ =	shalt  }
0x78: {  	_ =	shalt  }
0x79: {  	_ =	shalt  }
0x7a: {  	_ =	shalt  }
0x7b: {  	_ =	shalt  }
0x7c: {  	_ =	shalt  }
0x7d: {  	_ =	shalt  }
0x7e: {  	_ =	shalt  }
0x7f: {  	_ =	shalt  }
0x80: {  	_ =	shalt  }
0x81: {  	_ =	shalt  }
0x82: {  	_ =	shalt  }
0x83: {  	_ =	shalt  }
0x84: {  	_ =	shalt  }
0x85: {  	_ =	shalt  }
0x86: {  	_ =	shalt  }
0x87: {  	_ =	shalt  }
.Lfunc_end0:
.L_simem_size_0:
called_computation_lowered:
.L_overlay_start_0:
0x88: {  	s2 =	sld [smem:$0x3FD9]  }
0x89: {  	s3 =	sld [smem:$0x3FFE];
	_ =	sdelay $0x1  }
0x8a: {  	s1 =	srdreg.scid  }
0x8b: {  	s0 =	sand.u32 $0x1, s1  }
0x8c: {  	s17 =	sshll.u32 s0, $0xA;
	s2 =	sadd.s32 s3, s2  }
0x8d: {  	s2 =	sadd.s32 s2, s17  }
0x8e: {  	[smem:$0x3FBC] =	sst s2  }
0x8f: {  	_ = 	snop  }
0x90: {  	s2 =	sld [smem:$0x3FD0];
	(tm) =	ssettm $0x1  }
0x91: {  	s18 =	sld [smem:$0x3FFB];
	_ =	sdelay $0x3  }
0x92: {  	_ =	strace s18  }
0x93: {  	s3 =	sld [smem:$0x3FFC];
	_ =	sdelay $0x3  }
0x94: {  	_ =	strace s3  }
0x95: {  	s3 =	sld [smem:$0x3FFD];
	_ =	sdelay $0x3  }
0x96: {  	_ =	strace s3  }
0x97: {  	_ =	strace $0x8FFFFFFF  }
0x98: {  	s19 =	sld [smem:$0x3FDB];
	_ =	sdelay $0x1  }
0x99: {  	s4 =	simm.s32 $_scs_section_size  }
0x9a: {  	s5 =	simm.s32 $_size__tile_overlayer_lowered;
	s6 =	simm.s32 $_tile_overlayer_lowered  }
0x9b: {  	s22 =	simm.s32 $0x1BFF;
	s21 =	sshll.u32 s6, $0x1;
	s3 =	sadd.s32 s4, s19  }
0x9c: {  	s7 =	simm.s32 $0x0;
	s20 =	sshll.u32 s5, $0x1;
	s5 =	sadd.s32 s21, s3  }
0x9d: {  	[timem:s7], [sflag:s22] =	dma.local [hbm:s5], s20  }
0x9e: {  	_ =	swait.ge [sflag:s22], s20  }
0x9f: {  	s4 =	ssub.s32 $0x0, s20;
	[sflag:s22] =	ssyncset.done $0x0  }
0xa0: {  	[sflag:s22] =	ssyncadd.s32 s4;
	_ =	sdelay $0x1  }
0xa1: {  	s23 =	simm.s32 $0x1B8B  }
0xa2: {  	_ =	swait.ge [sflag:s23], $0x1  }
0xa3: {  	[sflag:s23] =	ssyncset.done $0x0  }
0xa4: {  	s25 =	simm.s32 $0x1B8E;
	s24 =	sld [smem:$0x3FFE];
	[sflag:s23] =	ssyncadd.s32 $0xFFFFFFFF  }
0xa5: {  	s26 =	simm.s32 $execute0_lowered;
	[smem:$0x3FD2] =	sst s25  }
0xa6: {  	s5 =	sshll.u32 s26, $0x1;
	_ =	strace $0x80000046;
	[dreg:$0x1] =	wrdreg $0xFFFFFFFF  }
0xa7: {  	s28 =	simm.s32 $_size_execute0_lowered;
	s3 =	sadd.s32 s3, s5;
	[dreg:$0x0] =	wrdreg $0x0  }
0xa8: {  	s5 =	sshll.u32 s28, $0x1;
	[dreg:$0x2] =	wrdreg s3  }
0xa9: {  	[dreg:$0x3] =	wrdreg s5  }
0xaa: {  	[dreg:$0x4] =	wrdreg $0xC0  }
0xab: {  	_ =	task [dreg:s7], $0x5FFFF  }
0xac: {  	[dreg:$0x1] =	wrdreg $0xFFFFFFFF  }
0xad: {  	[dreg:$0x0] =	wrdreg $0x60  }
0xae: {  	[dreg:$0x2] =	wrdreg s24  }
0xaf: {  	[dreg:$0x3] =	wrdreg s2  }
0xb0: {  	[dreg:$0x4] =	wrdreg $0x18E000  }
0xb1: {  	[dreg:$0x5] =	wrdreg $0x9  }
0xb2: {  	_ =	task.clear_ibuf [dreg:s7], $0x6FFFF;
	_ =	strace $0x90000046  }
0xb3: {  	s29 =	simm.s32 $0x9;
	_ =	strace $0x80000048  }
0xb4: {  	_ =	swait.ge [sflag:s29], $0x1  }
0xb5: {  	[sflag:s29] =	ssyncadd.s32 $0xFFFFFFFF  }
0xb6: {  	_ =	strace $0x90000048  }
0xb7: {  	_ =	sfence  }
0xb8: {  	s30 =	sld [smem:$0x0];
	_ =	sdelay $0x2  }
0xb9: {  	s31 =	sshll.u32 s1, $0xD;
	s1 =	sshrl.u32 s1, $0x2  }
0xba: {  	s3 =	sand.u32 $0x4000, s31;
	s1 =	sadd.s32 s1, s30  }
0xbb: {  	s0 =	sor.u32 s3, s0;
	s1 =	sshll.u32 s1, $0x11  }
0xbc: {  	s0 =	sor.u32 s1, s0  }
0xbd: {  	s0 =	sadd.s32 $0x8F2B, s0  }
0xbe: {  	[sflag:s0] =	ssyncadd.remote.s32 $0x1  }
0xbf: {  	_ =	sfence.sel $0xFFFF  }
0xc0: {  	[dreg:$0x0] =	wrdreg $0xFFFFFFFF;
	(pc) =	sbr.abs _section_cstart, $3  }
0xc1: {  	[dreg:$0x1] =	wrdreg $0xFFFFFFFF  }
0xc2: {  	_ =	task.clear_ibuf [dreg:s7], $0x2FFFF;
	_ =	strace $0x9FFFFFFF  }
0xc3: {  	(tm) =	ssettm $0x7FFFFFFF  }
tec
execute0_lowered:
.L_overlay_start_1:
0x0: {  	(tag) =	ssettag $0x1  }
0x1: {  	s1 =	rddreg [dreg:$0x0]  }
0x2: {  	s0 =	srdreg.scid;
	s8 =	rddreg [dreg:$0x1]  }
0x3: {  	s11 =	stileid.u32;
	s10 =	rddreg [dreg:$0x2]  }
0x4: {  	s0 =	sand.u32 $0x1, s0;
	s2 =	sshll.u32 s11, $0x1;
	s5 =	smul.u32 $0x9C40, s11  }
0x5: {  	s6 =	smul.u32 $0x270, s11;
	s12 =	sadd.s32 $0x4E10, s10;
	s2 =	sor.u32 s0, s2  }
0x6: {  	s13 =	sadd.s32 $0x7520, s10;
	s3 =	smul.u32 $0x2780, s2;
	s2 =	simm.s32 $0x0  }
0x7: {  	s14 =	sadd.s32 $0x9C30, s10;
	s15 =	sadd.s32 $0xC340, s10;
	[smem:$0x7FF] =	sst s2  }
0x8: {  	s16 =	sadd.s32 $0xEA50, s10;
	_ =	strace $0x80000047;
	[dreg:$0x5] =	wrdreg s12  }
0x9: {  	s17 =	sadd.s32 $0x11160, s10;
	s18 =	sadd.s32 $0x13870, s10;
	[dreg:$0x6] =	wrdreg s13  }
0xa: {  	s19 =	sadd.s32 $0x15F80, s10;
	s20 =	sadd.s32 $0x18690, s10;
	[dreg:$0x7] =	wrdreg s14  }
0xb: {  	s21 =	sadd.s32 $0x1ADA0, s10;
	s22 =	sadd.s32 $0x1D4B0, s10;
	[dreg:$0x8] =	wrdreg s15  }
0xc: {  	s23 =	sadd.s32 $0x1FBC0, s10;
	s24 =	sadd.s32 $0x222D0, s10;
	[dreg:$0x9] =	wrdreg s16  }
0xd: {  	p0 =	sne.s32 s11, $0xF;
	s4 =	ssub.s32 $0x2, s0;
	[dreg:$0xa] =	wrdreg s17  }
0xe: {  	s0 =	smul.u32 $0x2710, s0;
	s7 =	sshrl.u32 s4, $0x1;
	[dreg:$0xb] =	wrdreg s18  }
0xf: {  	s5 =	sshrl.u32 s5, $0x2;
	s25 =	ssub.s32 s4, s7;
	[dreg:$0xc] =	wrdreg s19  }
0x10: {  	s26 =	sadd.s32 s6, s0;
	s5 =	sadd.s32 s5, s10;
	[dreg:$0xd] =	wrdreg s20  }
0x11: {  	s0 =	sshrl.u32 s0, $0x3;
	s6 =	sadd.s32 s6, s10;
	[dreg:$0xe] =	wrdreg s21  }
0x12: {  	s9 =	sadd.s32 s3, s1;
	s3 =	sadd.s32 $0x52200, s1;
	[dreg:$0xf] =	wrdreg s22  }
0x13: {  	s7 =	sshrl.u32 s26, $0x3;
	s0 =	sadd.s32 s8, s0;
	[dreg:$0x10] =	wrdreg s23  }
0x14: {  	s1 =	sadd.s32 $0x2700, s10;
	[dreg:$0x11] =	wrdreg s24;
	s26 =	sadd.s32 $0x270F0, s10  }
0x15: {  	s28 =	sadd.s32 $0x4E20, s6;
	s29 =	sadd.s32 $0x7530, s6;
	s30 =	sadd.s32 $0x9C40, s6  }
0x16: {  	s31 =	sadd.s32 $0xC350, s6;
	s11 =	sadd.s32 $0x15F90, s6;
	s12 =	sadd.s32 $0x186A0, s6  }
0x17: {  	s13 =	sadd.s32 $0x1ADB0, s6;
	s14 =	sadd.s32 $0x1D4C0, s6;
	s15 =	sadd.s32 $0x1FBD0, s6  }
0x18: {  	s16 =	sadd.s32 $0x222E0, s6;
	s17 =	sadd.s32 $0x249F0, s6;
	s18 =	simm.s32 $0x13C00  }
0x19: {  	s19 =	simm.s32 $0x1;
	s23 =	simm.s32 $0x18900;
	s24 =	simm.s32 $0x0  }
0x1a: {  	s4 =	sadd.s32 $0x3200, s9;
	s7 =	sadd.s32 s8, s7;
	s8 =	sadd.s32 $0x4E0, s0  }
0x1b: {  	s9 =	smax.u32 s25, $0x1;
	[dreg:$0x4] =	wrdreg s1;
	s25 =	sadd.s32 $0x249E0, s10  }
0x1c: {  	[dreg:$0x13] =	wrdreg s26;
	s26 =	sadd.s32 $0x2710, s6;
	s1 =	sadd.s32 $0xEA60, s6  }
0x1d: {  	v0 =	vimm.f32 $1.000000000e+00;
	s0 =	sadd.s32 $0x11170, s6;
	s10 =	sadd.s32 $0x13880, s6;
	[dreg:$0x12] =	wrdreg s25  }
.LBB2_1:
0x1e: {  	[tilespmem:s18], [sflag:$0x1] =	stream.linear.gather [hbm4b:s3+s2], $0x2780, $0x38;
	[tilespmem:$0x1B510] =	vst v63  }
0x1f: {  	_ =	swait.ge [sflag:s19], $0x2780  }
0x20: {  	[sflag:s19] =	ssyncset.done $0x0  }
0x21: {  	[sflag:s19] =	ssyncadd.s32 $0xFFFFD880  }
0x22: {  	[tilespmem:s2], [sflag:$0x1] =	stream.linear.gather [hbm4b:s4+s2], $0x13880, $0x38;
	[tilespmem:$0x1B510] =	vst v63  }
0x23: {  	_ =	swait.ge [sflag:s19], $0x13880  }
0x24: {  	[sflag:s19] =	ssyncset.done $0x0  }
0x25: {  	s21 =	simm.s32 $0x0;
	s20 =	simm.s32 $0x200;
	[sflag:s19] =	ssyncadd.s32 $0xFFFEC780  }
.LBB2_2:
0x26: {  	p1 =	sne.s32 s20, $0x4E000;
	v1 =	vld [tilespmem:s21+$0x0];
	_ =	sdelay $0x3  }
.Ltmp0:
0x27: {  	(pc) =	sbr.rel @p1 .LBB2_2-.Ltmp0, $2  }
0x28: {  	_ =	sdelay $0x2  }
0x29: {  	s21 =	sshra.s32 s20, $0x2;
	s20 =	sadd.s32 $0x200, s20;
	[tilespmem:v1+s18+$0x0] =	vst.idx.add.f32.msk $0xffff, v0  }
0x2a: {  	v1 =	vld [tilespmem:s21+$0x0];
	_ =	sdelay $0x7  }
0x2b: {  	[tilespmem:v1+s18+$0x0] =	vst.idx.add.f32.msk $0xffff, v0  }
0x2c: {  	[spmem:s5] =	stream.linear.scatter [tilespmem:s18], [sflag:$0x1], $0x2710, $0x38;
	[tilespmem:$0x1B510] =	vst v63  }
0x2d: {  	_ =	swait.ge [sflag:s19], $0x2710  }
0x2e: {  	[sflag:s19] =	ssyncset.done $0x0  }
0x2f: {  	[sflag:s19] =	ssyncadd.s32 $0xFFFFD8F0  }
0x30: {  	s20 =	simm.s32 $0x16380;
	[bflag:$0x0] =	sbarrier.arrive $0xFFFF  }
0x31: {  	[tilespmem:s20], [sflag:$0x1] =	stream.linear.gather [spmem:s6], $0x270, $0x38;
	[tilespmem:$0x1B510] =	vst v63  }
0x32: {  	_ =	swait.ge [sflag:s19], $0x270  }
0x33: {  	[sflag:s19] =	ssyncset.done $0x0  }
0x34: {  	s22 =	simm.s32 $0x16600;
	[sflag:s19] =	ssyncadd.s32 $0xFFFFFD90  }
0x35: {  	[tilespmem:s22], [sflag:$0x1] =	stream.linear.gather [spmem:s26], $0x270, $0x38;
	[tilespmem:$0x1B510] =	vst v63  }
0x36: {  	_ =	swait.ge [sflag:s19], $0x270  }
0x37: {  	[sflag:s19] =	ssyncset.done $0x0  }
0x38: {  	s25 =	simm.s32 $0x16880;
	[sflag:s19] =	ssyncadd.s32 $0xFFFFFD90  }
0x39: {  	[tilespmem:s25], [sflag:$0x1] =	stream.linear.gather [spmem:s28], $0x270, $0x38;
	[tilespmem:$0x1B510] =	vst v63  }
0x3a: {  	_ =	swait.ge [sflag:s19], $0x270  }
0x3b: {  	[sflag:s19] =	ssyncset.done $0x0  }
0x3c: {  	s21 =	simm.s32 $0x16B00;
	[sflag:s19] =	ssyncadd.s32 $0xFFFFFD90  }
0x3d: {  	[tilespmem:s21], [sflag:$0x1] =	stream.linear.gather [spmem:s29], $0x270, $0x38;
	[tilespmem:$0x1B510] =	vst v63  }
0x3e: {  	_ =	swait.ge [sflag:s19], $0x270  }
0x3f: {  	[sflag:s19] =	ssyncset.done $0x0  }
0x40: {  	s22 =	simm.s32 $0x16D80;
	[sflag:s19] =	ssyncadd.s32 $0xFFFFFD90  }
0x41: {  	[tilespmem:s22], [sflag:$0x1] =	stream.linear.gather [spmem:s30], $0x270, $0x38;
	[tilespmem:$0x1B510] =	vst v63  }
0x42: {  	_ =	swait.ge [sflag:s19], $0x270  }
0x43: {  	[sflag:s19] =	ssyncset.done $0x0  }
0x44: {  	s25 =	simm.s32 $0x17000;
	[sflag:s19] =	ssyncadd.s32 $0xFFFFFD90  }
0x45: {  	[tilespmem:s25], [sflag:$0x1] =	stream.linear.gather [spmem:s31], $0x270, $0x38;
	[tilespmem:$0x1B510] =	vst v63  }
0x46: {  	_ =	swait.ge [sflag:s19], $0x270  }
0x47: {  	[sflag:s19] =	ssyncset.done $0x0  }
0x48: {  	s21 =	simm.s32 $0x17280;
	[sflag:s19] =	ssyncadd.s32 $0xFFFFFD90  }
0x49: {  	[tilespmem:s21], [sflag:$0x1] =	stream.linear.gather [spmem:s1], $0x270, $0x38;
	[tilespmem:$0x1B510] =	vst v63  }
0x4a: {  	_ =	swait.ge [sflag:s19], $0x270  }
0x4b: {  	[sflag:s19] =	ssyncset.done $0x0  }
0x4c: {  	s22 =	simm.s32 $0x17500;
	[sflag:s19] =	ssyncadd.s32 $0xFFFFFD90  }
0x4d: {  	[tilespmem:s22], [sflag:$0x1] =	stream.linear.gather [spmem:s0], $0x270, $0x38;
	[tilespmem:$0x1B510] =	vst v63  }
0x4e: {  	_ =	swait.ge [sflag:s19], $0x270  }
0x4f: {  	[sflag:s19] =	ssyncset.done $0x0  }
0x50: {  	s25 =	simm.s32 $0x17780;
	[sflag:s19] =	ssyncadd.s32 $0xFFFFFD90  }
0x51: {  	[tilespmem:s25], [sflag:$0x1] =	stream.linear.gather [spmem:s10], $0x270, $0x38;
	[tilespmem:$0x1B510] =	vst v63  }
0x52: {  	_ =	swait.ge [sflag:s19], $0x270  }
0x53: {  	[sflag:s19] =	ssyncset.done $0x0  }
0x54: {  	s21 =	simm.s32 $0x17A00;
	[sflag:s19] =	ssyncadd.s32 $0xFFFFFD90  }
0x55: {  	[tilespmem:s21], [sflag:$0x1] =	stream.linear.gather [spmem:s11], $0x270, $0x38;
	[tilespmem:$0x1B510] =	vst v63  }
0x56: {  	_ =	swait.ge [sflag:s19], $0x270  }
0x57: {  	[sflag:s19] =	ssyncset.done $0x0  }
0x58: {  	s22 =	simm.s32 $0x17C80;
	[sflag:s19] =	ssyncadd.s32 $0xFFFFFD90  }
0x59: {  	[tilespmem:s22], [sflag:$0x1] =	stream.linear.gather [spmem:s12], $0x270, $0x38;
	[tilespmem:$0x1B510] =	vst v63  }
0x5a: {  	_ =	swait.ge [sflag:s19], $0x270  }
0x5b: {  	[sflag:s19] =	ssyncset.done $0x0  }
0x5c: {  	s25 =	simm.s32 $0x17F00;
	[sflag:s19] =	ssyncadd.s32 $0xFFFFFD90  }
0x5d: {  	[tilespmem:s25], [sflag:$0x1] =	stream.linear.gather [spmem:s13], $0x270, $0x38;
	[tilespmem:$0x1B510] =	vst v63  }
0x5e: {  	_ =	swait.ge [sflag:s19], $0x270  }
0x5f: {  	[sflag:s19] =	ssyncset.done $0x0  }
0x60: {  	s21 =	simm.s32 $0x18180;
	[sflag:s19] =	ssyncadd.s32 $0xFFFFFD90  }
0x61: {  	[tilespmem:s21], [sflag:$0x1] =	stream.linear.gather [spmem:s14], $0x270, $0x38;
	[tilespmem:$0x1B510] =	vst v63  }
0x62: {  	_ =	swait.ge [sflag:s19], $0x270  }
0x63: {  	[sflag:s19] =	ssyncset.done $0x0  }
0x64: {  	s22 =	simm.s32 $0x18400;
	[sflag:s19] =	ssyncadd.s32 $0xFFFFFD90  }
0x65: {  	[tilespmem:s22], [sflag:$0x1] =	stream.linear.gather [spmem:s15], $0x270, $0x38;
	[tilespmem:$0x1B510] =	vst v63  }
0x66: {  	_ =	swait.ge [sflag:s19], $0x270  }
0x67: {  	[sflag:s19] =	ssyncset.done $0x0  }
0x68: {  	s25 =	simm.s32 $0x18680;
	[sflag:s19] =	ssyncadd.s32 $0xFFFFFD90  }
0x69: {  	[tilespmem:s25], [sflag:$0x1] =	stream.linear.gather [spmem:s16], $0x270, $0x38;
	[tilespmem:$0x1B510] =	vst v63  }
0x6a: {  	_ =	swait.ge [sflag:s19], $0x270  }
0x6b: {  	[sflag:s19] =	ssyncset.done $0x0  }
.Ltmp1:
0x6c: {  	[sflag:s19] =	ssyncadd.s32 $0xFFFFFD90;
	(pc) =	sbr.rel @p0 .LBB2_5-.Ltmp1, $4  }
0x6d: {  	[tilespmem:s23], [sflag:$0x1] =	stream.linear.gather [spmem:s17], $0x270, $0x38;
	[tilespmem:$0x1B510] =	vst v63  }
0x6e: {  	_ =	swait.ge [sflag:s19], $0x270  }
0x6f: {  	[sflag:s19] =	ssyncset.done $0x0  }
0x70: {  	[sflag:s19] =	ssyncadd.s32 $0xFFFFFD90  }
0x71: {  	s20 =	rddreg [dreg:$0x4];
	s21 =	simm.s32 $0x165F0  }
0x72: {  	[tilespmem:s21], [sflag:$0x1] =	stream.linear.gather [spmem:s20], $0x10, $0x38;
	[tilespmem:$0x1B510] =	vst v63  }
0x73: {  	_ =	swait.ge [sflag:s19], $0x10  }
0x74: {  	[sflag:s19] =	ssyncset.done $0x0  }
0x75: {  	s25 =	simm.s32 $0x16870;
	s22 =	rddreg [dreg:$0x5];
	[sflag:s19] =	ssyncadd.s32 $0xFFFFFFF0  }
0x76: {  	[tilespmem:s25], [sflag:$0x1] =	stream.linear.gather [spmem:s22], $0x10, $0x38;
	[tilespmem:$0x1B510] =	vst v63  }
0x77: {  	_ =	swait.ge [sflag:s19], $0x10  }
0x78: {  	[sflag:s19] =	ssyncset.done $0x0  }
0x79: {  	s25 =	simm.s32 $0x16AF0;
	s22 =	rddreg [dreg:$0x6];
	[sflag:s19] =	ssyncadd.s32 $0xFFFFFFF0  }
0x7a: {  	[tilespmem:s25], [sflag:$0x1] =	stream.linear.gather [spmem:s22], $0x10, $0x38;
	[tilespmem:$0x1B510] =	vst v63  }
0x7b: {  	_ =	swait.ge [sflag:s19], $0x10  }
0x7c: {  	[sflag:s19] =	ssyncset.done $0x0  }
0x7d: {  	s25 =	simm.s32 $0x16D70;
	s22 =	rddreg [dreg:$0x7];
	[sflag:s19] =	ssyncadd.s32 $0xFFFFFFF0  }
0x7e: {  	[tilespmem:s25], [sflag:$0x1] =	stream.linear.gather [spmem:s22], $0x10, $0x38;
	[tilespmem:$0x1B510] =	vst v63  }
0x7f: {  	_ =	swait.ge [sflag:s19], $0x10  }
0x80: {  	[sflag:s19] =	ssyncset.done $0x0  }
0x81: {  	s25 =	simm.s32 $0x16FF0;
	s22 =	rddreg [dreg:$0x8];
	[sflag:s19] =	ssyncadd.s32 $0xFFFFFFF0  }
0x82: {  	[tilespmem:s25], [sflag:$0x1] =	stream.linear.gather [spmem:s22], $0x10, $0x38;
	[tilespmem:$0x1B510] =	vst v63  }
0x83: {  	_ =	swait.ge [sflag:s19], $0x10  }
0x84: {  	[sflag:s19] =	ssyncset.done $0x0  }
0x85: {  	s25 =	simm.s32 $0x17270;
	s22 =	rddreg [dreg:$0x9];
	[sflag:s19] =	ssyncadd.s32 $0xFFFFFFF0  }
0x86: {  	[tilespmem:s25], [sflag:$0x1] =	stream.linear.gather [spmem:s22], $0x10, $0x38;
	[tilespmem:$0x1B510] =	vst v63  }
0x87: {  	_ =	swait.ge [sflag:s19], $0x10  }
0x88: {  	[sflag:s19] =	ssyncset.done $0x0  }
0x89: {  	s25 =	simm.s32 $0x174F0;
	s22 =	rddreg [dreg:$0xa];
	[sflag:s19] =	ssyncadd.s32 $0xFFFFFFF0  }
0x8a: {  	[tilespmem:s25], [sflag:$0x1] =	stream.linear.gather [spmem:s22], $0x10, $0x38;
	[tilespmem:$0x1B510] =	vst v63  }
0x8b: {  	_ =	swait.ge [sflag:s19], $0x10  }
0x8c: {  	[sflag:s19] =	ssyncset.done $0x0  }
0x8d: {  	s25 =	simm.s32 $0x17770;
	s22 =	rddreg [dreg:$0xb];
	[sflag:s19] =	ssyncadd.s32 $0xFFFFFFF0  }
0x8e: {  	[tilespmem:s25], [sflag:$0x1] =	stream.linear.gather [spmem:s22], $0x10, $0x38;
	[tilespmem:$0x1B510] =	vst v63  }
0x8f: {  	_ =	swait.ge [sflag:s19], $0x10  }
0x90: {  	[sflag:s19] =	ssyncset.done $0x0  }
0x91: {  	s25 =	simm.s32 $0x179F0;
	s22 =	rddreg [dreg:$0xc];
	[sflag:s19] =	ssyncadd.s32 $0xFFFFFFF0  }
0x92: {  	[tilespmem:s25], [sflag:$0x1] =	stream.linear.gather [spmem:s22], $0x10, $0x38;
	[tilespmem:$0x1B510] =	vst v63  }
0x93: {  	_ =	swait.ge [sflag:s19], $0x10  }
0x94: {  	[sflag:s19] =	ssyncset.done $0x0  }
0x95: {  	s25 =	simm.s32 $0x17C70;
	s22 =	rddreg [dreg:$0xd];
	[sflag:s19] =	ssyncadd.s32 $0xFFFFFFF0  }
0x96: {  	[tilespmem:s25], [sflag:$0x1] =	stream.linear.gather [spmem:s22], $0x10, $0x38;
	[tilespmem:$0x1B510] =	vst v63  }
0x97: {  	_ =	swait.ge [sflag:s19], $0x10  }
0x98: {  	[sflag:s19] =	ssyncset.done $0x0  }
0x99: {  	s25 =	simm.s32 $0x17EF0;
	s22 =	rddreg [dreg:$0xe];
	[sflag:s19] =	ssyncadd.s32 $0xFFFFFFF0  }
0x9a: {  	[tilespmem:s25], [sflag:$0x1] =	stream.linear.gather [spmem:s22], $0x10, $0x38;
	[tilespmem:$0x1B510] =	vst v63  }
0x9b: {  	_ =	swait.ge [sflag:s19], $0x10  }
0x9c: {  	[sflag:s19] =	ssyncset.done $0x0  }
0x9d: {  	s25 =	simm.s32 $0x18170;
	s22 =	rddreg [dreg:$0xf];
	[sflag:s19] =	ssyncadd.s32 $0xFFFFFFF0  }
0x9e: {  	[tilespmem:s25], [sflag:$0x1] =	stream.linear.gather [spmem:s22], $0x10, $0x38;
	[tilespmem:$0x1B510] =	vst v63  }
0x9f: {  	_ =	swait.ge [sflag:s19], $0x10  }
0xa0: {  	[sflag:s19] =	ssyncset.done $0x0  }
0xa1: {  	s25 =	simm.s32 $0x183F0;
	s22 =	rddreg [dreg:$0x10];
	[sflag:s19] =	ssyncadd.s32 $0xFFFFFFF0  }
0xa2: {  	[tilespmem:s25], [sflag:$0x1] =	stream.linear.gather [spmem:s22], $0x10, $0x38;
	[tilespmem:$0x1B510] =	vst v63  }
0xa3: {  	_ =	swait.ge [sflag:s19], $0x10  }
0xa4: {  	[sflag:s19] =	ssyncset.done $0x0  }
0xa5: {  	s25 =	simm.s32 $0x18670;
	s22 =	rddreg [dreg:$0x11];
	[sflag:s19] =	ssyncadd.s32 $0xFFFFFFF0  }
0xa6: {  	[tilespmem:s25], [sflag:$0x1] =	stream.linear.gather [spmem:s22], $0x10, $0x38;
	[tilespmem:$0x1B510] =	vst v63  }
0xa7: {  	_ =	swait.ge [sflag:s19], $0x10  }
0xa8: {  	[sflag:s19] =	ssyncset.done $0x0  }
0xa9: {  	s25 =	simm.s32 $0x188F0;
	s22 =	rddreg [dreg:$0x12];
	[sflag:s19] =	ssyncadd.s32 $0xFFFFFFF0  }
0xaa: {  	[tilespmem:s25], [sflag:$0x1] =	stream.linear.gather [spmem:s22], $0x10, $0x38;
	[tilespmem:$0x1B510] =	vst v63  }
0xab: {  	_ =	swait.ge [sflag:s19], $0x10  }
0xac: {  	[sflag:s19] =	ssyncset.done $0x0  }
0xad: {  	s25 =	simm.s32 $0x18B70;
	s22 =	rddreg [dreg:$0x13];
	[sflag:s19] =	ssyncadd.s32 $0xFFFFFFF0  }
0xae: {  	[tilespmem:s25], [sflag:$0x1] =	stream.linear.gather [spmem:s22], $0x10, $0x38;
	[tilespmem:$0x1B510] =	vst v63  }
0xaf: {  	_ =	swait.ge [sflag:s19], $0x10  }
0xb0: {  	[sflag:s19] =	ssyncset.done $0x0  }
0xb1: {  	[sflag:s19] =	ssyncadd.s32 $0xFFFFFFF0  }
.LBB2_5:
0xb2: {  	s20 =	simm.s32 $0x0;
	s21 =	simm.s32 $0x16380  }
0xb3: {  	s20 =	sand.u32 $0x3F0, s20;
	v2 =	vld [tilespmem:s21+$0x0]  }
0xb4: {  	v1 =	vld [tilespmem:s20+$0x16600];
	_ =	sdelay $0x1  }
0xb5: {  	v3 =	vld [tilespmem:s20+$0x16880];
	_ =	sdelay $0x1  }
0xb6: {  	v4 =	vld [tilespmem:s20+$0x16B00]  }
0xb7: {  	v1 =	vadd.f32 v1, v2  }
0xb8: {  	v2 =	vld [tilespmem:s20+$0x16D80]  }
0xb9: {  	v1 =	vadd.f32 v3, v1  }
0xba: {  	v3 =	vld [tilespmem:s20+$0x17000]  }
0xbb: {  	v1 =	vadd.f32 v4, v1  }
0xbc: {  	v60 =	vld [tilespmem:s20+$0x17280]  }
0xbd: {  	v1 =	vadd.f32 v2, v1  }
0xbe: {  	v2 =	vld [tilespmem:s20+$0x17500]  }
0xbf: {  	v1 =	vadd.f32 v3, v1  }
0xc0: {  	v3 =	vld [tilespmem:s20+$0x17780]  }
0xc1: {  	v1 =	vadd.f32 v60, v1  }
0xc2: {  	v61 =	vld [tilespmem:s20+$0x17A00]  }
0xc3: {  	v1 =	vadd.f32 v2, v1  }
0xc4: {  	v2 =	vld [tilespmem:s20+$0x17C80]  }
0xc5: {  	v1 =	vadd.f32 v3, v1  }
0xc6: {  	v3 =	vld [tilespmem:s20+$0x17F00]  }
0xc7: {  	v1 =	vadd.f32 v61, v1  }
0xc8: {  	v62 =	vld [tilespmem:s20+$0x18180]  }
0xc9: {  	v1 =	vadd.f32 v2, v1  }
0xca: {  	v2 =	vld [tilespmem:s20+$0x18400]  }
0xcb: {  	v1 =	vadd.f32 v3, v1  }
0xcc: {  	v3 =	vld [tilespmem:s20+$0x18680]  }
0xcd: {  	v1 =	vadd.f32 v62, v1  }
0xce: {  	v63 =	vld [tilespmem:s20+$0x18900]  }
0xcf: {  	v1 =	vadd.f32 v2, v1;
	_ =	sdelay $0x1  }
0xd0: {  	v1 =	vadd.f32 v3, v1;
	_ =	sdelay $0x1  }
0xd1: {  	v1 =	vadd.f32 v63, v1  }
0xd2: {  	s25 =	simm.s32 $0x18B80;
	s22 =	simm.s32 $0x10  }
0xd3: {  	s20 =	sand.u32 $0x3F0, s22;
	[tilespmem:s25+$0x0] =	vst v1  }
0xd4: {  	s21 =	simm.s32 $0x16390;
	s22 =	simm.s32 $0x20;
	v1 =	vld [tilespmem:s20+$0x16600]  }
.LBB2_6:
0xd5: {  	p1 =	sne.s32 s22, $0x260;
	v2 =	vld [tilespmem:s21+$0x0];
	_ =	sdelay $0x1  }
0xd6: {  	v3 =	vld [tilespmem:s20+$0x16880];
	_ =	sdelay $0x1  }
0xd7: {  	v4 =	vld [tilespmem:s20+$0x16B00]  }
0xd8: {  	v1 =	vadd.f32 v1, v2  }
0xd9: {  	v2 =	vld [tilespmem:s20+$0x16D80]  }
0xda: {  	v1 =	vadd.f32 v3, v1  }
0xdb: {  	v3 =	vld [tilespmem:s20+$0x17000]  }
0xdc: {  	v1 =	vadd.f32 v4, v1  }
0xdd: {  	v4 =	vld [tilespmem:s20+$0x17280]  }
0xde: {  	v1 =	vadd.f32 v2, v1  }
0xdf: {  	v2 =	vld [tilespmem:s20+$0x17500]  }
0xe0: {  	v1 =	vadd.f32 v3, v1  }
0xe1: {  	v3 =	vld [tilespmem:s20+$0x17780]  }
0xe2: {  	v1 =	vadd.f32 v4, v1  }
0xe3: {  	v4 =	vld [tilespmem:s20+$0x17A00]  }
0xe4: {  	v1 =	vadd.f32 v2, v1  }
0xe5: {  	v2 =	vld [tilespmem:s20+$0x17C80]  }
0xe6: {  	v1 =	vadd.f32 v3, v1  }
0xe7: {  	v3 =	vld [tilespmem:s20+$0x17F00]  }
0xe8: {  	v1 =	vadd.f32 v4, v1  }
0xe9: {  	v4 =	vld [tilespmem:s20+$0x18180]  }
0xea: {  	v1 =	vadd.f32 v2, v1  }
0xeb: {  	v2 =	vld [tilespmem:s20+$0x18400]  }
0xec: {  	v1 =	vadd.f32 v3, v1  }
0xed: {  	v3 =	vld [tilespmem:s20+$0x18680]  }
0xee: {  	v1 =	vadd.f32 v4, v1  }
0xef: {  	v4 =	vld [tilespmem:s20+$0x18900]  }
0xf0: {  	v1 =	vadd.f32 v2, v1;
	_ =	sdelay $0x1  }
0xf1: {  	v1 =	vadd.f32 v3, v1  }
.Ltmp2:
0xf2: {  	(pc) =	sbr.rel @p1 .LBB2_6-.Ltmp2, $4  }
0xf3: {  	v1 =	vadd.f32 v4, v1  }
0xf4: {  	s25 =	sadd.s32 $0x10, s25  }
0xf5: {  	s20 =	sand.u32 $0x3F0, s22;
	[tilespmem:s25+$0x0] =	vst v1  }
0xf6: {  	s21 =	sadd.s32 $0x10, s21;
	s22 =	sadd.s32 $0x10, s22;
	v1 =	vld [tilespmem:s20+$0x16600]  }
0xf7: {  	v2 =	vld [tilespmem:s21+$0x0];
	_ =	sdelay $0x1  }
0xf8: {  	v3 =	vld [tilespmem:s20+$0x16880];
	_ =	sdelay $0x1  }
0xf9: {  	v4 =	vld [tilespmem:s20+$0x16B00]  }
0xfa: {  	v1 =	vadd.f32 v1, v2  }
0xfb: {  	v2 =	vld [tilespmem:s20+$0x16D80]  }
0xfc: {  	v1 =	vadd.f32 v3, v1  }
0xfd: {  	v3 =	vld [tilespmem:s20+$0x17000]  }
0xfe: {  	v1 =	vadd.f32 v4, v1  }
0xff: {  	v60 =	vld [tilespmem:s20+$0x17280]  }
0x100: {  	v1 =	vadd.f32 v2, v1  }
0x101: {  	v2 =	vld [tilespmem:s20+$0x17500]  }
0x102: {  	v1 =	vadd.f32 v3, v1  }
0x103: {  	v3 =	vld [tilespmem:s20+$0x17780]  }
0x104: {  	v1 =	vadd.f32 v60, v1  }
0x105: {  	v61 =	vld [tilespmem:s20+$0x17A00]  }
0x106: {  	v1 =	vadd.f32 v2, v1  }
0x107: {  	v2 =	vld [tilespmem:s20+$0x17C80]  }
0x108: {  	v1 =	vadd.f32 v3, v1  }
0x109: {  	v3 =	vld [tilespmem:s20+$0x17F00]  }
0x10a: {  	v1 =	vadd.f32 v61, v1  }
0x10b: {  	v62 =	vld [tilespmem:s20+$0x18180]  }
0x10c: {  	v1 =	vadd.f32 v2, v1  }
0x10d: {  	v2 =	vld [tilespmem:s20+$0x18400]  }
0x10e: {  	v1 =	vadd.f32 v3, v1  }
0x10f: {  	v3 =	vld [tilespmem:s20+$0x18680]  }
0x110: {  	v1 =	vadd.f32 v62, v1  }
0x111: {  	v63 =	vld [tilespmem:s20+$0x18900]  }
0x112: {  	v1 =	vadd.f32 v2, v1;
	_ =	sdelay $0x1  }
0x113: {  	v1 =	vadd.f32 v3, v1;
	_ =	sdelay $0x1  }
0x114: {  	v1 =	vadd.f32 v63, v1  }
0x115: {  	s25 =	sadd.s32 $0x10, s25  }
0x116: {  	s21 =	simm.s32 @p0 $0x18B80;
	s20 =	simm.s32 @p0 $0x0;
	[tilespmem:s25+$0x0] =	vst v1  }
0x117: {  	[hbm4b:s7+s20] =	stream.linear.scatter @p0 [tilespmem:s21], [sflag:$0x1], $0x270, $0x38;
	[tilespmem:$0x1B510] =	vst v63  }
0x118: {  	s20 =	simm.s32 @p0 $0x1  }
0x119: {  	_ =	swait.ge @p0 [sflag:s20], $0x270  }
0x11a: {  	[sflag:s20] =	ssyncset.done @p0 $0x0  }
0x11b: {  	[sflag:s20] =	ssyncadd.s32 @p0 $0xFFFFFD90  }
0x11c: {  	v1 =	vld @!p0 [tilespmem:$0x165F0]  }
0x11d: {  	v2 =	vld @!p0 [tilespmem:$0x16870];
	_ =	sdelay $0x1  }
0x11e: {  	v3 =	vld @!p0 [tilespmem:$0x16AF0];
	_ =	sdelay $0x1  }
0x11f: {  	v4 =	vld @!p0 [tilespmem:$0x16D70]  }
0x120: {  	v1 =	vadd.f32 @!p0 v2, v1  }
0x121: {  	v2 =	vld @!p0 [tilespmem:$0x16FF0]  }
0x122: {  	v1 =	vadd.f32 @!p0 v3, v1  }
0x123: {  	v3 =	vld @!p0 [tilespmem:$0x17270]  }
0x124: {  	v1 =	vadd.f32 @!p0 v4, v1  }
0x125: {  	v4 =	vld @!p0 [tilespmem:$0x174F0]  }
0x126: {  	v1 =	vadd.f32 @!p0 v2, v1  }
0x127: {  	v2 =	vld @!p0 [tilespmem:$0x17770]  }
0x128: {  	v1 =	vadd.f32 @!p0 v3, v1  }
0x129: {  	v3 =	vld @!p0 [tilespmem:$0x179F0]  }
0x12a: {  	v1 =	vadd.f32 @!p0 v4, v1  }
0x12b: {  	v4 =	vld @!p0 [tilespmem:$0x17C70]  }
0x12c: {  	v1 =	vadd.f32 @!p0 v2, v1  }
0x12d: {  	v2 =	vld @!p0 [tilespmem:$0x17EF0]  }
0x12e: {  	v1 =	vadd.f32 @!p0 v3, v1  }
0x12f: {  	v3 =	vld @!p0 [tilespmem:$0x18170]  }
0x130: {  	v1 =	vadd.f32 @!p0 v4, v1  }
0x131: {  	v4 =	vld @!p0 [tilespmem:$0x183F0]  }
0x132: {  	v1 =	vadd.f32 @!p0 v2, v1  }
0x133: {  	v2 =	vld @!p0 [tilespmem:$0x18670]  }
0x134: {  	v1 =	vadd.f32 @!p0 v3, v1  }
0x135: {  	v3 =	vld @!p0 [tilespmem:$0x188F0]  }
0x136: {  	v1 =	vadd.f32 @!p0 v4, v1  }
0x137: {  	v4 =	vld @!p0 [tilespmem:$0x18B70]  }
0x138: {  	v1 =	vadd.f32 @!p0 v2, v1;
	_ =	sdelay $0x1  }
0x139: {  	v1 =	vadd.f32 @!p0 v3, v1;
	_ =	sdelay $0x1  }
0x13a: {  	v1 =	vadd.f32 @!p0 v4, v1;
	_ =	sdelay $0x1  }
0x13b: {  	s21 =	simm.s32 @!p0 $0x18B80;
	s20 =	simm.s32 @!p0 $0x0;
	[tilespmem:$0x18DF0] =	vst @!p0 v1  }
0x13c: {  	[hbm4b:s7+s20] =	stream.linear.scatter @!p0 [tilespmem:s21], [sflag:$0x1], $0x270, $0x38;
	[tilespmem:$0x1B510] =	vst v63  }
0x13d: {  	s21 =	simm.s32 @!p0 $0x1  }
0x13e: {  	s24 =	sadd.s32 $0x1, s24;
	_ =	swait.ge @!p0 [sflag:s21], $0x270  }
0x13f: {  	p1 =	sne.s32 s24, s9;
	[sflag:s21] =	ssyncset.done @!p0 $0x0  }
.Ltmp3:
0x140: {  	s22 =	simm.s32 @!p0 $0x18DF0;
	[sflag:s21] =	ssyncadd.s32 @!p0 $0xFFFFFD90;
	(pc) =	sbr.rel @p1 .LBB2_1-.Ltmp3, $4  }
0x141: {  	[hbm4b:s8+s20] =	stream.linear.scatter @!p0 [tilespmem:s22], [sflag:$0x1], $0x10, $0x38;
	[tilespmem:$0x1B510] =	vst v63  }
0x142: {  	_ =	swait.ge @!p0 [sflag:s21], $0x10  }
0x143: {  	[sflag:s21] =	ssyncset.done @!p0 $0x0  }
0x144: {  	[sflag:s21] =	ssyncadd.s32 @!p0 $0xFFFFFFF0  }
0x145: {  	_ =	sfence.sel $0x180000  }
0x146: {  	[bflag:$0x0] =	sbarrier.arrive $0xFFFF  }
0x147: {  	_ =	strace $0x90000047  }
0x148: {  	s0 =	stileid.u32;
	[bflag:$0x2] =	sbarrier.arrive $0xFFFF  }
0x149: {  	p0 =	sne.s32 s0, $0x0;
	s0 =	rddreg [dreg:$0x3]  }
0x14a: {  	s0 =	sadd.s32 @!p0 $0x100000, s0  }
0x14b: {  	[sflag:s0] =	ssyncadd.tile.s32 @!p0 $0x1;
	_ =	shalt  }
.Lfunc_end2:
_tile_overlayer_lowered:
.L_overlay_start_2:
0x14c: {  	(tag) =	ssettag $0x2  }
0x14d: {  	s0 =	rddreg [dreg:$0x0];
	s2 =	stileid.u32  }
0x14e: {  	s1 =	rddreg [dreg:$0x1];
	p0 =	sne.s32 s2, $0x0  }
0x14f: {  	s3 =	rddreg [dreg:$0x2];
	[bflag:$0x3] =	sbarrier.arrive $0xFFFF;
	s2 =	simm.s32 @!p0 $0x1C01  }
0x150: {  	[timem:s3], [sflag:s2] =	dma.local @!p0 [hbm:s0], s1  }
0x151: {  	s0 =	simm.s32 @!p0 $0x1  }
0x152: {  	_ =	swait.ge @!p0 [sflag:s0], s1  }
0x153: {  	s1 =	ssub.s32 @!p0 $0x0, s1;
	[sflag:s0] =	ssyncset.done @!p0 $0x0  }
0x154: {  	[sflag:s0] =	ssyncadd.s32 @!p0 s1  }
0x155: {  	[bflag:$0x3] =	sbarrier.arrive $0xFFFF  }
0x156: {  	_ =	shalt  }

// kernel: kernel.14.cloned.1.call-start
scs
__scs_entry_jumppad:
0x0: {  	(pc) =	sbr.rel $0x88, $3  }
0x1: {  	(tag) =	ssettag $0x0;
	lr =	simm.s32 $0x1  }
0x2: {  	[smem:$0x3F95] =	sst lr;
	_ =	strace $0xD0000000  }
0x3: {  	_ = 	snop  }
0x4: {  	_ = 	snop  }
0x5: {  	_ = 	snop  }
0x6: {  	_ = 	snop  }
0x7: {  	_ = 	snop  }
__scs_overlays_trampoline_lowered:
0x8: {  	[smem:$0x3FA4] =	sst s0  }
0x9: {  	[smem:$0x3FA5] =	sst s1  }
0xa: {  	[smem:$0x3FA6] =	sst s2  }
0xb: {  	[smem:$0x3FA7] =	sst s3  }
0xc: {  	[smem:$0x3FA8] =	sst s4  }
0xd: {  	[smem:$0x3FA9] =	sst s5  }
0xe: {  	[smem:$0x3FAA] =	sst s6  }
0xf: {  	[smem:$0x3FAB] =	sst s7  }
0x10: {  	[smem:$0x3FAC] =	sst s8  }
0x11: {  	[smem:$0x3FAD] =	sst s9;
	s0 =	simm.s32 @!p0 $0x0  }
0x12: {  	s1 =	sld [smem:$0x3F93];
	s0 =	simm.s32 @p0 $0x1  }
0x13: {  	[smem:$0x3FAE] =	sst s0;
	s0 =	simm.s32 @!p1 $0x0  }
0x14: {  	s2 =	sld [smem:$0x3F92];
	s0 =	simm.s32 @p1 $0x1  }
0x15: {  	[smem:$0x3FAF] =	sst s0;
	s0 =	simm.s32 @!p2 $0x0  }
0x16: {  	s3 =	sld [smem:$0x3FDB];
	s0 =	simm.s32 @p2 $0x1  }
0x17: {  	s4 =	simm.s32 $0x1BF5;
	[smem:$0x3FB1] =	sst s0  }
0x18: {  	s0 =	sld [smem:$0x3F94];
	_ =	swait.ge [sflag:s4], $0x0  }
0x19: {  	s7 =	sld [smem:$0x3F95]  }
0x1a: {  	s8 =	sadd.s32 $0xFFFFE003, lr  }
0x1b: {  	s9 =	sadd.s32 $0xFFFFFEF7, lr;
	s5 =	simm.s32 $0xFFFFFFFF;
	p2 =	slt.u32 s8, $0xFFFFF086  }
0x1c: {  	p1 =	slt.u32 s9, $0xF7A;
	s5 =	simm.s32 @!p2 $0x0  }
0x1d: {  	s5 =	simm.s32 @p1 $0x1;
	p0 =	seq.s32 s7, s2  }
0x1e: {  	s7 =	smul.u32 @!p0 $0xF7A, s2;
	p2 =	seq.s32 @!p0 s5, $0x0  }
0x1f: {  	s9 =	smul.u32 $0xF7A, s1;
	s8 =	simm.s32 @!p0 $0x1BF5;
	p2 =	por !p2, p0  }
0x20: {  	[sflag:s8] =	ssyncset.s32 @!p0 $0xFFFFF086;
	s6 =	sadd.s32 @!p0 s3, s7;
	s7 =	simm.s32 @!p0 $0x108  }
0x21: {  	s3 =	sadd.s32 s3, s9;
	s6 =	sadd.s32 @!p0 $0x88, s6;
	s7 =	simm.s32 @p2 $0x1082  }
0x22: {  	[simem:s7], [sflag:s8] =	dma.local @!p0 [hbm:s6], $0xF7A  }
0x23: {  	s9 =	sor.u32 $0xD0000000, s2;
	s6 =	simm.s32 $0x108;
	_ =	swait.ge @!p0 [sflag:s8], $0x0  }
0x24: {  	s3 =	sadd.s32 $0x88, s3;
	s6 =	simm.s32 @!p1 $0x1082;
	[sflag:s4] =	ssyncset.s32 $0xFFFFF086  }
0x25: {  	[simem:s6], [sflag:s4] =	dma.local [hbm:s3], $0xF7A  }
0x26: {  	[smem:$0x3F95] =	sst s1;
	(tag) =	ssettag s2;
	_ =	strace s9  }
0x27: {  	s1 =	sld [smem:$0x3FA5]  }
0x28: {  	s2 =	sld [smem:$0x3FA6]  }
0x29: {  	s4 =	sld [smem:$0x3FA8]  }
0x2a: {  	p0 =	seq.s32 s5, $0x0;
	s5 =	sld [smem:$0x3FA9]  }
0x2b: {  	s6 =	sld [smem:$0x3FAA]  }
0x2c: {  	s7 =	sld [smem:$0x3FAB]  }
0x2d: {  	s3 =	simm.s32 $0x108;
	s8 =	sld [smem:$0x3FAC]  }
0x2e: {  	s3 =	simm.s32 @!p0 $0x1082;
	s9 =	sld [smem:$0x3FAD]  }
0x2f: {  	lr =	sadd.s32 s0, s3;
	s0 =	sld [smem:$0x3FA4]  }
0x30: {  	s3 =	sld [smem:$0x3FA7]  }
0x31: {  	[smem:$0x3FB0] =	sst s10  }
0x32: {  	s10 =	sld [smem:$0x3FAE];
	_ =	sdelay $0x3  }
0x33: {  	p0 =	seq.s32 s10, $0x1;
	s10 =	sld [smem:$0x3FB0];
	_ =	sdelay $0x3  }
0x34: {  	[smem:$0x3FB0] =	sst s10  }
0x35: {  	s10 =	sld [smem:$0x3FAF];
	_ =	sdelay $0x3  }
0x36: {  	p1 =	seq.s32 s10, $0x1;
	s10 =	sld [smem:$0x3FB0];
	_ =	sdelay $0x3  }
0x37: {  	[smem:$0x3FB0] =	sst s10  }
0x38: {  	s10 =	sld [smem:$0x3FB1]  }
0x39: {  	_ = 	snop;
	(pc) =	sbr.ind lr, $3  }
0x3a: {  	_ = 	snop  }
0x3b: {  	_ = 	snop  }
0x3c: {  	p2 =	seq.s32 s10, $0x1;
	s10 =	sld [smem:$0x3FB0]  }
0x3d: {  	_ =	shalt  }
0x3e: {  	_ =	shalt  }
0x3f: {  	_ =	shalt  }
0x40: {  	_ =	shalt  }
0x41: {  	_ =	shalt  }
0x42: {  	_ =	shalt  }
0x43: {  	_ =	shalt  }
0x44: {  	_ =	shalt  }
0x45: {  	_ =	shalt  }
0x46: {  	_ =	shalt  }
0x47: {  	_ =	shalt  }
0x48: {  	_ =	shalt  }
0x49: {  	_ =	shalt  }
0x4a: {  	_ =	shalt  }
0x4b: {  	_ =	shalt  }
0x4c: {  	_ =	shalt  }
0x4d: {  	_ =	shalt  }
0x4e: {  	_ =	shalt  }
0x4f: {  	_ =	shalt  }
0x50: {  	_ =	shalt  }
0x51: {  	_ =	shalt  }
0x52: {  	_ =	shalt  }
0x53: {  	_ =	shalt  }
0x54: {  	_ =	shalt  }
0x55: {  	_ =	shalt  }
0x56: {  	_ =	shalt  }
0x57: {  	_ =	shalt  }
0x58: {  	_ =	shalt  }
0x59: {  	_ =	shalt  }
0x5a: {  	_ =	shalt  }
0x5b: {  	_ =	shalt  }
0x5c: {  	_ =	shalt  }
0x5d: {  	_ =	shalt  }
0x5e: {  	_ =	shalt  }
0x5f: {  	_ =	shalt  }
0x60: {  	_ =	shalt  }
0x61: {  	_ =	shalt  }
0x62: {  	_ =	shalt  }
0x63: {  	_ =	shalt  }
0x64: {  	_ =	shalt  }
0x65: {  	_ =	shalt  }
0x66: {  	_ =	shalt  }
0x67: {  	_ =	shalt  }
0x68: {  	_ =	shalt  }
0x69: {  	_ =	shalt  }
0x6a: {  	_ =	shalt  }
0x6b: {  	_ =	shalt  }
0x6c: {  	_ =	shalt  }
0x6d: {  	_ =	shalt  }
0x6e: {  	_ =	shalt  }
0x6f: {  	_ =	shalt  }
0x70: {  	_ =	shalt  }
0x71: {  	_ =	shalt  }
0x72: {  	_ =	shalt  }
0x73: {  	_ =	shalt  }
0x74: {  	_ =	shalt  }
0x75: {  	_ =	shalt  }
0x76: {  	_ =	shalt  }
0x77: {  	_ =	shalt  }
0x78: {  	_ =	shalt  }
0x79: {  	_ =	shalt  }
0x7a: {  	_ =	shalt  }
0x7b: {  	_ =	shalt  }
0x7c: {  	_ =	shalt  }
0x7d: {  	_ =	shalt  }
0x7e: {  	_ =	shalt  }
0x7f: {  	_ =	shalt  }
0x80: {  	_ =	shalt  }
0x81: {  	_ =	shalt  }
0x82: {  	_ =	shalt  }
0x83: {  	_ =	shalt  }
0x84: {  	_ =	shalt  }
0x85: {  	_ =	shalt  }
0x86: {  	_ =	shalt  }
0x87: {  	_ =	shalt  }
.Lfunc_end0:
.L_simem_size_0:
called_computation.1_lowered:
.L_overlay_start_0:
0x88: {  	s2 =	sld [smem:$0x3FD9]  }
0x89: {  	s3 =	sld [smem:$0x3FFE];
	_ =	sdelay $0x1  }
0x8a: {  	s1 =	srdreg.scid  }
0x8b: {  	s0 =	sand.u32 $0x1, s1  }
0x8c: {  	s17 =	sshll.u32 s0, $0xA;
	s2 =	sadd.s32 s3, s2  }
0x8d: {  	s2 =	sadd.s32 s2, s17  }
0x8e: {  	[smem:$0x3FBC] =	sst s2  }
0x8f: {  	_ = 	snop  }
0x90: {  	s2 =	sld [smem:$0x3FD0];
	(tm) =	ssettm $0x1  }
0x91: {  	s18 =	sld [smem:$0x3FFB];
	_ =	sdelay $0x3  }
0x92: {  	_ =	strace s18  }
0x93: {  	s3 =	sld [smem:$0x3FFC];
	_ =	sdelay $0x3  }
0x94: {  	_ =	strace s3  }
0x95: {  	s3 =	sld [smem:$0x3FFD];
	_ =	sdelay $0x3  }
0x96: {  	_ =	strace s3  }
0x97: {  	_ =	strace $0x8FFFFFFF  }
0x98: {  	s19 =	sld [smem:$0x3FDB];
	_ =	sdelay $0x1  }
0x99: {  	s4 =	simm.s32 $_scs_section_size  }
0x9a: {  	s5 =	simm.s32 $_size__tile_overlayer_lowered;
	s6 =	simm.s32 $_tile_overlayer_lowered  }
0x9b: {  	s22 =	simm.s32 $0x1BFF;
	s21 =	sshll.u32 s6, $0x1;
	s3 =	sadd.s32 s4, s19  }
0x9c: {  	s7 =	simm.s32 $0x0;
	s20 =	sshll.u32 s5, $0x1;
	s5 =	sadd.s32 s21, s3  }
0x9d: {  	[timem:s7], [sflag:s22] =	dma.local [hbm:s5], s20  }
0x9e: {  	_ =	swait.ge [sflag:s22], s20  }
0x9f: {  	s4 =	ssub.s32 $0x0, s20;
	[sflag:s22] =	ssyncset.done $0x0  }
0xa0: {  	[sflag:s22] =	ssyncadd.s32 s4;
	_ =	sdelay $0x1  }
0xa1: {  	s23 =	simm.s32 $0x1B8B  }
0xa2: {  	_ =	swait.ge [sflag:s23], $0x1  }
0xa3: {  	[sflag:s23] =	ssyncset.done $0x0  }
0xa4: {  	s25 =	simm.s32 $0x1B8E;
	s24 =	sld [smem:$0x3FFE];
	[sflag:s23] =	ssyncadd.s32 $0xFFFFFFFF  }
0xa5: {  	s26 =	simm.s32 $execute0_lowered;
	[smem:$0x3FD2] =	sst s25  }
0xa6: {  	s5 =	sshll.u32 s26, $0x1;
	_ =	strace $0x80000049;
	[dreg:$0x1] =	wrdreg $0xFFFFFFFF  }
0xa7: {  	s28 =	simm.s32 $_size_execute0_lowered;
	s3 =	sadd.s32 s3, s5;
	[dreg:$0x0] =	wrdreg $0x0  }
0xa8: {  	s5 =	sshll.u32 s28, $0x1;
	[dreg:$0x2] =	wrdreg s3  }
0xa9: {  	[dreg:$0x3] =	wrdreg s5  }
0xaa: {  	[dreg:$0x4] =	wrdreg $0xC0  }
0xab: {  	_ =	task [dreg:s7], $0x5FFFF  }
0xac: {  	[dreg:$0x1] =	wrdreg $0xFFFFFFFF  }
0xad: {  	[dreg:$0x0] =	wrdreg $0x60  }
0xae: {  	[dreg:$0x2] =	wrdreg s24  }
0xaf: {  	[dreg:$0x3] =	wrdreg s2  }
0xb0: {  	[dreg:$0x4] =	wrdreg $0x92000  }
0xb1: {  	[dreg:$0x5] =	wrdreg $0x9  }
0xb2: {  	_ =	task.clear_ibuf [dreg:s7], $0x6FFFF;
	_ =	strace $0x90000049  }
0xb3: {  	s29 =	simm.s32 $0x9;
	_ =	strace $0x8000004B  }
0xb4: {  	_ =	swait.ge [sflag:s29], $0x1  }
0xb5: {  	[sflag:s29] =	ssyncadd.s32 $0xFFFFFFFF  }
0xb6: {  	_ =	strace $0x9000004B  }
0xb7: {  	_ =	sfence  }
0xb8: {  	s30 =	sld [smem:$0x0];
	_ =	sdelay $0x2  }
0xb9: {  	s31 =	sshll.u32 s1, $0xD;
	s1 =	sshrl.u32 s1, $0x2  }
0xba: {  	s3 =	sand.u32 $0x4000, s31;
	s1 =	sadd.s32 s1, s30  }
0xbb: {  	s0 =	sor.u32 s3, s0;
	s1 =	sshll.u32 s1, $0x11  }
0xbc: {  	s0 =	sor.u32 s1, s0  }
0xbd: {  	s0 =	sadd.s32 $0x8F2B, s0  }
0xbe: {  	[sflag:s0] =	ssyncadd.remote.s32 $0x1  }
0xbf: {  	_ =	sfence.sel $0xFFFF  }
0xc0: {  	[dreg:$0x0] =	wrdreg $0xFFFFFFFF;
	(pc) =	sbr.abs _section_cstart, $3  }
0xc1: {  	[dreg:$0x1] =	wrdreg $0xFFFFFFFF  }
0xc2: {  	_ =	task.clear_ibuf [dreg:s7], $0x2FFFF;
	_ =	strace $0x9FFFFFFF  }
0xc3: {  	(tm) =	ssettm $0x7FFFFFFF  }
tec
execute0_lowered:
.L_overlay_start_1:
0x0: {  	(tag) =	ssettag $0x1  }
0x1: {  	s0 =	rddreg [dreg:$0x0]  }
0x2: {  	s2 =	rddreg [dreg:$0x2];
	s4 =	simm.s32 $0x0;
	s1 =	srdreg.scid  }
0x3: {  	s11 =	stileid.u32;
	s13 =	simm.s32 $0x9;
	s17 =	simm.s32 $0x80  }
0x4: {  	s28 =	simm.s32 $0x6A00;
	s29 =	simm.s32 $0x6;
	s30 =	simm.s32 $0x7  }
0x5: {  	s31 =	simm.s32 $0x3;
	s15 =	simm.s32 $0x0;
	[smem:$0x7FF] =	sst s4  }
0x6: {  	s1 =	sand.u32 $0x1, s1;
	s3 =	sshll.u32 s11, $0xC;
	s8 =	smul.u32 $0x4E000, s11  }
0x7: {  	s5 =	sadd.s32 $0x3200, s0;
	s21 =	sshll.u32 s11, $0x6;
	s9 =	smul.u32 $0x13800, s11  }
0x8: {  	s14 =	sadd.s32 $0x138000, s2;
	p0 =	sne.s32 s11, $0xF;
	_ =	strace $0x8000004A  }
0x9: {  	s6 =	sshll.u32 s1, $0xB;
	s19 =	ssub.s32 $0x2, s1;
	s1 =	smul.u32 $0x138800, s1  }
0xa: {  	s14 =	sshrl.u32 @!p0 s14, $0x3;
	s3 =	sor.u32 s6, s3;
	s7 =	sshrl.u32 s19, $0x1  }
0xb: {  	s20 =	sshrl.u32 s8, $0x2;
	s6 =	sor.u32 $0x1C09, s21;
	s21 =	simm.s32 $0x180  }
0xc: {  	s3 =	sadd.s32 s3, s0;
	s0 =	sadd.s32 $0x72800, s0;
	s7 =	ssub.s32 s19, s7  }
0xd: {  	s10 =	sadd.s32 s20, s2;
	s9 =	sadd.s32 s9, s1;
	s1 =	sshrl.u32 s1, $0x3  }
0xe: {  	s19 =	simm.s32 $0x100;
	s22 =	sadd.s32 $0x52800, s3;
	s8 =	sadd.s32 $0x62800, s3  }
0xf: {  	s23 =	sshrl.u32 s9, $0x3;
	s1 =	sadd.s32 s0, s1;
	s25 =	smax.u32 s7, $0x1  }
0x10: {  	s12 =	sshrl.u32 s10, $0x3;
	s3 =	simm.s32 $0x4;
	[dreg:$0x6] =	wrdreg s22  }
0x11: {  	s0 =	sadd.s32 s0, s23;
	s24 =	sadd.s32 $0x27000, s1;
	[dreg:$0x9] =	wrdreg s25  }
0x12: {  	s26 =	sadd.s32 $0x10, s8;
	s18 =	sadd.s32 $0x20, s8;
	[dreg:$0x7] =	wrdreg s0  }
0x13: {  	s20 =	sadd.s32 $0x30, s8;
	s22 =	simm.s32 $0x1;
	[dreg:$0x8] =	wrdreg s24  }
0x14: {  	s23 =	simm.s32 $0x50;
	s25 =	simm.s32 $0x5;
	[dreg:$0xa] =	wrdreg s26  }
0x15: {  	s24 =	simm.s32 $0x4200;
	s26 =	simm.s32 $0x2;
	s0 =	simm.s32 $0x8  }
.LBB2_1:
0x16: {  	s1 =	rddreg [dreg:$0x1]  }
0x17: {  	[spmem:s12], [sflag:s6] =	dma.local [hbm:s1], $0x2700  }
0x18: {  	_ =	swait.ge [sflag:s13], $0x2700  }
0x19: {  	[sflag:s13] =	ssyncset.done $0x0  }
0x1a: {  	[sflag:s13] =	ssyncadd.s32 $0xFFFFD900  }
0x1b: {  	[spmem:s14], [sflag:s6] =	dma.local @!p0 [hbm:s1], $0x100  }
0x1c: {  	s1 =	simm.s32 @!p0 $0x9  }
0x1d: {  	_ =	swait.ge @!p0 [sflag:s1], $0x100  }
0x1e: {  	[sflag:s1] =	ssyncset.done @!p0 $0x0  }
0x1f: {  	s7 =	simm.s32 $0x200;
	s9 =	rddreg [dreg:$0x6];
	[sflag:s1] =	ssyncadd.s32 @!p0 $0xFFFFFF00  }
0x20: {  	[tilespmem:s7], [sflag:$0x9] =	stream.linear.gather [hbm4b:s9+s4], $0x3E80, $0x38;
	[tilespmem:$0x1CA80] =	vst v63  }
0x21: {  	_ =	swait.ge [sflag:s13], $0x3E80  }
0x22: {  	[sflag:s13] =	ssyncset.done $0x0  }
0x23: {  	[sflag:s13] =	ssyncadd.s32 $0xFFFFC180  }
0x24: {  	[bflag:$0x0] =	sbarrier.arrive $0xFFFF  }
0x25: {  	[tilespmem:s4], [sflag:$0x1] =	stream.linear.gather [hbm4b:s8+s4], $0x80, $0x38;
	[tilespmem:$0x1CA80] =	vst v63  }
0x26: {  	s10 =	rddreg [dreg:$0xa]  }
0x27: {  	[tilespmem:s17], [sflag:$0x2] =	stream.linear.gather [hbm4b:s10+s4], $0x80, $0x38;
	[tilespmem:$0x1CA80] =	vst v63  }
0x28: {  	_ = 	snop  }
0x29: {  	[tilespmem:s19], [sflag:$0x3] =	stream.linear.gather [hbm4b:s18+s4], $0x80, $0x38;
	[tilespmem:$0x1CA80] =	vst v63  }
0x2a: {  	_ = 	snop  }
0x2b: {  	[tilespmem:s21], [sflag:$0x4] =	stream.linear.gather [hbm4b:s20+s4], $0x80, $0x38;
	[tilespmem:$0x1CA80] =	vst v63  }
0x2c: {  	s11 =	sadd.s32 $0x60, s8;
	_ =	swait.ge [sflag:s22], $0x80  }
0x2d: {  	s16 =	sadd.s32 $0x70, s8;
	[dreg:$0x4] =	wrdreg s11;
	[sflag:s22] =	ssyncset.done $0x0  }
0x2e: {  	[dreg:$0x5] =	wrdreg s16;
	[sflag:s22] =	ssyncadd.s32 $0xFFFFFF80  }
0x2f: {  	[tilespmem:s24], [sflag:$0x5] =	stream.indirect.gather [hbm4b:s5+s23], $0x80, s4, s23, $0xb8;
	[tilespmem:$0x1CA80] =	vst v63  }
0x30: {  	_ =	swait.ge [sflag:s25], $0x2800  }
0x31: {  	[sflag:s25] =	ssyncset.done $0x0  }
0x32: {  	[sflag:s25] =	ssyncadd.s32 $0xFFFFD800  }
0x33: {  	_ =	swait.ge [sflag:s26], $0x80  }
0x34: {  	[sflag:s26] =	ssyncset.done $0x0  }
0x35: {  	[sflag:s26] =	ssyncadd.s32 $0xFFFFFF80  }
0x36: {  	[tilespmem:s28], [sflag:$0x6] =	stream.indirect.gather [hbm4b:s5+s23], $0x80, s17, s23, $0xb8;
	[tilespmem:$0x1CA80] =	vst v63  }
0x37: {  	s7 =	simm.s32 $0x200  }
0x38: {  	[spmem:s2] =	stream.indirect.scatter.add.f32 [tilespmem:s24], [sflag:$0x7], $0x80, s7, s23, $0xb8;
	[tilespmem:$0x1CA80] =	vst v63  }
0x39: {  	_ =	swait.ge [sflag:s29], $0x2800  }
0x3a: {  	[sflag:s29] =	ssyncset.done $0x0  }
0x3b: {  	[sflag:s29] =	ssyncadd.s32 $0xFFFFD800  }
0x3c: {  	_ =	swait.ge [sflag:s30], $0x2800  }
0x3d: {  	[sflag:s30] =	ssyncset.done $0x0  }
0x3e: {  	[sflag:s30] =	ssyncadd.s32 $0xFFFFD800  }
0x3f: {  	_ =	swait.ge [sflag:s31], $0x80  }
0x40: {  	[sflag:s31] =	ssyncset.done $0x0  }
0x41: {  	[sflag:s31] =	ssyncadd.s32 $0xFFFFFF80  }
0x42: {  	[tilespmem:s24], [sflag:$0x5] =	stream.indirect.gather [hbm4b:s5+s23], $0x80, s19, s23, $0xb8;
	[tilespmem:$0x1CA80] =	vst v63  }
0x43: {  	s1 =	sadd.s32 $0x40, s8  }
0x44: {  	[tilespmem:s4], [sflag:$0x1] =	stream.linear.gather [hbm4b:s1+s4], $0x80, $0x38;
	[tilespmem:$0x1CA80] =	vst v63  }
0x45: {  	s9 =	simm.s32 $0x280  }
0x46: {  	[spmem:s2] =	stream.indirect.scatter.add.f32 [tilespmem:s28], [sflag:$0x8], $0x80, s9, s23, $0xb8;
	[tilespmem:$0x1CA80] =	vst v63  }
0x47: {  	_ =	swait.ge [sflag:s25], $0x2800  }
0x48: {  	[sflag:s25] =	ssyncset.done $0x0  }
0x49: {  	[sflag:s25] =	ssyncadd.s32 $0xFFFFD800  }
0x4a: {  	_ =	swait.ge [sflag:s0], $0x2800  }
0x4b: {  	[sflag:s0] =	ssyncset.done $0x0  }
0x4c: {  	s10 =	smin.u32 s4, $0x77;
	[sflag:s0] =	ssyncadd.s32 $0xFFFFD800  }
0x4d: {  	s7 =	sshll.u32 s10, $0x4;
	_ =	swait.ge [sflag:s3], $0x80  }
0x4e: {  	s7 =	sadd.s32 $0x50, s7;
	[sflag:s3] =	ssyncset.done $0x0  }
0x4f: {  	s7 =	sand.u32 $0xFD0, s7;
	[sflag:s3] =	ssyncadd.s32 $0xFFFFFF80  }
0x50: {  	[tilespmem:s28], [sflag:$0x6] =	stream.indirect.gather [hbm4b:s5+s23], $0x80, s21, s23, $0xb8;
	[tilespmem:$0x1CA80] =	vst v63  }
0x51: {  	s7 =	sadd.s32 s8, s7  }
0x52: {  	[tilespmem:s17], [sflag:$0x2] =	stream.linear.gather [hbm4b:s7+s4], $0x80, $0x38;
	[tilespmem:$0x1CA80] =	vst v63  }
0x53: {  	s11 =	simm.s32 $0x300  }
0x54: {  	[spmem:s2] =	stream.indirect.scatter.add.f32 [tilespmem:s24], [sflag:$0x7], $0x80, s11, s23, $0xb8;
	[tilespmem:$0x1CA80] =	vst v63  }
0x55: {  	_ =	swait.ge [sflag:s29], $0x2800  }
0x56: {  	[sflag:s29] =	ssyncset.done $0x0  }
0x57: {  	[sflag:s29] =	ssyncadd.s32 $0xFFFFD800  }
0x58: {  	s9 =	smin.u32 s4, $0x76;
	_ =	swait.ge [sflag:s30], $0x2800  }
0x59: {  	s9 =	sshll.u32 s9, $0x4;
	s16 =	rddreg [dreg:$0x4];
	[sflag:s30] =	ssyncset.done $0x0  }
0x5a: {  	[sflag:s30] =	ssyncadd.s32 $0xFFFFD800;
	s7 =	sadd.s32 s9, s16  }
0x5b: {  	[tilespmem:s19], [sflag:$0x3] =	stream.linear.gather [hbm4b:s7+s4], $0x80, $0x38;
	[tilespmem:$0x1CA80] =	vst v63  }
0x5c: {  	_ =	swait.ge [sflag:s22], $0x80  }
0x5d: {  	s10 =	smin.u32 s4, $0x75;
	[sflag:s22] =	ssyncset.done $0x0  }
0x5e: {  	s7 =	sshll.u32 s10, $0x4;
	s11 =	rddreg [dreg:$0x5];
	[sflag:s22] =	ssyncadd.s32 $0xFFFFFF80  }
0x5f: {  	[tilespmem:s24], [sflag:$0x5] =	stream.indirect.gather [hbm4b:s5+s23], $0x80, s4, s23, $0xb8;
	[tilespmem:$0x1CA80] =	vst v63  }
0x60: {  	s7 =	sadd.s32 s7, s11  }
0x61: {  	[tilespmem:s21], [sflag:$0x4] =	stream.linear.gather [hbm4b:s7+s4], $0x80, $0x38;
	[tilespmem:$0x1CA80] =	vst v63  }
0x62: {  	s16 =	simm.s32 $0x380  }
0x63: {  	[spmem:s2] =	stream.indirect.scatter.add.f32 [tilespmem:s28], [sflag:$0x8], $0x80, s16, s23, $0xb8;
	[tilespmem:$0x1CA80] =	vst v63  }
0x64: {  	s9 =	simm.s32 $0x0;
	s7 =	simm.s32 $0x800;
	_ =	swait.ge [sflag:s0], $0x2800  }
.LBB2_2:
0x65: {  	[sflag:s0] =	ssyncset.done $0x0  }
0x66: {  	[sflag:s0] =	ssyncadd.s32 $0xFFFFD800  }
0x67: {  	_ =	swait.ge [sflag:s25], $0x2800  }
0x68: {  	[sflag:s25] =	ssyncset.done $0x0  }
0x69: {  	[sflag:s25] =	ssyncadd.s32 $0xFFFFD800  }
0x6a: {  	_ =	swait.ge [sflag:s26], $0x80  }
0x6b: {  	s10 =	smov.u32 s7;
	[sflag:s26] =	ssyncset.done $0x0  }
0x6c: {  	s10 =	sshra.s32 s10, $0x2;
	[sflag:s26] =	ssyncadd.s32 $0xFFFFFF80  }
0x6d: {  	[tilespmem:s28], [sflag:$0x6] =	stream.indirect.gather [hbm4b:s5+s23], $0x80, s17, s23, $0xb8;
	[tilespmem:$0x1CA80] =	vst v63  }
0x6e: {  	s11 =	sadd.s32 $0x200, s10  }
0x6f: {  	[spmem:s2] =	stream.indirect.scatter.add.f32 [tilespmem:s24], [sflag:$0x7], $0x80, s11, s23, $0xb8;
	[tilespmem:$0x1CA80] =	vst v63  }
0x70: {  	_ =	swait.ge [sflag:s29], $0x2800  }
0x71: {  	[sflag:s29] =	ssyncset.done $0x0  }
0x72: {  	[sflag:s29] =	ssyncadd.s32 $0xFFFFD800  }
0x73: {  	_ =	swait.ge [sflag:s30], $0x2800  }
0x74: {  	[sflag:s30] =	ssyncset.done $0x0  }
0x75: {  	[sflag:s30] =	ssyncadd.s32 $0xFFFFD800  }
0x76: {  	_ =	swait.ge [sflag:s31], $0x80  }
0x77: {  	[sflag:s31] =	ssyncset.done $0x0  }
0x78: {  	[sflag:s31] =	ssyncadd.s32 $0xFFFFFF80  }
0x79: {  	[tilespmem:s24], [sflag:$0x5] =	stream.indirect.gather [hbm4b:s5+s23], $0x80, s19, s23, $0xb8;
	[tilespmem:$0x1CA80] =	vst v63  }
0x7a: {  	s1 =	sadd.s32 $0x40, s1  }
0x7b: {  	[tilespmem:s4], [sflag:$0x1] =	stream.linear.gather [hbm4b:s1+s4], $0x80, $0x38;
	[tilespmem:$0x1CA80] =	vst v63  }
0x7c: {  	s16 =	sadd.s32 $0x280, s10  }
0x7d: {  	[spmem:s2] =	stream.indirect.scatter.add.f32 [tilespmem:s28], [sflag:$0x8], $0x80, s16, s23, $0xb8;
	[tilespmem:$0x1CA80] =	vst v63  }
0x7e: {  	_ =	swait.ge [sflag:s25], $0x2800  }
0x7f: {  	[sflag:s25] =	ssyncset.done $0x0  }
0x80: {  	[sflag:s25] =	ssyncadd.s32 $0xFFFFD800  }
0x81: {  	_ =	swait.ge [sflag:s0], $0x2800  }
0x82: {  	s9 =	sadd.s32 $0x4, s9;
	[sflag:s0] =	ssyncset.done $0x0  }
0x83: {  	s16 =	smin.u32 s9, $0x77;
	[sflag:s0] =	ssyncadd.s32 $0xFFFFD800  }
0x84: {  	s11 =	sshll.u32 s16, $0x4;
	_ =	swait.ge [sflag:s3], $0x80  }
0x85: {  	s11 =	sadd.s32 $0x50, s11;
	[sflag:s3] =	ssyncset.done $0x0  }
0x86: {  	s11 =	sand.u32 $0xFD0, s11;
	[sflag:s3] =	ssyncadd.s32 $0xFFFFFF80  }
0x87: {  	[tilespmem:s28], [sflag:$0x6] =	stream.indirect.gather [hbm4b:s5+s23], $0x80, s21, s23, $0xb8;
	[tilespmem:$0x1CA80] =	vst v63  }
0x88: {  	s11 =	sadd.s32 s8, s11  }
0x89: {  	[tilespmem:s17], [sflag:$0x2] =	stream.linear.gather [hbm4b:s11+s4], $0x80, $0x38;
	[tilespmem:$0x1CA80] =	vst v63  }
0x8a: {  	s16 =	sadd.s32 $0x300, s10  }
0x8b: {  	[spmem:s2] =	stream.indirect.scatter.add.f32 [tilespmem:s24], [sflag:$0x7], $0x80, s16, s23, $0xb8;
	[tilespmem:$0x1CA80] =	vst v63  }
0x8c: {  	_ =	swait.ge [sflag:s29], $0x2800  }
0x8d: {  	[sflag:s29] =	ssyncset.done $0x0  }
0x8e: {  	[sflag:s29] =	ssyncadd.s32 $0xFFFFD800  }
0x8f: {  	s11 =	smin.u32 s9, $0x76;
	_ =	swait.ge [sflag:s30], $0x2800  }
0x90: {  	s11 =	sshll.u32 s11, $0x4;
	s16 =	rddreg [dreg:$0x4];
	[sflag:s30] =	ssyncset.done $0x0  }
0x91: {  	[sflag:s30] =	ssyncadd.s32 $0xFFFFD800;
	s11 =	sadd.s32 s11, s16  }
0x92: {  	[tilespmem:s19], [sflag:$0x3] =	stream.linear.gather [hbm4b:s11+s4], $0x80, $0x38;
	[tilespmem:$0x1CA80] =	vst v63  }
0x93: {  	_ =	swait.ge [sflag:s22], $0x80  }
0x94: {  	p1 =	sne.s32 s7, $0xF000;
	s11 =	smin.u32 s9, $0x75;
	[sflag:s22] =	ssyncset.done $0x0  }
0x95: {  	s11 =	sshll.u32 s11, $0x4;
	s16 =	rddreg [dreg:$0x5];
	[sflag:s22] =	ssyncadd.s32 $0xFFFFFF80  }
0x96: {  	[tilespmem:s24], [sflag:$0x5] =	stream.indirect.gather [hbm4b:s5+s23], $0x80, s4, s23, $0xb8;
	[tilespmem:$0x1CA80] =	vst v63  }
.Ltmp0:
0x97: {  	s11 =	sadd.s32 s11, s16;
	(pc) =	sbr.rel @p1 .LBB2_2-.Ltmp0, $4  }
0x98: {  	[tilespmem:s21], [sflag:$0x4] =	stream.linear.gather [hbm4b:s11+s4], $0x80, $0x38;
	[tilespmem:$0x1CA80] =	vst v63  }
0x99: {  	s10 =	sadd.s32 $0x380, s10  }
0x9a: {  	[spmem:s2] =	stream.indirect.scatter.add.f32 [tilespmem:s28], [sflag:$0x8], $0x80, s10, s23, $0xb8;
	[tilespmem:$0x1CA80] =	vst v63  }
0x9b: {  	s7 =	sadd.s32 $0x800, s7;
	_ =	swait.ge [sflag:s0], $0x2800  }
0x9c: {  	[sflag:s0] =	ssyncset.done $0x0  }
0x9d: {  	[sflag:s0] =	ssyncadd.s32 $0xFFFFD800  }
0x9e: {  	_ =	swait.ge [sflag:s25], $0x2800  }
0x9f: {  	[sflag:s25] =	ssyncset.done $0x0  }
0xa0: {  	s1 =	simm.s32 $0x4000;
	[sflag:s25] =	ssyncadd.s32 $0xFFFFD800  }
0xa1: {  	[spmem:s2] =	stream.indirect.scatter.add.f32 [tilespmem:s24], [sflag:$0x7], $0x80, s1, s23, $0xb8;
	[tilespmem:$0x1CA80] =	vst v63  }
0xa2: {  	_ =	swait.ge [sflag:s30], $0x2800  }
0xa3: {  	[sflag:s30] =	ssyncset.done $0x0  }
0xa4: {  	[sflag:s30] =	ssyncadd.s32 $0xFFFFD800  }
0xa5: {  	_ =	swait.ge [sflag:s26], $0x80  }
0xa6: {  	[sflag:s26] =	ssyncset.done $0x0  }
0xa7: {  	[sflag:s26] =	ssyncadd.s32 $0xFFFFFF80  }
0xa8: {  	_ =	swait.ge [sflag:s31], $0x80  }
0xa9: {  	[sflag:s31] =	ssyncset.done $0x0  }
0xaa: {  	[sflag:s31] =	ssyncadd.s32 $0xFFFFFF80  }
0xab: {  	_ =	swait.ge [sflag:s3], $0x80  }
0xac: {  	[sflag:s3] =	ssyncset.done $0x0  }
0xad: {  	[sflag:s3] =	ssyncadd.s32 $0xFFFFFF80  }
0xae: {  	[bflag:$0x0] =	sbarrier.arrive $0xFFFF  }
0xaf: {  	s16 =	rddreg [dreg:$0x7]  }
0xb0: {  	[hbm:s16], [sflag:s6] =	dma.local [spmem:s12], $0x2700  }
0xb1: {  	_ =	swait.ge [sflag:s13], $0x2700  }
0xb2: {  	[sflag:s13] =	ssyncset.done $0x0  }
0xb3: {  	s1 =	rddreg [dreg:$0x8];
	[sflag:s13] =	ssyncadd.s32 $0xFFFFD900  }
0xb4: {  	[hbm:s1], [sflag:s6] =	dma.local @!p0 [spmem:s14], $0x100  }
0xb5: {  	s1 =	simm.s32 @!p0 $0x9  }
0xb6: {  	_ =	swait.ge @!p0 [sflag:s1], $0x100  }
0xb7: {  	s15 =	sadd.s32 $0x1, s15;
	s7 =	rddreg [dreg:$0x9]  }
0xb8: {  	p1 =	sne.s32 s15, s7  }
.Ltmp1:
0xb9: {  	_ = 	snop;
	(pc) =	sbr.rel @p1 .LBB2_1-.Ltmp1, $3  }
0xba: {  	_ =	sdelay $0x1  }
0xbb: {  	[sflag:s1] =	ssyncset.done @!p0 $0x0  }
0xbc: {  	[sflag:s1] =	ssyncadd.s32 @!p0 $0xFFFFFF00  }
0xbd: {  	_ =	sfence.sel $0x180000  }
0xbe: {  	[bflag:$0x0] =	sbarrier.arrive $0xFFFF  }
0xbf: {  	_ =	strace $0x9000004A  }
0xc0: {  	s0 =	stileid.u32;
	[bflag:$0x2] =	sbarrier.arrive $0xFFFF  }
0xc1: {  	p0 =	sne.s32 s0, $0x0;
	s0 =	rddreg [dreg:$0x3]  }
0xc2: {  	s0 =	sadd.s32 @!p0 $0x100000, s0  }
0xc3: {  	[sflag:s0] =	ssyncadd.tile.s32 @!p0 $0x1;
	_ =	shalt  }
.Lfunc_end2:
_tile_overlayer_lowered:
.L_overlay_start_2:
0xc4: {  	(tag) =	ssettag $0x2  }
0xc5: {  	s0 =	rddreg [dreg:$0x0];
	s2 =	stileid.u32  }
0xc6: {  	s1 =	rddreg [dreg:$0x1];
	p0 =	sne.s32 s2, $0x0  }
0xc7: {  	s3 =	rddreg [dreg:$0x2];
	[bflag:$0x3] =	sbarrier.arrive $0xFFFF;
	s2 =	simm.s32 @!p0 $0x1C09  }
0xc8: {  	[timem:s3], [sflag:s2] =	dma.local @!p0 [hbm:s0], s1  }
0xc9: {  	s0 =	simm.s32 @!p0 $0x9  }
0xca: {  	_ =	swait.ge @!p0 [sflag:s0], s1  }
0xcb: {  	s1 =	ssub.s32 @!p0 $0x0, s1;
	[sflag:s0] =	ssyncset.done @!p0 $0x0  }
0xcc: {  	[sflag:s0] =	ssyncadd.s32 @!p0 s1  }
0xcd: {  	[bflag:$0x3] =	sbarrier.arrive $0xFFFF  }
0xce: {  	_ =	shalt  }

// kernel: kernel.17.cloned.1.call-start
scs
__scs_entry_jumppad:
0x0: {  	(pc) =	sbr.rel $0x88, $3  }
0x1: {  	(tag) =	ssettag $0x0;
	lr =	simm.s32 $0x1  }
0x2: {  	[smem:$0x3F95] =	sst lr;
	_ =	strace $0xD0000000  }
0x3: {  	_ = 	snop  }
0x4: {  	_ = 	snop  }
0x5: {  	_ = 	snop  }
0x6: {  	_ = 	snop  }
0x7: {  	_ = 	snop  }
__scs_overlays_trampoline_lowered:
0x8: {  	[smem:$0x3FA4] =	sst s0  }
0x9: {  	[smem:$0x3FA5] =	sst s1  }
0xa: {  	[smem:$0x3FA6] =	sst s2  }
0xb: {  	[smem:$0x3FA7] =	sst s3  }
0xc: {  	[smem:$0x3FA8] =	sst s4  }
0xd: {  	[smem:$0x3FA9] =	sst s5  }
0xe: {  	[smem:$0x3FAA] =	sst s6  }
0xf: {  	[smem:$0x3FAB] =	sst s7  }
0x10: {  	[smem:$0x3FAC] =	sst s8  }
0x11: {  	[smem:$0x3FAD] =	sst s9;
	s0 =	simm.s32 @!p0 $0x0  }
0x12: {  	s1 =	sld [smem:$0x3F93];
	s0 =	simm.s32 @p0 $0x1  }
0x13: {  	[smem:$0x3FAE] =	sst s0;
	s0 =	simm.s32 @!p1 $0x0  }
0x14: {  	s2 =	sld [smem:$0x3F92];
	s0 =	simm.s32 @p1 $0x1  }
0x15: {  	[smem:$0x3FAF] =	sst s0;
	s0 =	simm.s32 @!p2 $0x0  }
0x16: {  	s3 =	sld [smem:$0x3FDB];
	s0 =	simm.s32 @p2 $0x1  }
0x17: {  	s4 =	simm.s32 $0x1BF5;
	[smem:$0x3FB1] =	sst s0  }
0x18: {  	s0 =	sld [smem:$0x3F94];
	_ =	swait.ge [sflag:s4], $0x0  }
0x19: {  	s7 =	sld [smem:$0x3F95]  }
0x1a: {  	s8 =	sadd.s32 $0xFFFFE003, lr  }
0x1b: {  	s9 =	sadd.s32 $0xFFFFFEF7, lr;
	s5 =	simm.s32 $0xFFFFFFFF;
	p2 =	slt.u32 s8, $0xFFFFF086  }
0x1c: {  	p1 =	slt.u32 s9, $0xF7A;
	s5 =	simm.s32 @!p2 $0x0  }
0x1d: {  	s5 =	simm.s32 @p1 $0x1;
	p0 =	seq.s32 s7, s2  }
0x1e: {  	s7 =	smul.u32 @!p0 $0xF7A, s2;
	p2 =	seq.s32 @!p0 s5, $0x0  }
0x1f: {  	s9 =	smul.u32 $0xF7A, s1;
	s8 =	simm.s32 @!p0 $0x1BF5;
	p2 =	por !p2, p0  }
0x20: {  	[sflag:s8] =	ssyncset.s32 @!p0 $0xFFFFF086;
	s6 =	sadd.s32 @!p0 s3, s7;
	s7 =	simm.s32 @!p0 $0x108  }
0x21: {  	s3 =	sadd.s32 s3, s9;
	s6 =	sadd.s32 @!p0 $0x88, s6;
	s7 =	simm.s32 @p2 $0x1082  }
0x22: {  	[simem:s7], [sflag:s8] =	dma.local @!p0 [hbm:s6], $0xF7A  }
0x23: {  	s9 =	sor.u32 $0xD0000000, s2;
	s6 =	simm.s32 $0x108;
	_ =	swait.ge @!p0 [sflag:s8], $0x0  }
0x24: {  	s3 =	sadd.s32 $0x88, s3;
	s6 =	simm.s32 @!p1 $0x1082;
	[sflag:s4] =	ssyncset.s32 $0xFFFFF086  }
0x25: {  	[simem:s6], [sflag:s4] =	dma.local [hbm:s3], $0xF7A  }
0x26: {  	[smem:$0x3F95] =	sst s1;
	(tag) =	ssettag s2;
	_ =	strace s9  }
0x27: {  	s1 =	sld [smem:$0x3FA5]  }
0x28: {  	s2 =	sld [smem:$0x3FA6]  }
0x29: {  	s4 =	sld [smem:$0x3FA8]  }
0x2a: {  	p0 =	seq.s32 s5, $0x0;
	s5 =	sld [smem:$0x3FA9]  }
0x2b: {  	s6 =	sld [smem:$0x3FAA]  }
0x2c: {  	s7 =	sld [smem:$0x3FAB]  }
0x2d: {  	s3 =	simm.s32 $0x108;
	s8 =	sld [smem:$0x3FAC]  }
0x2e: {  	s3 =	simm.s32 @!p0 $0x1082;
	s9 =	sld [smem:$0x3FAD]  }
0x2f: {  	lr =	sadd.s32 s0, s3;
	s0 =	sld [smem:$0x3FA4]  }
0x30: {  	s3 =	sld [smem:$0x3FA7]  }
0x31: {  	[smem:$0x3FB0] =	sst s10  }
0x32: {  	s10 =	sld [smem:$0x3FAE];
	_ =	sdelay $0x3  }
0x33: {  	p0 =	seq.s32 s10, $0x1;
	s10 =	sld [smem:$0x3FB0];
	_ =	sdelay $0x3  }
0x34: {  	[smem:$0x3FB0] =	sst s10  }
0x35: {  	s10 =	sld [smem:$0x3FAF];
	_ =	sdelay $0x3  }
0x36: {  	p1 =	seq.s32 s10, $0x1;
	s10 =	sld [smem:$0x3FB0];
	_ =	sdelay $0x3  }
0x37: {  	[smem:$0x3FB0] =	sst s10  }
0x38: {  	s10 =	sld [smem:$0x3FB1]  }
0x39: {  	_ = 	snop;
	(pc) =	sbr.ind lr, $3  }
0x3a: {  	_ = 	snop  }
0x3b: {  	_ = 	snop  }
0x3c: {  	p2 =	seq.s32 s10, $0x1;
	s10 =	sld [smem:$0x3FB0]  }
0x3d: {  	_ =	shalt  }
0x3e: {  	_ =	shalt  }
0x3f: {  	_ =	shalt  }
0x40: {  	_ =	shalt  }
0x41: {  	_ =	shalt  }
0x42: {  	_ =	shalt  }
0x43: {  	_ =	shalt  }
0x44: {  	_ =	shalt  }
0x45: {  	_ =	shalt  }
0x46: {  	_ =	shalt  }
0x47: {  	_ =	shalt  }
0x48: {  	_ =	shalt  }
0x49: {  	_ =	shalt  }
0x4a: {  	_ =	shalt  }
0x4b: {  	_ =	shalt  }
0x4c: {  	_ =	shalt  }
0x4d: {  	_ =	shalt  }
0x4e: {  	_ =	shalt  }
0x4f: {  	_ =	shalt  }
0x50: {  	_ =	shalt  }
0x51: {  	_ =	shalt  }
0x52: {  	_ =	shalt  }
0x53: {  	_ =	shalt  }
0x54: {  	_ =	shalt  }
0x55: {  	_ =	shalt  }
0x56: {  	_ =	shalt  }
0x57: {  	_ =	shalt  }
0x58: {  	_ =	shalt  }
0x59: {  	_ =	shalt  }
0x5a: {  	_ =	shalt  }
0x5b: {  	_ =	shalt  }
0x5c: {  	_ =	shalt  }
0x5d: {  	_ =	shalt  }
0x5e: {  	_ =	shalt  }
0x5f: {  	_ =	shalt  }
0x60: {  	_ =	shalt  }
0x61: {  	_ =	shalt  }
0x62: {  	_ =	shalt  }
0x63: {  	_ =	shalt  }
0x64: {  	_ =	shalt  }
0x65: {  	_ =	shalt  }
0x66: {  	_ =	shalt  }
0x67: {  	_ =	shalt  }
0x68: {  	_ =	shalt  }
0x69: {  	_ =	shalt  }
0x6a: {  	_ =	shalt  }
0x6b: {  	_ =	shalt  }
0x6c: {  	_ =	shalt  }
0x6d: {  	_ =	shalt  }
0x6e: {  	_ =	shalt  }
0x6f: {  	_ =	shalt  }
0x70: {  	_ =	shalt  }
0x71: {  	_ =	shalt  }
0x72: {  	_ =	shalt  }
0x73: {  	_ =	shalt  }
0x74: {  	_ =	shalt  }
0x75: {  	_ =	shalt  }
0x76: {  	_ =	shalt  }
0x77: {  	_ =	shalt  }
0x78: {  	_ =	shalt  }
0x79: {  	_ =	shalt  }
0x7a: {  	_ =	shalt  }
0x7b: {  	_ =	shalt  }
0x7c: {  	_ =	shalt  }
0x7d: {  	_ =	shalt  }
0x7e: {  	_ =	shalt  }
0x7f: {  	_ =	shalt  }
0x80: {  	_ =	shalt  }
0x81: {  	_ =	shalt  }
0x82: {  	_ =	shalt  }
0x83: {  	_ =	shalt  }
0x84: {  	_ =	shalt  }
0x85: {  	_ =	shalt  }
0x86: {  	_ =	shalt  }
0x87: {  	_ =	shalt  }
.Lfunc_end0:
.L_simem_size_0:
called_computation.2_lowered:
.L_overlay_start_0:
0x88: {  	s2 =	sld [smem:$0x3FD9]  }
0x89: {  	s3 =	sld [smem:$0x3FFE];
	_ =	sdelay $0x1  }
0x8a: {  	s1 =	srdreg.scid  }
0x8b: {  	s0 =	sand.u32 $0x1, s1  }
0x8c: {  	s17 =	sshll.u32 s0, $0xA;
	s2 =	sadd.s32 s3, s2  }
0x8d: {  	s2 =	sadd.s32 s2, s17  }
0x8e: {  	[smem:$0x3FBC] =	sst s2  }
0x8f: {  	_ = 	snop  }
0x90: {  	s2 =	sld [smem:$0x3FD0];
	(tm) =	ssettm $0x1  }
0x91: {  	s18 =	sld [smem:$0x3FFB];
	_ =	sdelay $0x3  }
0x92: {  	_ =	strace s18  }
0x93: {  	s3 =	sld [smem:$0x3FFC];
	_ =	sdelay $0x3  }
0x94: {  	_ =	strace s3  }
0x95: {  	s3 =	sld [smem:$0x3FFD];
	_ =	sdelay $0x3  }
0x96: {  	_ =	strace s3  }
0x97: {  	_ =	strace $0x8FFFFFFF  }
0x98: {  	s19 =	sld [smem:$0x3FDB];
	_ =	sdelay $0x1  }
0x99: {  	s4 =	simm.s32 $_scs_section_size  }
0x9a: {  	s5 =	simm.s32 $_size__tile_overlayer_lowered;
	s6 =	simm.s32 $_tile_overlayer_lowered  }
0x9b: {  	s22 =	simm.s32 $0x1BFF;
	s21 =	sshll.u32 s6, $0x1;
	s3 =	sadd.s32 s4, s19  }
0x9c: {  	s7 =	simm.s32 $0x0;
	s20 =	sshll.u32 s5, $0x1;
	s5 =	sadd.s32 s21, s3  }
0x9d: {  	[timem:s7], [sflag:s22] =	dma.local [hbm:s5], s20  }
0x9e: {  	_ =	swait.ge [sflag:s22], s20  }
0x9f: {  	s4 =	ssub.s32 $0x0, s20;
	[sflag:s22] =	ssyncset.done $0x0  }
0xa0: {  	[sflag:s22] =	ssyncadd.s32 s4;
	_ =	sdelay $0x1  }
0xa1: {  	s23 =	simm.s32 $0x1B8B  }
0xa2: {  	_ =	swait.ge [sflag:s23], $0x1  }
0xa3: {  	[sflag:s23] =	ssyncset.done $0x0  }
0xa4: {  	s25 =	simm.s32 $0x1B8E;
	s24 =	sld [smem:$0x3FFE];
	[sflag:s23] =	ssyncadd.s32 $0xFFFFFFFF  }
0xa5: {  	s26 =	simm.s32 $execute0_lowered;
	[smem:$0x3FD2] =	sst s25  }
0xa6: {  	s5 =	sshll.u32 s26, $0x1;
	_ =	strace $0x8000004C;
	[dreg:$0x1] =	wrdreg $0xFFFFFFFF  }
0xa7: {  	s28 =	simm.s32 $_size_execute0_lowered;
	s3 =	sadd.s32 s3, s5;
	[dreg:$0x0] =	wrdreg $0x0  }
0xa8: {  	s5 =	sshll.u32 s28, $0x1;
	[dreg:$0x2] =	wrdreg s3  }
0xa9: {  	[dreg:$0x3] =	wrdreg s5  }
0xaa: {  	[dreg:$0x4] =	wrdreg $0xC0  }
0xab: {  	_ =	task [dreg:s7], $0x5FFFF  }
0xac: {  	[dreg:$0x1] =	wrdreg $0xFFFFFFFF  }
0xad: {  	[dreg:$0x0] =	wrdreg $0x60  }
0xae: {  	[dreg:$0x2] =	wrdreg s24  }
0xaf: {  	[dreg:$0x3] =	wrdreg s2  }
0xb0: {  	[dreg:$0x4] =	wrdreg $0x92000  }
0xb1: {  	[dreg:$0x5] =	wrdreg $0x9  }
0xb2: {  	_ =	task.clear_ibuf [dreg:s7], $0x6FFFF;
	_ =	strace $0x9000004C  }
0xb3: {  	s29 =	simm.s32 $0x9;
	_ =	strace $0x8000004E  }
0xb4: {  	_ =	swait.ge [sflag:s29], $0x1  }
0xb5: {  	[sflag:s29] =	ssyncadd.s32 $0xFFFFFFFF  }
0xb6: {  	_ =	strace $0x9000004E  }
0xb7: {  	_ =	sfence  }
0xb8: {  	s30 =	sld [smem:$0x0];
	_ =	sdelay $0x2  }
0xb9: {  	s31 =	sshll.u32 s1, $0xD;
	s1 =	sshrl.u32 s1, $0x2  }
0xba: {  	s3 =	sand.u32 $0x4000, s31;
	s1 =	sadd.s32 s1, s30  }
0xbb: {  	s0 =	sor.u32 s3, s0;
	s1 =	sshll.u32 s1, $0x11  }
0xbc: {  	s0 =	sor.u32 s1, s0  }
0xbd: {  	s0 =	sadd.s32 $0x8F2B, s0  }
0xbe: {  	[sflag:s0] =	ssyncadd.remote.s32 $0x1  }
0xbf: {  	_ =	sfence.sel $0xFFFF  }
0xc0: {  	[dreg:$0x0] =	wrdreg $0xFFFFFFFF;
	(pc) =	sbr.abs _section_cstart, $3  }
0xc1: {  	[dreg:$0x1] =	wrdreg $0xFFFFFFFF  }
0xc2: {  	_ =	task.clear_ibuf [dreg:s7], $0x2FFFF;
	_ =	strace $0x9FFFFFFF  }
0xc3: {  	(tm) =	ssettm $0x7FFFFFFF  }
tec
execute0_lowered:
.L_overlay_start_1:
0x0: {  	(tag) =	ssettag $0x1  }
0x1: {  	s0 =	rddreg [dreg:$0x0]  }
0x2: {  	s2 =	rddreg [dreg:$0x2];
	s4 =	simm.s32 $0x0;
	s1 =	srdreg.scid  }
0x3: {  	s11 =	stileid.u32;
	s13 =	simm.s32 $0x9;
	s17 =	simm.s32 $0x80  }
0x4: {  	s28 =	simm.s32 $0x6A00;
	s29 =	simm.s32 $0x6;
	s30 =	simm.s32 $0x7  }
0x5: {  	s31 =	simm.s32 $0x3;
	s15 =	simm.s32 $0x0;
	[smem:$0x7FF] =	sst s4  }
0x6: {  	s1 =	sand.u32 $0x1, s1;
	s3 =	sshll.u32 s11, $0xC;
	s8 =	smul.u32 $0x4E000, s11  }
0x7: {  	s5 =	sadd.s32 $0x3200, s0;
	s21 =	sshll.u32 s11, $0x6;
	s9 =	smul.u32 $0x13800, s11  }
0x8: {  	s14 =	sadd.s32 $0x138000, s2;
	p0 =	sne.s32 s11, $0xF;
	_ =	strace $0x8000004D  }
0x9: {  	s6 =	sshll.u32 s1, $0xB;
	s19 =	ssub.s32 $0x2, s1;
	s1 =	smul.u32 $0x138800, s1  }
0xa: {  	s14 =	sshrl.u32 @!p0 s14, $0x3;
	s3 =	sor.u32 s6, s3;
	s7 =	sshrl.u32 s19, $0x1  }
0xb: {  	s20 =	sshrl.u32 s8, $0x2;
	s6 =	sor.u32 $0x1C09, s21;
	s21 =	simm.s32 $0x180  }
0xc: {  	s3 =	sadd.s32 s3, s0;
	s0 =	sadd.s32 $0x72800, s0;
	s7 =	ssub.s32 s19, s7  }
0xd: {  	s10 =	sadd.s32 s20, s2;
	s9 =	sadd.s32 s9, s1;
	s1 =	sshrl.u32 s1, $0x3  }
0xe: {  	s19 =	simm.s32 $0x100;
	s22 =	sadd.s32 $0x52800, s3;
	s8 =	sadd.s32 $0x62800, s3  }
0xf: {  	s23 =	sshrl.u32 s9, $0x3;
	s1 =	sadd.s32 s0, s1;
	s25 =	smax.u32 s7, $0x1  }
0x10: {  	s12 =	sshrl.u32 s10, $0x3;
	s3 =	simm.s32 $0x4;
	[dreg:$0x6] =	wrdreg s22  }
0x11: {  	s0 =	sadd.s32 s0, s23;
	s24 =	sadd.s32 $0x27000, s1;
	[dreg:$0x9] =	wrdreg s25  }
0x12: {  	s26 =	sadd.s32 $0x10, s8;
	s18 =	sadd.s32 $0x20, s8;
	[dreg:$0x7] =	wrdreg s0  }
0x13: {  	s20 =	sadd.s32 $0x30, s8;
	s22 =	simm.s32 $0x1;
	[dreg:$0x8] =	wrdreg s24  }
0x14: {  	s23 =	simm.s32 $0x50;
	s25 =	simm.s32 $0x5;
	[dreg:$0xa] =	wrdreg s26  }
0x15: {  	s24 =	simm.s32 $0x4200;
	s26 =	simm.s32 $0x2;
	s0 =	simm.s32 $0x8  }
.LBB2_1:
0x16: {  	s1 =	rddreg [dreg:$0x1]  }
0x17: {  	[spmem:s12], [sflag:s6] =	dma.local [hbm:s1], $0x2700  }
0x18: {  	_ =	swait.ge [sflag:s13], $0x2700  }
0x19: {  	[sflag:s13] =	ssyncset.done $0x0  }
0x1a: {  	[sflag:s13] =	ssyncadd.s32 $0xFFFFD900  }
0x1b: {  	[spmem:s14], [sflag:s6] =	dma.local @!p0 [hbm:s1], $0x100  }
0x1c: {  	s1 =	simm.s32 @!p0 $0x9  }
0x1d: {  	_ =	swait.ge @!p0 [sflag:s1], $0x100  }
0x1e: {  	[sflag:s1] =	ssyncset.done @!p0 $0x0  }
0x1f: {  	s7 =	simm.s32 $0x200;
	s9 =	rddreg [dreg:$0x6];
	[sflag:s1] =	ssyncadd.s32 @!p0 $0xFFFFFF00  }
0x20: {  	[tilespmem:s7], [sflag:$0x9] =	stream.linear.gather [hbm4b:s9+s4], $0x3E80, $0x38;
	[tilespmem:$0x1CA80] =	vst v63  }
0x21: {  	_ =	swait.ge [sflag:s13], $0x3E80  }
0x22: {  	[sflag:s13] =	ssyncset.done $0x0  }
0x23: {  	[sflag:s13] =	ssyncadd.s32 $0xFFFFC180  }
0x24: {  	[bflag:$0x0] =	sbarrier.arrive $0xFFFF  }
0x25: {  	[tilespmem:s4], [sflag:$0x1] =	stream.linear.gather [hbm4b:s8+s4], $0x80, $0x38;
	[tilespmem:$0x1CA80] =	vst v63  }
0x26: {  	s10 =	rddreg [dreg:$0xa]  }
0x27: {  	[tilespmem:s17], [sflag:$0x2] =	stream.linear.gather [hbm4b:s10+s4], $0x80, $0x38;
	[tilespmem:$0x1CA80] =	vst v63  }
0x28: {  	_ = 	snop  }
0x29: {  	[tilespmem:s19], [sflag:$0x3] =	stream.linear.gather [hbm4b:s18+s4], $0x80, $0x38;
	[tilespmem:$0x1CA80] =	vst v63  }
0x2a: {  	_ = 	snop  }
0x2b: {  	[tilespmem:s21], [sflag:$0x4] =	stream.linear.gather [hbm4b:s20+s4], $0x80, $0x38;
	[tilespmem:$0x1CA80] =	vst v63  }
0x2c: {  	s11 =	sadd.s32 $0x60, s8;
	_ =	swait.ge [sflag:s22], $0x80  }
0x2d: {  	s16 =	sadd.s32 $0x70, s8;
	[dreg:$0x4] =	wrdreg s11;
	[sflag:s22] =	ssyncset.done $0x0  }
0x2e: {  	[dreg:$0x5] =	wrdreg s16;
	[sflag:s22] =	ssyncadd.s32 $0xFFFFFF80  }
0x2f: {  	[tilespmem:s24], [sflag:$0x5] =	stream.indirect.gather [hbm4b:s5+s23], $0x80, s4, s23, $0xb8;
	[tilespmem:$0x1CA80] =	vst v63  }
0x30: {  	_ =	swait.ge [sflag:s25], $0x2800  }
0x31: {  	[sflag:s25] =	ssyncset.done $0x0  }
0x32: {  	[sflag:s25] =	ssyncadd.s32 $0xFFFFD800  }
0x33: {  	_ =	swait.ge [sflag:s26], $0x80  }
0x34: {  	[sflag:s26] =	ssyncset.done $0x0  }
0x35: {  	[sflag:s26] =	ssyncadd.s32 $0xFFFFFF80  }
0x36: {  	[tilespmem:s28], [sflag:$0x6] =	stream.indirect.gather [hbm4b:s5+s23], $0x80, s17, s23, $0xb8;
	[tilespmem:$0x1CA80] =	vst v63  }
0x37: {  	s7 =	simm.s32 $0x200  }
0x38: {  	[spmem:s2] =	stream.indirect.scatter.add.f32 [tilespmem:s24], [sflag:$0x7], $0x80, s7, s23, $0xb8;
	[tilespmem:$0x1CA80] =	vst v63  }
0x39: {  	_ =	swait.ge [sflag:s29], $0x2800  }
0x3a: {  	[sflag:s29] =	ssyncset.done $0x0  }
0x3b: {  	[sflag:s29] =	ssyncadd.s32 $0xFFFFD800  }
0x3c: {  	_ =	swait.ge [sflag:s30], $0x2800  }
0x3d: {  	[sflag:s30] =	ssyncset.done $0x0  }
0x3e: {  	[sflag:s30] =	ssyncadd.s32 $0xFFFFD800  }
0x3f: {  	_ =	swait.ge [sflag:s31], $0x80  }
0x40: {  	[sflag:s31] =	ssyncset.done $0x0  }
0x41: {  	[sflag:s31] =	ssyncadd.s32 $0xFFFFFF80  }
0x42: {  	[tilespmem:s24], [sflag:$0x5] =	stream.indirect.gather [hbm4b:s5+s23], $0x80, s19, s23, $0xb8;
	[tilespmem:$0x1CA80] =	vst v63  }
0x43: {  	s1 =	sadd.s32 $0x40, s8  }
0x44: {  	[tilespmem:s4], [sflag:$0x1] =	stream.linear.gather [hbm4b:s1+s4], $0x80, $0x38;
	[tilespmem:$0x1CA80] =	vst v63  }
0x45: {  	s9 =	simm.s32 $0x280  }
0x46: {  	[spmem:s2] =	stream.indirect.scatter.add.f32 [tilespmem:s28], [sflag:$0x8], $0x80, s9, s23, $0xb8;
	[tilespmem:$0x1CA80] =	vst v63  }
0x47: {  	_ =	swait.ge [sflag:s25], $0x2800  }
0x48: {  	[sflag:s25] =	ssyncset.done $0x0  }
0x49: {  	[sflag:s25] =	ssyncadd.s32 $0xFFFFD800  }
0x4a: {  	_ =	swait.ge [sflag:s0], $0x2800  }
0x4b: {  	[sflag:s0] =	ssyncset.done $0x0  }
0x4c: {  	s10 =	smin.u32 s4, $0x77;
	[sflag:s0] =	ssyncadd.s32 $0xFFFFD800  }
0x4d: {  	s7 =	sshll.u32 s10, $0x4;
	_ =	swait.ge [sflag:s3], $0x80  }
0x4e: {  	s7 =	sadd.s32 $0x50, s7;
	[sflag:s3] =	ssyncset.done $0x0  }
0x4f: {  	s7 =	sand.u32 $0xFD0, s7;
	[sflag:s3] =	ssyncadd.s32 $0xFFFFFF80  }
0x50: {  	[tilespmem:s28], [sflag:$0x6] =	stream.indirect.gather [hbm4b:s5+s23], $0x80, s21, s23, $0xb8;
	[tilespmem:$0x1CA80] =	vst v63  }
0x51: {  	s7 =	sadd.s32 s8, s7  }
0x52: {  	[tilespmem:s17], [sflag:$0x2] =	stream.linear.gather [hbm4b:s7+s4], $0x80, $0x38;
	[tilespmem:$0x1CA80] =	vst v63  }
0x53: {  	s11 =	simm.s32 $0x300  }
0x54: {  	[spmem:s2] =	stream.indirect.scatter.add.f32 [tilespmem:s24], [sflag:$0x7], $0x80, s11, s23, $0xb8;
	[tilespmem:$0x1CA80] =	vst v63  }
0x55: {  	_ =	swait.ge [sflag:s29], $0x2800  }
0x56: {  	[sflag:s29] =	ssyncset.done $0x0  }
0x57: {  	[sflag:s29] =	ssyncadd.s32 $0xFFFFD800  }
0x58: {  	s9 =	smin.u32 s4, $0x76;
	_ =	swait.ge [sflag:s30], $0x2800  }
0x59: {  	s9 =	sshll.u32 s9, $0x4;
	s16 =	rddreg [dreg:$0x4];
	[sflag:s30] =	ssyncset.done $0x0  }
0x5a: {  	[sflag:s30] =	ssyncadd.s32 $0xFFFFD800;
	s7 =	sadd.s32 s9, s16  }
0x5b: {  	[tilespmem:s19], [sflag:$0x3] =	stream.linear.gather [hbm4b:s7+s4], $0x80, $0x38;
	[tilespmem:$0x1CA80] =	vst v63  }
0x5c: {  	_ =	swait.ge [sflag:s22], $0x80  }
0x5d: {  	s10 =	smin.u32 s4, $0x75;
	[sflag:s22] =	ssyncset.done $0x0  }
0x5e: {  	s7 =	sshll.u32 s10, $0x4;
	s11 =	rddreg [dreg:$0x5];
	[sflag:s22] =	ssyncadd.s32 $0xFFFFFF80  }
0x5f: {  	[tilespmem:s24], [sflag:$0x5] =	stream.indirect.gather [hbm4b:s5+s23], $0x80, s4, s23, $0xb8;
	[tilespmem:$0x1CA80] =	vst v63  }
0x60: {  	s7 =	sadd.s32 s7, s11  }
0x61: {  	[tilespmem:s21], [sflag:$0x4] =	stream.linear.gather [hbm4b:s7+s4], $0x80, $0x38;
	[tilespmem:$0x1CA80] =	vst v63  }
0x62: {  	s16 =	simm.s32 $0x380  }
0x63: {  	[spmem:s2] =	stream.indirect.scatter.add.f32 [tilespmem:s28], [sflag:$0x8], $0x80, s16, s23, $0xb8;
	[tilespmem:$0x1CA80] =	vst v63  }
0x64: {  	s9 =	simm.s32 $0x0;
	s7 =	simm.s32 $0x800;
	_ =	swait.ge [sflag:s0], $0x2800  }
.LBB2_2:
0x65: {  	[sflag:s0] =	ssyncset.done $0x0  }
0x66: {  	[sflag:s0] =	ssyncadd.s32 $0xFFFFD800  }
0x67: {  	_ =	swait.ge [sflag:s25], $0x2800  }
0x68: {  	[sflag:s25] =	ssyncset.done $0x0  }
0x69: {  	[sflag:s25] =	ssyncadd.s32 $0xFFFFD800  }
0x6a: {  	_ =	swait.ge [sflag:s26], $0x80  }
0x6b: {  	s10 =	smov.u32 s7;
	[sflag:s26] =	ssyncset.done $0x0  }
0x6c: {  	s10 =	sshra.s32 s10, $0x2;
	[sflag:s26] =	ssyncadd.s32 $0xFFFFFF80  }
0x6d: {  	[tilespmem:s28], [sflag:$0x6] =	stream.indirect.gather [hbm4b:s5+s23], $0x80, s17, s23, $0xb8;
	[tilespmem:$0x1CA80] =	vst v63  }
0x6e: {  	s11 =	sadd.s32 $0x200, s10  }
0x6f: {  	[spmem:s2] =	stream.indirect.scatter.add.f32 [tilespmem:s24], [sflag:$0x7], $0x80, s11, s23, $0xb8;
	[tilespmem:$0x1CA80] =	vst v63  }
0x70: {  	_ =	swait.ge [sflag:s29], $0x2800  }
0x71: {  	[sflag:s29] =	ssyncset.done $0x0  }
0x72: {  	[sflag:s29] =	ssyncadd.s32 $0xFFFFD800  }
0x73: {  	_ =	swait.ge [sflag:s30], $0x2800  }
0x74: {  	[sflag:s30] =	ssyncset.done $0x0  }
0x75: {  	[sflag:s30] =	ssyncadd.s32 $0xFFFFD800  }
0x76: {  	_ =	swait.ge [sflag:s31], $0x80  }
0x77: {  	[sflag:s31] =	ssyncset.done $0x0  }
0x78: {  	[sflag:s31] =	ssyncadd.s32 $0xFFFFFF80  }
0x79: {  	[tilespmem:s24], [sflag:$0x5] =	stream.indirect.gather [hbm4b:s5+s23], $0x80, s19, s23, $0xb8;
	[tilespmem:$0x1CA80] =	vst v63  }
0x7a: {  	s1 =	sadd.s32 $0x40, s1  }
0x7b: {  	[tilespmem:s4], [sflag:$0x1] =	stream.linear.gather [hbm4b:s1+s4], $0x80, $0x38;
	[tilespmem:$0x1CA80] =	vst v63  }
0x7c: {  	s16 =	sadd.s32 $0x280, s10  }
0x7d: {  	[spmem:s2] =	stream.indirect.scatter.add.f32 [tilespmem:s28], [sflag:$0x8], $0x80, s16, s23, $0xb8;
	[tilespmem:$0x1CA80] =	vst v63  }
0x7e: {  	_ =	swait.ge [sflag:s25], $0x2800  }
0x7f: {  	[sflag:s25] =	ssyncset.done $0x0  }
0x80: {  	[sflag:s25] =	ssyncadd.s32 $0xFFFFD800  }
0x81: {  	_ =	swait.ge [sflag:s0], $0x2800  }
0x82: {  	s9 =	sadd.s32 $0x4, s9;
	[sflag:s0] =	ssyncset.done $0x0  }
0x83: {  	s16 =	smin.u32 s9, $0x77;
	[sflag:s0] =	ssyncadd.s32 $0xFFFFD800  }
0x84: {  	s11 =	sshll.u32 s16, $0x4;
	_ =	swait.ge [sflag:s3], $0x80  }
0x85: {  	s11 =	sadd.s32 $0x50, s11;
	[sflag:s3] =	ssyncset.done $0x0  }
0x86: {  	s11 =	sand.u32 $0xFD0, s11;
	[sflag:s3] =	ssyncadd.s32 $0xFFFFFF80  }
0x87: {  	[tilespmem:s28], [sflag:$0x6] =	stream.indirect.gather [hbm4b:s5+s23], $0x80, s21, s23, $0xb8;
	[tilespmem:$0x1CA80] =	vst v63  }
0x88: {  	s11 =	sadd.s32 s8, s11  }
0x89: {  	[tilespmem:s17], [sflag:$0x2] =	stream.linear.gather [hbm4b:s11+s4], $0x80, $0x38;
	[tilespmem:$0x1CA80] =	vst v63  }
0x8a: {  	s16 =	sadd.s32 $0x300, s10  }
0x8b: {  	[spmem:s2] =	stream.indirect.scatter.add.f32 [tilespmem:s24], [sflag:$0x7], $0x80, s16, s23, $0xb8;
	[tilespmem:$0x1CA80] =	vst v63  }
0x8c: {  	_ =	swait.ge [sflag:s29], $0x2800  }
0x8d: {  	[sflag:s29] =	ssyncset.done $0x0  }
0x8e: {  	[sflag:s29] =	ssyncadd.s32 $0xFFFFD800  }
0x8f: {  	s11 =	smin.u32 s9, $0x76;
	_ =	swait.ge [sflag:s30], $0x2800  }
0x90: {  	s11 =	sshll.u32 s11, $0x4;
	s16 =	rddreg [dreg:$0x4];
	[sflag:s30] =	ssyncset.done $0x0  }
0x91: {  	[sflag:s30] =	ssyncadd.s32 $0xFFFFD800;
	s11 =	sadd.s32 s11, s16  }
0x92: {  	[tilespmem:s19], [sflag:$0x3] =	stream.linear.gather [hbm4b:s11+s4], $0x80, $0x38;
	[tilespmem:$0x1CA80] =	vst v63  }
0x93: {  	_ =	swait.ge [sflag:s22], $0x80  }
0x94: {  	p1 =	sne.s32 s7, $0xF000;
	s11 =	smin.u32 s9, $0x75;
	[sflag:s22] =	ssyncset.done $0x0  }
0x95: {  	s11 =	sshll.u32 s11, $0x4;
	s16 =	rddreg [dreg:$0x5];
	[sflag:s22] =	ssyncadd.s32 $0xFFFFFF80  }
0x96: {  	[tilespmem:s24], [sflag:$0x5] =	stream.indirect.gather [hbm4b:s5+s23], $0x80, s4, s23, $0xb8;
	[tilespmem:$0x1CA80] =	vst v63  }
.Ltmp0:
0x97: {  	s11 =	sadd.s32 s11, s16;
	(pc) =	sbr.rel @p1 .LBB2_2-.Ltmp0, $4  }
0x98: {  	[tilespmem:s21], [sflag:$0x4] =	stream.linear.gather [hbm4b:s11+s4], $0x80, $0x38;
	[tilespmem:$0x1CA80] =	vst v63  }
0x99: {  	s10 =	sadd.s32 $0x380, s10  }
0x9a: {  	[spmem:s2] =	stream.indirect.scatter.add.f32 [tilespmem:s28], [sflag:$0x8], $0x80, s10, s23, $0xb8;
	[tilespmem:$0x1CA80] =	vst v63  }
0x9b: {  	s7 =	sadd.s32 $0x800, s7;
	_ =	swait.ge [sflag:s0], $0x2800  }
0x9c: {  	[sflag:s0] =	ssyncset.done $0x0  }
0x9d: {  	[sflag:s0] =	ssyncadd.s32 $0xFFFFD800  }
0x9e: {  	_ =	swait.ge [sflag:s25], $0x2800  }
0x9f: {  	[sflag:s25] =	ssyncset.done $0x0  }
0xa0: {  	s1 =	simm.s32 $0x4000;
	[sflag:s25] =	ssyncadd.s32 $0xFFFFD800  }
0xa1: {  	[spmem:s2] =	stream.indirect.scatter.add.f32 [tilespmem:s24], [sflag:$0x7], $0x80, s1, s23, $0xb8;
	[tilespmem:$0x1CA80] =	vst v63  }
0xa2: {  	_ =	swait.ge [sflag:s30], $0x2800  }
0xa3: {  	[sflag:s30] =	ssyncset.done $0x0  }
0xa4: {  	[sflag:s30] =	ssyncadd.s32 $0xFFFFD800  }
0xa5: {  	_ =	swait.ge [sflag:s26], $0x80  }
0xa6: {  	[sflag:s26] =	ssyncset.done $0x0  }
0xa7: {  	[sflag:s26] =	ssyncadd.s32 $0xFFFFFF80  }
0xa8: {  	_ =	swait.ge [sflag:s31], $0x80  }
0xa9: {  	[sflag:s31] =	ssyncset.done $0x0  }
0xaa: {  	[sflag:s31] =	ssyncadd.s32 $0xFFFFFF80  }
0xab: {  	_ =	swait.ge [sflag:s3], $0x80  }
0xac: {  	[sflag:s3] =	ssyncset.done $0x0  }
0xad: {  	[sflag:s3] =	ssyncadd.s32 $0xFFFFFF80  }
0xae: {  	[bflag:$0x0] =	sbarrier.arrive $0xFFFF  }
0xaf: {  	s16 =	rddreg [dreg:$0x7]  }
0xb0: {  	[hbm:s16], [sflag:s6] =	dma.local [spmem:s12], $0x2700  }
0xb1: {  	_ =	swait.ge [sflag:s13], $0x2700  }
0xb2: {  	[sflag:s13] =	ssyncset.done $0x0  }
0xb3: {  	s1 =	rddreg [dreg:$0x8];
	[sflag:s13] =	ssyncadd.s32 $0xFFFFD900  }
0xb4: {  	[hbm:s1], [sflag:s6] =	dma.local @!p0 [spmem:s14], $0x100  }
0xb5: {  	s1 =	simm.s32 @!p0 $0x9  }
0xb6: {  	_ =	swait.ge @!p0 [sflag:s1], $0x100  }
0xb7: {  	s15 =	sadd.s32 $0x1, s15;
	s7 =	rddreg [dreg:$0x9]  }
0xb8: {  	p1 =	sne.s32 s15, s7  }
.Ltmp1:
0xb9: {  	_ = 	snop;
	(pc) =	sbr.rel @p1 .LBB2_1-.Ltmp1, $3  }
0xba: {  	_ =	sdelay $0x1  }
0xbb: {  	[sflag:s1] =	ssyncset.done @!p0 $0x0  }
0xbc: {  	[sflag:s1] =	ssyncadd.s32 @!p0 $0xFFFFFF00  }
0xbd: {  	_ =	sfence.sel $0x180000  }
0xbe: {  	[bflag:$0x0] =	sbarrier.arrive $0xFFFF  }
0xbf: {  	_ =	strace $0x9000004D  }
0xc0: {  	s0 =	stileid.u32;
	[bflag:$0x2] =	sbarrier.arrive $0xFFFF  }
0xc1: {  	p0 =	sne.s32 s0, $0x0;
	s0 =	rddreg [dreg:$0x3]  }
0xc2: {  	s0 =	sadd.s32 @!p0 $0x100000, s0  }
0xc3: {  	[sflag:s0] =	ssyncadd.tile.s32 @!p0 $0x1;
	_ =	shalt  }
.Lfunc_end2:
_tile_overlayer_lowered:
.L_overlay_start_2:
0xc4: {  	(tag) =	ssettag $0x2  }
0xc5: {  	s0 =	rddreg [dreg:$0x0];
	s2 =	stileid.u32  }
0xc6: {  	s1 =	rddreg [dreg:$0x1];
	p0 =	sne.s32 s2, $0x0  }
0xc7: {  	s3 =	rddreg [dreg:$0x2];
	[bflag:$0x3] =	sbarrier.arrive $0xFFFF;
	s2 =	simm.s32 @!p0 $0x1C09  }
0xc8: {  	[timem:s3], [sflag:s2] =	dma.local @!p0 [hbm:s0], s1  }
0xc9: {  	s0 =	simm.s32 @!p0 $0x9  }
0xca: {  	_ =	swait.ge @!p0 [sflag:s0], s1  }
0xcb: {  	s1 =	ssub.s32 @!p0 $0x0, s1;
	[sflag:s0] =	ssyncset.done @!p0 $0x0  }
0xcc: {  	[sflag:s0] =	ssyncadd.s32 @!p0 s1  }
0xcd: {  	[bflag:$0x3] =	sbarrier.arrive $0xFFFF  }
0xce: {  	_ =	shalt  }

// kernel: kernel.20.cloned.1.call-start
scs
__scs_entry_jumppad:
0x0: {  	(pc) =	sbr.rel $0x88, $3  }
0x1: {  	(tag) =	ssettag $0x0;
	lr =	simm.s32 $0x1  }
0x2: {  	[smem:$0x3F95] =	sst lr;
	_ =	strace $0xD0000000  }
0x3: {  	_ = 	snop  }
0x4: {  	_ = 	snop  }
0x5: {  	_ = 	snop  }
0x6: {  	_ = 	snop  }
0x7: {  	_ = 	snop  }
__scs_overlays_trampoline_lowered:
0x8: {  	[smem:$0x3FA4] =	sst s0  }
0x9: {  	[smem:$0x3FA5] =	sst s1  }
0xa: {  	[smem:$0x3FA6] =	sst s2  }
0xb: {  	[smem:$0x3FA7] =	sst s3  }
0xc: {  	[smem:$0x3FA8] =	sst s4  }
0xd: {  	[smem:$0x3FA9] =	sst s5  }
0xe: {  	[smem:$0x3FAA] =	sst s6  }
0xf: {  	[smem:$0x3FAB] =	sst s7  }
0x10: {  	[smem:$0x3FAC] =	sst s8  }
0x11: {  	[smem:$0x3FAD] =	sst s9;
	s0 =	simm.s32 @!p0 $0x0  }
0x12: {  	s1 =	sld [smem:$0x3F93];
	s0 =	simm.s32 @p0 $0x1  }
0x13: {  	[smem:$0x3FAE] =	sst s0;
	s0 =	simm.s32 @!p1 $0x0  }
0x14: {  	s2 =	sld [smem:$0x3F92];
	s0 =	simm.s32 @p1 $0x1  }
0x15: {  	[smem:$0x3FAF] =	sst s0;
	s0 =	simm.s32 @!p2 $0x0  }
0x16: {  	s3 =	sld [smem:$0x3FDB];
	s0 =	simm.s32 @p2 $0x1  }
0x17: {  	s4 =	simm.s32 $0x1BF5;
	[smem:$0x3FB1] =	sst s0  }
0x18: {  	s0 =	sld [smem:$0x3F94];
	_ =	swait.ge [sflag:s4], $0x0  }
0x19: {  	s7 =	sld [smem:$0x3F95]  }
0x1a: {  	s8 =	sadd.s32 $0xFFFFE003, lr  }
0x1b: {  	s9 =	sadd.s32 $0xFFFFFEF7, lr;
	s5 =	simm.s32 $0xFFFFFFFF;
	p2 =	slt.u32 s8, $0xFFFFF086  }
0x1c: {  	p1 =	slt.u32 s9, $0xF7A;
	s5 =	simm.s32 @!p2 $0x0  }
0x1d: {  	s5 =	simm.s32 @p1 $0x1;
	p0 =	seq.s32 s7, s2  }
0x1e: {  	s7 =	smul.u32 @!p0 $0xF7A, s2;
	p2 =	seq.s32 @!p0 s5, $0x0  }
0x1f: {  	s9 =	smul.u32 $0xF7A, s1;
	s8 =	simm.s32 @!p0 $0x1BF5;
	p2 =	por !p2, p0  }
0x20: {  	[sflag:s8] =	ssyncset.s32 @!p0 $0xFFFFF086;
	s6 =	sadd.s32 @!p0 s3, s7;
	s7 =	simm.s32 @!p0 $0x108  }
0x21: {  	s3 =	sadd.s32 s3, s9;
	s6 =	sadd.s32 @!p0 $0x88, s6;
	s7 =	simm.s32 @p2 $0x1082  }
0x22: {  	[simem:s7], [sflag:s8] =	dma.local @!p0 [hbm:s6], $0xF7A  }
0x23: {  	s9 =	sor.u32 $0xD0000000, s2;
	s6 =	simm.s32 $0x108;
	_ =	swait.ge @!p0 [sflag:s8], $0x0  }
0x24: {  	s3 =	sadd.s32 $0x88, s3;
	s6 =	simm.s32 @!p1 $0x1082;
	[sflag:s4] =	ssyncset.s32 $0xFFFFF086  }
0x25: {  	[simem:s6], [sflag:s4] =	dma.local [hbm:s3], $0xF7A  }
0x26: {  	[smem:$0x3F95] =	sst s1;
	(tag) =	ssettag s2;
	_ =	strace s9  }
0x27: {  	s1 =	sld [smem:$0x3FA5]  }
0x28: {  	s2 =	sld [smem:$0x3FA6]  }
0x29: {  	s4 =	sld [smem:$0x3FA8]  }
0x2a: {  	p0 =	seq.s32 s5, $0x0;
	s5 =	sld [smem:$0x3FA9]  }
0x2b: {  	s6 =	sld [smem:$0x3FAA]  }
0x2c: {  	s7 =	sld [smem:$0x3FAB]  }
0x2d: {  	s3 =	simm.s32 $0x108;
	s8 =	sld [smem:$0x3FAC]  }
0x2e: {  	s3 =	simm.s32 @!p0 $0x1082;
	s9 =	sld [smem:$0x3FAD]  }
0x2f: {  	lr =	sadd.s32 s0, s3;
	s0 =	sld [smem:$0x3FA4]  }
0x30: {  	s3 =	sld [smem:$0x3FA7]  }
0x31: {  	[smem:$0x3FB0] =	sst s10  }
0x32: {  	s10 =	sld [smem:$0x3FAE];
	_ =	sdelay $0x3  }
0x33: {  	p0 =	seq.s32 s10, $0x1;
	s10 =	sld [smem:$0x3FB0];
	_ =	sdelay $0x3  }
0x34: {  	[smem:$0x3FB0] =	sst s10  }
0x35: {  	s10 =	sld [smem:$0x3FAF];
	_ =	sdelay $0x3  }
0x36: {  	p1 =	seq.s32 s10, $0x1;
	s10 =	sld [smem:$0x3FB0];
	_ =	sdelay $0x3  }
0x37: {  	[smem:$0x3FB0] =	sst s10  }
0x38: {  	s10 =	sld [smem:$0x3FB1]  }
0x39: {  	_ = 	snop;
	(pc) =	sbr.ind lr, $3  }
0x3a: {  	_ = 	snop  }
0x3b: {  	_ = 	snop  }
0x3c: {  	p2 =	seq.s32 s10, $0x1;
	s10 =	sld [smem:$0x3FB0]  }
0x3d: {  	_ =	shalt  }
0x3e: {  	_ =	shalt  }
0x3f: {  	_ =	shalt  }
0x40: {  	_ =	shalt  }
0x41: {  	_ =	shalt  }
0x42: {  	_ =	shalt  }
0x43: {  	_ =	shalt  }
0x44: {  	_ =	shalt  }
0x45: {  	_ =	shalt  }
0x46: {  	_ =	shalt  }
0x47: {  	_ =	shalt  }
0x48: {  	_ =	shalt  }
0x49: {  	_ =	shalt  }
0x4a: {  	_ =	shalt  }
0x4b: {  	_ =	shalt  }
0x4c: {  	_ =	shalt  }
0x4d: {  	_ =	shalt  }
0x4e: {  	_ =	shalt  }
0x4f: {  	_ =	shalt  }
0x50: {  	_ =	shalt  }
0x51: {  	_ =	shalt  }
0x52: {  	_ =	shalt  }
0x53: {  	_ =	shalt  }
0x54: {  	_ =	shalt  }
0x55: {  	_ =	shalt  }
0x56: {  	_ =	shalt  }
0x57: {  	_ =	shalt  }
0x58: {  	_ =	shalt  }
0x59: {  	_ =	shalt  }
0x5a: {  	_ =	shalt  }
0x5b: {  	_ =	shalt  }
0x5c: {  	_ =	shalt  }
0x5d: {  	_ =	shalt  }
0x5e: {  	_ =	shalt  }
0x5f: {  	_ =	shalt  }
0x60: {  	_ =	shalt  }
0x61: {  	_ =	shalt  }
0x62: {  	_ =	shalt  }
0x63: {  	_ =	shalt  }
0x64: {  	_ =	shalt  }
0x65: {  	_ =	shalt  }
0x66: {  	_ =	shalt  }
0x67: {  	_ =	shalt  }
0x68: {  	_ =	shalt  }
0x69: {  	_ =	shalt  }
0x6a: {  	_ =	shalt  }
0x6b: {  	_ =	shalt  }
0x6c: {  	_ =	shalt  }
0x6d: {  	_ =	shalt  }
0x6e: {  	_ =	shalt  }
0x6f: {  	_ =	shalt  }
0x70: {  	_ =	shalt  }
0x71: {  	_ =	shalt  }
0x72: {  	_ =	shalt  }
0x73: {  	_ =	shalt  }
0x74: {  	_ =	shalt  }
0x75: {  	_ =	shalt  }
0x76: {  	_ =	shalt  }
0x77: {  	_ =	shalt  }
0x78: {  	_ =	shalt  }
0x79: {  	_ =	shalt  }
0x7a: {  	_ =	shalt  }
0x7b: {  	_ =	shalt  }
0x7c: {  	_ =	shalt  }
0x7d: {  	_ =	shalt  }
0x7e: {  	_ =	shalt  }
0x7f: {  	_ =	shalt  }
0x80: {  	_ =	shalt  }
0x81: {  	_ =	shalt  }
0x82: {  	_ =	shalt  }
0x83: {  	_ =	shalt  }
0x84: {  	_ =	shalt  }
0x85: {  	_ =	shalt  }
0x86: {  	_ =	shalt  }
0x87: {  	_ =	shalt  }
.Lfunc_end0:
.L_simem_size_0:
called_computation.3_lowered:
.L_overlay_start_0:
0x88: {  	s2 =	sld [smem:$0x3FD9]  }
0x89: {  	s3 =	sld [smem:$0x3FFE];
	_ =	sdelay $0x1  }
0x8a: {  	s1 =	srdreg.scid  }
0x8b: {  	s0 =	sand.u32 $0x1, s1  }
0x8c: {  	s17 =	sshll.u32 s0, $0xA;
	s2 =	sadd.s32 s3, s2  }
0x8d: {  	s2 =	sadd.s32 s2, s17  }
0x8e: {  	[smem:$0x3FBC] =	sst s2  }
0x8f: {  	_ = 	snop  }
0x90: {  	s2 =	sld [smem:$0x3FD0];
	(tm) =	ssettm $0x1  }
0x91: {  	s18 =	sld [smem:$0x3FFB];
	_ =	sdelay $0x3  }
0x92: {  	_ =	strace s18  }
0x93: {  	s3 =	sld [smem:$0x3FFC];
	_ =	sdelay $0x3  }
0x94: {  	_ =	strace s3  }
0x95: {  	s3 =	sld [smem:$0x3FFD];
	_ =	sdelay $0x3  }
0x96: {  	_ =	strace s3  }
0x97: {  	_ =	strace $0x8FFFFFFF  }
0x98: {  	s19 =	sld [smem:$0x3FDB];
	_ =	sdelay $0x1  }
0x99: {  	s4 =	simm.s32 $_scs_section_size  }
0x9a: {  	s5 =	simm.s32 $_size__tile_overlayer_lowered;
	s6 =	simm.s32 $_tile_overlayer_lowered  }
0x9b: {  	s22 =	simm.s32 $0x1BFF;
	s21 =	sshll.u32 s6, $0x1;
	s3 =	sadd.s32 s4, s19  }
0x9c: {  	s7 =	simm.s32 $0x0;
	s20 =	sshll.u32 s5, $0x1;
	s5 =	sadd.s32 s21, s3  }
0x9d: {  	[timem:s7], [sflag:s22] =	dma.local [hbm:s5], s20  }
0x9e: {  	_ =	swait.ge [sflag:s22], s20  }
0x9f: {  	s4 =	ssub.s32 $0x0, s20;
	[sflag:s22] =	ssyncset.done $0x0  }
0xa0: {  	[sflag:s22] =	ssyncadd.s32 s4;
	_ =	sdelay $0x1  }
0xa1: {  	s23 =	simm.s32 $0x1B8B  }
0xa2: {  	_ =	swait.ge [sflag:s23], $0x1  }
0xa3: {  	[sflag:s23] =	ssyncset.done $0x0  }
0xa4: {  	s25 =	simm.s32 $0x1B8E;
	s24 =	sld [smem:$0x3FFE];
	[sflag:s23] =	ssyncadd.s32 $0xFFFFFFFF  }
0xa5: {  	s26 =	simm.s32 $execute0_lowered;
	[smem:$0x3FD2] =	sst s25  }
0xa6: {  	s5 =	sshll.u32 s26, $0x1;
	_ =	strace $0x8000004F;
	[dreg:$0x1] =	wrdreg $0xFFFFFFFF  }
0xa7: {  	s28 =	simm.s32 $_size_execute0_lowered;
	s3 =	sadd.s32 s3, s5;
	[dreg:$0x0] =	wrdreg $0x0  }
0xa8: {  	s5 =	sshll.u32 s28, $0x1;
	[dreg:$0x2] =	wrdreg s3  }
0xa9: {  	[dreg:$0x3] =	wrdreg s5  }
0xaa: {  	[dreg:$0x4] =	wrdreg $0xC0  }
0xab: {  	_ =	task [dreg:s7], $0x5FFFF  }
0xac: {  	[dreg:$0x1] =	wrdreg $0xFFFFFFFF  }
0xad: {  	[dreg:$0x0] =	wrdreg $0x60  }
0xae: {  	[dreg:$0x2] =	wrdreg s24  }
0xaf: {  	[dreg:$0x3] =	wrdreg s2  }
0xb0: {  	[dreg:$0x4] =	wrdreg $0x92000  }
0xb1: {  	[dreg:$0x5] =	wrdreg $0x9  }
0xb2: {  	_ =	task.clear_ibuf [dreg:s7], $0x6FFFF;
	_ =	strace $0x9000004F  }
0xb3: {  	s29 =	simm.s32 $0x9;
	_ =	strace $0x80000051  }
0xb4: {  	_ =	swait.ge [sflag:s29], $0x1  }
0xb5: {  	[sflag:s29] =	ssyncadd.s32 $0xFFFFFFFF  }
0xb6: {  	_ =	strace $0x90000051  }
0xb7: {  	_ =	sfence  }
0xb8: {  	s30 =	sld [smem:$0x0];
	_ =	sdelay $0x2  }
0xb9: {  	s31 =	sshll.u32 s1, $0xD;
	s1 =	sshrl.u32 s1, $0x2  }
0xba: {  	s3 =	sand.u32 $0x4000, s31;
	s1 =	sadd.s32 s1, s30  }
0xbb: {  	s0 =	sor.u32 s3, s0;
	s1 =	sshll.u32 s1, $0x11  }
0xbc: {  	s0 =	sor.u32 s1, s0  }
0xbd: {  	s0 =	sadd.s32 $0x8F2B, s0  }
0xbe: {  	[sflag:s0] =	ssyncadd.remote.s32 $0x1  }
0xbf: {  	_ =	sfence.sel $0xFFFF  }
0xc0: {  	[dreg:$0x0] =	wrdreg $0xFFFFFFFF;
	(pc) =	sbr.abs _section_cstart, $3  }
0xc1: {  	[dreg:$0x1] =	wrdreg $0xFFFFFFFF  }
0xc2: {  	_ =	task.clear_ibuf [dreg:s7], $0x2FFFF;
	_ =	strace $0x9FFFFFFF  }
0xc3: {  	(tm) =	ssettm $0x7FFFFFFF  }
tec
execute0_lowered:
.L_overlay_start_1:
0x0: {  	(tag) =	ssettag $0x1  }
0x1: {  	s0 =	rddreg [dreg:$0x0]  }
0x2: {  	s2 =	rddreg [dreg:$0x2];
	s4 =	simm.s32 $0x0;
	s1 =	srdreg.scid  }
0x3: {  	s11 =	stileid.u32;
	s13 =	simm.s32 $0x9;
	s17 =	simm.s32 $0x80  }
0x4: {  	s28 =	simm.s32 $0x6A00;
	s29 =	simm.s32 $0x6;
	s30 =	simm.s32 $0x7  }
0x5: {  	s31 =	simm.s32 $0x3;
	s15 =	simm.s32 $0x0;
	[smem:$0x7FF] =	sst s4  }
0x6: {  	s1 =	sand.u32 $0x1, s1;
	s3 =	sshll.u32 s11, $0xC;
	s8 =	smul.u32 $0x4E000, s11  }
0x7: {  	s5 =	sadd.s32 $0x3200, s0;
	s21 =	sshll.u32 s11, $0x6;
	s9 =	smul.u32 $0x13800, s11  }
0x8: {  	s14 =	sadd.s32 $0x138000, s2;
	p0 =	sne.s32 s11, $0xF;
	_ =	strace $0x80000050  }
0x9: {  	s6 =	sshll.u32 s1, $0xB;
	s19 =	ssub.s32 $0x2, s1;
	s1 =	smul.u32 $0x138800, s1  }
0xa: {  	s14 =	sshrl.u32 @!p0 s14, $0x3;
	s3 =	sor.u32 s6, s3;
	s7 =	sshrl.u32 s19, $0x1  }
0xb: {  	s20 =	sshrl.u32 s8, $0x2;
	s6 =	sor.u32 $0x1C09, s21;
	s21 =	simm.s32 $0x180  }
0xc: {  	s3 =	sadd.s32 s3, s0;
	s0 =	sadd.s32 $0x72800, s0;
	s7 =	ssub.s32 s19, s7  }
0xd: {  	s10 =	sadd.s32 s20, s2;
	s9 =	sadd.s32 s9, s1;
	s1 =	sshrl.u32 s1, $0x3  }
0xe: {  	s19 =	simm.s32 $0x100;
	s22 =	sadd.s32 $0x52800, s3;
	s8 =	sadd.s32 $0x62800, s3  }
0xf: {  	s23 =	sshrl.u32 s9, $0x3;
	s1 =	sadd.s32 s0, s1;
	s25 =	smax.u32 s7, $0x1  }
0x10: {  	s12 =	sshrl.u32 s10, $0x3;
	s3 =	simm.s32 $0x4;
	[dreg:$0x6] =	wrdreg s22  }
0x11: {  	s0 =	sadd.s32 s0, s23;
	s24 =	sadd.s32 $0x27000, s1;
	[dreg:$0x9] =	wrdreg s25  }
0x12: {  	s26 =	sadd.s32 $0x10, s8;
	s18 =	sadd.s32 $0x20, s8;
	[dreg:$0x7] =	wrdreg s0  }
0x13: {  	s20 =	sadd.s32 $0x30, s8;
	s22 =	simm.s32 $0x1;
	[dreg:$0x8] =	wrdreg s24  }
0x14: {  	s23 =	simm.s32 $0x50;
	s25 =	simm.s32 $0x5;
	[dreg:$0xa] =	wrdreg s26  }
0x15: {  	s24 =	simm.s32 $0x4200;
	s26 =	simm.s32 $0x2;
	s0 =	simm.s32 $0x8  }
.LBB2_1:
0x16: {  	s1 =	rddreg [dreg:$0x1]  }
0x17: {  	[spmem:s12], [sflag:s6] =	dma.local [hbm:s1], $0x2700  }
0x18: {  	_ =	swait.ge [sflag:s13], $0x2700  }
0x19: {  	[sflag:s13] =	ssyncset.done $0x0  }
0x1a: {  	[sflag:s13] =	ssyncadd.s32 $0xFFFFD900  }
0x1b: {  	[spmem:s14], [sflag:s6] =	dma.local @!p0 [hbm:s1], $0x100  }
0x1c: {  	s1 =	simm.s32 @!p0 $0x9  }
0x1d: {  	_ =	swait.ge @!p0 [sflag:s1], $0x100  }
0x1e: {  	[sflag:s1] =	ssyncset.done @!p0 $0x0  }
0x1f: {  	s7 =	simm.s32 $0x200;
	s9 =	rddreg [dreg:$0x6];
	[sflag:s1] =	ssyncadd.s32 @!p0 $0xFFFFFF00  }
0x20: {  	[tilespmem:s7], [sflag:$0x9] =	stream.linear.gather [hbm4b:s9+s4], $0x3E80, $0x38;
	[tilespmem:$0x1CA80] =	vst v63  }
0x21: {  	_ =	swait.ge [sflag:s13], $0x3E80  }
0x22: {  	[sflag:s13] =	ssyncset.done $0x0  }
0x23: {  	[sflag:s13] =	ssyncadd.s32 $0xFFFFC180  }
0x24: {  	[bflag:$0x0] =	sbarrier.arrive $0xFFFF  }
0x25: {  	[tilespmem:s4], [sflag:$0x1] =	stream.linear.gather [hbm4b:s8+s4], $0x80, $0x38;
	[tilespmem:$0x1CA80] =	vst v63  }
0x26: {  	s10 =	rddreg [dreg:$0xa]  }
0x27: {  	[tilespmem:s17], [sflag:$0x2] =	stream.linear.gather [hbm4b:s10+s4], $0x80, $0x38;
	[tilespmem:$0x1CA80] =	vst v63  }
0x28: {  	_ = 	snop  }
0x29: {  	[tilespmem:s19], [sflag:$0x3] =	stream.linear.gather [hbm4b:s18+s4], $0x80, $0x38;
	[tilespmem:$0x1CA80] =	vst v63  }
0x2a: {  	_ = 	snop  }
0x2b: {  	[tilespmem:s21], [sflag:$0x4] =	stream.linear.gather [hbm4b:s20+s4], $0x80, $0x38;
	[tilespmem:$0x1CA80] =	vst v63  }
0x2c: {  	s11 =	sadd.s32 $0x60, s8;
	_ =	swait.ge [sflag:s22], $0x80  }
0x2d: {  	s16 =	sadd.s32 $0x70, s8;
	[dreg:$0x4] =	wrdreg s11;
	[sflag:s22] =	ssyncset.done $0x0  }
0x2e: {  	[dreg:$0x5] =	wrdreg s16;
	[sflag:s22] =	ssyncadd.s32 $0xFFFFFF80  }
0x2f: {  	[tilespmem:s24], [sflag:$0x5] =	stream.indirect.gather [hbm4b:s5+s23], $0x80, s4, s23, $0xb8;
	[tilespmem:$0x1CA80] =	vst v63  }
0x30: {  	_ =	swait.ge [sflag:s25], $0x2800  }
0x31: {  	[sflag:s25] =	ssyncset.done $0x0  }
0x32: {  	[sflag:s25] =	ssyncadd.s32 $0xFFFFD800  }
0x33: {  	_ =	swait.ge [sflag:s26], $0x80  }
0x34: {  	[sflag:s26] =	ssyncset.done $0x0  }
0x35: {  	[sflag:s26] =	ssyncadd.s32 $0xFFFFFF80  }
0x36: {  	[tilespmem:s28], [sflag:$0x6] =	stream.indirect.gather [hbm4b:s5+s23], $0x80, s17, s23, $0xb8;
	[tilespmem:$0x1CA80] =	vst v63  }
0x37: {  	s7 =	simm.s32 $0x200  }
0x38: {  	[spmem:s2] =	stream.indirect.scatter.add.f32 [tilespmem:s24], [sflag:$0x7], $0x80, s7, s23, $0xb8;
	[tilespmem:$0x1CA80] =	vst v63  }
0x39: {  	_ =	swait.ge [sflag:s29], $0x2800  }
0x3a: {  	[sflag:s29] =	ssyncset.done $0x0  }
0x3b: {  	[sflag:s29] =	ssyncadd.s32 $0xFFFFD800  }
0x3c: {  	_ =	swait.ge [sflag:s30], $0x2800  }
0x3d: {  	[sflag:s30] =	ssyncset.done $0x0  }
0x3e: {  	[sflag:s30] =	ssyncadd.s32 $0xFFFFD800  }
0x3f: {  	_ =	swait.ge [sflag:s31], $0x80  }
0x40: {  	[sflag:s31] =	ssyncset.done $0x0  }
0x41: {  	[sflag:s31] =	ssyncadd.s32 $0xFFFFFF80  }
0x42: {  	[tilespmem:s24], [sflag:$0x5] =	stream.indirect.gather [hbm4b:s5+s23], $0x80, s19, s23, $0xb8;
	[tilespmem:$0x1CA80] =	vst v63  }
0x43: {  	s1 =	sadd.s32 $0x40, s8  }
0x44: {  	[tilespmem:s4], [sflag:$0x1] =	stream.linear.gather [hbm4b:s1+s4], $0x80, $0x38;
	[tilespmem:$0x1CA80] =	vst v63  }
0x45: {  	s9 =	simm.s32 $0x280  }
0x46: {  	[spmem:s2] =	stream.indirect.scatter.add.f32 [tilespmem:s28], [sflag:$0x8], $0x80, s9, s23, $0xb8;
	[tilespmem:$0x1CA80] =	vst v63  }
0x47: {  	_ =	swait.ge [sflag:s25], $0x2800  }
0x48: {  	[sflag:s25] =	ssyncset.done $0x0  }
0x49: {  	[sflag:s25] =	ssyncadd.s32 $0xFFFFD800  }
0x4a: {  	_ =	swait.ge [sflag:s0], $0x2800  }
0x4b: {  	[sflag:s0] =	ssyncset.done $0x0  }
0x4c: {  	s10 =	smin.u32 s4, $0x77;
	[sflag:s0] =	ssyncadd.s32 $0xFFFFD800  }
0x4d: {  	s7 =	sshll.u32 s10, $0x4;
	_ =	swait.ge [sflag:s3], $0x80  }
0x4e: {  	s7 =	sadd.s32 $0x50, s7;
	[sflag:s3] =	ssyncset.done $0x0  }
0x4f: {  	s7 =	sand.u32 $0xFD0, s7;
	[sflag:s3] =	ssyncadd.s32 $0xFFFFFF80  }
0x50: {  	[tilespmem:s28], [sflag:$0x6] =	stream.indirect.gather [hbm4b:s5+s23], $0x80, s21, s23, $0xb8;
	[tilespmem:$0x1CA80] =	vst v63  }
0x51: {  	s7 =	sadd.s32 s8, s7  }
0x52: {  	[tilespmem:s17], [sflag:$0x2] =	stream.linear.gather [hbm4b:s7+s4], $0x80, $0x38;
	[tilespmem:$0x1CA80] =	vst v63  }
0x53: {  	s11 =	simm.s32 $0x300  }
0x54: {  	[spmem:s2] =	stream.indirect.scatter.add.f32 [tilespmem:s24], [sflag:$0x7], $0x80, s11, s23, $0xb8;
	[tilespmem:$0x1CA80] =	vst v63  }
0x55: {  	_ =	swait.ge [sflag:s29], $0x2800  }
0x56: {  	[sflag:s29] =	ssyncset.done $0x0  }
0x57: {  	[sflag:s29] =	ssyncadd.s32 $0xFFFFD800  }
0x58: {  	s9 =	smin.u32 s4, $0x76;
	_ =	swait.ge [sflag:s30], $0x2800  }
0x59: {  	s9 =	sshll.u32 s9, $0x4;
	s16 =	rddreg [dreg:$0x4];
	[sflag:s30] =	ssyncset.done $0x0  }
0x5a: {  	[sflag:s30] =	ssyncadd.s32 $0xFFFFD800;
	s7 =	sadd.s32 s9, s16  }
0x5b: {  	[tilespmem:s19], [sflag:$0x3] =	stream.linear.gather [hbm4b:s7+s4], $0x80, $0x38;
	[tilespmem:$0x1CA80] =	vst v63  }
0x5c: {  	_ =	swait.ge [sflag:s22], $0x80  }
0x5d: {  	s10 =	smin.u32 s4, $0x75;
	[sflag:s22] =	ssyncset.done $0x0  }
0x5e: {  	s7 =	sshll.u32 s10, $0x4;
	s11 =	rddreg [dreg:$0x5];
	[sflag:s22] =	ssyncadd.s32 $0xFFFFFF80  }
0x5f: {  	[tilespmem:s24], [sflag:$0x5] =	stream.indirect.gather [hbm4b:s5+s23], $0x80, s4, s23, $0xb8;
	[tilespmem:$0x1CA80] =	vst v63  }
0x60: {  	s7 =	sadd.s32 s7, s11  }
0x61: {  	[tilespmem:s21], [sflag:$0x4] =	stream.linear.gather [hbm4b:s7+s4], $0x80, $0x38;
	[tilespmem:$0x1CA80] =	vst v63  }
0x62: {  	s16 =	simm.s32 $0x380  }
0x63: {  	[spmem:s2] =	stream.indirect.scatter.add.f32 [tilespmem:s28], [sflag:$0x8], $0x80, s16, s23, $0xb8;
	[tilespmem:$0x1CA80] =	vst v63  }
0x64: {  	s9 =	simm.s32 $0x0;
	s7 =	simm.s32 $0x800;
	_ =	swait.ge [sflag:s0], $0x2800  }
.LBB2_2:
0x65: {  	[sflag:s0] =	ssyncset.done $0x0  }
0x66: {  	[sflag:s0] =	ssyncadd.s32 $0xFFFFD800  }
0x67: {  	_ =	swait.ge [sflag:s25], $0x2800  }
0x68: {  	[sflag:s25] =	ssyncset.done $0x0  }
0x69: {  	[sflag:s25] =	ssyncadd.s32 $0xFFFFD800  }
0x6a: {  	_ =	swait.ge [sflag:s26], $0x80  }
0x6b: {  	s10 =	smov.u32 s7;
	[sflag:s26] =	ssyncset.done $0x0  }
0x6c: {  	s10 =	sshra.s32 s10, $0x2;
	[sflag:s26] =	ssyncadd.s32 $0xFFFFFF80  }
0x6d: {  	[tilespmem:s28], [sflag:$0x6] =	stream.indirect.gather [hbm4b:s5+s23], $0x80, s17, s23, $0xb8;
	[tilespmem:$0x1CA80] =	vst v63  }
0x6e: {  	s11 =	sadd.s32 $0x200, s10  }
0x6f: {  	[spmem:s2] =	stream.indirect.scatter.add.f32 [tilespmem:s24], [sflag:$0x7], $0x80, s11, s23, $0xb8;
	[tilespmem:$0x1CA80] =	vst v63  }
0x70: {  	_ =	swait.ge [sflag:s29], $0x2800  }
0x71: {  	[sflag:s29] =	ssyncset.done $0x0  }
0x72: {  	[sflag:s29] =	ssyncadd.s32 $0xFFFFD800  }
0x73: {  	_ =	swait.ge [sflag:s30], $0x2800  }
0x74: {  	[sflag:s30] =	ssyncset.done $0x0  }
0x75: {  	[sflag:s30] =	ssyncadd.s32 $0xFFFFD800  }
0x76: {  	_ =	swait.ge [sflag:s31], $0x80  }
0x77: {  	[sflag:s31] =	ssyncset.done $0x0  }
0x78: {  	[sflag:s31] =	ssyncadd.s32 $0xFFFFFF80  }
0x79: {  	[tilespmem:s24], [sflag:$0x5] =	stream.indirect.gather [hbm4b:s5+s23], $0x80, s19, s23, $0xb8;
	[tilespmem:$0x1CA80] =	vst v63  }
0x7a: {  	s1 =	sadd.s32 $0x40, s1  }
0x7b: {  	[tilespmem:s4], [sflag:$0x1] =	stream.linear.gather [hbm4b:s1+s4], $0x80, $0x38;
	[tilespmem:$0x1CA80] =	vst v63  }
0x7c: {  	s16 =	sadd.s32 $0x280, s10  }
0x7d: {  	[spmem:s2] =	stream.indirect.scatter.add.f32 [tilespmem:s28], [sflag:$0x8], $0x80, s16, s23, $0xb8;
	[tilespmem:$0x1CA80] =	vst v63  }
0x7e: {  	_ =	swait.ge [sflag:s25], $0x2800  }
0x7f: {  	[sflag:s25] =	ssyncset.done $0x0  }
0x80: {  	[sflag:s25] =	ssyncadd.s32 $0xFFFFD800  }
0x81: {  	_ =	swait.ge [sflag:s0], $0x2800  }
0x82: {  	s9 =	sadd.s32 $0x4, s9;
	[sflag:s0] =	ssyncset.done $0x0  }
0x83: {  	s16 =	smin.u32 s9, $0x77;
	[sflag:s0] =	ssyncadd.s32 $0xFFFFD800  }
0x84: {  	s11 =	sshll.u32 s16, $0x4;
	_ =	swait.ge [sflag:s3], $0x80  }
0x85: {  	s11 =	sadd.s32 $0x50, s11;
	[sflag:s3] =	ssyncset.done $0x0  }
0x86: {  	s11 =	sand.u32 $0xFD0, s11;
	[sflag:s3] =	ssyncadd.s32 $0xFFFFFF80  }
0x87: {  	[tilespmem:s28], [sflag:$0x6] =	stream.indirect.gather [hbm4b:s5+s23], $0x80, s21, s23, $0xb8;
	[tilespmem:$0x1CA80] =	vst v63  }
0x88: {  	s11 =	sadd.s32 s8, s11  }
0x89: {  	[tilespmem:s17], [sflag:$0x2] =	stream.linear.gather [hbm4b:s11+s4], $0x80, $0x38;
	[tilespmem:$0x1CA80] =	vst v63  }
0x8a: {  	s16 =	sadd.s32 $0x300, s10  }
0x8b: {  	[spmem:s2] =	stream.indirect.scatter.add.f32 [tilespmem:s24], [sflag:$0x7], $0x80, s16, s23, $0xb8;
	[tilespmem:$0x1CA80] =	vst v63  }
0x8c: {  	_ =	swait.ge [sflag:s29], $0x2800  }
0x8d: {  	[sflag:s29] =	ssyncset.done $0x0  }
0x8e: {  	[sflag:s29] =	ssyncadd.s32 $0xFFFFD800  }
0x8f: {  	s11 =	smin.u32 s9, $0x76;
	_ =	swait.ge [sflag:s30], $0x2800  }
0x90: {  	s11 =	sshll.u32 s11, $0x4;
	s16 =	rddreg [dreg:$0x4];
	[sflag:s30] =	ssyncset.done $0x0  }
0x91: {  	[sflag:s30] =	ssyncadd.s32 $0xFFFFD800;
	s11 =	sadd.s32 s11, s16  }
0x92: {  	[tilespmem:s19], [sflag:$0x3] =	stream.linear.gather [hbm4b:s11+s4], $0x80, $0x38;
	[tilespmem:$0x1CA80] =	vst v63  }
0x93: {  	_ =	swait.ge [sflag:s22], $0x80  }
0x94: {  	p1 =	sne.s32 s7, $0xF000;
	s11 =	smin.u32 s9, $0x75;
	[sflag:s22] =	ssyncset.done $0x0  }
0x95: {  	s11 =	sshll.u32 s11, $0x4;
	s16 =	rddreg [dreg:$0x5];
	[sflag:s22] =	ssyncadd.s32 $0xFFFFFF80  }
0x96: {  	[tilespmem:s24], [sflag:$0x5] =	stream.indirect.gather [hbm4b:s5+s23], $0x80, s4, s23, $0xb8;
	[tilespmem:$0x1CA80] =	vst v63  }
.Ltmp0:
0x97: {  	s11 =	sadd.s32 s11, s16;
	(pc) =	sbr.rel @p1 .LBB2_2-.Ltmp0, $4  }
0x98: {  	[tilespmem:s21], [sflag:$0x4] =	stream.linear.gather [hbm4b:s11+s4], $0x80, $0x38;
	[tilespmem:$0x1CA80] =	vst v63  }
0x99: {  	s10 =	sadd.s32 $0x380, s10  }
0x9a: {  	[spmem:s2] =	stream.indirect.scatter.add.f32 [tilespmem:s28], [sflag:$0x8], $0x80, s10, s23, $0xb8;
	[tilespmem:$0x1CA80] =	vst v63  }
0x9b: {  	s7 =	sadd.s32 $0x800, s7;
	_ =	swait.ge [sflag:s0], $0x2800  }
0x9c: {  	[sflag:s0] =	ssyncset.done $0x0  }
0x9d: {  	[sflag:s0] =	ssyncadd.s32 $0xFFFFD800  }
0x9e: {  	_ =	swait.ge [sflag:s25], $0x2800  }
0x9f: {  	[sflag:s25] =	ssyncset.done $0x0  }
0xa0: {  	s1 =	simm.s32 $0x4000;
	[sflag:s25] =	ssyncadd.s32 $0xFFFFD800  }
0xa1: {  	[spmem:s2] =	stream.indirect.scatter.add.f32 [tilespmem:s24], [sflag:$0x7], $0x80, s1, s23, $0xb8;
	[tilespmem:$0x1CA80] =	vst v63  }
0xa2: {  	_ =	swait.ge [sflag:s30], $0x2800  }
0xa3: {  	[sflag:s30] =	ssyncset.done $0x0  }
0xa4: {  	[sflag:s30] =	ssyncadd.s32 $0xFFFFD800  }
0xa5: {  	_ =	swait.ge [sflag:s26], $0x80  }
0xa6: {  	[sflag:s26] =	ssyncset.done $0x0  }
0xa7: {  	[sflag:s26] =	ssyncadd.s32 $0xFFFFFF80  }
0xa8: {  	_ =	swait.ge [sflag:s31], $0x80  }
0xa9: {  	[sflag:s31] =	ssyncset.done $0x0  }
0xaa: {  	[sflag:s31] =	ssyncadd.s32 $0xFFFFFF80  }
0xab: {  	_ =	swait.ge [sflag:s3], $0x80  }
0xac: {  	[sflag:s3] =	ssyncset.done $0x0  }
0xad: {  	[sflag:s3] =	ssyncadd.s32 $0xFFFFFF80  }
0xae: {  	[bflag:$0x0] =	sbarrier.arrive $0xFFFF  }
0xaf: {  	s16 =	rddreg [dreg:$0x7]  }
0xb0: {  	[hbm:s16], [sflag:s6] =	dma.local [spmem:s12], $0x2700  }
0xb1: {  	_ =	swait.ge [sflag:s13], $0x2700  }
0xb2: {  	[sflag:s13] =	ssyncset.done $0x0  }
0xb3: {  	s1 =	rddreg [dreg:$0x8];
	[sflag:s13] =	ssyncadd.s32 $0xFFFFD900  }
0xb4: {  	[hbm:s1], [sflag:s6] =	dma.local @!p0 [spmem:s14], $0x100  }
0xb5: {  	s1 =	simm.s32 @!p0 $0x9  }
0xb6: {  	_ =	swait.ge @!p0 [sflag:s1], $0x100  }
0xb7: {  	s15 =	sadd.s32 $0x1, s15;
	s7 =	rddreg [dreg:$0x9]  }
0xb8: {  	p1 =	sne.s32 s15, s7  }
.Ltmp1:
0xb9: {  	_ = 	snop;
	(pc) =	sbr.rel @p1 .LBB2_1-.Ltmp1, $3  }
0xba: {  	_ =	sdelay $0x1  }
0xbb: {  	[sflag:s1] =	ssyncset.done @!p0 $0x0  }
0xbc: {  	[sflag:s1] =	ssyncadd.s32 @!p0 $0xFFFFFF00  }
0xbd: {  	_ =	sfence.sel $0x180000  }
0xbe: {  	[bflag:$0x0] =	sbarrier.arrive $0xFFFF  }
0xbf: {  	_ =	strace $0x90000050  }
0xc0: {  	s0 =	stileid.u32;
	[bflag:$0x2] =	sbarrier.arrive $0xFFFF  }
0xc1: {  	p0 =	sne.s32 s0, $0x0;
	s0 =	rddreg [dreg:$0x3]  }
0xc2: {  	s0 =	sadd.s32 @!p0 $0x100000, s0  }
0xc3: {  	[sflag:s0] =	ssyncadd.tile.s32 @!p0 $0x1;
	_ =	shalt  }
.Lfunc_end2:
_tile_overlayer_lowered:
.L_overlay_start_2:
0xc4: {  	(tag) =	ssettag $0x2  }
0xc5: {  	s0 =	rddreg [dreg:$0x0];
	s2 =	stileid.u32  }
0xc6: {  	s1 =	rddreg [dreg:$0x1];
	p0 =	sne.s32 s2, $0x0  }
0xc7: {  	s3 =	rddreg [dreg:$0x2];
	[bflag:$0x3] =	sbarrier.arrive $0xFFFF;
	s2 =	simm.s32 @!p0 $0x1C09  }
0xc8: {  	[timem:s3], [sflag:s2] =	dma.local @!p0 [hbm:s0], s1  }
0xc9: {  	s0 =	simm.s32 @!p0 $0x9  }
0xca: {  	_ =	swait.ge @!p0 [sflag:s0], s1  }
0xcb: {  	s1 =	ssub.s32 @!p0 $0x0, s1;
	[sflag:s0] =	ssyncset.done @!p0 $0x0  }
0xcc: {  	[sflag:s0] =	ssyncadd.s32 @!p0 s1  }
0xcd: {  	[bflag:$0x3] =	sbarrier.arrive $0xFFFF  }
0xce: {  	_ =	shalt  }

</sc_bundles>
